<compile_context>
chip_gen: v7x
topology: tpu7x:2x2x1
jax: 0.10.2.dev20260603
libtpu: 0.0.44.dev20260713+nightly
codegen_flags: <defaults>
</compile_context>

<pallas_src>
import functools

import jax
import jax.numpy as jnp
from jax import lax
from jax.experimental import pallas as pl
from jax.experimental.pallas import tpu as pltpu
from jax.experimental.pallas import tpu_sc as plsc

B, C = 64, 16
IN_SIZE = 128 * 128
OUT_SIZE = 128 * 130
PAD = OUT_SIZE - IN_SIZE
ROWS = B * C
NL = 16
NSTREAM = 4
VL = NL * NSTREAM
SEG = 261
LAST_LEN = OUT_SIZE - (VL - 1) * SEG
NCH_OUT = OUT_SIZE // NL
NC, NS = 2, 16
NW = NC * NS
ROWS_PER_W = ROWS // NW
NBITS = 8
RADIX = 1 << NBITS
HSIZE = RADIX * VL
INT_MIN = -2147483648


def _sc_body(xi_hbm, out_hbm, rev_hbm,
             key_a, key_b, val_a, val_b, stage, hist, aux, tot, head_v,
             in_sem, outk_sem, outv_sem):
    cid = lax.axis_index("c")
    sid = lax.axis_index("s")
    wid = sid * NC + cid

    lane = jnp.arange(NL, dtype=jnp.int32)
    seg_base = lane * SEG
    ones = jnp.ones((NL,), jnp.int32)
    zeros = jnp.zeros((NL,), jnp.int32)
    lane_is_last = lane == NL - 1

    pltpu.sync_copy(xi_hbm.at[0], head_v.at[pl.ds(0, IN_SIZE)])

    def _pad_init(j, c):
        head_v[pl.ds(IN_SIZE + NL * j, NL)] = zeros
        stage[pl.ds(IN_SIZE + NL * j, NL)] = zeros
        return c
    lax.fori_loop(0, PAD // NL, _pad_init, 0)

    row0 = wid * ROWS_PER_W
    pltpu.async_copy(xi_hbm.at[row0], stage.at[pl.ds(0, IN_SIZE)], in_sem)

    def _digit6(ku, shift):
        if shift >= 6:
            return lax.shift_right_logical(ku, shift - 6) & ((RADIX - 1) << 6)
        return lax.shift_left(ku, 6 - shift) & ((RADIX - 1) << 6)

    def _tail_mask(i):
        return (lane < NL - 1) | (i < LAST_LEN)

    def _xform(v):
        return v ^ (lax.shift_right_arithmetic(v, 31) | jnp.int32(INT_MIN))

    def _row_body(r, carry):
        row = wid * ROWS_PER_W + r
        pltpu.make_async_copy(xi_hbm.at[row], stage.at[pl.ds(0, IN_SIZE)],
                              in_sem).wait()

        for p in range(4):
            if p == 0:
                src_k, src_v, dst_k, dst_v = stage, None, key_b, val_b
            elif p == 1:
                src_k, src_v, dst_k, dst_v = key_b, val_b, key_a, val_a
            elif p == 2:
                src_k, src_v, dst_k, dst_v = key_a, val_a, key_b, val_b
            else:
                src_k, src_v, dst_k, dst_v = key_b, val_b, key_a, val_a
            shift = NBITS * p

            def _zero_hist(j, c):
                for q in range(4):
                    hist[pl.ds(NL * (4 * j + q), NL)] = zeros
                return c
            lax.fori_loop(0, HSIZE // NL // 4, _zero_hist, 0)

            def _a_load(i):
                hads = []
                for s in range(NSTREAM):
                    m = None if s < NSTREAM - 1 else _tail_mask(i)
                    ku = plsc.load_gather(src_k,
                                          [seg_base + (i + (NL * SEG) * s)],
                                          mask=m)
                    t = _xform(ku) if p == 0 else ku
                    hads.append(_digit6(t, shift) + (lane + NL * s))
                return tuple(hads)

            def _hist_body(i, hads):
                nxt = _a_load(jnp.minimum(i + 1, SEG - 1))
                for s in range(NSTREAM):
                    m = None if s < NSTREAM - 1 else _tail_mask(i)
                    plsc.addupdate_scatter(hist, [hads[s]], ones, mask=m)
                return nxt
            lax.fori_loop(0, SEG, _hist_body, _a_load(0))

            def _b1_body(j, c):
                vs = [hist[pl.ds(NL * (4 * j + q), NL)] for q in range(4)]
                cs = [plsc.cumsum(v) for v in vs]
                for q in range(4):
                    hist[pl.ds(NL * (4 * j + q), NL)] = cs[q]
                    plsc.store_scatter(
                        tot, [jnp.full((NL,), 4 * j + q, jnp.int32)],
                        cs[q], mask=lane_is_last)
                return c
            lax.fori_loop(0, HSIZE // NL // 4, _b1_body, 0)

            def _b2_body(k, run):
                t = tot[pl.ds(NL * k, NL)]
                inc = plsc.cumsum(t)
                aux[pl.ds(NL * k, NL)] = (run + inc) - t
                return run + jnp.sum(t)
            lax.fori_loop(0, HSIZE // NL // NL, _b2_body, jnp.int32(0))

            lm1 = jnp.maximum(lane - 1, 0)
            def _b3_body(j, c):
                av = aux[pl.ds(4 * j, NL)]
                shs = [plsc.load_gather(hist, [NL * (4 * j + q) + lm1])
                       for q in range(4)]
                for q in range(4):
                    excl = jnp.where(lane > 0, shs[q], 0) + av[q]
                    hist[pl.ds(NL * (4 * j + q), NL)] = excl
                return c
            lax.fori_loop(0, HSIZE // NL // 4, _b3_body, 0)

            if p == 1:
                @pl.when(r > 0)
                def _drain_out():
                    pltpu.make_async_copy(key_a, out_hbm.at[row - 1],
                                          outk_sem).wait()
                    pltpu.make_async_copy(val_a, rev_hbm.at[row - 1],
                                          outv_sem).wait()

            def _c_load(i):
                idxs = [seg_base + (i + (NL * SEG) * s)
                        for s in range(NSTREAM)]
                masks = [None if s < NSTREAM - 1 else _tail_mask(i)
                         for s in range(NSTREAM)]
                kus = [plsc.load_gather(src_k, [idxs[s]], mask=masks[s])
                       for s in range(NSTREAM)]
                if p == 0:
                    kus = [_xform(ku) for ku in kus]
                    vvs = idxs
                else:
                    vvs = [plsc.load_gather(src_v, [idxs[s]],
                                            mask=masks[s])
                           for s in range(NSTREAM)]
                hads = [_digit6(kus[s], shift) + (lane + NL * s)
                        for s in range(NSTREAM)]
                if p == 3:
                    hvs = [plsc.load_gather(head_v, [vvs[s]],
                                            mask=masks[s])
                           for s in range(NSTREAM)]
                else:
                    hvs = kus
                return tuple(kus), tuple(vvs), tuple(hads), tuple(hvs)

            def _perm_body(i, st):
                kus, vvs, hads, hvs = st
                nxt = _c_load(jnp.minimum(i + 1, SEG - 1))
                dests = [plsc.load_gather(hist, [hads[s]])
                         for s in range(NSTREAM)]
                for s in range(NSTREAM):
                    m = None if s < NSTREAM - 1 else _tail_mask(i)
                    plsc.store_scatter(hist, [hads[s]], dests[s] + 1,
                                       mask=m)
                    if p == 3:
                        plsc.store_scatter(dst_k, [dests[s]], hvs[s],
                                           mask=m)
                        plsc.store_scatter(dst_v, [vvs[s]], dests[s],
                                           mask=m)
                    else:
                        plsc.store_scatter(dst_k, [dests[s]], kus[s],
                                           mask=m)
                        plsc.store_scatter(dst_v, [dests[s]], vvs[s],
                                           mask=m)
                return nxt
            lax.fori_loop(0, SEG, _perm_body, _c_load(0))

            if p == 0:
                @pl.when(r < ROWS_PER_W - 1)
                def _prefetch_next():
                    pltpu.async_copy(xi_hbm.at[row + 1],
                                     stage.at[pl.ds(0, IN_SIZE)], in_sem)

        pltpu.async_copy(key_a, out_hbm.at[row], outk_sem)
        pltpu.async_copy(val_a, rev_hbm.at[row], outv_sem)
        return carry

    lax.fori_loop(0, ROWS_PER_W, _row_body, 0)

    last = wid * ROWS_PER_W + ROWS_PER_W - 1
    pltpu.make_async_copy(key_a, out_hbm.at[last], outk_sem).wait()
    pltpu.make_async_copy(val_a, rev_hbm.at[last], outv_sem).wait()


@jax.jit
def kernel(x):
    xr = jnp.reshape(x, (ROWS, IN_SIZE))
    xi = lax.bitcast_convert_type(xr, jnp.int32)

    sc = pl.kernel(
        _sc_body,
        out_type=[
            jax.ShapeDtypeStruct((ROWS, OUT_SIZE), jnp.int32),
            jax.ShapeDtypeStruct((ROWS, OUT_SIZE), jnp.int32),
        ],
        mesh=plsc.VectorSubcoreMesh(core_axis_name="c", subcore_axis_name="s"),
        compiler_params=pltpu.CompilerParams(needs_layout_passes=False),
        scratch_types=[
            pltpu.VMEM((OUT_SIZE,), jnp.int32),
            pltpu.VMEM((OUT_SIZE,), jnp.int32),
            pltpu.VMEM((OUT_SIZE,), jnp.int32),
            pltpu.VMEM((OUT_SIZE,), jnp.int32),
            pltpu.VMEM((OUT_SIZE,), jnp.int32),
            pltpu.VMEM((HSIZE,), jnp.int32),
            pltpu.VMEM((HSIZE // NL + NL,), jnp.int32),
            pltpu.VMEM((HSIZE // NL,), jnp.int32),
            pltpu.VMEM((OUT_SIZE,), jnp.int32),
            pltpu.SemaphoreType.DMA,
            pltpu.SemaphoreType.DMA,
            pltpu.SemaphoreType.DMA,
        ],
    )
    out_bits, rev = sc(xi)
    out = lax.bitcast_convert_type(out_bits, jnp.float32)
    out = jnp.reshape(out, (B, C, 128, 130))
    rev = jnp.reshape(rev, (B, C, OUT_SIZE))
    return (out, rev)

# --- scband reference (transcript-rebuilt; emitter-appended) ---
"""Pipeline reference for scband-ge-ge-layer-5007931867440 (READ-ONLY COPY).

The authoritative reference and input builder live on the scoring server;
editing this copy changes nothing except your own understanding.
"""

import jax, jax.numpy as jnp
import numpy as np

IN_SHAPE = [16, 128, 128]
OUT_SHAPE = [128, 130]
IN_SIZE = int(np.prod(IN_SHAPE[1:]))   # 16384
OUT_SIZE = int(np.prod(OUT_SHAPE))     # 16640
PADDING = OUT_SIZE - IN_SIZE           # 256


def setup_inputs(seed: int = 0) -> dict:
    key = jax.random.key(seed)
    x = jax.random.normal(key, (64, 16, 128, 128), dtype=jnp.float32)
    return {"x": x}


def reference(x):
    # Faithful translation of GeGeLayer.forward with hidden = identity
    # (hidden is injected via set_hidden; score = x is the minimal faithful choice).
    B = x.shape[0]
    C = x.shape[1]
    xr = jnp.reshape(x, (B, C, IN_SIZE))
    xp = jnp.pad(xr, ((0, 0), (0, 0), (0, PADDING)))
    score = xp  # self.hidden(x) with identity hidden
    # torch.sort(score) -> sorted values + indices along last dim
    indices = jnp.argsort(score, axis=-1)
    # torch.take treats x as 1-D flattened and gathers with flat indices
    taken = jnp.take(jnp.reshape(xp, (-1,)), indices)
    out = jnp.reshape(taken, tuple([B, C] + OUT_SHAPE))
    reverse_indices = jnp.argsort(indices, axis=-1)
    return (out, reverse_indices)

if __name__ == "__main__":
    import jax
    _d = setup_inputs()
    print(jax.jit(kernel)(*tuple(_d.values())))

</pallas_src>

<mosaic_0001>
#map = affine_map<(d0, d1) -> (0, 0)>
module attributes {stable_mosaic.version = 14 : i64} {
  func.func @_sc_body(%arg0: i32, %arg1: i32, %arg2: memref<1024x16384xi32, #tpu.memory_space<hbm>>, %arg3: memref<1024x16640xi32, #tpu.memory_space<hbm>>, %arg4: memref<1024x16640xi32, #tpu.memory_space<hbm>>, %arg5: memref<16640xi32, #tpu.memory_space<vmem>>, %arg6: memref<16640xi32, #tpu.memory_space<vmem>>, %arg7: memref<16640xi32, #tpu.memory_space<vmem>>, %arg8: memref<16640xi32, #tpu.memory_space<vmem>>, %arg9: memref<16640xi32, #tpu.memory_space<vmem>>, %arg10: memref<16384xi32, #tpu.memory_space<vmem>>, %arg11: memref<1040xi32, #tpu.memory_space<vmem>>, %arg12: memref<1024xi32, #tpu.memory_space<vmem>>, %arg13: memref<16640xi32, #tpu.memory_space<vmem>>, %arg14: memref<!tpu.dma_semaphore, #tpu.memory_space<semaphore_mem>>, %arg15: memref<!tpu.dma_semaphore, #tpu.memory_space<semaphore_mem>>, %arg16: memref<!tpu.dma_semaphore, #tpu.memory_space<semaphore_mem>>) attributes {dimension_semantics = [#tpu.dimension_semantics<core_parallel>, #tpu.dimension_semantics<subcore_parallel>], iteration_bounds = array<i64: 2, 16>, scalar_prefetch = 0 : i64, scratch_operands = 12 : i64, tpu.core_type = #tpu.core_type<sc_vector_subcore>, window_params = [{transform_indices = #map}, {transform_indices = #map}, {transform_indices = #map}]} {
    %mul3A = arith.constant 2 : i32
    %mul3A_0 = arith.muli %arg1, %mul3A : i32
    %add3A = arith.addi %mul3A_0, %arg0 : i32
    %iota3A = tpu.iota {dimensions = array<i32: 0>} : vector<16xi32>
    %mul3A_1 = arith.constant 261 : i32
    %mul3A_2 = vector.broadcast %mul3A_1 : i32 to vector<16xi32>
    %mul3A_3 = arith.muli %iota3A, %mul3A_2 : vector<16xi32>
    %broadcast_in_dim3A = arith.constant 1 : i32
    %broadcast_in_dim3A_4 = vector.broadcast %broadcast_in_dim3A : i32 to vector<16xi32>
    %broadcast_in_dim3A_5 = arith.constant 0 : i32
    %broadcast_in_dim3A_6 = vector.broadcast %broadcast_in_dim3A_5 : i32 to vector<16xi32>
    %eq3A = arith.constant 15 : i32
    %eq3A_7 = vector.broadcast %eq3A : i32 to vector<16xi32>
    %eq3A_8 = arith.cmpi eq, %iota3A, %eq3A_7 : vector<16xi32>
    %run_scoped3A = arith.constant 0 : i32
    "tpu.region"() ({
      %run_scoped3A_47 = tpu.sem_alloc : memref<!tpu.dma_semaphore, #tpu.memory_space<semaphore_mem>>
      %dma_start3A_48 = arith.constant 0 : i32
      %dma_start3A_49 = tpu.memref_slice %arg13[%dma_start3A_48] : memref<16640xi32, #tpu.memory_space<vmem>> -> memref<16384xi32, #tpu.memory_space<vmem>>
      %dma_start3A_50 = arith.constant 0 : i32
      %dma_start3A_51 = tpu.memref_slice %arg2[%run_scoped3A, %dma_start3A_50] : memref<1024x16384xi32, #tpu.memory_space<hbm>> -> memref<1x16384xi32, #tpu.memory_space<hbm>>
      %dma_start3A_52 = tpu.memref_squeeze %dma_start3A_51 : memref<1x16384xi32, #tpu.memory_space<hbm>> -> memref<16384xi32, #tpu.memory_space<hbm>>
      %dma_start3A_53 = arith.constant 0 : i32
      %dma_start3A_54 = tpu.memref_slice %arg13[%dma_start3A_53] : memref<16640xi32, #tpu.memory_space<vmem>> -> memref<16384xi32, #tpu.memory_space<vmem>>
      %dma_start3A_55 = arith.constant 0 : i32
      %dma_start3A_56 = tpu.memref_slice %arg2[%run_scoped3A, %dma_start3A_55] : memref<1024x16384xi32, #tpu.memory_space<hbm>> -> memref<1x16384xi32, #tpu.memory_space<hbm>>
      %dma_start3A_57 = tpu.memref_squeeze %dma_start3A_56 : memref<1x16384xi32, #tpu.memory_space<hbm>> -> memref<16384xi32, #tpu.memory_space<hbm>>
      tpu.enqueue_dma source(%dma_start3A_57 : memref<16384xi32, #tpu.memory_space<hbm>>) target(%dma_start3A_54 : memref<16384xi32, #tpu.memory_space<vmem>>) target_semaphore(%run_scoped3A_47 : memref<!tpu.dma_semaphore, #tpu.memory_space<semaphore_mem>>)
      %dma_wait3A_58 = arith.constant 0 : i32
      %dma_wait3A_59 = tpu.memref_slice %arg13[%dma_wait3A_58] : memref<16640xi32, #tpu.memory_space<vmem>> -> memref<16384xi32, #tpu.memory_space<vmem>>
      %dma_wait3A_60 = arith.constant 0 : i32
      %dma_wait3A_61 = tpu.memref_slice %arg2[%run_scoped3A, %dma_wait3A_60] : memref<1024x16384xi32, #tpu.memory_space<hbm>> -> memref<1x16384xi32, #tpu.memory_space<hbm>>
      %dma_wait3A_62 = tpu.memref_squeeze %dma_wait3A_61 : memref<1x16384xi32, #tpu.memory_space<hbm>> -> memref<16384xi32, #tpu.memory_space<hbm>>
      %dma_wait3A_63 = arith.constant 0 : i32
      %dma_wait3A_64 = tpu.memref_slice %arg13[%dma_wait3A_63] : memref<16640xi32, #tpu.memory_space<vmem>> -> memref<16384xi32, #tpu.memory_space<vmem>>
      %dma_wait3A_65 = arith.constant 0 : i32
      %dma_wait3A_66 = tpu.memref_slice %arg2[%run_scoped3A, %dma_wait3A_65] : memref<1024x16384xi32, #tpu.memory_space<hbm>> -> memref<1x16384xi32, #tpu.memory_space<hbm>>
      %dma_wait3A_67 = tpu.memref_squeeze %dma_wait3A_66 : memref<1x16384xi32, #tpu.memory_space<hbm>> -> memref<16384xi32, #tpu.memory_space<hbm>>
      tpu.wait_dma2 semaphore(%run_scoped3A_47 : memref<!tpu.dma_semaphore, #tpu.memory_space<semaphore_mem>>) src(%dma_wait3A_67 : memref<16384xi32, #tpu.memory_space<hbm>>) dst(%dma_wait3A_64 : memref<16384xi32, #tpu.memory_space<vmem>>)
      tpu.yield
    }) : () -> ()
    %scan3A = arith.constant 0 : i32
    %scan3A_9 = arith.constant 0 : i32
    %scan3A_10 = arith.constant 16 : i32
    %scan3A_11 = arith.addi %scan3A_9, %scan3A_10 : i32
    %scan3A_12 = arith.constant 1 : i32
    scf.for %scan3A_47 = %scan3A_9 to %scan3A_11 step %scan3A_12  : i32 {
      %mul3A_48 = arith.constant 16 : i32
      %mul3A_49 = arith.muli %mul3A_48, %scan3A_47 : i32
      %add3A_50 = arith.constant 16384 : i32
      %add3A_51 = arith.addi %add3A_50, %mul3A_49 : i32
      %swap3A = arith.index_cast %add3A_51 : i32 to index
      %swap3A_52 = tpu.vector_load %arg13[%swap3A] {strides = array<i32>} : memref<16640xi32, #tpu.memory_space<vmem>>, vector<16xi32>,
      tpu.vector_store %arg13[%swap3A], %broadcast_in_dim3A_6 {strides = array<i32>} : memref<16640xi32, #tpu.memory_space<vmem>>, vector<16xi32>,
      %mul3A_53 = arith.constant 16 : i32
      %mul3A_54 = arith.muli %mul3A_53, %scan3A_47 : i32
      %add3A_55 = arith.constant 16384 : i32
      %add3A_56 = arith.addi %add3A_55, %mul3A_54 : i32
      %swap3A_57 = arith.index_cast %add3A_56 : i32 to index
      %swap3A_58 = tpu.vector_load %arg9[%swap3A_57] {strides = array<i32>} : memref<16640xi32, #tpu.memory_space<vmem>>, vector<16xi32>,
      tpu.vector_store %arg9[%swap3A_57], %broadcast_in_dim3A_6 {strides = array<i32>} : memref<16640xi32, #tpu.memory_space<vmem>>, vector<16xi32>,
    }
    %scan3A_13 = arith.constant 16 : i32
    %mul3A_14 = arith.constant 32 : i32
    %mul3A_15 = arith.muli %add3A, %mul3A_14 : i32
    %dma_start3A = arith.constant 0 : i32
    %dma_start3A_16 = tpu.memref_slice %arg9[%dma_start3A] : memref<16640xi32, #tpu.memory_space<vmem>> -> memref<16384xi32, #tpu.memory_space<vmem>>
    %dma_start3A_17 = arith.constant 0 : i32
    %dma_start3A_18 = tpu.memref_slice %arg2[%mul3A_15, %dma_start3A_17] : memref<1024x16384xi32, #tpu.memory_space<hbm>> -> memref<1x16384xi32, #tpu.memory_space<hbm>>
    %dma_start3A_19 = tpu.memref_squeeze %dma_start3A_18 : memref<1x16384xi32, #tpu.memory_space<hbm>> -> memref<16384xi32, #tpu.memory_space<hbm>>
    %dma_start3A_20 = arith.constant 0 : i32
    %dma_start3A_21 = tpu.memref_slice %arg9[%dma_start3A_20] : memref<16640xi32, #tpu.memory_space<vmem>> -> memref<16384xi32, #tpu.memory_space<vmem>>
    %dma_start3A_22 = arith.constant 0 : i32
    %dma_start3A_23 = tpu.memref_slice %arg2[%mul3A_15, %dma_start3A_22] : memref<1024x16384xi32, #tpu.memory_space<hbm>> -> memref<1x16384xi32, #tpu.memory_space<hbm>>
    %dma_start3A_24 = tpu.memref_squeeze %dma_start3A_23 : memref<1x16384xi32, #tpu.memory_space<hbm>> -> memref<16384xi32, #tpu.memory_space<hbm>>
    tpu.enqueue_dma source(%dma_start3A_24 : memref<16384xi32, #tpu.memory_space<hbm>>) target(%dma_start3A_21 : memref<16384xi32, #tpu.memory_space<vmem>>) target_semaphore(%arg14 : memref<!tpu.dma_semaphore, #tpu.memory_space<semaphore_mem>>)
    %scan3A_25 = arith.constant 0 : i32
    %scan3A_26 = arith.constant 0 : i32
    %scan3A_27 = arith.constant 32 : i32
    %scan3A_28 = arith.addi %scan3A_26, %scan3A_27 : i32
    %scan3A_29 = arith.constant 1 : i32
    scf.for %scan3A_47 = %scan3A_26 to %scan3A_28 step %scan3A_29  : i32 {
      %mul3A_48 = arith.constant 32 : i32
      %mul3A_49 = arith.muli %add3A, %mul3A_48 : i32
      %add3A_50 = arith.addi %mul3A_49, %scan3A_47 : i32
      %dma_wait3A_51 = arith.constant 0 : i32
      %dma_wait3A_52 = tpu.memref_slice %arg9[%dma_wait3A_51] : memref<16640xi32, #tpu.memory_space<vmem>> -> memref<16384xi32, #tpu.memory_space<vmem>>
      %dma_wait3A_53 = arith.constant 0 : i32
      %dma_wait3A_54 = tpu.memref_slice %arg2[%add3A_50, %dma_wait3A_53] : memref<1024x16384xi32, #tpu.memory_space<hbm>> -> memref<1x16384xi32, #tpu.memory_space<hbm>>
      %dma_wait3A_55 = tpu.memref_squeeze %dma_wait3A_54 : memref<1x16384xi32, #tpu.memory_space<hbm>> -> memref<16384xi32, #tpu.memory_space<hbm>>
      %dma_wait3A_56 = arith.constant 0 : i32
      %dma_wait3A_57 = tpu.memref_slice %arg9[%dma_wait3A_56] : memref<16640xi32, #tpu.memory_space<vmem>> -> memref<16384xi32, #tpu.memory_space<vmem>>
      %dma_wait3A_58 = arith.constant 0 : i32
      %dma_wait3A_59 = tpu.memref_slice %arg2[%add3A_50, %dma_wait3A_58] : memref<1024x16384xi32, #tpu.memory_space<hbm>> -> memref<1x16384xi32, #tpu.memory_space<hbm>>
      %dma_wait3A_60 = tpu.memref_squeeze %dma_wait3A_59 : memref<1x16384xi32, #tpu.memory_space<hbm>> -> memref<16384xi32, #tpu.memory_space<hbm>>
      tpu.wait_dma2 semaphore(%arg14 : memref<!tpu.dma_semaphore, #tpu.memory_space<semaphore_mem>>) src(%dma_wait3A_60 : memref<16384xi32, #tpu.memory_space<hbm>>) dst(%dma_wait3A_57 : memref<16384xi32, #tpu.memory_space<vmem>>)
      %scan3A_61 = arith.constant 0 : i32
      %scan3A_62 = arith.constant 0 : i32
      %scan3A_63 = arith.constant 256 : i32
      %scan3A_64 = arith.addi %scan3A_62, %scan3A_63 : i32
      %scan3A_65 = arith.constant 1 : i32
      scf.for %scan3A_811 = %scan3A_62 to %scan3A_64 step %scan3A_65  : i32 {
        %mul3A_812 = arith.constant 4 : i32
        %mul3A_813 = arith.muli %mul3A_812, %scan3A_811 : i32
        %add3A_814 = arith.constant 0 : i32
        %add3A_815 = arith.addi %mul3A_813, %add3A_814 : i32
        %mul3A_816 = arith.constant 16 : i32
        %mul3A_817 = arith.muli %mul3A_816, %add3A_815 : i32
        %swap3A = arith.index_cast %mul3A_817 : i32 to index
        %swap3A_818 = tpu.vector_load %arg10[%swap3A] {strides = array<i32>} : memref<16384xi32, #tpu.memory_space<vmem>>, vector<16xi32>,
        tpu.vector_store %arg10[%swap3A], %broadcast_in_dim3A_6 {strides = array<i32>} : memref<16384xi32, #tpu.memory_space<vmem>>, vector<16xi32>,
        %mul3A_819 = arith.constant 4 : i32
        %mul3A_820 = arith.muli %mul3A_819, %scan3A_811 : i32
        %add3A_821 = arith.constant 1 : i32
        %add3A_822 = arith.addi %mul3A_820, %add3A_821 : i32
        %mul3A_823 = arith.constant 16 : i32
        %mul3A_824 = arith.muli %mul3A_823, %add3A_822 : i32
        %swap3A_825 = arith.index_cast %mul3A_824 : i32 to index
        %swap3A_826 = tpu.vector_load %arg10[%swap3A_825] {strides = array<i32>} : memref<16384xi32, #tpu.memory_space<vmem>>, vector<16xi32>,
        tpu.vector_store %arg10[%swap3A_825], %broadcast_in_dim3A_6 {strides = array<i32>} : memref<16384xi32, #tpu.memory_space<vmem>>, vector<16xi32>,
        %mul3A_827 = arith.constant 4 : i32
        %mul3A_828 = arith.muli %mul3A_827, %scan3A_811 : i32
        %add3A_829 = arith.constant 2 : i32
        %add3A_830 = arith.addi %mul3A_828, %add3A_829 : i32
        %mul3A_831 = arith.constant 16 : i32
        %mul3A_832 = arith.muli %mul3A_831, %add3A_830 : i32
        %swap3A_833 = arith.index_cast %mul3A_832 : i32 to index
        %swap3A_834 = tpu.vector_load %arg10[%swap3A_833] {strides = array<i32>} : memref<16384xi32, #tpu.memory_space<vmem>>, vector<16xi32>,
        tpu.vector_store %arg10[%swap3A_833], %broadcast_in_dim3A_6 {strides = array<i32>} : memref<16384xi32, #tpu.memory_space<vmem>>, vector<16xi32>,
        %mul3A_835 = arith.constant 4 : i32
        %mul3A_836 = arith.muli %mul3A_835, %scan3A_811 : i32
        %add3A_837 = arith.constant 3 : i32
        %add3A_838 = arith.addi %mul3A_836, %add3A_837 : i32
        %mul3A_839 = arith.constant 16 : i32
        %mul3A_840 = arith.muli %mul3A_839, %add3A_838 : i32
        %swap3A_841 = arith.index_cast %mul3A_840 : i32 to index
        %swap3A_842 = tpu.vector_load %arg10[%swap3A_841] {strides = array<i32>} : memref<16384xi32, #tpu.memory_space<vmem>>, vector<16xi32>,
        tpu.vector_store %arg10[%swap3A_841], %broadcast_in_dim3A_6 {strides = array<i32>} : memref<16384xi32, #tpu.memory_space<vmem>>, vector<16xi32>,
      }
      %scan3A_66 = arith.constant 256 : i32
      %add3A_67 = arith.constant 0 : i32
      %add3A_68 = vector.broadcast %add3A_67 : i32 to vector<16xi32>
      %add3A_69 = arith.addi %mul3A_3, %add3A_68 : vector<16xi32>
      %gather3A = tpu.vector_load_idx %arg9[%add3A_69] : memref<16640xi32, #tpu.memory_space<vmem>>[vector<16xi32>], vector<16xi32>,
      %shift_right_arithmetic3A = arith.constant 31 : i32
      %shift_right_arithmetic3A_70 = vector.broadcast %shift_right_arithmetic3A : i32 to vector<16xi32>
      %shift_right_arithmetic3A_71 = arith.shrsi %gather3A, %shift_right_arithmetic3A_70 : vector<16xi32>
      %or3A = arith.constant -2147483648 : i32
      %or3A_72 = vector.broadcast %or3A : i32 to vector<16xi32>
      %or3A_73 = arith.ori %shift_right_arithmetic3A_71, %or3A_72 : vector<16xi32>
      %xor3A = arith.xori %gather3A, %or3A_73 : vector<16xi32>
      %shift_left3A = arith.constant 6 : i32
      %shift_left3A_74 = vector.broadcast %shift_left3A : i32 to vector<16xi32>
      %shift_left3A_75 = arith.shli %xor3A, %shift_left3A_74 : vector<16xi32>
      %and3A = arith.constant 16320 : i32
      %and3A_76 = vector.broadcast %and3A : i32 to vector<16xi32>
      %and3A_77 = arith.andi %shift_left3A_75, %and3A_76 : vector<16xi32>
      %add3A_78 = arith.constant 0 : i32
      %add3A_79 = vector.broadcast %add3A_78 : i32 to vector<16xi32>
      %add3A_80 = arith.addi %iota3A, %add3A_79 : vector<16xi32>
      %add3A_81 = arith.addi %and3A_77, %add3A_80 : vector<16xi32>
      %add3A_82 = arith.constant 4176 : i32
      %add3A_83 = vector.broadcast %add3A_82 : i32 to vector<16xi32>
      %add3A_84 = arith.addi %mul3A_3, %add3A_83 : vector<16xi32>
      %gather3A_85 = tpu.vector_load_idx %arg9[%add3A_84] : memref<16640xi32, #tpu.memory_space<vmem>>[vector<16xi32>], vector<16xi32>,
      %shift_right_arithmetic3A_86 = arith.constant 31 : i32
      %shift_right_arithmetic3A_87 = vector.broadcast %shift_right_arithmetic3A_86 : i32 to vector<16xi32>
      %shift_right_arithmetic3A_88 = arith.shrsi %gather3A_85, %shift_right_arithmetic3A_87 : vector<16xi32>
      %or3A_89 = arith.constant -2147483648 : i32
      %or3A_90 = vector.broadcast %or3A_89 : i32 to vector<16xi32>
      %or3A_91 = arith.ori %shift_right_arithmetic3A_88, %or3A_90 : vector<16xi32>
      %xor3A_92 = arith.xori %gather3A_85, %or3A_91 : vector<16xi32>
      %shift_left3A_93 = arith.constant 6 : i32
      %shift_left3A_94 = vector.broadcast %shift_left3A_93 : i32 to vector<16xi32>
      %shift_left3A_95 = arith.shli %xor3A_92, %shift_left3A_94 : vector<16xi32>
      %and3A_96 = arith.constant 16320 : i32
      %and3A_97 = vector.broadcast %and3A_96 : i32 to vector<16xi32>
      %and3A_98 = arith.andi %shift_left3A_95, %and3A_97 : vector<16xi32>
      %add3A_99 = arith.constant 16 : i32
      %add3A_100 = vector.broadcast %add3A_99 : i32 to vector<16xi32>
      %add3A_101 = arith.addi %iota3A, %add3A_100 : vector<16xi32>
      %add3A_102 = arith.addi %and3A_98, %add3A_101 : vector<16xi32>
      %add3A_103 = arith.constant 8352 : i32
      %add3A_104 = vector.broadcast %add3A_103 : i32 to vector<16xi32>
      %add3A_105 = arith.addi %mul3A_3, %add3A_104 : vector<16xi32>
      %gather3A_106 = tpu.vector_load_idx %arg9[%add3A_105] : memref<16640xi32, #tpu.memory_space<vmem>>[vector<16xi32>], vector<16xi32>,
      %shift_right_arithmetic3A_107 = arith.constant 31 : i32
      %shift_right_arithmetic3A_108 = vector.broadcast %shift_right_arithmetic3A_107 : i32 to vector<16xi32>
      %shift_right_arithmetic3A_109 = arith.shrsi %gather3A_106, %shift_right_arithmetic3A_108 : vector<16xi32>
      %or3A_110 = arith.constant -2147483648 : i32
      %or3A_111 = vector.broadcast %or3A_110 : i32 to vector<16xi32>
      %or3A_112 = arith.ori %shift_right_arithmetic3A_109, %or3A_111 : vector<16xi32>
      %xor3A_113 = arith.xori %gather3A_106, %or3A_112 : vector<16xi32>
      %shift_left3A_114 = arith.constant 6 : i32
      %shift_left3A_115 = vector.broadcast %shift_left3A_114 : i32 to vector<16xi32>
      %shift_left3A_116 = arith.shli %xor3A_113, %shift_left3A_115 : vector<16xi32>
      %and3A_117 = arith.constant 16320 : i32
      %and3A_118 = vector.broadcast %and3A_117 : i32 to vector<16xi32>
      %and3A_119 = arith.andi %shift_left3A_116, %and3A_118 : vector<16xi32>
      %add3A_120 = arith.constant 32 : i32
      %add3A_121 = vector.broadcast %add3A_120 : i32 to vector<16xi32>
      %add3A_122 = arith.addi %iota3A, %add3A_121 : vector<16xi32>
      %add3A_123 = arith.addi %and3A_119, %add3A_122 : vector<16xi32>
      %lt3A = arith.constant 15 : i32
      %lt3A_124 = vector.broadcast %lt3A : i32 to vector<16xi32>
      %lt3A_125 = arith.cmpi slt, %iota3A, %lt3A_124 : vector<16xi32>
      %or3A_126 = arith.constant true
      %or3A_127 = vector.broadcast %or3A_126 : i1 to vector<16xi1>
      %or3A_128 = arith.ori %lt3A_125, %or3A_127 : vector<16xi1>
      %add3A_129 = arith.constant 12528 : i32
      %add3A_130 = vector.broadcast %add3A_129 : i32 to vector<16xi32>
      %add3A_131 = arith.addi %mul3A_3, %add3A_130 : vector<16xi32>
      %gather3A_132 = tpu.vector_load_idx %arg9[%add3A_131] masked %or3A_128 : memref<16640xi32, #tpu.memory_space<vmem>>[vector<16xi32>], vector<16xi32>, vector<16xi1>
      %shift_right_arithmetic3A_133 = arith.constant 31 : i32
      %shift_right_arithmetic3A_134 = vector.broadcast %shift_right_arithmetic3A_133 : i32 to vector<16xi32>
      %shift_right_arithmetic3A_135 = arith.shrsi %gather3A_132, %shift_right_arithmetic3A_134 : vector<16xi32>
      %or3A_136 = arith.constant -2147483648 : i32
      %or3A_137 = vector.broadcast %or3A_136 : i32 to vector<16xi32>
      %or3A_138 = arith.ori %shift_right_arithmetic3A_135, %or3A_137 : vector<16xi32>
      %xor3A_139 = arith.xori %gather3A_132, %or3A_138 : vector<16xi32>
      %shift_left3A_140 = arith.constant 6 : i32
      %shift_left3A_141 = vector.broadcast %shift_left3A_140 : i32 to vector<16xi32>
      %shift_left3A_142 = arith.shli %xor3A_139, %shift_left3A_141 : vector<16xi32>
      %and3A_143 = arith.constant 16320 : i32
      %and3A_144 = vector.broadcast %and3A_143 : i32 to vector<16xi32>
      %and3A_145 = arith.andi %shift_left3A_142, %and3A_144 : vector<16xi32>
      %add3A_146 = arith.constant 48 : i32
      %add3A_147 = vector.broadcast %add3A_146 : i32 to vector<16xi32>
      %add3A_148 = arith.addi %iota3A, %add3A_147 : vector<16xi32>
      %add3A_149 = arith.addi %and3A_145, %add3A_148 : vector<16xi32>
      %scan3A_150 = arith.constant 0 : i32
      %scan3A_151 = arith.constant 261 : i32
      %scan3A_152 = arith.addi %scan3A_150, %scan3A_151 : i32
      %scan3A_153 = arith.constant 1 : i32
      %scan3A_154:4 = scf.for %scan3A_811 = %scan3A_150 to %scan3A_152 step %scan3A_153 iter_args(%scan3A_812 = %add3A_81, %scan3A_813 = %add3A_102, %scan3A_814 = %add3A_123, %scan3A_815 = %add3A_149) -> (vector<16xi32>, vector<16xi32>, vector<16xi32>, vector<16xi32>)  : i32 {
        %add3A_816 = arith.constant 1 : i32
        %add3A_817 = arith.addi %scan3A_811, %add3A_816 : i32
        %min3A = arith.constant 260 : i32
        %min3A_818 = arith.minsi %add3A_817, %min3A : i32
        %add3A_819 = arith.constant 0 : i32
        %add3A_820 = arith.addi %min3A_818, %add3A_819 : i32
        %add3A_821 = vector.broadcast %add3A_820 : i32 to vector<16xi32>
        %add3A_822 = arith.addi %mul3A_3, %add3A_821 : vector<16xi32>
        %gather3A_823 = tpu.vector_load_idx %arg9[%add3A_822] : memref<16640xi32, #tpu.memory_space<vmem>>[vector<16xi32>], vector<16xi32>,
        %shift_right_arithmetic3A_824 = arith.constant 31 : i32
        %shift_right_arithmetic3A_825 = vector.broadcast %shift_right_arithmetic3A_824 : i32 to vector<16xi32>
        %shift_right_arithmetic3A_826 = arith.shrsi %gather3A_823, %shift_right_arithmetic3A_825 : vector<16xi32>
        %or3A_827 = arith.constant -2147483648 : i32
        %or3A_828 = vector.broadcast %or3A_827 : i32 to vector<16xi32>
        %or3A_829 = arith.ori %shift_right_arithmetic3A_826, %or3A_828 : vector<16xi32>
        %xor3A_830 = arith.xori %gather3A_823, %or3A_829 : vector<16xi32>
        %shift_left3A_831 = arith.constant 6 : i32
        %shift_left3A_832 = vector.broadcast %shift_left3A_831 : i32 to vector<16xi32>
        %shift_left3A_833 = arith.shli %xor3A_830, %shift_left3A_832 : vector<16xi32>
        %and3A_834 = arith.constant 16320 : i32
        %and3A_835 = vector.broadcast %and3A_834 : i32 to vector<16xi32>
        %and3A_836 = arith.andi %shift_left3A_833, %and3A_835 : vector<16xi32>
        %add3A_837 = arith.constant 0 : i32
        %add3A_838 = vector.broadcast %add3A_837 : i32 to vector<16xi32>
        %add3A_839 = arith.addi %iota3A, %add3A_838 : vector<16xi32>
        %add3A_840 = arith.addi %and3A_836, %add3A_839 : vector<16xi32>
        %add3A_841 = arith.constant 4176 : i32
        %add3A_842 = arith.addi %min3A_818, %add3A_841 : i32
        %add3A_843 = vector.broadcast %add3A_842 : i32 to vector<16xi32>
        %add3A_844 = arith.addi %mul3A_3, %add3A_843 : vector<16xi32>
        %gather3A_845 = tpu.vector_load_idx %arg9[%add3A_844] : memref<16640xi32, #tpu.memory_space<vmem>>[vector<16xi32>], vector<16xi32>,
        %shift_right_arithmetic3A_846 = arith.constant 31 : i32
        %shift_right_arithmetic3A_847 = vector.broadcast %shift_right_arithmetic3A_846 : i32 to vector<16xi32>
        %shift_right_arithmetic3A_848 = arith.shrsi %gather3A_845, %shift_right_arithmetic3A_847 : vector<16xi32>
        %or3A_849 = arith.constant -2147483648 : i32
        %or3A_850 = vector.broadcast %or3A_849 : i32 to vector<16xi32>
        %or3A_851 = arith.ori %shift_right_arithmetic3A_848, %or3A_850 : vector<16xi32>
        %xor3A_852 = arith.xori %gather3A_845, %or3A_851 : vector<16xi32>
        %shift_left3A_853 = arith.constant 6 : i32
        %shift_left3A_854 = vector.broadcast %shift_left3A_853 : i32 to vector<16xi32>
        %shift_left3A_855 = arith.shli %xor3A_852, %shift_left3A_854 : vector<16xi32>
        %and3A_856 = arith.constant 16320 : i32
        %and3A_857 = vector.broadcast %and3A_856 : i32 to vector<16xi32>
        %and3A_858 = arith.andi %shift_left3A_855, %and3A_857 : vector<16xi32>
        %add3A_859 = arith.constant 16 : i32
        %add3A_860 = vector.broadcast %add3A_859 : i32 to vector<16xi32>
        %add3A_861 = arith.addi %iota3A, %add3A_860 : vector<16xi32>
        %add3A_862 = arith.addi %and3A_858, %add3A_861 : vector<16xi32>
        %add3A_863 = arith.constant 8352 : i32
        %add3A_864 = arith.addi %min3A_818, %add3A_863 : i32
        %add3A_865 = vector.broadcast %add3A_864 : i32 to vector<16xi32>
        %add3A_866 = arith.addi %mul3A_3, %add3A_865 : vector<16xi32>
        %gather3A_867 = tpu.vector_load_idx %arg9[%add3A_866] : memref<16640xi32, #tpu.memory_space<vmem>>[vector<16xi32>], vector<16xi32>,
        %shift_right_arithmetic3A_868 = arith.constant 31 : i32
        %shift_right_arithmetic3A_869 = vector.broadcast %shift_right_arithmetic3A_868 : i32 to vector<16xi32>
        %shift_right_arithmetic3A_870 = arith.shrsi %gather3A_867, %shift_right_arithmetic3A_869 : vector<16xi32>
        %or3A_871 = arith.constant -2147483648 : i32
        %or3A_872 = vector.broadcast %or3A_871 : i32 to vector<16xi32>
        %or3A_873 = arith.ori %shift_right_arithmetic3A_870, %or3A_872 : vector<16xi32>
        %xor3A_874 = arith.xori %gather3A_867, %or3A_873 : vector<16xi32>
        %shift_left3A_875 = arith.constant 6 : i32
        %shift_left3A_876 = vector.broadcast %shift_left3A_875 : i32 to vector<16xi32>
        %shift_left3A_877 = arith.shli %xor3A_874, %shift_left3A_876 : vector<16xi32>
        %and3A_878 = arith.constant 16320 : i32
        %and3A_879 = vector.broadcast %and3A_878 : i32 to vector<16xi32>
        %and3A_880 = arith.andi %shift_left3A_877, %and3A_879 : vector<16xi32>
        %add3A_881 = arith.constant 32 : i32
        %add3A_882 = vector.broadcast %add3A_881 : i32 to vector<16xi32>
        %add3A_883 = arith.addi %iota3A, %add3A_882 : vector<16xi32>
        %add3A_884 = arith.addi %and3A_880, %add3A_883 : vector<16xi32>
        %lt3A_885 = arith.constant 15 : i32
        %lt3A_886 = vector.broadcast %lt3A_885 : i32 to vector<16xi32>
        %lt3A_887 = arith.cmpi slt, %iota3A, %lt3A_886 : vector<16xi32>
        %lt3A_888 = arith.constant 197 : i32
        %lt3A_889 = arith.cmpi slt, %min3A_818, %lt3A_888 : i32
        %or3A_890 = vector.broadcast %lt3A_889 : i1 to vector<16xi1>
        %or3A_891 = arith.ori %lt3A_887, %or3A_890 : vector<16xi1>
        %add3A_892 = arith.constant 12528 : i32
        %add3A_893 = arith.addi %min3A_818, %add3A_892 : i32
        %add3A_894 = vector.broadcast %add3A_893 : i32 to vector<16xi32>
        %add3A_895 = arith.addi %mul3A_3, %add3A_894 : vector<16xi32>
        %gather3A_896 = tpu.vector_load_idx %arg9[%add3A_895] masked %or3A_891 : memref<16640xi32, #tpu.memory_space<vmem>>[vector<16xi32>], vector<16xi32>, vector<16xi1>
        %shift_right_arithmetic3A_897 = arith.constant 31 : i32
        %shift_right_arithmetic3A_898 = vector.broadcast %shift_right_arithmetic3A_897 : i32 to vector<16xi32>
        %shift_right_arithmetic3A_899 = arith.shrsi %gather3A_896, %shift_right_arithmetic3A_898 : vector<16xi32>
        %or3A_900 = arith.constant -2147483648 : i32
        %or3A_901 = vector.broadcast %or3A_900 : i32 to vector<16xi32>
        %or3A_902 = arith.ori %shift_right_arithmetic3A_899, %or3A_901 : vector<16xi32>
        %xor3A_903 = arith.xori %gather3A_896, %or3A_902 : vector<16xi32>
        %shift_left3A_904 = arith.constant 6 : i32
        %shift_left3A_905 = vector.broadcast %shift_left3A_904 : i32 to vector<16xi32>
        %shift_left3A_906 = arith.shli %xor3A_903, %shift_left3A_905 : vector<16xi32>
        %and3A_907 = arith.constant 16320 : i32
        %and3A_908 = vector.broadcast %and3A_907 : i32 to vector<16xi32>
        %and3A_909 = arith.andi %shift_left3A_906, %and3A_908 : vector<16xi32>
        %add3A_910 = arith.constant 48 : i32
        %add3A_911 = vector.broadcast %add3A_910 : i32 to vector<16xi32>
        %add3A_912 = arith.addi %iota3A, %add3A_911 : vector<16xi32>
        %add3A_913 = arith.addi %and3A_909, %add3A_912 : vector<16xi32>
        tpu.vector_store_idx %arg10[%scan3A_812], %broadcast_in_dim3A_4 {add = true} : memref<16384xi32, #tpu.memory_space<vmem>>[vector<16xi32>], vector<16xi32>,
        tpu.vector_store_idx %arg10[%scan3A_813], %broadcast_in_dim3A_4 {add = true} : memref<16384xi32, #tpu.memory_space<vmem>>[vector<16xi32>], vector<16xi32>,
        tpu.vector_store_idx %arg10[%scan3A_814], %broadcast_in_dim3A_4 {add = true} : memref<16384xi32, #tpu.memory_space<vmem>>[vector<16xi32>], vector<16xi32>,
        %lt3A_914 = arith.constant 15 : i32
        %lt3A_915 = vector.broadcast %lt3A_914 : i32 to vector<16xi32>
        %lt3A_916 = arith.cmpi slt, %iota3A, %lt3A_915 : vector<16xi32>
        %lt3A_917 = arith.constant 197 : i32
        %lt3A_918 = arith.cmpi slt, %scan3A_811, %lt3A_917 : i32
        %or3A_919 = vector.broadcast %lt3A_918 : i1 to vector<16xi1>
        %or3A_920 = arith.ori %lt3A_916, %or3A_919 : vector<16xi1>
        tpu.vector_store_idx %arg10[%scan3A_815], %broadcast_in_dim3A_4 masked %or3A_920 {add = true} : memref<16384xi32, #tpu.memory_space<vmem>>[vector<16xi32>], vector<16xi32>, vector<16xi1>
        scf.yield %add3A_840, %add3A_862, %add3A_884, %add3A_913 : vector<16xi32>, vector<16xi32>, vector<16xi32>, vector<16xi32>
      }
      %scan3A_155 = arith.constant 261 : i32
      %scan3A_156 = arith.constant 0 : i32
      %scan3A_157 = arith.constant 0 : i32
      %scan3A_158 = arith.constant 256 : i32
      %scan3A_159 = arith.addi %scan3A_157, %scan3A_158 : i32
      %scan3A_160 = arith.constant 1 : i32
      scf.for %scan3A_811 = %scan3A_157 to %scan3A_159 step %scan3A_160  : i32 {
        %mul3A_812 = arith.constant 4 : i32
        %mul3A_813 = arith.muli %mul3A_812, %scan3A_811 : i32
        %add3A_814 = arith.constant 0 : i32
        %add3A_815 = arith.addi %mul3A_813, %add3A_814 : i32
        %mul3A_816 = arith.constant 16 : i32
        %mul3A_817 = arith.muli %mul3A_816, %add3A_815 : i32
        %get3A = arith.index_cast %mul3A_817 : i32 to index
        %get3A_818 = tpu.vector_load %arg10[%get3A] {strides = array<i32>} : memref<16384xi32, #tpu.memory_space<vmem>>, vector<16xi32>,
        %mul3A_819 = arith.constant 4 : i32
        %mul3A_820 = arith.muli %mul3A_819, %scan3A_811 : i32
        %add3A_821 = arith.constant 1 : i32
        %add3A_822 = arith.addi %mul3A_820, %add3A_821 : i32
        %mul3A_823 = arith.constant 16 : i32
        %mul3A_824 = arith.muli %mul3A_823, %add3A_822 : i32
        %get3A_825 = arith.index_cast %mul3A_824 : i32 to index
        %get3A_826 = tpu.vector_load %arg10[%get3A_825] {strides = array<i32>} : memref<16384xi32, #tpu.memory_space<vmem>>, vector<16xi32>,
        %mul3A_827 = arith.constant 4 : i32
        %mul3A_828 = arith.muli %mul3A_827, %scan3A_811 : i32
        %add3A_829 = arith.constant 2 : i32
        %add3A_830 = arith.addi %mul3A_828, %add3A_829 : i32
        %mul3A_831 = arith.constant 16 : i32
        %mul3A_832 = arith.muli %mul3A_831, %add3A_830 : i32
        %get3A_833 = arith.index_cast %mul3A_832 : i32 to index
        %get3A_834 = tpu.vector_load %arg10[%get3A_833] {strides = array<i32>} : memref<16384xi32, #tpu.memory_space<vmem>>, vector<16xi32>,
        %mul3A_835 = arith.constant 4 : i32
        %mul3A_836 = arith.muli %mul3A_835, %scan3A_811 : i32
        %add3A_837 = arith.constant 3 : i32
        %add3A_838 = arith.addi %mul3A_836, %add3A_837 : i32
        %mul3A_839 = arith.constant 16 : i32
        %mul3A_840 = arith.muli %mul3A_839, %add3A_838 : i32
        %get3A_841 = arith.index_cast %mul3A_840 : i32 to index
        %get3A_842 = tpu.vector_load %arg10[%get3A_841] {strides = array<i32>} : memref<16384xi32, #tpu.memory_space<vmem>>, vector<16xi32>,
        %broadcast_in_dim3A_843 = arith.constant true
        %broadcast_in_dim3A_844 = vector.broadcast %broadcast_in_dim3A_843 : i1 to vector<16xi1>
        %masked_cumsum3A = tpu.scan <sum>, %get3A_818 masked %broadcast_in_dim3A_844 : vector<16xi32>, vector<16xi1> -> vector<16xi32>
        %broadcast_in_dim3A_845 = arith.constant true
        %broadcast_in_dim3A_846 = vector.broadcast %broadcast_in_dim3A_845 : i1 to vector<16xi1>
        %masked_cumsum3A_847 = tpu.scan <sum>, %get3A_826 masked %broadcast_in_dim3A_846 : vector<16xi32>, vector<16xi1> -> vector<16xi32>
        %broadcast_in_dim3A_848 = arith.constant true
        %broadcast_in_dim3A_849 = vector.broadcast %broadcast_in_dim3A_848 : i1 to vector<16xi1>
        %masked_cumsum3A_850 = tpu.scan <sum>, %get3A_834 masked %broadcast_in_dim3A_849 : vector<16xi32>, vector<16xi1> -> vector<16xi32>
        %broadcast_in_dim3A_851 = arith.constant true
        %broadcast_in_dim3A_852 = vector.broadcast %broadcast_in_dim3A_851 : i1 to vector<16xi1>
        %masked_cumsum3A_853 = tpu.scan <sum>, %get3A_842 masked %broadcast_in_dim3A_852 : vector<16xi32>, vector<16xi1> -> vector<16xi32>
        %mul3A_854 = arith.constant 4 : i32
        %mul3A_855 = arith.muli %mul3A_854, %scan3A_811 : i32
        %add3A_856 = arith.constant 0 : i32
        %add3A_857 = arith.addi %mul3A_855, %add3A_856 : i32
        %mul3A_858 = arith.constant 16 : i32
        %mul3A_859 = arith.muli %mul3A_858, %add3A_857 : i32
        %swap3A = arith.index_cast %mul3A_859 : i32 to index
        %swap3A_860 = tpu.vector_load %arg10[%swap3A] {strides = array<i32>} : memref<16384xi32, #tpu.memory_space<vmem>>, vector<16xi32>,
        tpu.vector_store %arg10[%swap3A], %masked_cumsum3A {strides = array<i32>} : memref<16384xi32, #tpu.memory_space<vmem>>, vector<16xi32>,
        %mul3A_861 = arith.constant 4 : i32
        %mul3A_862 = arith.muli %mul3A_861, %scan3A_811 : i32
        %add3A_863 = arith.constant 0 : i32
        %add3A_864 = arith.addi %mul3A_862, %add3A_863 : i32
        %broadcast_in_dim3A_865 = vector.broadcast %add3A_864 : i32 to vector<16xi32>
        tpu.vector_store_idx %arg12[%broadcast_in_dim3A_865], %masked_cumsum3A masked %eq3A_8 : memref<1024xi32, #tpu.memory_space<vmem>>[vector<16xi32>], vector<16xi32>, vector<16xi1>
        %mul3A_866 = arith.constant 4 : i32
        %mul3A_867 = arith.muli %mul3A_866, %scan3A_811 : i32
        %add3A_868 = arith.constant 1 : i32
        %add3A_869 = arith.addi %mul3A_867, %add3A_868 : i32
        %mul3A_870 = arith.constant 16 : i32
        %mul3A_871 = arith.muli %mul3A_870, %add3A_869 : i32
        %swap3A_872 = arith.index_cast %mul3A_871 : i32 to index
        %swap3A_873 = tpu.vector_load %arg10[%swap3A_872] {strides = array<i32>} : memref<16384xi32, #tpu.memory_space<vmem>>, vector<16xi32>,
        tpu.vector_store %arg10[%swap3A_872], %masked_cumsum3A_847 {strides = array<i32>} : memref<16384xi32, #tpu.memory_space<vmem>>, vector<16xi32>,
        %mul3A_874 = arith.constant 4 : i32
        %mul3A_875 = arith.muli %mul3A_874, %scan3A_811 : i32
        %add3A_876 = arith.constant 1 : i32
        %add3A_877 = arith.addi %mul3A_875, %add3A_876 : i32
        %broadcast_in_dim3A_878 = vector.broadcast %add3A_877 : i32 to vector<16xi32>
        tpu.vector_store_idx %arg12[%broadcast_in_dim3A_878], %masked_cumsum3A_847 masked %eq3A_8 : memref<1024xi32, #tpu.memory_space<vmem>>[vector<16xi32>], vector<16xi32>, vector<16xi1>
        %mul3A_879 = arith.constant 4 : i32
        %mul3A_880 = arith.muli %mul3A_879, %scan3A_811 : i32
        %add3A_881 = arith.constant 2 : i32
        %add3A_882 = arith.addi %mul3A_880, %add3A_881 : i32
        %mul3A_883 = arith.constant 16 : i32
        %mul3A_884 = arith.muli %mul3A_883, %add3A_882 : i32
        %swap3A_885 = arith.index_cast %mul3A_884 : i32 to index
        %swap3A_886 = tpu.vector_load %arg10[%swap3A_885] {strides = array<i32>} : memref<16384xi32, #tpu.memory_space<vmem>>, vector<16xi32>,
        tpu.vector_store %arg10[%swap3A_885], %masked_cumsum3A_850 {strides = array<i32>} : memref<16384xi32, #tpu.memory_space<vmem>>, vector<16xi32>,
        %mul3A_887 = arith.constant 4 : i32
        %mul3A_888 = arith.muli %mul3A_887, %scan3A_811 : i32
        %add3A_889 = arith.constant 2 : i32
        %add3A_890 = arith.addi %mul3A_888, %add3A_889 : i32
        %broadcast_in_dim3A_891 = vector.broadcast %add3A_890 : i32 to vector<16xi32>
        tpu.vector_store_idx %arg12[%broadcast_in_dim3A_891], %masked_cumsum3A_850 masked %eq3A_8 : memref<1024xi32, #tpu.memory_space<vmem>>[vector<16xi32>], vector<16xi32>, vector<16xi1>
        %mul3A_892 = arith.constant 4 : i32
        %mul3A_893 = arith.muli %mul3A_892, %scan3A_811 : i32
        %add3A_894 = arith.constant 3 : i32
        %add3A_895 = arith.addi %mul3A_893, %add3A_894 : i32
        %mul3A_896 = arith.constant 16 : i32
        %mul3A_897 = arith.muli %mul3A_896, %add3A_895 : i32
        %swap3A_898 = arith.index_cast %mul3A_897 : i32 to index
        %swap3A_899 = tpu.vector_load %arg10[%swap3A_898] {strides = array<i32>} : memref<16384xi32, #tpu.memory_space<vmem>>, vector<16xi32>,
        tpu.vector_store %arg10[%swap3A_898], %masked_cumsum3A_853 {strides = array<i32>} : memref<16384xi32, #tpu.memory_space<vmem>>, vector<16xi32>,
        %mul3A_900 = arith.constant 4 : i32
        %mul3A_901 = arith.muli %mul3A_900, %scan3A_811 : i32
        %add3A_902 = arith.constant 3 : i32
        %add3A_903 = arith.addi %mul3A_901, %add3A_902 : i32
        %broadcast_in_dim3A_904 = vector.broadcast %add3A_903 : i32 to vector<16xi32>
        tpu.vector_store_idx %arg12[%broadcast_in_dim3A_904], %masked_cumsum3A_853 masked %eq3A_8 : memref<1024xi32, #tpu.memory_space<vmem>>[vector<16xi32>], vector<16xi32>, vector<16xi1>
      }
      %scan3A_161 = arith.constant 256 : i32
      %scan3A_162 = arith.constant 0 : i32
      %scan3A_163 = arith.constant 0 : i32
      %scan3A_164 = arith.constant 64 : i32
      %scan3A_165 = arith.addi %scan3A_163, %scan3A_164 : i32
      %scan3A_166 = arith.constant 1 : i32
      %scan3A_167 = scf.for %scan3A_811 = %scan3A_163 to %scan3A_165 step %scan3A_166 iter_args(%scan3A_812 = %scan3A_162) -> (i32)  : i32 {
        %mul3A_813 = arith.constant 16 : i32
        %mul3A_814 = arith.muli %mul3A_813, %scan3A_811 : i32
        %get3A = arith.index_cast %mul3A_814 : i32 to index
        %get3A_815 = tpu.vector_load %arg12[%get3A] {strides = array<i32>} : memref<1024xi32, #tpu.memory_space<vmem>>, vector<16xi32>,
        %broadcast_in_dim3A_816 = arith.constant true
        %broadcast_in_dim3A_817 = vector.broadcast %broadcast_in_dim3A_816 : i1 to vector<16xi1>
        %masked_cumsum3A = tpu.scan <sum>, %get3A_815 masked %broadcast_in_dim3A_817 : vector<16xi32>, vector<16xi1> -> vector<16xi32>
        %add3A_818 = vector.broadcast %scan3A_812 : i32 to vector<16xi32>
        %add3A_819 = arith.addi %add3A_818, %masked_cumsum3A : vector<16xi32>
        %sub3A_820 = arith.subi %add3A_819, %get3A_815 : vector<16xi32>
        %mul3A_821 = arith.constant 16 : i32
        %mul3A_822 = arith.muli %mul3A_821, %scan3A_811 : i32
        %swap3A = arith.index_cast %mul3A_822 : i32 to index
        %swap3A_823 = tpu.vector_load %arg11[%swap3A] {strides = array<i32>} : memref<1040xi32, #tpu.memory_space<vmem>>, vector<16xi32>,
        tpu.vector_store %arg11[%swap3A], %sub3A_820 {strides = array<i32>} : memref<1040xi32, #tpu.memory_space<vmem>>, vector<16xi32>,
        %reduce_sum3A = arith.constant true
        %reduce_sum3A_824 = vector.broadcast %reduce_sum3A : i1 to vector<16xi1>
        %reduce_sum3A_825 = tpu.scan <sum>, %get3A_815 masked %reduce_sum3A_824 : vector<16xi32>, vector<16xi1> -> vector<16xi32>
        %reduce_sum3A_826 = vector.extract %reduce_sum3A_825[15] : i32 from vector<16xi32>
        %add3A_827 = arith.addi %scan3A_812, %reduce_sum3A_826 : i32
        scf.yield %add3A_827 : i32
      }
      %scan3A_168 = arith.constant 64 : i32
      %sub3A_169 = arith.constant 1 : i32
      %sub3A_170 = vector.broadcast %sub3A_169 : i32 to vector<16xi32>
      %sub3A_171 = arith.subi %iota3A, %sub3A_170 : vector<16xi32>
      %max3A = arith.constant 0 : i32
      %max3A_172 = vector.broadcast %max3A : i32 to vector<16xi32>
      %max3A_173 = arith.maxsi %sub3A_171, %max3A_172 : vector<16xi32>
      %scan3A_174 = arith.constant 0 : i32
      %scan3A_175 = arith.constant 0 : i32
      %scan3A_176 = arith.constant 256 : i32
      %scan3A_177 = arith.addi %scan3A_175, %scan3A_176 : i32
      %scan3A_178 = arith.constant 1 : i32
      scf.for %scan3A_811 = %scan3A_175 to %scan3A_177 step %scan3A_178  : i32 {
        %mul3A_812 = arith.constant 4 : i32
        %mul3A_813 = arith.muli %mul3A_812, %scan3A_811 : i32
        %get3A = arith.index_cast %mul3A_813 : i32 to index
        %get3A_814 = tpu.vector_load %arg11[%get3A] {strides = array<i32>} : memref<1040xi32, #tpu.memory_space<vmem>>, vector<16xi32>,
        %mul3A_815 = arith.constant 4 : i32
        %mul3A_816 = arith.muli %mul3A_815, %scan3A_811 : i32
        %add3A_817 = arith.constant 0 : i32
        %add3A_818 = arith.addi %mul3A_816, %add3A_817 : i32
        %mul3A_819 = arith.constant 16 : i32
        %mul3A_820 = arith.muli %mul3A_819, %add3A_818 : i32
        %add3A_821 = vector.broadcast %mul3A_820 : i32 to vector<16xi32>
        %add3A_822 = arith.addi %add3A_821, %max3A_173 : vector<16xi32>
        %gather3A_823 = tpu.vector_load_idx %arg10[%add3A_822] : memref<16384xi32, #tpu.memory_space<vmem>>[vector<16xi32>], vector<16xi32>,
        %mul3A_824 = arith.constant 4 : i32
        %mul3A_825 = arith.muli %mul3A_824, %scan3A_811 : i32
        %add3A_826 = arith.constant 1 : i32
        %add3A_827 = arith.addi %mul3A_825, %add3A_826 : i32
        %mul3A_828 = arith.constant 16 : i32
        %mul3A_829 = arith.muli %mul3A_828, %add3A_827 : i32
        %add3A_830 = vector.broadcast %mul3A_829 : i32 to vector<16xi32>
        %add3A_831 = arith.addi %add3A_830, %max3A_173 : vector<16xi32>
        %gather3A_832 = tpu.vector_load_idx %arg10[%add3A_831] : memref<16384xi32, #tpu.memory_space<vmem>>[vector<16xi32>], vector<16xi32>,
        %mul3A_833 = arith.constant 4 : i32
        %mul3A_834 = arith.muli %mul3A_833, %scan3A_811 : i32
        %add3A_835 = arith.constant 2 : i32
        %add3A_836 = arith.addi %mul3A_834, %add3A_835 : i32
        %mul3A_837 = arith.constant 16 : i32
        %mul3A_838 = arith.muli %mul3A_837, %add3A_836 : i32
        %add3A_839 = vector.broadcast %mul3A_838 : i32 to vector<16xi32>
        %add3A_840 = arith.addi %add3A_839, %max3A_173 : vector<16xi32>
        %gather3A_841 = tpu.vector_load_idx %arg10[%add3A_840] : memref<16384xi32, #tpu.memory_space<vmem>>[vector<16xi32>], vector<16xi32>,
        %mul3A_842 = arith.constant 4 : i32
        %mul3A_843 = arith.muli %mul3A_842, %scan3A_811 : i32
        %add3A_844 = arith.constant 3 : i32
        %add3A_845 = arith.addi %mul3A_843, %add3A_844 : i32
        %mul3A_846 = arith.constant 16 : i32
        %mul3A_847 = arith.muli %mul3A_846, %add3A_845 : i32
        %add3A_848 = vector.broadcast %mul3A_847 : i32 to vector<16xi32>
        %add3A_849 = arith.addi %add3A_848, %max3A_173 : vector<16xi32>
        %gather3A_850 = tpu.vector_load_idx %arg10[%add3A_849] : memref<16384xi32, #tpu.memory_space<vmem>>[vector<16xi32>], vector<16xi32>,
        %gt3A_851 = arith.constant 0 : i32
        %gt3A_852 = vector.broadcast %gt3A_851 : i32 to vector<16xi32>
        %gt3A_853 = arith.cmpi sgt, %iota3A, %gt3A_852 : vector<16xi32>
        %jit3A = arith.constant 0 : i32
        %broadcast_in_dim3A_854 = vector.broadcast %jit3A : i32 to vector<16xi32>
        %select_n3A = arith.select %gt3A_853, %gather3A_823, %broadcast_in_dim3A_854 : vector<16xi1>, vector<16xi32>
        %slice3A = vector.extract_strided_slice %get3A_814 {offsets = [0], sizes = [1], strides = [1]} : vector<16xi32> to vector<1xi32>
        %squeeze3A = vector.extract %slice3A[0] : i32 from vector<1xi32>
        %add3A_855 = vector.broadcast %squeeze3A : i32 to vector<16xi32>
        %add3A_856 = arith.addi %select_n3A, %add3A_855 : vector<16xi32>
        %mul3A_857 = arith.constant 4 : i32
        %mul3A_858 = arith.muli %mul3A_857, %scan3A_811 : i32
        %add3A_859 = arith.constant 0 : i32
        %add3A_860 = arith.addi %mul3A_858, %add3A_859 : i32
        %mul3A_861 = arith.constant 16 : i32
        %mul3A_862 = arith.muli %mul3A_861, %add3A_860 : i32
        %swap3A = arith.index_cast %mul3A_862 : i32 to index
        %swap3A_863 = tpu.vector_load %arg10[%swap3A] {strides = array<i32>} : memref<16384xi32, #tpu.memory_space<vmem>>, vector<16xi32>,
        tpu.vector_store %arg10[%swap3A], %add3A_856 {strides = array<i32>} : memref<16384xi32, #tpu.memory_space<vmem>>, vector<16xi32>,
        %gt3A_864 = arith.constant 0 : i32
        %gt3A_865 = vector.broadcast %gt3A_864 : i32 to vector<16xi32>
        %gt3A_866 = arith.cmpi sgt, %iota3A, %gt3A_865 : vector<16xi32>
        %jit3A_867 = arith.constant 0 : i32
        %broadcast_in_dim3A_868 = vector.broadcast %jit3A_867 : i32 to vector<16xi32>
        %select_n3A_869 = arith.select %gt3A_866, %gather3A_832, %broadcast_in_dim3A_868 : vector<16xi1>, vector<16xi32>
        %slice3A_870 = vector.extract_strided_slice %get3A_814 {offsets = [1], sizes = [1], strides = [1]} : vector<16xi32> to vector<1xi32>
        %squeeze3A_871 = vector.extract %slice3A_870[0] : i32 from vector<1xi32>
        %add3A_872 = vector.broadcast %squeeze3A_871 : i32 to vector<16xi32>
        %add3A_873 = arith.addi %select_n3A_869, %add3A_872 : vector<16xi32>
        %mul3A_874 = arith.constant 4 : i32
        %mul3A_875 = arith.muli %mul3A_874, %scan3A_811 : i32
        %add3A_876 = arith.constant 1 : i32
        %add3A_877 = arith.addi %mul3A_875, %add3A_876 : i32
        %mul3A_878 = arith.constant 16 : i32
        %mul3A_879 = arith.muli %mul3A_878, %add3A_877 : i32
        %swap3A_880 = arith.index_cast %mul3A_879 : i32 to index
        %swap3A_881 = tpu.vector_load %arg10[%swap3A_880] {strides = array<i32>} : memref<16384xi32, #tpu.memory_space<vmem>>, vector<16xi32>,
        tpu.vector_store %arg10[%swap3A_880], %add3A_873 {strides = array<i32>} : memref<16384xi32, #tpu.memory_space<vmem>>, vector<16xi32>,
        %gt3A_882 = arith.constant 0 : i32
        %gt3A_883 = vector.broadcast %gt3A_882 : i32 to vector<16xi32>
        %gt3A_884 = arith.cmpi sgt, %iota3A, %gt3A_883 : vector<16xi32>
        %jit3A_885 = arith.constant 0 : i32
        %broadcast_in_dim3A_886 = vector.broadcast %jit3A_885 : i32 to vector<16xi32>
        %select_n3A_887 = arith.select %gt3A_884, %gather3A_841, %broadcast_in_dim3A_886 : vector<16xi1>, vector<16xi32>
        %slice3A_888 = vector.extract_strided_slice %get3A_814 {offsets = [2], sizes = [1], strides = [1]} : vector<16xi32> to vector<1xi32>
        %squeeze3A_889 = vector.extract %slice3A_888[0] : i32 from vector<1xi32>
        %add3A_890 = vector.broadcast %squeeze3A_889 : i32 to vector<16xi32>
        %add3A_891 = arith.addi %select_n3A_887, %add3A_890 : vector<16xi32>
        %mul3A_892 = arith.constant 4 : i32
        %mul3A_893 = arith.muli %mul3A_892, %scan3A_811 : i32
        %add3A_894 = arith.constant 2 : i32
        %add3A_895 = arith.addi %mul3A_893, %add3A_894 : i32
        %mul3A_896 = arith.constant 16 : i32
        %mul3A_897 = arith.muli %mul3A_896, %add3A_895 : i32
        %swap3A_898 = arith.index_cast %mul3A_897 : i32 to index
        %swap3A_899 = tpu.vector_load %arg10[%swap3A_898] {strides = array<i32>} : memref<16384xi32, #tpu.memory_space<vmem>>, vector<16xi32>,
        tpu.vector_store %arg10[%swap3A_898], %add3A_891 {strides = array<i32>} : memref<16384xi32, #tpu.memory_space<vmem>>, vector<16xi32>,
        %gt3A_900 = arith.constant 0 : i32
        %gt3A_901 = vector.broadcast %gt3A_900 : i32 to vector<16xi32>
        %gt3A_902 = arith.cmpi sgt, %iota3A, %gt3A_901 : vector<16xi32>
        %jit3A_903 = arith.constant 0 : i32
        %broadcast_in_dim3A_904 = vector.broadcast %jit3A_903 : i32 to vector<16xi32>
        %select_n3A_905 = arith.select %gt3A_902, %gather3A_850, %broadcast_in_dim3A_904 : vector<16xi1>, vector<16xi32>
        %slice3A_906 = vector.extract_strided_slice %get3A_814 {offsets = [3], sizes = [1], strides = [1]} : vector<16xi32> to vector<1xi32>
        %squeeze3A_907 = vector.extract %slice3A_906[0] : i32 from vector<1xi32>
        %add3A_908 = vector.broadcast %squeeze3A_907 : i32 to vector<16xi32>
        %add3A_909 = arith.addi %select_n3A_905, %add3A_908 : vector<16xi32>
        %mul3A_910 = arith.constant 4 : i32
        %mul3A_911 = arith.muli %mul3A_910, %scan3A_811 : i32
        %add3A_912 = arith.constant 3 : i32
        %add3A_913 = arith.addi %mul3A_911, %add3A_912 : i32
        %mul3A_914 = arith.constant 16 : i32
        %mul3A_915 = arith.muli %mul3A_914, %add3A_913 : i32
        %swap3A_916 = arith.index_cast %mul3A_915 : i32 to index
        %swap3A_917 = tpu.vector_load %arg10[%swap3A_916] {strides = array<i32>} : memref<16384xi32, #tpu.memory_space<vmem>>, vector<16xi32>,
        tpu.vector_store %arg10[%swap3A_916], %add3A_909 {strides = array<i32>} : memref<16384xi32, #tpu.memory_space<vmem>>, vector<16xi32>,
      }
      %scan3A_179 = arith.constant 256 : i32
      %add3A_180 = arith.constant 0 : i32
      %add3A_181 = vector.broadcast %add3A_180 : i32 to vector<16xi32>
      %add3A_182 = arith.addi %mul3A_3, %add3A_181 : vector<16xi32>
      %add3A_183 = arith.constant 4176 : i32
      %add3A_184 = vector.broadcast %add3A_183 : i32 to vector<16xi32>
      %add3A_185 = arith.addi %mul3A_3, %add3A_184 : vector<16xi32>
      %add3A_186 = arith.constant 8352 : i32
      %add3A_187 = vector.broadcast %add3A_186 : i32 to vector<16xi32>
      %add3A_188 = arith.addi %mul3A_3, %add3A_187 : vector<16xi32>
      %add3A_189 = arith.constant 12528 : i32
      %add3A_190 = vector.broadcast %add3A_189 : i32 to vector<16xi32>
      %add3A_191 = arith.addi %mul3A_3, %add3A_190 : vector<16xi32>
      %lt3A_192 = arith.constant 15 : i32
      %lt3A_193 = vector.broadcast %lt3A_192 : i32 to vector<16xi32>
      %lt3A_194 = arith.cmpi slt, %iota3A, %lt3A_193 : vector<16xi32>
      %or3A_195 = arith.constant true
      %or3A_196 = vector.broadcast %or3A_195 : i1 to vector<16xi1>
      %or3A_197 = arith.ori %lt3A_194, %or3A_196 : vector<16xi1>
      %gather3A_198 = tpu.vector_load_idx %arg9[%add3A_182] : memref<16640xi32, #tpu.memory_space<vmem>>[vector<16xi32>], vector<16xi32>,
      %gather3A_199 = tpu.vector_load_idx %arg9[%add3A_185] : memref<16640xi32, #tpu.memory_space<vmem>>[vector<16xi32>], vector<16xi32>,
      %gather3A_200 = tpu.vector_load_idx %arg9[%add3A_188] : memref<16640xi32, #tpu.memory_space<vmem>>[vector<16xi32>], vector<16xi32>,
      %gather3A_201 = tpu.vector_load_idx %arg9[%add3A_191] masked %or3A_197 : memref<16640xi32, #tpu.memory_space<vmem>>[vector<16xi32>], vector<16xi32>, vector<16xi1>
      %shift_right_arithmetic3A_202 = arith.constant 31 : i32
      %shift_right_arithmetic3A_203 = vector.broadcast %shift_right_arithmetic3A_202 : i32 to vector<16xi32>
      %shift_right_arithmetic3A_204 = arith.shrsi %gather3A_198, %shift_right_arithmetic3A_203 : vector<16xi32>
      %or3A_205 = arith.constant -2147483648 : i32
      %or3A_206 = vector.broadcast %or3A_205 : i32 to vector<16xi32>
      %or3A_207 = arith.ori %shift_right_arithmetic3A_204, %or3A_206 : vector<16xi32>
      %xor3A_208 = arith.xori %gather3A_198, %or3A_207 : vector<16xi32>
      %shift_right_arithmetic3A_209 = arith.constant 31 : i32
      %shift_right_arithmetic3A_210 = vector.broadcast %shift_right_arithmetic3A_209 : i32 to vector<16xi32>
      %shift_right_arithmetic3A_211 = arith.shrsi %gather3A_199, %shift_right_arithmetic3A_210 : vector<16xi32>
      %or3A_212 = arith.constant -2147483648 : i32
      %or3A_213 = vector.broadcast %or3A_212 : i32 to vector<16xi32>
      %or3A_214 = arith.ori %shift_right_arithmetic3A_211, %or3A_213 : vector<16xi32>
      %xor3A_215 = arith.xori %gather3A_199, %or3A_214 : vector<16xi32>
      %shift_right_arithmetic3A_216 = arith.constant 31 : i32
      %shift_right_arithmetic3A_217 = vector.broadcast %shift_right_arithmetic3A_216 : i32 to vector<16xi32>
      %shift_right_arithmetic3A_218 = arith.shrsi %gather3A_200, %shift_right_arithmetic3A_217 : vector<16xi32>
      %or3A_219 = arith.constant -2147483648 : i32
      %or3A_220 = vector.broadcast %or3A_219 : i32 to vector<16xi32>
      %or3A_221 = arith.ori %shift_right_arithmetic3A_218, %or3A_220 : vector<16xi32>
      %xor3A_222 = arith.xori %gather3A_200, %or3A_221 : vector<16xi32>
      %shift_right_arithmetic3A_223 = arith.constant 31 : i32
      %shift_right_arithmetic3A_224 = vector.broadcast %shift_right_arithmetic3A_223 : i32 to vector<16xi32>
      %shift_right_arithmetic3A_225 = arith.shrsi %gather3A_201, %shift_right_arithmetic3A_224 : vector<16xi32>
      %or3A_226 = arith.constant -2147483648 : i32
      %or3A_227 = vector.broadcast %or3A_226 : i32 to vector<16xi32>
      %or3A_228 = arith.ori %shift_right_arithmetic3A_225, %or3A_227 : vector<16xi32>
      %xor3A_229 = arith.xori %gather3A_201, %or3A_228 : vector<16xi32>
      %shift_left3A_230 = arith.constant 6 : i32
      %shift_left3A_231 = vector.broadcast %shift_left3A_230 : i32 to vector<16xi32>
      %shift_left3A_232 = arith.shli %xor3A_208, %shift_left3A_231 : vector<16xi32>
      %and3A_233 = arith.constant 16320 : i32
      %and3A_234 = vector.broadcast %and3A_233 : i32 to vector<16xi32>
      %and3A_235 = arith.andi %shift_left3A_232, %and3A_234 : vector<16xi32>
      %add3A_236 = arith.constant 0 : i32
      %add3A_237 = vector.broadcast %add3A_236 : i32 to vector<16xi32>
      %add3A_238 = arith.addi %iota3A, %add3A_237 : vector<16xi32>
      %add3A_239 = arith.addi %and3A_235, %add3A_238 : vector<16xi32>
      %shift_left3A_240 = arith.constant 6 : i32
      %shift_left3A_241 = vector.broadcast %shift_left3A_240 : i32 to vector<16xi32>
      %shift_left3A_242 = arith.shli %xor3A_215, %shift_left3A_241 : vector<16xi32>
      %and3A_243 = arith.constant 16320 : i32
      %and3A_244 = vector.broadcast %and3A_243 : i32 to vector<16xi32>
      %and3A_245 = arith.andi %shift_left3A_242, %and3A_244 : vector<16xi32>
      %add3A_246 = arith.constant 16 : i32
      %add3A_247 = vector.broadcast %add3A_246 : i32 to vector<16xi32>
      %add3A_248 = arith.addi %iota3A, %add3A_247 : vector<16xi32>
      %add3A_249 = arith.addi %and3A_245, %add3A_248 : vector<16xi32>
      %shift_left3A_250 = arith.constant 6 : i32
      %shift_left3A_251 = vector.broadcast %shift_left3A_250 : i32 to vector<16xi32>
      %shift_left3A_252 = arith.shli %xor3A_222, %shift_left3A_251 : vector<16xi32>
      %and3A_253 = arith.constant 16320 : i32
      %and3A_254 = vector.broadcast %and3A_253 : i32 to vector<16xi32>
      %and3A_255 = arith.andi %shift_left3A_252, %and3A_254 : vector<16xi32>
      %add3A_256 = arith.constant 32 : i32
      %add3A_257 = vector.broadcast %add3A_256 : i32 to vector<16xi32>
      %add3A_258 = arith.addi %iota3A, %add3A_257 : vector<16xi32>
      %add3A_259 = arith.addi %and3A_255, %add3A_258 : vector<16xi32>
      %shift_left3A_260 = arith.constant 6 : i32
      %shift_left3A_261 = vector.broadcast %shift_left3A_260 : i32 to vector<16xi32>
      %shift_left3A_262 = arith.shli %xor3A_229, %shift_left3A_261 : vector<16xi32>
      %and3A_263 = arith.constant 16320 : i32
      %and3A_264 = vector.broadcast %and3A_263 : i32 to vector<16xi32>
      %and3A_265 = arith.andi %shift_left3A_262, %and3A_264 : vector<16xi32>
      %add3A_266 = arith.constant 48 : i32
      %add3A_267 = vector.broadcast %add3A_266 : i32 to vector<16xi32>
      %add3A_268 = arith.addi %iota3A, %add3A_267 : vector<16xi32>
      %add3A_269 = arith.addi %and3A_265, %add3A_268 : vector<16xi32>
      %scan3A_270 = arith.constant 0 : i32
      %scan3A_271 = arith.constant 261 : i32
      %scan3A_272 = arith.addi %scan3A_270, %scan3A_271 : i32
      %scan3A_273 = arith.constant 1 : i32
      %scan3A_274:16 = scf.for %scan3A_811 = %scan3A_270 to %scan3A_272 step %scan3A_273 iter_args(%scan3A_812 = %xor3A_208, %scan3A_813 = %xor3A_215, %scan3A_814 = %xor3A_222, %scan3A_815 = %xor3A_229, %scan3A_816 = %add3A_182, %scan3A_817 = %add3A_185, %scan3A_818 = %add3A_188, %scan3A_819 = %add3A_191, %scan3A_820 = %add3A_239, %scan3A_821 = %add3A_249, %scan3A_822 = %add3A_259, %scan3A_823 = %add3A_269, %scan3A_824 = %xor3A_208, %scan3A_825 = %xor3A_215, %scan3A_826 = %xor3A_222, %scan3A_827 = %xor3A_229) -> (vector<16xi32>, vector<16xi32>, vector<16xi32>, vector<16xi32>, vector<16xi32>, vector<16xi32>, vector<16xi32>, vector<16xi32>, vector<16xi32>, vector<16xi32>, vector<16xi32>, vector<16xi32>, vector<16xi32>, vector<16xi32>, vector<16xi32>, vector<16xi32>)  : i32 {
        %add3A_828 = arith.constant 1 : i32
        %add3A_829 = arith.addi %scan3A_811, %add3A_828 : i32
        %min3A = arith.constant 260 : i32
        %min3A_830 = arith.minsi %add3A_829, %min3A : i32
        %add3A_831 = arith.constant 0 : i32
        %add3A_832 = arith.addi %min3A_830, %add3A_831 : i32
        %add3A_833 = vector.broadcast %add3A_832 : i32 to vector<16xi32>
        %add3A_834 = arith.addi %mul3A_3, %add3A_833 : vector<16xi32>
        %add3A_835 = arith.constant 4176 : i32
        %add3A_836 = arith.addi %min3A_830, %add3A_835 : i32
        %add3A_837 = vector.broadcast %add3A_836 : i32 to vector<16xi32>
        %add3A_838 = arith.addi %mul3A_3, %add3A_837 : vector<16xi32>
        %add3A_839 = arith.constant 8352 : i32
        %add3A_840 = arith.addi %min3A_830, %add3A_839 : i32
        %add3A_841 = vector.broadcast %add3A_840 : i32 to vector<16xi32>
        %add3A_842 = arith.addi %mul3A_3, %add3A_841 : vector<16xi32>
        %add3A_843 = arith.constant 12528 : i32
        %add3A_844 = arith.addi %min3A_830, %add3A_843 : i32
        %add3A_845 = vector.broadcast %add3A_844 : i32 to vector<16xi32>
        %add3A_846 = arith.addi %mul3A_3, %add3A_845 : vector<16xi32>
        %lt3A_847 = arith.constant 15 : i32
        %lt3A_848 = vector.broadcast %lt3A_847 : i32 to vector<16xi32>
        %lt3A_849 = arith.cmpi slt, %iota3A, %lt3A_848 : vector<16xi32>
        %lt3A_850 = arith.constant 197 : i32
        %lt3A_851 = arith.cmpi slt, %min3A_830, %lt3A_850 : i32
        %or3A_852 = vector.broadcast %lt3A_851 : i1 to vector<16xi1>
        %or3A_853 = arith.ori %lt3A_849, %or3A_852 : vector<16xi1>
        %gather3A_854 = tpu.vector_load_idx %arg9[%add3A_834] : memref<16640xi32, #tpu.memory_space<vmem>>[vector<16xi32>], vector<16xi32>,
        %gather3A_855 = tpu.vector_load_idx %arg9[%add3A_838] : memref<16640xi32, #tpu.memory_space<vmem>>[vector<16xi32>], vector<16xi32>,
        %gather3A_856 = tpu.vector_load_idx %arg9[%add3A_842] : memref<16640xi32, #tpu.memory_space<vmem>>[vector<16xi32>], vector<16xi32>,
        %gather3A_857 = tpu.vector_load_idx %arg9[%add3A_846] masked %or3A_853 : memref<16640xi32, #tpu.memory_space<vmem>>[vector<16xi32>], vector<16xi32>, vector<16xi1>
        %shift_right_arithmetic3A_858 = arith.constant 31 : i32
        %shift_right_arithmetic3A_859 = vector.broadcast %shift_right_arithmetic3A_858 : i32 to vector<16xi32>
        %shift_right_arithmetic3A_860 = arith.shrsi %gather3A_854, %shift_right_arithmetic3A_859 : vector<16xi32>
        %or3A_861 = arith.constant -2147483648 : i32
        %or3A_862 = vector.broadcast %or3A_861 : i32 to vector<16xi32>
        %or3A_863 = arith.ori %shift_right_arithmetic3A_860, %or3A_862 : vector<16xi32>
        %xor3A_864 = arith.xori %gather3A_854, %or3A_863 : vector<16xi32>
        %shift_right_arithmetic3A_865 = arith.constant 31 : i32
        %shift_right_arithmetic3A_866 = vector.broadcast %shift_right_arithmetic3A_865 : i32 to vector<16xi32>
        %shift_right_arithmetic3A_867 = arith.shrsi %gather3A_855, %shift_right_arithmetic3A_866 : vector<16xi32>
        %or3A_868 = arith.constant -2147483648 : i32
        %or3A_869 = vector.broadcast %or3A_868 : i32 to vector<16xi32>
        %or3A_870 = arith.ori %shift_right_arithmetic3A_867, %or3A_869 : vector<16xi32>
        %xor3A_871 = arith.xori %gather3A_855, %or3A_870 : vector<16xi32>
        %shift_right_arithmetic3A_872 = arith.constant 31 : i32
        %shift_right_arithmetic3A_873 = vector.broadcast %shift_right_arithmetic3A_872 : i32 to vector<16xi32>
        %shift_right_arithmetic3A_874 = arith.shrsi %gather3A_856, %shift_right_arithmetic3A_873 : vector<16xi32>
        %or3A_875 = arith.constant -2147483648 : i32
        %or3A_876 = vector.broadcast %or3A_875 : i32 to vector<16xi32>
        %or3A_877 = arith.ori %shift_right_arithmetic3A_874, %or3A_876 : vector<16xi32>
        %xor3A_878 = arith.xori %gather3A_856, %or3A_877 : vector<16xi32>
        %shift_right_arithmetic3A_879 = arith.constant 31 : i32
        %shift_right_arithmetic3A_880 = vector.broadcast %shift_right_arithmetic3A_879 : i32 to vector<16xi32>
        %shift_right_arithmetic3A_881 = arith.shrsi %gather3A_857, %shift_right_arithmetic3A_880 : vector<16xi32>
        %or3A_882 = arith.constant -2147483648 : i32
        %or3A_883 = vector.broadcast %or3A_882 : i32 to vector<16xi32>
        %or3A_884 = arith.ori %shift_right_arithmetic3A_881, %or3A_883 : vector<16xi32>
        %xor3A_885 = arith.xori %gather3A_857, %or3A_884 : vector<16xi32>
        %shift_left3A_886 = arith.constant 6 : i32
        %shift_left3A_887 = vector.broadcast %shift_left3A_886 : i32 to vector<16xi32>
        %shift_left3A_888 = arith.shli %xor3A_864, %shift_left3A_887 : vector<16xi32>
        %and3A_889 = arith.constant 16320 : i32
        %and3A_890 = vector.broadcast %and3A_889 : i32 to vector<16xi32>
        %and3A_891 = arith.andi %shift_left3A_888, %and3A_890 : vector<16xi32>
        %add3A_892 = arith.constant 0 : i32
        %add3A_893 = vector.broadcast %add3A_892 : i32 to vector<16xi32>
        %add3A_894 = arith.addi %iota3A, %add3A_893 : vector<16xi32>
        %add3A_895 = arith.addi %and3A_891, %add3A_894 : vector<16xi32>
        %shift_left3A_896 = arith.constant 6 : i32
        %shift_left3A_897 = vector.broadcast %shift_left3A_896 : i32 to vector<16xi32>
        %shift_left3A_898 = arith.shli %xor3A_871, %shift_left3A_897 : vector<16xi32>
        %and3A_899 = arith.constant 16320 : i32
        %and3A_900 = vector.broadcast %and3A_899 : i32 to vector<16xi32>
        %and3A_901 = arith.andi %shift_left3A_898, %and3A_900 : vector<16xi32>
        %add3A_902 = arith.constant 16 : i32
        %add3A_903 = vector.broadcast %add3A_902 : i32 to vector<16xi32>
        %add3A_904 = arith.addi %iota3A, %add3A_903 : vector<16xi32>
        %add3A_905 = arith.addi %and3A_901, %add3A_904 : vector<16xi32>
        %shift_left3A_906 = arith.constant 6 : i32
        %shift_left3A_907 = vector.broadcast %shift_left3A_906 : i32 to vector<16xi32>
        %shift_left3A_908 = arith.shli %xor3A_878, %shift_left3A_907 : vector<16xi32>
        %and3A_909 = arith.constant 16320 : i32
        %and3A_910 = vector.broadcast %and3A_909 : i32 to vector<16xi32>
        %and3A_911 = arith.andi %shift_left3A_908, %and3A_910 : vector<16xi32>
        %add3A_912 = arith.constant 32 : i32
        %add3A_913 = vector.broadcast %add3A_912 : i32 to vector<16xi32>
        %add3A_914 = arith.addi %iota3A, %add3A_913 : vector<16xi32>
        %add3A_915 = arith.addi %and3A_911, %add3A_914 : vector<16xi32>
        %shift_left3A_916 = arith.constant 6 : i32
        %shift_left3A_917 = vector.broadcast %shift_left3A_916 : i32 to vector<16xi32>
        %shift_left3A_918 = arith.shli %xor3A_885, %shift_left3A_917 : vector<16xi32>
        %and3A_919 = arith.constant 16320 : i32
        %and3A_920 = vector.broadcast %and3A_919 : i32 to vector<16xi32>
        %and3A_921 = arith.andi %shift_left3A_918, %and3A_920 : vector<16xi32>
        %add3A_922 = arith.constant 48 : i32
        %add3A_923 = vector.broadcast %add3A_922 : i32 to vector<16xi32>
        %add3A_924 = arith.addi %iota3A, %add3A_923 : vector<16xi32>
        %add3A_925 = arith.addi %and3A_921, %add3A_924 : vector<16xi32>
        %gather3A_926 = tpu.vector_load_idx %arg10[%scan3A_820] : memref<16384xi32, #tpu.memory_space<vmem>>[vector<16xi32>], vector<16xi32>,
        %gather3A_927 = tpu.vector_load_idx %arg10[%scan3A_821] : memref<16384xi32, #tpu.memory_space<vmem>>[vector<16xi32>], vector<16xi32>,
        %gather3A_928 = tpu.vector_load_idx %arg10[%scan3A_822] : memref<16384xi32, #tpu.memory_space<vmem>>[vector<16xi32>], vector<16xi32>,
        %gather3A_929 = tpu.vector_load_idx %arg10[%scan3A_823] : memref<16384xi32, #tpu.memory_space<vmem>>[vector<16xi32>], vector<16xi32>,
        %add3A_930 = arith.constant 1 : i32
        %add3A_931 = vector.broadcast %add3A_930 : i32 to vector<16xi32>
        %add3A_932 = arith.addi %gather3A_926, %add3A_931 : vector<16xi32>
        tpu.vector_store_idx %arg10[%scan3A_820], %add3A_932 : memref<16384xi32, #tpu.memory_space<vmem>>[vector<16xi32>], vector<16xi32>,
        tpu.vector_store_idx %arg6[%gather3A_926], %scan3A_812 : memref<16640xi32, #tpu.memory_space<vmem>>[vector<16xi32>], vector<16xi32>,
        tpu.vector_store_idx %arg8[%gather3A_926], %scan3A_816 : memref<16640xi32, #tpu.memory_space<vmem>>[vector<16xi32>], vector<16xi32>,
        %add3A_933 = arith.constant 1 : i32
        %add3A_934 = vector.broadcast %add3A_933 : i32 to vector<16xi32>
        %add3A_935 = arith.addi %gather3A_927, %add3A_934 : vector<16xi32>
        tpu.vector_store_idx %arg10[%scan3A_821], %add3A_935 : memref<16384xi32, #tpu.memory_space<vmem>>[vector<16xi32>], vector<16xi32>,
        tpu.vector_store_idx %arg6[%gather3A_927], %scan3A_813 : memref<16640xi32, #tpu.memory_space<vmem>>[vector<16xi32>], vector<16xi32>,
        tpu.vector_store_idx %arg8[%gather3A_927], %scan3A_817 : memref<16640xi32, #tpu.memory_space<vmem>>[vector<16xi32>], vector<16xi32>,
        %add3A_936 = arith.constant 1 : i32
        %add3A_937 = vector.broadcast %add3A_936 : i32 to vector<16xi32>
        %add3A_938 = arith.addi %gather3A_928, %add3A_937 : vector<16xi32>
        tpu.vector_store_idx %arg10[%scan3A_822], %add3A_938 : memref<16384xi32, #tpu.memory_space<vmem>>[vector<16xi32>], vector<16xi32>,
        tpu.vector_store_idx %arg6[%gather3A_928], %scan3A_814 : memref<16640xi32, #tpu.memory_space<vmem>>[vector<16xi32>], vector<16xi32>,
        tpu.vector_store_idx %arg8[%gather3A_928], %scan3A_818 : memref<16640xi32, #tpu.memory_space<vmem>>[vector<16xi32>], vector<16xi32>,
        %lt3A_939 = arith.constant 15 : i32
        %lt3A_940 = vector.broadcast %lt3A_939 : i32 to vector<16xi32>
        %lt3A_941 = arith.cmpi slt, %iota3A, %lt3A_940 : vector<16xi32>
        %lt3A_942 = arith.constant 197 : i32
        %lt3A_943 = arith.cmpi slt, %scan3A_811, %lt3A_942 : i32
        %or3A_944 = vector.broadcast %lt3A_943 : i1 to vector<16xi1>
        %or3A_945 = arith.ori %lt3A_941, %or3A_944 : vector<16xi1>
        %add3A_946 = arith.constant 1 : i32
        %add3A_947 = vector.broadcast %add3A_946 : i32 to vector<16xi32>
        %add3A_948 = arith.addi %gather3A_929, %add3A_947 : vector<16xi32>
        tpu.vector_store_idx %arg10[%scan3A_823], %add3A_948 masked %or3A_945 : memref<16384xi32, #tpu.memory_space<vmem>>[vector<16xi32>], vector<16xi32>, vector<16xi1>
        tpu.vector_store_idx %arg6[%gather3A_929], %scan3A_815 masked %or3A_945 : memref<16640xi32, #tpu.memory_space<vmem>>[vector<16xi32>], vector<16xi32>, vector<16xi1>
        tpu.vector_store_idx %arg8[%gather3A_929], %scan3A_819 masked %or3A_945 : memref<16640xi32, #tpu.memory_space<vmem>>[vector<16xi32>], vector<16xi32>, vector<16xi1>
        scf.yield %xor3A_864, %xor3A_871, %xor3A_878, %xor3A_885, %add3A_834, %add3A_838, %add3A_842, %add3A_846, %add3A_895, %add3A_905, %add3A_915, %add3A_925, %xor3A_864, %xor3A_871, %xor3A_878, %xor3A_885 : vector<16xi32>, vector<16xi32>, vector<16xi32>, vector<16xi32>, vector<16xi32>, vector<16xi32>, vector<16xi32>, vector<16xi32>, vector<16xi32>, vector<16xi32>, vector<16xi32>, vector<16xi32>, vector<16xi32>, vector<16xi32>, vector<16xi32>, vector<16xi32>
      }
      %scan3A_275 = arith.constant 261 : i32
      %lt3A_276 = arith.constant 31 : i32
      %lt3A_277 = arith.cmpi slt, %scan3A_47, %lt3A_276 : i32
      %convert_element_type3A = arith.extui %lt3A_277 : i1 to i32
      %cond3A = arith.constant 0 : i32
      %cond3A_278 = arith.cmpi ne, %convert_element_type3A, %cond3A : i32
      scf.if %cond3A_278 {
        %add3A_811 = arith.constant 1 : i32
        %add3A_812 = arith.addi %add3A_50, %add3A_811 : i32
        %dma_start3A_813 = arith.constant 0 : i32
        %dma_start3A_814 = tpu.memref_slice %arg9[%dma_start3A_813] : memref<16640xi32, #tpu.memory_space<vmem>> -> memref<16384xi32, #tpu.memory_space<vmem>>
        %dma_start3A_815 = arith.constant 0 : i32
        %dma_start3A_816 = tpu.memref_slice %arg2[%add3A_812, %dma_start3A_815] : memref<1024x16384xi32, #tpu.memory_space<hbm>> -> memref<1x16384xi32, #tpu.memory_space<hbm>>
        %dma_start3A_817 = tpu.memref_squeeze %dma_start3A_816 : memref<1x16384xi32, #tpu.memory_space<hbm>> -> memref<16384xi32, #tpu.memory_space<hbm>>
        %dma_start3A_818 = arith.constant 0 : i32
        %dma_start3A_819 = tpu.memref_slice %arg9[%dma_start3A_818] : memref<16640xi32, #tpu.memory_space<vmem>> -> memref<16384xi32, #tpu.memory_space<vmem>>
        %dma_start3A_820 = arith.constant 0 : i32
        %dma_start3A_821 = tpu.memref_slice %arg2[%add3A_812, %dma_start3A_820] : memref<1024x16384xi32, #tpu.memory_space<hbm>> -> memref<1x16384xi32, #tpu.memory_space<hbm>>
        %dma_start3A_822 = tpu.memref_squeeze %dma_start3A_821 : memref<1x16384xi32, #tpu.memory_space<hbm>> -> memref<16384xi32, #tpu.memory_space<hbm>>
        tpu.enqueue_dma source(%dma_start3A_822 : memref<16384xi32, #tpu.memory_space<hbm>>) target(%dma_start3A_819 : memref<16384xi32, #tpu.memory_space<vmem>>) target_semaphore(%arg14 : memref<!tpu.dma_semaphore, #tpu.memory_space<semaphore_mem>>)
      } else {
      }
      %scan3A_279 = arith.constant 0 : i32
      %scan3A_280 = arith.constant 0 : i32
      %scan3A_281 = arith.constant 256 : i32
      %scan3A_282 = arith.addi %scan3A_280, %scan3A_281 : i32
      %scan3A_283 = arith.constant 1 : i32
      scf.for %scan3A_811 = %scan3A_280 to %scan3A_282 step %scan3A_283  : i32 {
        %mul3A_812 = arith.constant 4 : i32
        %mul3A_813 = arith.muli %mul3A_812, %scan3A_811 : i32
        %add3A_814 = arith.constant 0 : i32
        %add3A_815 = arith.addi %mul3A_813, %add3A_814 : i32
        %mul3A_816 = arith.constant 16 : i32
        %mul3A_817 = arith.muli %mul3A_816, %add3A_815 : i32
        %swap3A = arith.index_cast %mul3A_817 : i32 to index
        %swap3A_818 = tpu.vector_load %arg10[%swap3A] {strides = array<i32>} : memref<16384xi32, #tpu.memory_space<vmem>>, vector<16xi32>,
        tpu.vector_store %arg10[%swap3A], %broadcast_in_dim3A_6 {strides = array<i32>} : memref<16384xi32, #tpu.memory_space<vmem>>, vector<16xi32>,
        %mul3A_819 = arith.constant 4 : i32
        %mul3A_820 = arith.muli %mul3A_819, %scan3A_811 : i32
        %add3A_821 = arith.constant 1 : i32
        %add3A_822 = arith.addi %mul3A_820, %add3A_821 : i32
        %mul3A_823 = arith.constant 16 : i32
        %mul3A_824 = arith.muli %mul3A_823, %add3A_822 : i32
        %swap3A_825 = arith.index_cast %mul3A_824 : i32 to index
        %swap3A_826 = tpu.vector_load %arg10[%swap3A_825] {strides = array<i32>} : memref<16384xi32, #tpu.memory_space<vmem>>, vector<16xi32>,
        tpu.vector_store %arg10[%swap3A_825], %broadcast_in_dim3A_6 {strides = array<i32>} : memref<16384xi32, #tpu.memory_space<vmem>>, vector<16xi32>,
        %mul3A_827 = arith.constant 4 : i32
        %mul3A_828 = arith.muli %mul3A_827, %scan3A_811 : i32
        %add3A_829 = arith.constant 2 : i32
        %add3A_830 = arith.addi %mul3A_828, %add3A_829 : i32
        %mul3A_831 = arith.constant 16 : i32
        %mul3A_832 = arith.muli %mul3A_831, %add3A_830 : i32
        %swap3A_833 = arith.index_cast %mul3A_832 : i32 to index
        %swap3A_834 = tpu.vector_load %arg10[%swap3A_833] {strides = array<i32>} : memref<16384xi32, #tpu.memory_space<vmem>>, vector<16xi32>,
        tpu.vector_store %arg10[%swap3A_833], %broadcast_in_dim3A_6 {strides = array<i32>} : memref<16384xi32, #tpu.memory_space<vmem>>, vector<16xi32>,
        %mul3A_835 = arith.constant 4 : i32
        %mul3A_836 = arith.muli %mul3A_835, %scan3A_811 : i32
        %add3A_837 = arith.constant 3 : i32
        %add3A_838 = arith.addi %mul3A_836, %add3A_837 : i32
        %mul3A_839 = arith.constant 16 : i32
        %mul3A_840 = arith.muli %mul3A_839, %add3A_838 : i32
        %swap3A_841 = arith.index_cast %mul3A_840 : i32 to index
        %swap3A_842 = tpu.vector_load %arg10[%swap3A_841] {strides = array<i32>} : memref<16384xi32, #tpu.memory_space<vmem>>, vector<16xi32>,
        tpu.vector_store %arg10[%swap3A_841], %broadcast_in_dim3A_6 {strides = array<i32>} : memref<16384xi32, #tpu.memory_space<vmem>>, vector<16xi32>,
      }
      %scan3A_284 = arith.constant 256 : i32
      %add3A_285 = arith.constant 0 : i32
      %add3A_286 = vector.broadcast %add3A_285 : i32 to vector<16xi32>
      %add3A_287 = arith.addi %mul3A_3, %add3A_286 : vector<16xi32>
      %gather3A_288 = tpu.vector_load_idx %arg6[%add3A_287] : memref<16640xi32, #tpu.memory_space<vmem>>[vector<16xi32>], vector<16xi32>,
      %shift_right_logical3A = arith.constant 2 : i32
      %shift_right_logical3A_289 = vector.broadcast %shift_right_logical3A : i32 to vector<16xi32>
      %shift_right_logical3A_290 = arith.shrui %gather3A_288, %shift_right_logical3A_289 : vector<16xi32>
      %and3A_291 = arith.constant 16320 : i32
      %and3A_292 = vector.broadcast %and3A_291 : i32 to vector<16xi32>
      %and3A_293 = arith.andi %shift_right_logical3A_290, %and3A_292 : vector<16xi32>
      %add3A_294 = arith.constant 0 : i32
      %add3A_295 = vector.broadcast %add3A_294 : i32 to vector<16xi32>
      %add3A_296 = arith.addi %iota3A, %add3A_295 : vector<16xi32>
      %add3A_297 = arith.addi %and3A_293, %add3A_296 : vector<16xi32>
      %add3A_298 = arith.constant 4176 : i32
      %add3A_299 = vector.broadcast %add3A_298 : i32 to vector<16xi32>
      %add3A_300 = arith.addi %mul3A_3, %add3A_299 : vector<16xi32>
      %gather3A_301 = tpu.vector_load_idx %arg6[%add3A_300] : memref<16640xi32, #tpu.memory_space<vmem>>[vector<16xi32>], vector<16xi32>,
      %shift_right_logical3A_302 = arith.constant 2 : i32
      %shift_right_logical3A_303 = vector.broadcast %shift_right_logical3A_302 : i32 to vector<16xi32>
      %shift_right_logical3A_304 = arith.shrui %gather3A_301, %shift_right_logical3A_303 : vector<16xi32>
      %and3A_305 = arith.constant 16320 : i32
      %and3A_306 = vector.broadcast %and3A_305 : i32 to vector<16xi32>
      %and3A_307 = arith.andi %shift_right_logical3A_304, %and3A_306 : vector<16xi32>
      %add3A_308 = arith.constant 16 : i32
      %add3A_309 = vector.broadcast %add3A_308 : i32 to vector<16xi32>
      %add3A_310 = arith.addi %iota3A, %add3A_309 : vector<16xi32>
      %add3A_311 = arith.addi %and3A_307, %add3A_310 : vector<16xi32>
      %add3A_312 = arith.constant 8352 : i32
      %add3A_313 = vector.broadcast %add3A_312 : i32 to vector<16xi32>
      %add3A_314 = arith.addi %mul3A_3, %add3A_313 : vector<16xi32>
      %gather3A_315 = tpu.vector_load_idx %arg6[%add3A_314] : memref<16640xi32, #tpu.memory_space<vmem>>[vector<16xi32>], vector<16xi32>,
      %shift_right_logical3A_316 = arith.constant 2 : i32
      %shift_right_logical3A_317 = vector.broadcast %shift_right_logical3A_316 : i32 to vector<16xi32>
      %shift_right_logical3A_318 = arith.shrui %gather3A_315, %shift_right_logical3A_317 : vector<16xi32>
      %and3A_319 = arith.constant 16320 : i32
      %and3A_320 = vector.broadcast %and3A_319 : i32 to vector<16xi32>
      %and3A_321 = arith.andi %shift_right_logical3A_318, %and3A_320 : vector<16xi32>
      %add3A_322 = arith.constant 32 : i32
      %add3A_323 = vector.broadcast %add3A_322 : i32 to vector<16xi32>
      %add3A_324 = arith.addi %iota3A, %add3A_323 : vector<16xi32>
      %add3A_325 = arith.addi %and3A_321, %add3A_324 : vector<16xi32>
      %lt3A_326 = arith.constant 15 : i32
      %lt3A_327 = vector.broadcast %lt3A_326 : i32 to vector<16xi32>
      %lt3A_328 = arith.cmpi slt, %iota3A, %lt3A_327 : vector<16xi32>
      %or3A_329 = arith.constant true
      %or3A_330 = vector.broadcast %or3A_329 : i1 to vector<16xi1>
      %or3A_331 = arith.ori %lt3A_328, %or3A_330 : vector<16xi1>
      %add3A_332 = arith.constant 12528 : i32
      %add3A_333 = vector.broadcast %add3A_332 : i32 to vector<16xi32>
      %add3A_334 = arith.addi %mul3A_3, %add3A_333 : vector<16xi32>
      %gather3A_335 = tpu.vector_load_idx %arg6[%add3A_334] masked %or3A_331 : memref<16640xi32, #tpu.memory_space<vmem>>[vector<16xi32>], vector<16xi32>, vector<16xi1>
      %shift_right_logical3A_336 = arith.constant 2 : i32
      %shift_right_logical3A_337 = vector.broadcast %shift_right_logical3A_336 : i32 to vector<16xi32>
      %shift_right_logical3A_338 = arith.shrui %gather3A_335, %shift_right_logical3A_337 : vector<16xi32>
      %and3A_339 = arith.constant 16320 : i32
      %and3A_340 = vector.broadcast %and3A_339 : i32 to vector<16xi32>
      %and3A_341 = arith.andi %shift_right_logical3A_338, %and3A_340 : vector<16xi32>
      %add3A_342 = arith.constant 48 : i32
      %add3A_343 = vector.broadcast %add3A_342 : i32 to vector<16xi32>
      %add3A_344 = arith.addi %iota3A, %add3A_343 : vector<16xi32>
      %add3A_345 = arith.addi %and3A_341, %add3A_344 : vector<16xi32>
      %scan3A_346 = arith.constant 0 : i32
      %scan3A_347 = arith.constant 261 : i32
      %scan3A_348 = arith.addi %scan3A_346, %scan3A_347 : i32
      %scan3A_349 = arith.constant 1 : i32
      %scan3A_350:4 = scf.for %scan3A_811 = %scan3A_346 to %scan3A_348 step %scan3A_349 iter_args(%scan3A_812 = %add3A_297, %scan3A_813 = %add3A_311, %scan3A_814 = %add3A_325, %scan3A_815 = %add3A_345) -> (vector<16xi32>, vector<16xi32>, vector<16xi32>, vector<16xi32>)  : i32 {
        %add3A_816 = arith.constant 1 : i32
        %add3A_817 = arith.addi %scan3A_811, %add3A_816 : i32
        %min3A = arith.constant 260 : i32
        %min3A_818 = arith.minsi %add3A_817, %min3A : i32
        %add3A_819 = arith.constant 0 : i32
        %add3A_820 = arith.addi %min3A_818, %add3A_819 : i32
        %add3A_821 = vector.broadcast %add3A_820 : i32 to vector<16xi32>
        %add3A_822 = arith.addi %mul3A_3, %add3A_821 : vector<16xi32>
        %gather3A_823 = tpu.vector_load_idx %arg6[%add3A_822] : memref<16640xi32, #tpu.memory_space<vmem>>[vector<16xi32>], vector<16xi32>,
        %shift_right_logical3A_824 = arith.constant 2 : i32
        %shift_right_logical3A_825 = vector.broadcast %shift_right_logical3A_824 : i32 to vector<16xi32>
        %shift_right_logical3A_826 = arith.shrui %gather3A_823, %shift_right_logical3A_825 : vector<16xi32>
        %and3A_827 = arith.constant 16320 : i32
        %and3A_828 = vector.broadcast %and3A_827 : i32 to vector<16xi32>
        %and3A_829 = arith.andi %shift_right_logical3A_826, %and3A_828 : vector<16xi32>
        %add3A_830 = arith.constant 0 : i32
        %add3A_831 = vector.broadcast %add3A_830 : i32 to vector<16xi32>
        %add3A_832 = arith.addi %iota3A, %add3A_831 : vector<16xi32>
        %add3A_833 = arith.addi %and3A_829, %add3A_832 : vector<16xi32>
        %add3A_834 = arith.constant 4176 : i32
        %add3A_835 = arith.addi %min3A_818, %add3A_834 : i32
        %add3A_836 = vector.broadcast %add3A_835 : i32 to vector<16xi32>
        %add3A_837 = arith.addi %mul3A_3, %add3A_836 : vector<16xi32>
        %gather3A_838 = tpu.vector_load_idx %arg6[%add3A_837] : memref<16640xi32, #tpu.memory_space<vmem>>[vector<16xi32>], vector<16xi32>,
        %shift_right_logical3A_839 = arith.constant 2 : i32
        %shift_right_logical3A_840 = vector.broadcast %shift_right_logical3A_839 : i32 to vector<16xi32>
        %shift_right_logical3A_841 = arith.shrui %gather3A_838, %shift_right_logical3A_840 : vector<16xi32>
        %and3A_842 = arith.constant 16320 : i32
        %and3A_843 = vector.broadcast %and3A_842 : i32 to vector<16xi32>
        %and3A_844 = arith.andi %shift_right_logical3A_841, %and3A_843 : vector<16xi32>
        %add3A_845 = arith.constant 16 : i32
        %add3A_846 = vector.broadcast %add3A_845 : i32 to vector<16xi32>
        %add3A_847 = arith.addi %iota3A, %add3A_846 : vector<16xi32>
        %add3A_848 = arith.addi %and3A_844, %add3A_847 : vector<16xi32>
        %add3A_849 = arith.constant 8352 : i32
        %add3A_850 = arith.addi %min3A_818, %add3A_849 : i32
        %add3A_851 = vector.broadcast %add3A_850 : i32 to vector<16xi32>
        %add3A_852 = arith.addi %mul3A_3, %add3A_851 : vector<16xi32>
        %gather3A_853 = tpu.vector_load_idx %arg6[%add3A_852] : memref<16640xi32, #tpu.memory_space<vmem>>[vector<16xi32>], vector<16xi32>,
        %shift_right_logical3A_854 = arith.constant 2 : i32
        %shift_right_logical3A_855 = vector.broadcast %shift_right_logical3A_854 : i32 to vector<16xi32>
        %shift_right_logical3A_856 = arith.shrui %gather3A_853, %shift_right_logical3A_855 : vector<16xi32>
        %and3A_857 = arith.constant 16320 : i32
        %and3A_858 = vector.broadcast %and3A_857 : i32 to vector<16xi32>
        %and3A_859 = arith.andi %shift_right_logical3A_856, %and3A_858 : vector<16xi32>
        %add3A_860 = arith.constant 32 : i32
        %add3A_861 = vector.broadcast %add3A_860 : i32 to vector<16xi32>
        %add3A_862 = arith.addi %iota3A, %add3A_861 : vector<16xi32>
        %add3A_863 = arith.addi %and3A_859, %add3A_862 : vector<16xi32>
        %lt3A_864 = arith.constant 15 : i32
        %lt3A_865 = vector.broadcast %lt3A_864 : i32 to vector<16xi32>
        %lt3A_866 = arith.cmpi slt, %iota3A, %lt3A_865 : vector<16xi32>
        %lt3A_867 = arith.constant 197 : i32
        %lt3A_868 = arith.cmpi slt, %min3A_818, %lt3A_867 : i32
        %or3A_869 = vector.broadcast %lt3A_868 : i1 to vector<16xi1>
        %or3A_870 = arith.ori %lt3A_866, %or3A_869 : vector<16xi1>
        %add3A_871 = arith.constant 12528 : i32
        %add3A_872 = arith.addi %min3A_818, %add3A_871 : i32
        %add3A_873 = vector.broadcast %add3A_872 : i32 to vector<16xi32>
        %add3A_874 = arith.addi %mul3A_3, %add3A_873 : vector<16xi32>
        %gather3A_875 = tpu.vector_load_idx %arg6[%add3A_874] masked %or3A_870 : memref<16640xi32, #tpu.memory_space<vmem>>[vector<16xi32>], vector<16xi32>, vector<16xi1>
        %shift_right_logical3A_876 = arith.constant 2 : i32
        %shift_right_logical3A_877 = vector.broadcast %shift_right_logical3A_876 : i32 to vector<16xi32>
        %shift_right_logical3A_878 = arith.shrui %gather3A_875, %shift_right_logical3A_877 : vector<16xi32>
        %and3A_879 = arith.constant 16320 : i32
        %and3A_880 = vector.broadcast %and3A_879 : i32 to vector<16xi32>
        %and3A_881 = arith.andi %shift_right_logical3A_878, %and3A_880 : vector<16xi32>
        %add3A_882 = arith.constant 48 : i32
        %add3A_883 = vector.broadcast %add3A_882 : i32 to vector<16xi32>
        %add3A_884 = arith.addi %iota3A, %add3A_883 : vector<16xi32>
        %add3A_885 = arith.addi %and3A_881, %add3A_884 : vector<16xi32>
        tpu.vector_store_idx %arg10[%scan3A_812], %broadcast_in_dim3A_4 {add = true} : memref<16384xi32, #tpu.memory_space<vmem>>[vector<16xi32>], vector<16xi32>,
        tpu.vector_store_idx %arg10[%scan3A_813], %broadcast_in_dim3A_4 {add = true} : memref<16384xi32, #tpu.memory_space<vmem>>[vector<16xi32>], vector<16xi32>,
        tpu.vector_store_idx %arg10[%scan3A_814], %broadcast_in_dim3A_4 {add = true} : memref<16384xi32, #tpu.memory_space<vmem>>[vector<16xi32>], vector<16xi32>,
        %lt3A_886 = arith.constant 15 : i32
        %lt3A_887 = vector.broadcast %lt3A_886 : i32 to vector<16xi32>
        %lt3A_888 = arith.cmpi slt, %iota3A, %lt3A_887 : vector<16xi32>
        %lt3A_889 = arith.constant 197 : i32
        %lt3A_890 = arith.cmpi slt, %scan3A_811, %lt3A_889 : i32
        %or3A_891 = vector.broadcast %lt3A_890 : i1 to vector<16xi1>
        %or3A_892 = arith.ori %lt3A_888, %or3A_891 : vector<16xi1>
        tpu.vector_store_idx %arg10[%scan3A_815], %broadcast_in_dim3A_4 masked %or3A_892 {add = true} : memref<16384xi32, #tpu.memory_space<vmem>>[vector<16xi32>], vector<16xi32>, vector<16xi1>
        scf.yield %add3A_833, %add3A_848, %add3A_863, %add3A_885 : vector<16xi32>, vector<16xi32>, vector<16xi32>, vector<16xi32>
      }
      %scan3A_351 = arith.constant 261 : i32
      %scan3A_352 = arith.constant 0 : i32
      %scan3A_353 = arith.constant 0 : i32
      %scan3A_354 = arith.constant 256 : i32
      %scan3A_355 = arith.addi %scan3A_353, %scan3A_354 : i32
      %scan3A_356 = arith.constant 1 : i32
      scf.for %scan3A_811 = %scan3A_353 to %scan3A_355 step %scan3A_356  : i32 {
        %mul3A_812 = arith.constant 4 : i32
        %mul3A_813 = arith.muli %mul3A_812, %scan3A_811 : i32
        %add3A_814 = arith.constant 0 : i32
        %add3A_815 = arith.addi %mul3A_813, %add3A_814 : i32
        %mul3A_816 = arith.constant 16 : i32
        %mul3A_817 = arith.muli %mul3A_816, %add3A_815 : i32
        %get3A = arith.index_cast %mul3A_817 : i32 to index
        %get3A_818 = tpu.vector_load %arg10[%get3A] {strides = array<i32>} : memref<16384xi32, #tpu.memory_space<vmem>>, vector<16xi32>,
        %mul3A_819 = arith.constant 4 : i32
        %mul3A_820 = arith.muli %mul3A_819, %scan3A_811 : i32
        %add3A_821 = arith.constant 1 : i32
        %add3A_822 = arith.addi %mul3A_820, %add3A_821 : i32
        %mul3A_823 = arith.constant 16 : i32
        %mul3A_824 = arith.muli %mul3A_823, %add3A_822 : i32
        %get3A_825 = arith.index_cast %mul3A_824 : i32 to index
        %get3A_826 = tpu.vector_load %arg10[%get3A_825] {strides = array<i32>} : memref<16384xi32, #tpu.memory_space<vmem>>, vector<16xi32>,
        %mul3A_827 = arith.constant 4 : i32
        %mul3A_828 = arith.muli %mul3A_827, %scan3A_811 : i32
        %add3A_829 = arith.constant 2 : i32
        %add3A_830 = arith.addi %mul3A_828, %add3A_829 : i32
        %mul3A_831 = arith.constant 16 : i32
        %mul3A_832 = arith.muli %mul3A_831, %add3A_830 : i32
        %get3A_833 = arith.index_cast %mul3A_832 : i32 to index
        %get3A_834 = tpu.vector_load %arg10[%get3A_833] {strides = array<i32>} : memref<16384xi32, #tpu.memory_space<vmem>>, vector<16xi32>,
        %mul3A_835 = arith.constant 4 : i32
        %mul3A_836 = arith.muli %mul3A_835, %scan3A_811 : i32
        %add3A_837 = arith.constant 3 : i32
        %add3A_838 = arith.addi %mul3A_836, %add3A_837 : i32
        %mul3A_839 = arith.constant 16 : i32
        %mul3A_840 = arith.muli %mul3A_839, %add3A_838 : i32
        %get3A_841 = arith.index_cast %mul3A_840 : i32 to index
        %get3A_842 = tpu.vector_load %arg10[%get3A_841] {strides = array<i32>} : memref<16384xi32, #tpu.memory_space<vmem>>, vector<16xi32>,
        %broadcast_in_dim3A_843 = arith.constant true
        %broadcast_in_dim3A_844 = vector.broadcast %broadcast_in_dim3A_843 : i1 to vector<16xi1>
        %masked_cumsum3A = tpu.scan <sum>, %get3A_818 masked %broadcast_in_dim3A_844 : vector<16xi32>, vector<16xi1> -> vector<16xi32>
        %broadcast_in_dim3A_845 = arith.constant true
        %broadcast_in_dim3A_846 = vector.broadcast %broadcast_in_dim3A_845 : i1 to vector<16xi1>
        %masked_cumsum3A_847 = tpu.scan <sum>, %get3A_826 masked %broadcast_in_dim3A_846 : vector<16xi32>, vector<16xi1> -> vector<16xi32>
        %broadcast_in_dim3A_848 = arith.constant true
        %broadcast_in_dim3A_849 = vector.broadcast %broadcast_in_dim3A_848 : i1 to vector<16xi1>
        %masked_cumsum3A_850 = tpu.scan <sum>, %get3A_834 masked %broadcast_in_dim3A_849 : vector<16xi32>, vector<16xi1> -> vector<16xi32>
        %broadcast_in_dim3A_851 = arith.constant true
        %broadcast_in_dim3A_852 = vector.broadcast %broadcast_in_dim3A_851 : i1 to vector<16xi1>
        %masked_cumsum3A_853 = tpu.scan <sum>, %get3A_842 masked %broadcast_in_dim3A_852 : vector<16xi32>, vector<16xi1> -> vector<16xi32>
        %mul3A_854 = arith.constant 4 : i32
        %mul3A_855 = arith.muli %mul3A_854, %scan3A_811 : i32
        %add3A_856 = arith.constant 0 : i32
        %add3A_857 = arith.addi %mul3A_855, %add3A_856 : i32
        %mul3A_858 = arith.constant 16 : i32
        %mul3A_859 = arith.muli %mul3A_858, %add3A_857 : i32
        %swap3A = arith.index_cast %mul3A_859 : i32 to index
        %swap3A_860 = tpu.vector_load %arg10[%swap3A] {strides = array<i32>} : memref<16384xi32, #tpu.memory_space<vmem>>, vector<16xi32>,
        tpu.vector_store %arg10[%swap3A], %masked_cumsum3A {strides = array<i32>} : memref<16384xi32, #tpu.memory_space<vmem>>, vector<16xi32>,
        %mul3A_861 = arith.constant 4 : i32
        %mul3A_862 = arith.muli %mul3A_861, %scan3A_811 : i32
        %add3A_863 = arith.constant 0 : i32
        %add3A_864 = arith.addi %mul3A_862, %add3A_863 : i32
        %broadcast_in_dim3A_865 = vector.broadcast %add3A_864 : i32 to vector<16xi32>
        tpu.vector_store_idx %arg12[%broadcast_in_dim3A_865], %masked_cumsum3A masked %eq3A_8 : memref<1024xi32, #tpu.memory_space<vmem>>[vector<16xi32>], vector<16xi32>, vector<16xi1>
        %mul3A_866 = arith.constant 4 : i32
        %mul3A_867 = arith.muli %mul3A_866, %scan3A_811 : i32
        %add3A_868 = arith.constant 1 : i32
        %add3A_869 = arith.addi %mul3A_867, %add3A_868 : i32
        %mul3A_870 = arith.constant 16 : i32
        %mul3A_871 = arith.muli %mul3A_870, %add3A_869 : i32
        %swap3A_872 = arith.index_cast %mul3A_871 : i32 to index
        %swap3A_873 = tpu.vector_load %arg10[%swap3A_872] {strides = array<i32>} : memref<16384xi32, #tpu.memory_space<vmem>>, vector<16xi32>,
        tpu.vector_store %arg10[%swap3A_872], %masked_cumsum3A_847 {strides = array<i32>} : memref<16384xi32, #tpu.memory_space<vmem>>, vector<16xi32>,
        %mul3A_874 = arith.constant 4 : i32
        %mul3A_875 = arith.muli %mul3A_874, %scan3A_811 : i32
        %add3A_876 = arith.constant 1 : i32
        %add3A_877 = arith.addi %mul3A_875, %add3A_876 : i32
        %broadcast_in_dim3A_878 = vector.broadcast %add3A_877 : i32 to vector<16xi32>
        tpu.vector_store_idx %arg12[%broadcast_in_dim3A_878], %masked_cumsum3A_847 masked %eq3A_8 : memref<1024xi32, #tpu.memory_space<vmem>>[vector<16xi32>], vector<16xi32>, vector<16xi1>
        %mul3A_879 = arith.constant 4 : i32
        %mul3A_880 = arith.muli %mul3A_879, %scan3A_811 : i32
        %add3A_881 = arith.constant 2 : i32
        %add3A_882 = arith.addi %mul3A_880, %add3A_881 : i32
        %mul3A_883 = arith.constant 16 : i32
        %mul3A_884 = arith.muli %mul3A_883, %add3A_882 : i32
        %swap3A_885 = arith.index_cast %mul3A_884 : i32 to index
        %swap3A_886 = tpu.vector_load %arg10[%swap3A_885] {strides = array<i32>} : memref<16384xi32, #tpu.memory_space<vmem>>, vector<16xi32>,
        tpu.vector_store %arg10[%swap3A_885], %masked_cumsum3A_850 {strides = array<i32>} : memref<16384xi32, #tpu.memory_space<vmem>>, vector<16xi32>,
        %mul3A_887 = arith.constant 4 : i32
        %mul3A_888 = arith.muli %mul3A_887, %scan3A_811 : i32
        %add3A_889 = arith.constant 2 : i32
        %add3A_890 = arith.addi %mul3A_888, %add3A_889 : i32
        %broadcast_in_dim3A_891 = vector.broadcast %add3A_890 : i32 to vector<16xi32>
        tpu.vector_store_idx %arg12[%broadcast_in_dim3A_891], %masked_cumsum3A_850 masked %eq3A_8 : memref<1024xi32, #tpu.memory_space<vmem>>[vector<16xi32>], vector<16xi32>, vector<16xi1>
        %mul3A_892 = arith.constant 4 : i32
        %mul3A_893 = arith.muli %mul3A_892, %scan3A_811 : i32
        %add3A_894 = arith.constant 3 : i32
        %add3A_895 = arith.addi %mul3A_893, %add3A_894 : i32
        %mul3A_896 = arith.constant 16 : i32
        %mul3A_897 = arith.muli %mul3A_896, %add3A_895 : i32
        %swap3A_898 = arith.index_cast %mul3A_897 : i32 to index
        %swap3A_899 = tpu.vector_load %arg10[%swap3A_898] {strides = array<i32>} : memref<16384xi32, #tpu.memory_space<vmem>>, vector<16xi32>,
        tpu.vector_store %arg10[%swap3A_898], %masked_cumsum3A_853 {strides = array<i32>} : memref<16384xi32, #tpu.memory_space<vmem>>, vector<16xi32>,
        %mul3A_900 = arith.constant 4 : i32
        %mul3A_901 = arith.muli %mul3A_900, %scan3A_811 : i32
        %add3A_902 = arith.constant 3 : i32
        %add3A_903 = arith.addi %mul3A_901, %add3A_902 : i32
        %broadcast_in_dim3A_904 = vector.broadcast %add3A_903 : i32 to vector<16xi32>
        tpu.vector_store_idx %arg12[%broadcast_in_dim3A_904], %masked_cumsum3A_853 masked %eq3A_8 : memref<1024xi32, #tpu.memory_space<vmem>>[vector<16xi32>], vector<16xi32>, vector<16xi1>
      }
      %scan3A_357 = arith.constant 256 : i32
      %scan3A_358 = arith.constant 0 : i32
      %scan3A_359 = arith.constant 0 : i32
      %scan3A_360 = arith.constant 64 : i32
      %scan3A_361 = arith.addi %scan3A_359, %scan3A_360 : i32
      %scan3A_362 = arith.constant 1 : i32
      %scan3A_363 = scf.for %scan3A_811 = %scan3A_359 to %scan3A_361 step %scan3A_362 iter_args(%scan3A_812 = %scan3A_358) -> (i32)  : i32 {
        %mul3A_813 = arith.constant 16 : i32
        %mul3A_814 = arith.muli %mul3A_813, %scan3A_811 : i32
        %get3A = arith.index_cast %mul3A_814 : i32 to index
        %get3A_815 = tpu.vector_load %arg12[%get3A] {strides = array<i32>} : memref<1024xi32, #tpu.memory_space<vmem>>, vector<16xi32>,
        %broadcast_in_dim3A_816 = arith.constant true
        %broadcast_in_dim3A_817 = vector.broadcast %broadcast_in_dim3A_816 : i1 to vector<16xi1>
        %masked_cumsum3A = tpu.scan <sum>, %get3A_815 masked %broadcast_in_dim3A_817 : vector<16xi32>, vector<16xi1> -> vector<16xi32>
        %add3A_818 = vector.broadcast %scan3A_812 : i32 to vector<16xi32>
        %add3A_819 = arith.addi %add3A_818, %masked_cumsum3A : vector<16xi32>
        %sub3A_820 = arith.subi %add3A_819, %get3A_815 : vector<16xi32>
        %mul3A_821 = arith.constant 16 : i32
        %mul3A_822 = arith.muli %mul3A_821, %scan3A_811 : i32
        %swap3A = arith.index_cast %mul3A_822 : i32 to index
        %swap3A_823 = tpu.vector_load %arg11[%swap3A] {strides = array<i32>} : memref<1040xi32, #tpu.memory_space<vmem>>, vector<16xi32>,
        tpu.vector_store %arg11[%swap3A], %sub3A_820 {strides = array<i32>} : memref<1040xi32, #tpu.memory_space<vmem>>, vector<16xi32>,
        %reduce_sum3A = arith.constant true
        %reduce_sum3A_824 = vector.broadcast %reduce_sum3A : i1 to vector<16xi1>
        %reduce_sum3A_825 = tpu.scan <sum>, %get3A_815 masked %reduce_sum3A_824 : vector<16xi32>, vector<16xi1> -> vector<16xi32>
        %reduce_sum3A_826 = vector.extract %reduce_sum3A_825[15] : i32 from vector<16xi32>
        %add3A_827 = arith.addi %scan3A_812, %reduce_sum3A_826 : i32
        scf.yield %add3A_827 : i32
      }
      %scan3A_364 = arith.constant 64 : i32
      %sub3A_365 = arith.constant 1 : i32
      %sub3A_366 = vector.broadcast %sub3A_365 : i32 to vector<16xi32>
      %sub3A_367 = arith.subi %iota3A, %sub3A_366 : vector<16xi32>
      %max3A_368 = arith.constant 0 : i32
      %max3A_369 = vector.broadcast %max3A_368 : i32 to vector<16xi32>
      %max3A_370 = arith.maxsi %sub3A_367, %max3A_369 : vector<16xi32>
      %scan3A_371 = arith.constant 0 : i32
      %scan3A_372 = arith.constant 0 : i32
      %scan3A_373 = arith.constant 256 : i32
      %scan3A_374 = arith.addi %scan3A_372, %scan3A_373 : i32
      %scan3A_375 = arith.constant 1 : i32
      scf.for %scan3A_811 = %scan3A_372 to %scan3A_374 step %scan3A_375  : i32 {
        %mul3A_812 = arith.constant 4 : i32
        %mul3A_813 = arith.muli %mul3A_812, %scan3A_811 : i32
        %get3A = arith.index_cast %mul3A_813 : i32 to index
        %get3A_814 = tpu.vector_load %arg11[%get3A] {strides = array<i32>} : memref<1040xi32, #tpu.memory_space<vmem>>, vector<16xi32>,
        %mul3A_815 = arith.constant 4 : i32
        %mul3A_816 = arith.muli %mul3A_815, %scan3A_811 : i32
        %add3A_817 = arith.constant 0 : i32
        %add3A_818 = arith.addi %mul3A_816, %add3A_817 : i32
        %mul3A_819 = arith.constant 16 : i32
        %mul3A_820 = arith.muli %mul3A_819, %add3A_818 : i32
        %add3A_821 = vector.broadcast %mul3A_820 : i32 to vector<16xi32>
        %add3A_822 = arith.addi %add3A_821, %max3A_370 : vector<16xi32>
        %gather3A_823 = tpu.vector_load_idx %arg10[%add3A_822] : memref<16384xi32, #tpu.memory_space<vmem>>[vector<16xi32>], vector<16xi32>,
        %mul3A_824 = arith.constant 4 : i32
        %mul3A_825 = arith.muli %mul3A_824, %scan3A_811 : i32
        %add3A_826 = arith.constant 1 : i32
        %add3A_827 = arith.addi %mul3A_825, %add3A_826 : i32
        %mul3A_828 = arith.constant 16 : i32
        %mul3A_829 = arith.muli %mul3A_828, %add3A_827 : i32
        %add3A_830 = vector.broadcast %mul3A_829 : i32 to vector<16xi32>
        %add3A_831 = arith.addi %add3A_830, %max3A_370 : vector<16xi32>
        %gather3A_832 = tpu.vector_load_idx %arg10[%add3A_831] : memref<16384xi32, #tpu.memory_space<vmem>>[vector<16xi32>], vector<16xi32>,
        %mul3A_833 = arith.constant 4 : i32
        %mul3A_834 = arith.muli %mul3A_833, %scan3A_811 : i32
        %add3A_835 = arith.constant 2 : i32
        %add3A_836 = arith.addi %mul3A_834, %add3A_835 : i32
        %mul3A_837 = arith.constant 16 : i32
        %mul3A_838 = arith.muli %mul3A_837, %add3A_836 : i32
        %add3A_839 = vector.broadcast %mul3A_838 : i32 to vector<16xi32>
        %add3A_840 = arith.addi %add3A_839, %max3A_370 : vector<16xi32>
        %gather3A_841 = tpu.vector_load_idx %arg10[%add3A_840] : memref<16384xi32, #tpu.memory_space<vmem>>[vector<16xi32>], vector<16xi32>,
        %mul3A_842 = arith.constant 4 : i32
        %mul3A_843 = arith.muli %mul3A_842, %scan3A_811 : i32
        %add3A_844 = arith.constant 3 : i32
        %add3A_845 = arith.addi %mul3A_843, %add3A_844 : i32
        %mul3A_846 = arith.constant 16 : i32
        %mul3A_847 = arith.muli %mul3A_846, %add3A_845 : i32
        %add3A_848 = vector.broadcast %mul3A_847 : i32 to vector<16xi32>
        %add3A_849 = arith.addi %add3A_848, %max3A_370 : vector<16xi32>
        %gather3A_850 = tpu.vector_load_idx %arg10[%add3A_849] : memref<16384xi32, #tpu.memory_space<vmem>>[vector<16xi32>], vector<16xi32>,
        %gt3A_851 = arith.constant 0 : i32
        %gt3A_852 = vector.broadcast %gt3A_851 : i32 to vector<16xi32>
        %gt3A_853 = arith.cmpi sgt, %iota3A, %gt3A_852 : vector<16xi32>
        %jit3A = arith.constant 0 : i32
        %broadcast_in_dim3A_854 = vector.broadcast %jit3A : i32 to vector<16xi32>
        %select_n3A = arith.select %gt3A_853, %gather3A_823, %broadcast_in_dim3A_854 : vector<16xi1>, vector<16xi32>
        %slice3A = vector.extract_strided_slice %get3A_814 {offsets = [0], sizes = [1], strides = [1]} : vector<16xi32> to vector<1xi32>
        %squeeze3A = vector.extract %slice3A[0] : i32 from vector<1xi32>
        %add3A_855 = vector.broadcast %squeeze3A : i32 to vector<16xi32>
        %add3A_856 = arith.addi %select_n3A, %add3A_855 : vector<16xi32>
        %mul3A_857 = arith.constant 4 : i32
        %mul3A_858 = arith.muli %mul3A_857, %scan3A_811 : i32
        %add3A_859 = arith.constant 0 : i32
        %add3A_860 = arith.addi %mul3A_858, %add3A_859 : i32
        %mul3A_861 = arith.constant 16 : i32
        %mul3A_862 = arith.muli %mul3A_861, %add3A_860 : i32
        %swap3A = arith.index_cast %mul3A_862 : i32 to index
        %swap3A_863 = tpu.vector_load %arg10[%swap3A] {strides = array<i32>} : memref<16384xi32, #tpu.memory_space<vmem>>, vector<16xi32>,
        tpu.vector_store %arg10[%swap3A], %add3A_856 {strides = array<i32>} : memref<16384xi32, #tpu.memory_space<vmem>>, vector<16xi32>,
        %gt3A_864 = arith.constant 0 : i32
        %gt3A_865 = vector.broadcast %gt3A_864 : i32 to vector<16xi32>
        %gt3A_866 = arith.cmpi sgt, %iota3A, %gt3A_865 : vector<16xi32>
        %jit3A_867 = arith.constant 0 : i32
        %broadcast_in_dim3A_868 = vector.broadcast %jit3A_867 : i32 to vector<16xi32>
        %select_n3A_869 = arith.select %gt3A_866, %gather3A_832, %broadcast_in_dim3A_868 : vector<16xi1>, vector<16xi32>
        %slice3A_870 = vector.extract_strided_slice %get3A_814 {offsets = [1], sizes = [1], strides = [1]} : vector<16xi32> to vector<1xi32>
        %squeeze3A_871 = vector.extract %slice3A_870[0] : i32 from vector<1xi32>
        %add3A_872 = vector.broadcast %squeeze3A_871 : i32 to vector<16xi32>
        %add3A_873 = arith.addi %select_n3A_869, %add3A_872 : vector<16xi32>
        %mul3A_874 = arith.constant 4 : i32
        %mul3A_875 = arith.muli %mul3A_874, %scan3A_811 : i32
        %add3A_876 = arith.constant 1 : i32
        %add3A_877 = arith.addi %mul3A_875, %add3A_876 : i32
        %mul3A_878 = arith.constant 16 : i32
        %mul3A_879 = arith.muli %mul3A_878, %add3A_877 : i32
        %swap3A_880 = arith.index_cast %mul3A_879 : i32 to index
        %swap3A_881 = tpu.vector_load %arg10[%swap3A_880] {strides = array<i32>} : memref<16384xi32, #tpu.memory_space<vmem>>, vector<16xi32>,
        tpu.vector_store %arg10[%swap3A_880], %add3A_873 {strides = array<i32>} : memref<16384xi32, #tpu.memory_space<vmem>>, vector<16xi32>,
        %gt3A_882 = arith.constant 0 : i32
        %gt3A_883 = vector.broadcast %gt3A_882 : i32 to vector<16xi32>
        %gt3A_884 = arith.cmpi sgt, %iota3A, %gt3A_883 : vector<16xi32>
        %jit3A_885 = arith.constant 0 : i32
        %broadcast_in_dim3A_886 = vector.broadcast %jit3A_885 : i32 to vector<16xi32>
        %select_n3A_887 = arith.select %gt3A_884, %gather3A_841, %broadcast_in_dim3A_886 : vector<16xi1>, vector<16xi32>
        %slice3A_888 = vector.extract_strided_slice %get3A_814 {offsets = [2], sizes = [1], strides = [1]} : vector<16xi32> to vector<1xi32>
        %squeeze3A_889 = vector.extract %slice3A_888[0] : i32 from vector<1xi32>
        %add3A_890 = vector.broadcast %squeeze3A_889 : i32 to vector<16xi32>
        %add3A_891 = arith.addi %select_n3A_887, %add3A_890 : vector<16xi32>
        %mul3A_892 = arith.constant 4 : i32
        %mul3A_893 = arith.muli %mul3A_892, %scan3A_811 : i32
        %add3A_894 = arith.constant 2 : i32
        %add3A_895 = arith.addi %mul3A_893, %add3A_894 : i32
        %mul3A_896 = arith.constant 16 : i32
        %mul3A_897 = arith.muli %mul3A_896, %add3A_895 : i32
        %swap3A_898 = arith.index_cast %mul3A_897 : i32 to index
        %swap3A_899 = tpu.vector_load %arg10[%swap3A_898] {strides = array<i32>} : memref<16384xi32, #tpu.memory_space<vmem>>, vector<16xi32>,
        tpu.vector_store %arg10[%swap3A_898], %add3A_891 {strides = array<i32>} : memref<16384xi32, #tpu.memory_space<vmem>>, vector<16xi32>,
        %gt3A_900 = arith.constant 0 : i32
        %gt3A_901 = vector.broadcast %gt3A_900 : i32 to vector<16xi32>
        %gt3A_902 = arith.cmpi sgt, %iota3A, %gt3A_901 : vector<16xi32>
        %jit3A_903 = arith.constant 0 : i32
        %broadcast_in_dim3A_904 = vector.broadcast %jit3A_903 : i32 to vector<16xi32>
        %select_n3A_905 = arith.select %gt3A_902, %gather3A_850, %broadcast_in_dim3A_904 : vector<16xi1>, vector<16xi32>
        %slice3A_906 = vector.extract_strided_slice %get3A_814 {offsets = [3], sizes = [1], strides = [1]} : vector<16xi32> to vector<1xi32>
        %squeeze3A_907 = vector.extract %slice3A_906[0] : i32 from vector<1xi32>
        %add3A_908 = vector.broadcast %squeeze3A_907 : i32 to vector<16xi32>
        %add3A_909 = arith.addi %select_n3A_905, %add3A_908 : vector<16xi32>
        %mul3A_910 = arith.constant 4 : i32
        %mul3A_911 = arith.muli %mul3A_910, %scan3A_811 : i32
        %add3A_912 = arith.constant 3 : i32
        %add3A_913 = arith.addi %mul3A_911, %add3A_912 : i32
        %mul3A_914 = arith.constant 16 : i32
        %mul3A_915 = arith.muli %mul3A_914, %add3A_913 : i32
        %swap3A_916 = arith.index_cast %mul3A_915 : i32 to index
        %swap3A_917 = tpu.vector_load %arg10[%swap3A_916] {strides = array<i32>} : memref<16384xi32, #tpu.memory_space<vmem>>, vector<16xi32>,
        tpu.vector_store %arg10[%swap3A_916], %add3A_909 {strides = array<i32>} : memref<16384xi32, #tpu.memory_space<vmem>>, vector<16xi32>,
      }
      %scan3A_376 = arith.constant 256 : i32
      %gt3A = arith.constant 0 : i32
      %gt3A_377 = arith.cmpi sgt, %scan3A_47, %gt3A : i32
      %convert_element_type3A_378 = arith.extui %gt3A_377 : i1 to i32
      %cond3A_379 = arith.constant 0 : i32
      %cond3A_380 = arith.cmpi ne, %convert_element_type3A_378, %cond3A_379 : i32
      scf.if %cond3A_380 {
        %sub3A_811 = arith.constant 1 : i32
        %sub3A_812 = arith.subi %add3A_50, %sub3A_811 : i32
        %dma_wait3A_813 = arith.constant 0 : i32
        %dma_wait3A_814 = tpu.memref_slice %arg3[%sub3A_812, %dma_wait3A_813] : memref<1024x16640xi32, #tpu.memory_space<hbm>> -> memref<1x16640xi32, #tpu.memory_space<hbm>>
        %dma_wait3A_815 = tpu.memref_squeeze %dma_wait3A_814 : memref<1x16640xi32, #tpu.memory_space<hbm>> -> memref<16640xi32, #tpu.memory_space<hbm>>
        %dma_wait3A_816 = arith.constant 0 : i32
        %dma_wait3A_817 = tpu.memref_slice %arg3[%sub3A_812, %dma_wait3A_816] : memref<1024x16640xi32, #tpu.memory_space<hbm>> -> memref<1x16640xi32, #tpu.memory_space<hbm>>
        %dma_wait3A_818 = tpu.memref_squeeze %dma_wait3A_817 : memref<1x16640xi32, #tpu.memory_space<hbm>> -> memref<16640xi32, #tpu.memory_space<hbm>>
        tpu.wait_dma2 semaphore(%arg15 : memref<!tpu.dma_semaphore, #tpu.memory_space<semaphore_mem>>) src(%arg5 : memref<16640xi32, #tpu.memory_space<vmem>>) dst(%dma_wait3A_818 : memref<16640xi32, #tpu.memory_space<hbm>>)
        %sub3A_819 = arith.constant 1 : i32
        %sub3A_820 = arith.subi %add3A_50, %sub3A_819 : i32
        %dma_wait3A_821 = arith.constant 0 : i32
        %dma_wait3A_822 = tpu.memref_slice %arg4[%sub3A_820, %dma_wait3A_821] : memref<1024x16640xi32, #tpu.memory_space<hbm>> -> memref<1x16640xi32, #tpu.memory_space<hbm>>
        %dma_wait3A_823 = tpu.memref_squeeze %dma_wait3A_822 : memref<1x16640xi32, #tpu.memory_space<hbm>> -> memref<16640xi32, #tpu.memory_space<hbm>>
        %dma_wait3A_824 = arith.constant 0 : i32
        %dma_wait3A_825 = tpu.memref_slice %arg4[%sub3A_820, %dma_wait3A_824] : memref<1024x16640xi32, #tpu.memory_space<hbm>> -> memref<1x16640xi32, #tpu.memory_space<hbm>>
        %dma_wait3A_826 = tpu.memref_squeeze %dma_wait3A_825 : memref<1x16640xi32, #tpu.memory_space<hbm>> -> memref<16640xi32, #tpu.memory_space<hbm>>
        tpu.wait_dma2 semaphore(%arg16 : memref<!tpu.dma_semaphore, #tpu.memory_space<semaphore_mem>>) src(%arg7 : memref<16640xi32, #tpu.memory_space<vmem>>) dst(%dma_wait3A_826 : memref<16640xi32, #tpu.memory_space<hbm>>)
      } else {
      }
      %add3A_381 = arith.constant 0 : i32
      %add3A_382 = vector.broadcast %add3A_381 : i32 to vector<16xi32>
      %add3A_383 = arith.addi %mul3A_3, %add3A_382 : vector<16xi32>
      %add3A_384 = arith.constant 4176 : i32
      %add3A_385 = vector.broadcast %add3A_384 : i32 to vector<16xi32>
      %add3A_386 = arith.addi %mul3A_3, %add3A_385 : vector<16xi32>
      %add3A_387 = arith.constant 8352 : i32
      %add3A_388 = vector.broadcast %add3A_387 : i32 to vector<16xi32>
      %add3A_389 = arith.addi %mul3A_3, %add3A_388 : vector<16xi32>
      %add3A_390 = arith.constant 12528 : i32
      %add3A_391 = vector.broadcast %add3A_390 : i32 to vector<16xi32>
      %add3A_392 = arith.addi %mul3A_3, %add3A_391 : vector<16xi32>
      %lt3A_393 = arith.constant 15 : i32
      %lt3A_394 = vector.broadcast %lt3A_393 : i32 to vector<16xi32>
      %lt3A_395 = arith.cmpi slt, %iota3A, %lt3A_394 : vector<16xi32>
      %or3A_396 = arith.constant true
      %or3A_397 = vector.broadcast %or3A_396 : i1 to vector<16xi1>
      %or3A_398 = arith.ori %lt3A_395, %or3A_397 : vector<16xi1>
      %gather3A_399 = tpu.vector_load_idx %arg6[%add3A_383] : memref<16640xi32, #tpu.memory_space<vmem>>[vector<16xi32>], vector<16xi32>,
      %gather3A_400 = tpu.vector_load_idx %arg6[%add3A_386] : memref<16640xi32, #tpu.memory_space<vmem>>[vector<16xi32>], vector<16xi32>,
      %gather3A_401 = tpu.vector_load_idx %arg6[%add3A_389] : memref<16640xi32, #tpu.memory_space<vmem>>[vector<16xi32>], vector<16xi32>,
      %gather3A_402 = tpu.vector_load_idx %arg6[%add3A_392] masked %or3A_398 : memref<16640xi32, #tpu.memory_space<vmem>>[vector<16xi32>], vector<16xi32>, vector<16xi1>
      %gather3A_403 = tpu.vector_load_idx %arg8[%add3A_383] : memref<16640xi32, #tpu.memory_space<vmem>>[vector<16xi32>], vector<16xi32>,
      %gather3A_404 = tpu.vector_load_idx %arg8[%add3A_386] : memref<16640xi32, #tpu.memory_space<vmem>>[vector<16xi32>], vector<16xi32>,
      %gather3A_405 = tpu.vector_load_idx %arg8[%add3A_389] : memref<16640xi32, #tpu.memory_space<vmem>>[vector<16xi32>], vector<16xi32>,
      %gather3A_406 = tpu.vector_load_idx %arg8[%add3A_392] masked %or3A_398 : memref<16640xi32, #tpu.memory_space<vmem>>[vector<16xi32>], vector<16xi32>, vector<16xi1>
      %shift_right_logical3A_407 = arith.constant 2 : i32
      %shift_right_logical3A_408 = vector.broadcast %shift_right_logical3A_407 : i32 to vector<16xi32>
      %shift_right_logical3A_409 = arith.shrui %gather3A_399, %shift_right_logical3A_408 : vector<16xi32>
      %and3A_410 = arith.constant 16320 : i32
      %and3A_411 = vector.broadcast %and3A_410 : i32 to vector<16xi32>
      %and3A_412 = arith.andi %shift_right_logical3A_409, %and3A_411 : vector<16xi32>
      %add3A_413 = arith.constant 0 : i32
      %add3A_414 = vector.broadcast %add3A_413 : i32 to vector<16xi32>
      %add3A_415 = arith.addi %iota3A, %add3A_414 : vector<16xi32>
      %add3A_416 = arith.addi %and3A_412, %add3A_415 : vector<16xi32>
      %shift_right_logical3A_417 = arith.constant 2 : i32
      %shift_right_logical3A_418 = vector.broadcast %shift_right_logical3A_417 : i32 to vector<16xi32>
      %shift_right_logical3A_419 = arith.shrui %gather3A_400, %shift_right_logical3A_418 : vector<16xi32>
      %and3A_420 = arith.constant 16320 : i32
      %and3A_421 = vector.broadcast %and3A_420 : i32 to vector<16xi32>
      %and3A_422 = arith.andi %shift_right_logical3A_419, %and3A_421 : vector<16xi32>
      %add3A_423 = arith.constant 16 : i32
      %add3A_424 = vector.broadcast %add3A_423 : i32 to vector<16xi32>
      %add3A_425 = arith.addi %iota3A, %add3A_424 : vector<16xi32>
      %add3A_426 = arith.addi %and3A_422, %add3A_425 : vector<16xi32>
      %shift_right_logical3A_427 = arith.constant 2 : i32
      %shift_right_logical3A_428 = vector.broadcast %shift_right_logical3A_427 : i32 to vector<16xi32>
      %shift_right_logical3A_429 = arith.shrui %gather3A_401, %shift_right_logical3A_428 : vector<16xi32>
      %and3A_430 = arith.constant 16320 : i32
      %and3A_431 = vector.broadcast %and3A_430 : i32 to vector<16xi32>
      %and3A_432 = arith.andi %shift_right_logical3A_429, %and3A_431 : vector<16xi32>
      %add3A_433 = arith.constant 32 : i32
      %add3A_434 = vector.broadcast %add3A_433 : i32 to vector<16xi32>
      %add3A_435 = arith.addi %iota3A, %add3A_434 : vector<16xi32>
      %add3A_436 = arith.addi %and3A_432, %add3A_435 : vector<16xi32>
      %shift_right_logical3A_437 = arith.constant 2 : i32
      %shift_right_logical3A_438 = vector.broadcast %shift_right_logical3A_437 : i32 to vector<16xi32>
      %shift_right_logical3A_439 = arith.shrui %gather3A_402, %shift_right_logical3A_438 : vector<16xi32>
      %and3A_440 = arith.constant 16320 : i32
      %and3A_441 = vector.broadcast %and3A_440 : i32 to vector<16xi32>
      %and3A_442 = arith.andi %shift_right_logical3A_439, %and3A_441 : vector<16xi32>
      %add3A_443 = arith.constant 48 : i32
      %add3A_444 = vector.broadcast %add3A_443 : i32 to vector<16xi32>
      %add3A_445 = arith.addi %iota3A, %add3A_444 : vector<16xi32>
      %add3A_446 = arith.addi %and3A_442, %add3A_445 : vector<16xi32>
      %scan3A_447 = arith.constant 0 : i32
      %scan3A_448 = arith.constant 261 : i32
      %scan3A_449 = arith.addi %scan3A_447, %scan3A_448 : i32
      %scan3A_450 = arith.constant 1 : i32
      %scan3A_451:16 = scf.for %scan3A_811 = %scan3A_447 to %scan3A_449 step %scan3A_450 iter_args(%scan3A_812 = %gather3A_399, %scan3A_813 = %gather3A_400, %scan3A_814 = %gather3A_401, %scan3A_815 = %gather3A_402, %scan3A_816 = %gather3A_403, %scan3A_817 = %gather3A_404, %scan3A_818 = %gather3A_405, %scan3A_819 = %gather3A_406, %scan3A_820 = %add3A_416, %scan3A_821 = %add3A_426, %scan3A_822 = %add3A_436, %scan3A_823 = %add3A_446, %scan3A_824 = %gather3A_399, %scan3A_825 = %gather3A_400, %scan3A_826 = %gather3A_401, %scan3A_827 = %gather3A_402) -> (vector<16xi32>, vector<16xi32>, vector<16xi32>, vector<16xi32>, vector<16xi32>, vector<16xi32>, vector<16xi32>, vector<16xi32>, vector<16xi32>, vector<16xi32>, vector<16xi32>, vector<16xi32>, vector<16xi32>, vector<16xi32>, vector<16xi32>, vector<16xi32>)  : i32 {
        %add3A_828 = arith.constant 1 : i32
        %add3A_829 = arith.addi %scan3A_811, %add3A_828 : i32
        %min3A = arith.constant 260 : i32
        %min3A_830 = arith.minsi %add3A_829, %min3A : i32
        %add3A_831 = arith.constant 0 : i32
        %add3A_832 = arith.addi %min3A_830, %add3A_831 : i32
        %add3A_833 = vector.broadcast %add3A_832 : i32 to vector<16xi32>
        %add3A_834 = arith.addi %mul3A_3, %add3A_833 : vector<16xi32>
        %add3A_835 = arith.constant 4176 : i32
        %add3A_836 = arith.addi %min3A_830, %add3A_835 : i32
        %add3A_837 = vector.broadcast %add3A_836 : i32 to vector<16xi32>
        %add3A_838 = arith.addi %mul3A_3, %add3A_837 : vector<16xi32>
        %add3A_839 = arith.constant 8352 : i32
        %add3A_840 = arith.addi %min3A_830, %add3A_839 : i32
        %add3A_841 = vector.broadcast %add3A_840 : i32 to vector<16xi32>
        %add3A_842 = arith.addi %mul3A_3, %add3A_841 : vector<16xi32>
        %add3A_843 = arith.constant 12528 : i32
        %add3A_844 = arith.addi %min3A_830, %add3A_843 : i32
        %add3A_845 = vector.broadcast %add3A_844 : i32 to vector<16xi32>
        %add3A_846 = arith.addi %mul3A_3, %add3A_845 : vector<16xi32>
        %lt3A_847 = arith.constant 15 : i32
        %lt3A_848 = vector.broadcast %lt3A_847 : i32 to vector<16xi32>
        %lt3A_849 = arith.cmpi slt, %iota3A, %lt3A_848 : vector<16xi32>
        %lt3A_850 = arith.constant 197 : i32
        %lt3A_851 = arith.cmpi slt, %min3A_830, %lt3A_850 : i32
        %or3A_852 = vector.broadcast %lt3A_851 : i1 to vector<16xi1>
        %or3A_853 = arith.ori %lt3A_849, %or3A_852 : vector<16xi1>
        %gather3A_854 = tpu.vector_load_idx %arg6[%add3A_834] : memref<16640xi32, #tpu.memory_space<vmem>>[vector<16xi32>], vector<16xi32>,
        %gather3A_855 = tpu.vector_load_idx %arg6[%add3A_838] : memref<16640xi32, #tpu.memory_space<vmem>>[vector<16xi32>], vector<16xi32>,
        %gather3A_856 = tpu.vector_load_idx %arg6[%add3A_842] : memref<16640xi32, #tpu.memory_space<vmem>>[vector<16xi32>], vector<16xi32>,
        %gather3A_857 = tpu.vector_load_idx %arg6[%add3A_846] masked %or3A_853 : memref<16640xi32, #tpu.memory_space<vmem>>[vector<16xi32>], vector<16xi32>, vector<16xi1>
        %gather3A_858 = tpu.vector_load_idx %arg8[%add3A_834] : memref<16640xi32, #tpu.memory_space<vmem>>[vector<16xi32>], vector<16xi32>,
        %gather3A_859 = tpu.vector_load_idx %arg8[%add3A_838] : memref<16640xi32, #tpu.memory_space<vmem>>[vector<16xi32>], vector<16xi32>,
        %gather3A_860 = tpu.vector_load_idx %arg8[%add3A_842] : memref<16640xi32, #tpu.memory_space<vmem>>[vector<16xi32>], vector<16xi32>,
        %gather3A_861 = tpu.vector_load_idx %arg8[%add3A_846] masked %or3A_853 : memref<16640xi32, #tpu.memory_space<vmem>>[vector<16xi32>], vector<16xi32>, vector<16xi1>
        %shift_right_logical3A_862 = arith.constant 2 : i32
        %shift_right_logical3A_863 = vector.broadcast %shift_right_logical3A_862 : i32 to vector<16xi32>
        %shift_right_logical3A_864 = arith.shrui %gather3A_854, %shift_right_logical3A_863 : vector<16xi32>
        %and3A_865 = arith.constant 16320 : i32
        %and3A_866 = vector.broadcast %and3A_865 : i32 to vector<16xi32>
        %and3A_867 = arith.andi %shift_right_logical3A_864, %and3A_866 : vector<16xi32>
        %add3A_868 = arith.constant 0 : i32
        %add3A_869 = vector.broadcast %add3A_868 : i32 to vector<16xi32>
        %add3A_870 = arith.addi %iota3A, %add3A_869 : vector<16xi32>
        %add3A_871 = arith.addi %and3A_867, %add3A_870 : vector<16xi32>
        %shift_right_logical3A_872 = arith.constant 2 : i32
        %shift_right_logical3A_873 = vector.broadcast %shift_right_logical3A_872 : i32 to vector<16xi32>
        %shift_right_logical3A_874 = arith.shrui %gather3A_855, %shift_right_logical3A_873 : vector<16xi32>
        %and3A_875 = arith.constant 16320 : i32
        %and3A_876 = vector.broadcast %and3A_875 : i32 to vector<16xi32>
        %and3A_877 = arith.andi %shift_right_logical3A_874, %and3A_876 : vector<16xi32>
        %add3A_878 = arith.constant 16 : i32
        %add3A_879 = vector.broadcast %add3A_878 : i32 to vector<16xi32>
        %add3A_880 = arith.addi %iota3A, %add3A_879 : vector<16xi32>
        %add3A_881 = arith.addi %and3A_877, %add3A_880 : vector<16xi32>
        %shift_right_logical3A_882 = arith.constant 2 : i32
        %shift_right_logical3A_883 = vector.broadcast %shift_right_logical3A_882 : i32 to vector<16xi32>
        %shift_right_logical3A_884 = arith.shrui %gather3A_856, %shift_right_logical3A_883 : vector<16xi32>
        %and3A_885 = arith.constant 16320 : i32
        %and3A_886 = vector.broadcast %and3A_885 : i32 to vector<16xi32>
        %and3A_887 = arith.andi %shift_right_logical3A_884, %and3A_886 : vector<16xi32>
        %add3A_888 = arith.constant 32 : i32
        %add3A_889 = vector.broadcast %add3A_888 : i32 to vector<16xi32>
        %add3A_890 = arith.addi %iota3A, %add3A_889 : vector<16xi32>
        %add3A_891 = arith.addi %and3A_887, %add3A_890 : vector<16xi32>
        %shift_right_logical3A_892 = arith.constant 2 : i32
        %shift_right_logical3A_893 = vector.broadcast %shift_right_logical3A_892 : i32 to vector<16xi32>
        %shift_right_logical3A_894 = arith.shrui %gather3A_857, %shift_right_logical3A_893 : vector<16xi32>
        %and3A_895 = arith.constant 16320 : i32
        %and3A_896 = vector.broadcast %and3A_895 : i32 to vector<16xi32>
        %and3A_897 = arith.andi %shift_right_logical3A_894, %and3A_896 : vector<16xi32>
        %add3A_898 = arith.constant 48 : i32
        %add3A_899 = vector.broadcast %add3A_898 : i32 to vector<16xi32>
        %add3A_900 = arith.addi %iota3A, %add3A_899 : vector<16xi32>
        %add3A_901 = arith.addi %and3A_897, %add3A_900 : vector<16xi32>
        %gather3A_902 = tpu.vector_load_idx %arg10[%scan3A_820] : memref<16384xi32, #tpu.memory_space<vmem>>[vector<16xi32>], vector<16xi32>,
        %gather3A_903 = tpu.vector_load_idx %arg10[%scan3A_821] : memref<16384xi32, #tpu.memory_space<vmem>>[vector<16xi32>], vector<16xi32>,
        %gather3A_904 = tpu.vector_load_idx %arg10[%scan3A_822] : memref<16384xi32, #tpu.memory_space<vmem>>[vector<16xi32>], vector<16xi32>,
        %gather3A_905 = tpu.vector_load_idx %arg10[%scan3A_823] : memref<16384xi32, #tpu.memory_space<vmem>>[vector<16xi32>], vector<16xi32>,
        %add3A_906 = arith.constant 1 : i32
        %add3A_907 = vector.broadcast %add3A_906 : i32 to vector<16xi32>
        %add3A_908 = arith.addi %gather3A_902, %add3A_907 : vector<16xi32>
        tpu.vector_store_idx %arg10[%scan3A_820], %add3A_908 : memref<16384xi32, #tpu.memory_space<vmem>>[vector<16xi32>], vector<16xi32>,
        tpu.vector_store_idx %arg5[%gather3A_902], %scan3A_812 : memref<16640xi32, #tpu.memory_space<vmem>>[vector<16xi32>], vector<16xi32>,
        tpu.vector_store_idx %arg7[%gather3A_902], %scan3A_816 : memref<16640xi32, #tpu.memory_space<vmem>>[vector<16xi32>], vector<16xi32>,
        %add3A_909 = arith.constant 1 : i32
        %add3A_910 = vector.broadcast %add3A_909 : i32 to vector<16xi32>
        %add3A_911 = arith.addi %gather3A_903, %add3A_910 : vector<16xi32>
        tpu.vector_store_idx %arg10[%scan3A_821], %add3A_911 : memref<16384xi32, #tpu.memory_space<vmem>>[vector<16xi32>], vector<16xi32>,
        tpu.vector_store_idx %arg5[%gather3A_903], %scan3A_813 : memref<16640xi32, #tpu.memory_space<vmem>>[vector<16xi32>], vector<16xi32>,
        tpu.vector_store_idx %arg7[%gather3A_903], %scan3A_817 : memref<16640xi32, #tpu.memory_space<vmem>>[vector<16xi32>], vector<16xi32>,
        %add3A_912 = arith.constant 1 : i32
        %add3A_913 = vector.broadcast %add3A_912 : i32 to vector<16xi32>
        %add3A_914 = arith.addi %gather3A_904, %add3A_913 : vector<16xi32>
        tpu.vector_store_idx %arg10[%scan3A_822], %add3A_914 : memref<16384xi32, #tpu.memory_space<vmem>>[vector<16xi32>], vector<16xi32>,
        tpu.vector_store_idx %arg5[%gather3A_904], %scan3A_814 : memref<16640xi32, #tpu.memory_space<vmem>>[vector<16xi32>], vector<16xi32>,
        tpu.vector_store_idx %arg7[%gather3A_904], %scan3A_818 : memref<16640xi32, #tpu.memory_space<vmem>>[vector<16xi32>], vector<16xi32>,
        %lt3A_915 = arith.constant 15 : i32
        %lt3A_916 = vector.broadcast %lt3A_915 : i32 to vector<16xi32>
        %lt3A_917 = arith.cmpi slt, %iota3A, %lt3A_916 : vector<16xi32>
        %lt3A_918 = arith.constant 197 : i32
        %lt3A_919 = arith.cmpi slt, %scan3A_811, %lt3A_918 : i32
        %or3A_920 = vector.broadcast %lt3A_919 : i1 to vector<16xi1>
        %or3A_921 = arith.ori %lt3A_917, %or3A_920 : vector<16xi1>
        %add3A_922 = arith.constant 1 : i32
        %add3A_923 = vector.broadcast %add3A_922 : i32 to vector<16xi32>
        %add3A_924 = arith.addi %gather3A_905, %add3A_923 : vector<16xi32>
        tpu.vector_store_idx %arg10[%scan3A_823], %add3A_924 masked %or3A_921 : memref<16384xi32, #tpu.memory_space<vmem>>[vector<16xi32>], vector<16xi32>, vector<16xi1>
        tpu.vector_store_idx %arg5[%gather3A_905], %scan3A_815 masked %or3A_921 : memref<16640xi32, #tpu.memory_space<vmem>>[vector<16xi32>], vector<16xi32>, vector<16xi1>
        tpu.vector_store_idx %arg7[%gather3A_905], %scan3A_819 masked %or3A_921 : memref<16640xi32, #tpu.memory_space<vmem>>[vector<16xi32>], vector<16xi32>, vector<16xi1>
        scf.yield %gather3A_854, %gather3A_855, %gather3A_856, %gather3A_857, %gather3A_858, %gather3A_859, %gather3A_860, %gather3A_861, %add3A_871, %add3A_881, %add3A_891, %add3A_901, %gather3A_854, %gather3A_855, %gather3A_856, %gather3A_857 : vector<16xi32>, vector<16xi32>, vector<16xi32>, vector<16xi32>, vector<16xi32>, vector<16xi32>, vector<16xi32>, vector<16xi32>, vector<16xi32>, vector<16xi32>, vector<16xi32>, vector<16xi32>, vector<16xi32>, vector<16xi32>, vector<16xi32>, vector<16xi32>
      }
      %scan3A_452 = arith.constant 261 : i32
      %scan3A_453 = arith.constant 0 : i32
      %scan3A_454 = arith.constant 0 : i32
      %scan3A_455 = arith.constant 256 : i32
      %scan3A_456 = arith.addi %scan3A_454, %scan3A_455 : i32
      %scan3A_457 = arith.constant 1 : i32
      scf.for %scan3A_811 = %scan3A_454 to %scan3A_456 step %scan3A_457  : i32 {
        %mul3A_812 = arith.constant 4 : i32
        %mul3A_813 = arith.muli %mul3A_812, %scan3A_811 : i32
        %add3A_814 = arith.constant 0 : i32
        %add3A_815 = arith.addi %mul3A_813, %add3A_814 : i32
        %mul3A_816 = arith.constant 16 : i32
        %mul3A_817 = arith.muli %mul3A_816, %add3A_815 : i32
        %swap3A = arith.index_cast %mul3A_817 : i32 to index
        %swap3A_818 = tpu.vector_load %arg10[%swap3A] {strides = array<i32>} : memref<16384xi32, #tpu.memory_space<vmem>>, vector<16xi32>,
        tpu.vector_store %arg10[%swap3A], %broadcast_in_dim3A_6 {strides = array<i32>} : memref<16384xi32, #tpu.memory_space<vmem>>, vector<16xi32>,
        %mul3A_819 = arith.constant 4 : i32
        %mul3A_820 = arith.muli %mul3A_819, %scan3A_811 : i32
        %add3A_821 = arith.constant 1 : i32
        %add3A_822 = arith.addi %mul3A_820, %add3A_821 : i32
        %mul3A_823 = arith.constant 16 : i32
        %mul3A_824 = arith.muli %mul3A_823, %add3A_822 : i32
        %swap3A_825 = arith.index_cast %mul3A_824 : i32 to index
        %swap3A_826 = tpu.vector_load %arg10[%swap3A_825] {strides = array<i32>} : memref<16384xi32, #tpu.memory_space<vmem>>, vector<16xi32>,
        tpu.vector_store %arg10[%swap3A_825], %broadcast_in_dim3A_6 {strides = array<i32>} : memref<16384xi32, #tpu.memory_space<vmem>>, vector<16xi32>,
        %mul3A_827 = arith.constant 4 : i32
        %mul3A_828 = arith.muli %mul3A_827, %scan3A_811 : i32
        %add3A_829 = arith.constant 2 : i32
        %add3A_830 = arith.addi %mul3A_828, %add3A_829 : i32
        %mul3A_831 = arith.constant 16 : i32
        %mul3A_832 = arith.muli %mul3A_831, %add3A_830 : i32
        %swap3A_833 = arith.index_cast %mul3A_832 : i32 to index
        %swap3A_834 = tpu.vector_load %arg10[%swap3A_833] {strides = array<i32>} : memref<16384xi32, #tpu.memory_space<vmem>>, vector<16xi32>,
        tpu.vector_store %arg10[%swap3A_833], %broadcast_in_dim3A_6 {strides = array<i32>} : memref<16384xi32, #tpu.memory_space<vmem>>, vector<16xi32>,
        %mul3A_835 = arith.constant 4 : i32
        %mul3A_836 = arith.muli %mul3A_835, %scan3A_811 : i32
        %add3A_837 = arith.constant 3 : i32
        %add3A_838 = arith.addi %mul3A_836, %add3A_837 : i32
        %mul3A_839 = arith.constant 16 : i32
        %mul3A_840 = arith.muli %mul3A_839, %add3A_838 : i32
        %swap3A_841 = arith.index_cast %mul3A_840 : i32 to index
        %swap3A_842 = tpu.vector_load %arg10[%swap3A_841] {strides = array<i32>} : memref<16384xi32, #tpu.memory_space<vmem>>, vector<16xi32>,
        tpu.vector_store %arg10[%swap3A_841], %broadcast_in_dim3A_6 {strides = array<i32>} : memref<16384xi32, #tpu.memory_space<vmem>>, vector<16xi32>,
      }
      %scan3A_458 = arith.constant 256 : i32
      %add3A_459 = arith.constant 0 : i32
      %add3A_460 = vector.broadcast %add3A_459 : i32 to vector<16xi32>
      %add3A_461 = arith.addi %mul3A_3, %add3A_460 : vector<16xi32>
      %gather3A_462 = tpu.vector_load_idx %arg5[%add3A_461] : memref<16640xi32, #tpu.memory_space<vmem>>[vector<16xi32>], vector<16xi32>,
      %shift_right_logical3A_463 = arith.constant 10 : i32
      %shift_right_logical3A_464 = vector.broadcast %shift_right_logical3A_463 : i32 to vector<16xi32>
      %shift_right_logical3A_465 = arith.shrui %gather3A_462, %shift_right_logical3A_464 : vector<16xi32>
      %and3A_466 = arith.constant 16320 : i32
      %and3A_467 = vector.broadcast %and3A_466 : i32 to vector<16xi32>
      %and3A_468 = arith.andi %shift_right_logical3A_465, %and3A_467 : vector<16xi32>
      %add3A_469 = arith.constant 0 : i32
      %add3A_470 = vector.broadcast %add3A_469 : i32 to vector<16xi32>
      %add3A_471 = arith.addi %iota3A, %add3A_470 : vector<16xi32>
      %add3A_472 = arith.addi %and3A_468, %add3A_471 : vector<16xi32>
      %add3A_473 = arith.constant 4176 : i32
      %add3A_474 = vector.broadcast %add3A_473 : i32 to vector<16xi32>
      %add3A_475 = arith.addi %mul3A_3, %add3A_474 : vector<16xi32>
      %gather3A_476 = tpu.vector_load_idx %arg5[%add3A_475] : memref<16640xi32, #tpu.memory_space<vmem>>[vector<16xi32>], vector<16xi32>,
      %shift_right_logical3A_477 = arith.constant 10 : i32
      %shift_right_logical3A_478 = vector.broadcast %shift_right_logical3A_477 : i32 to vector<16xi32>
      %shift_right_logical3A_479 = arith.shrui %gather3A_476, %shift_right_logical3A_478 : vector<16xi32>
      %and3A_480 = arith.constant 16320 : i32
      %and3A_481 = vector.broadcast %and3A_480 : i32 to vector<16xi32>
      %and3A_482 = arith.andi %shift_right_logical3A_479, %and3A_481 : vector<16xi32>
      %add3A_483 = arith.constant 16 : i32
      %add3A_484 = vector.broadcast %add3A_483 : i32 to vector<16xi32>
      %add3A_485 = arith.addi %iota3A, %add3A_484 : vector<16xi32>
      %add3A_486 = arith.addi %and3A_482, %add3A_485 : vector<16xi32>
      %add3A_487 = arith.constant 8352 : i32
      %add3A_488 = vector.broadcast %add3A_487 : i32 to vector<16xi32>
      %add3A_489 = arith.addi %mul3A_3, %add3A_488 : vector<16xi32>
      %gather3A_490 = tpu.vector_load_idx %arg5[%add3A_489] : memref<16640xi32, #tpu.memory_space<vmem>>[vector<16xi32>], vector<16xi32>,
      %shift_right_logical3A_491 = arith.constant 10 : i32
      %shift_right_logical3A_492 = vector.broadcast %shift_right_logical3A_491 : i32 to vector<16xi32>
      %shift_right_logical3A_493 = arith.shrui %gather3A_490, %shift_right_logical3A_492 : vector<16xi32>
      %and3A_494 = arith.constant 16320 : i32
      %and3A_495 = vector.broadcast %and3A_494 : i32 to vector<16xi32>
      %and3A_496 = arith.andi %shift_right_logical3A_493, %and3A_495 : vector<16xi32>
      %add3A_497 = arith.constant 32 : i32
      %add3A_498 = vector.broadcast %add3A_497 : i32 to vector<16xi32>
      %add3A_499 = arith.addi %iota3A, %add3A_498 : vector<16xi32>
      %add3A_500 = arith.addi %and3A_496, %add3A_499 : vector<16xi32>
      %lt3A_501 = arith.constant 15 : i32
      %lt3A_502 = vector.broadcast %lt3A_501 : i32 to vector<16xi32>
      %lt3A_503 = arith.cmpi slt, %iota3A, %lt3A_502 : vector<16xi32>
      %or3A_504 = arith.constant true
      %or3A_505 = vector.broadcast %or3A_504 : i1 to vector<16xi1>
      %or3A_506 = arith.ori %lt3A_503, %or3A_505 : vector<16xi1>
      %add3A_507 = arith.constant 12528 : i32
      %add3A_508 = vector.broadcast %add3A_507 : i32 to vector<16xi32>
      %add3A_509 = arith.addi %mul3A_3, %add3A_508 : vector<16xi32>
      %gather3A_510 = tpu.vector_load_idx %arg5[%add3A_509] masked %or3A_506 : memref<16640xi32, #tpu.memory_space<vmem>>[vector<16xi32>], vector<16xi32>, vector<16xi1>
      %shift_right_logical3A_511 = arith.constant 10 : i32
      %shift_right_logical3A_512 = vector.broadcast %shift_right_logical3A_511 : i32 to vector<16xi32>
      %shift_right_logical3A_513 = arith.shrui %gather3A_510, %shift_right_logical3A_512 : vector<16xi32>
      %and3A_514 = arith.constant 16320 : i32
      %and3A_515 = vector.broadcast %and3A_514 : i32 to vector<16xi32>
      %and3A_516 = arith.andi %shift_right_logical3A_513, %and3A_515 : vector<16xi32>
      %add3A_517 = arith.constant 48 : i32
      %add3A_518 = vector.broadcast %add3A_517 : i32 to vector<16xi32>
      %add3A_519 = arith.addi %iota3A, %add3A_518 : vector<16xi32>
      %add3A_520 = arith.addi %and3A_516, %add3A_519 : vector<16xi32>
      %scan3A_521 = arith.constant 0 : i32
      %scan3A_522 = arith.constant 261 : i32
      %scan3A_523 = arith.addi %scan3A_521, %scan3A_522 : i32
      %scan3A_524 = arith.constant 1 : i32
      %scan3A_525:4 = scf.for %scan3A_811 = %scan3A_521 to %scan3A_523 step %scan3A_524 iter_args(%scan3A_812 = %add3A_472, %scan3A_813 = %add3A_486, %scan3A_814 = %add3A_500, %scan3A_815 = %add3A_520) -> (vector<16xi32>, vector<16xi32>, vector<16xi32>, vector<16xi32>)  : i32 {
        %add3A_816 = arith.constant 1 : i32
        %add3A_817 = arith.addi %scan3A_811, %add3A_816 : i32
        %min3A = arith.constant 260 : i32
        %min3A_818 = arith.minsi %add3A_817, %min3A : i32
        %add3A_819 = arith.constant 0 : i32
        %add3A_820 = arith.addi %min3A_818, %add3A_819 : i32
        %add3A_821 = vector.broadcast %add3A_820 : i32 to vector<16xi32>
        %add3A_822 = arith.addi %mul3A_3, %add3A_821 : vector<16xi32>
        %gather3A_823 = tpu.vector_load_idx %arg5[%add3A_822] : memref<16640xi32, #tpu.memory_space<vmem>>[vector<16xi32>], vector<16xi32>,
        %shift_right_logical3A_824 = arith.constant 10 : i32
        %shift_right_logical3A_825 = vector.broadcast %shift_right_logical3A_824 : i32 to vector<16xi32>
        %shift_right_logical3A_826 = arith.shrui %gather3A_823, %shift_right_logical3A_825 : vector<16xi32>
        %and3A_827 = arith.constant 16320 : i32
        %and3A_828 = vector.broadcast %and3A_827 : i32 to vector<16xi32>
        %and3A_829 = arith.andi %shift_right_logical3A_826, %and3A_828 : vector<16xi32>
        %add3A_830 = arith.constant 0 : i32
        %add3A_831 = vector.broadcast %add3A_830 : i32 to vector<16xi32>
        %add3A_832 = arith.addi %iota3A, %add3A_831 : vector<16xi32>
        %add3A_833 = arith.addi %and3A_829, %add3A_832 : vector<16xi32>
        %add3A_834 = arith.constant 4176 : i32
        %add3A_835 = arith.addi %min3A_818, %add3A_834 : i32
        %add3A_836 = vector.broadcast %add3A_835 : i32 to vector<16xi32>
        %add3A_837 = arith.addi %mul3A_3, %add3A_836 : vector<16xi32>
        %gather3A_838 = tpu.vector_load_idx %arg5[%add3A_837] : memref<16640xi32, #tpu.memory_space<vmem>>[vector<16xi32>], vector<16xi32>,
        %shift_right_logical3A_839 = arith.constant 10 : i32
        %shift_right_logical3A_840 = vector.broadcast %shift_right_logical3A_839 : i32 to vector<16xi32>
        %shift_right_logical3A_841 = arith.shrui %gather3A_838, %shift_right_logical3A_840 : vector<16xi32>
        %and3A_842 = arith.constant 16320 : i32
        %and3A_843 = vector.broadcast %and3A_842 : i32 to vector<16xi32>
        %and3A_844 = arith.andi %shift_right_logical3A_841, %and3A_843 : vector<16xi32>
        %add3A_845 = arith.constant 16 : i32
        %add3A_846 = vector.broadcast %add3A_845 : i32 to vector<16xi32>
        %add3A_847 = arith.addi %iota3A, %add3A_846 : vector<16xi32>
        %add3A_848 = arith.addi %and3A_844, %add3A_847 : vector<16xi32>
        %add3A_849 = arith.constant 8352 : i32
        %add3A_850 = arith.addi %min3A_818, %add3A_849 : i32
        %add3A_851 = vector.broadcast %add3A_850 : i32 to vector<16xi32>
        %add3A_852 = arith.addi %mul3A_3, %add3A_851 : vector<16xi32>
        %gather3A_853 = tpu.vector_load_idx %arg5[%add3A_852] : memref<16640xi32, #tpu.memory_space<vmem>>[vector<16xi32>], vector<16xi32>,
        %shift_right_logical3A_854 = arith.constant 10 : i32
        %shift_right_logical3A_855 = vector.broadcast %shift_right_logical3A_854 : i32 to vector<16xi32>
        %shift_right_logical3A_856 = arith.shrui %gather3A_853, %shift_right_logical3A_855 : vector<16xi32>
        %and3A_857 = arith.constant 16320 : i32
        %and3A_858 = vector.broadcast %and3A_857 : i32 to vector<16xi32>
        %and3A_859 = arith.andi %shift_right_logical3A_856, %and3A_858 : vector<16xi32>
        %add3A_860 = arith.constant 32 : i32
        %add3A_861 = vector.broadcast %add3A_860 : i32 to vector<16xi32>
        %add3A_862 = arith.addi %iota3A, %add3A_861 : vector<16xi32>
        %add3A_863 = arith.addi %and3A_859, %add3A_862 : vector<16xi32>
        %lt3A_864 = arith.constant 15 : i32
        %lt3A_865 = vector.broadcast %lt3A_864 : i32 to vector<16xi32>
        %lt3A_866 = arith.cmpi slt, %iota3A, %lt3A_865 : vector<16xi32>
        %lt3A_867 = arith.constant 197 : i32
        %lt3A_868 = arith.cmpi slt, %min3A_818, %lt3A_867 : i32
        %or3A_869 = vector.broadcast %lt3A_868 : i1 to vector<16xi1>
        %or3A_870 = arith.ori %lt3A_866, %or3A_869 : vector<16xi1>
        %add3A_871 = arith.constant 12528 : i32
        %add3A_872 = arith.addi %min3A_818, %add3A_871 : i32
        %add3A_873 = vector.broadcast %add3A_872 : i32 to vector<16xi32>
        %add3A_874 = arith.addi %mul3A_3, %add3A_873 : vector<16xi32>
        %gather3A_875 = tpu.vector_load_idx %arg5[%add3A_874] masked %or3A_870 : memref<16640xi32, #tpu.memory_space<vmem>>[vector<16xi32>], vector<16xi32>, vector<16xi1>
        %shift_right_logical3A_876 = arith.constant 10 : i32
        %shift_right_logical3A_877 = vector.broadcast %shift_right_logical3A_876 : i32 to vector<16xi32>
        %shift_right_logical3A_878 = arith.shrui %gather3A_875, %shift_right_logical3A_877 : vector<16xi32>
        %and3A_879 = arith.constant 16320 : i32
        %and3A_880 = vector.broadcast %and3A_879 : i32 to vector<16xi32>
        %and3A_881 = arith.andi %shift_right_logical3A_878, %and3A_880 : vector<16xi32>
        %add3A_882 = arith.constant 48 : i32
        %add3A_883 = vector.broadcast %add3A_882 : i32 to vector<16xi32>
        %add3A_884 = arith.addi %iota3A, %add3A_883 : vector<16xi32>
        %add3A_885 = arith.addi %and3A_881, %add3A_884 : vector<16xi32>
        tpu.vector_store_idx %arg10[%scan3A_812], %broadcast_in_dim3A_4 {add = true} : memref<16384xi32, #tpu.memory_space<vmem>>[vector<16xi32>], vector<16xi32>,
        tpu.vector_store_idx %arg10[%scan3A_813], %broadcast_in_dim3A_4 {add = true} : memref<16384xi32, #tpu.memory_space<vmem>>[vector<16xi32>], vector<16xi32>,
        tpu.vector_store_idx %arg10[%scan3A_814], %broadcast_in_dim3A_4 {add = true} : memref<16384xi32, #tpu.memory_space<vmem>>[vector<16xi32>], vector<16xi32>,
        %lt3A_886 = arith.constant 15 : i32
        %lt3A_887 = vector.broadcast %lt3A_886 : i32 to vector<16xi32>
        %lt3A_888 = arith.cmpi slt, %iota3A, %lt3A_887 : vector<16xi32>
        %lt3A_889 = arith.constant 197 : i32
        %lt3A_890 = arith.cmpi slt, %scan3A_811, %lt3A_889 : i32
        %or3A_891 = vector.broadcast %lt3A_890 : i1 to vector<16xi1>
        %or3A_892 = arith.ori %lt3A_888, %or3A_891 : vector<16xi1>
        tpu.vector_store_idx %arg10[%scan3A_815], %broadcast_in_dim3A_4 masked %or3A_892 {add = true} : memref<16384xi32, #tpu.memory_space<vmem>>[vector<16xi32>], vector<16xi32>, vector<16xi1>
        scf.yield %add3A_833, %add3A_848, %add3A_863, %add3A_885 : vector<16xi32>, vector<16xi32>, vector<16xi32>, vector<16xi32>
      }
      %scan3A_526 = arith.constant 261 : i32
      %scan3A_527 = arith.constant 0 : i32
      %scan3A_528 = arith.constant 0 : i32
      %scan3A_529 = arith.constant 256 : i32
      %scan3A_530 = arith.addi %scan3A_528, %scan3A_529 : i32
      %scan3A_531 = arith.constant 1 : i32
      scf.for %scan3A_811 = %scan3A_528 to %scan3A_530 step %scan3A_531  : i32 {
        %mul3A_812 = arith.constant 4 : i32
        %mul3A_813 = arith.muli %mul3A_812, %scan3A_811 : i32
        %add3A_814 = arith.constant 0 : i32
        %add3A_815 = arith.addi %mul3A_813, %add3A_814 : i32
        %mul3A_816 = arith.constant 16 : i32
        %mul3A_817 = arith.muli %mul3A_816, %add3A_815 : i32
        %get3A = arith.index_cast %mul3A_817 : i32 to index
        %get3A_818 = tpu.vector_load %arg10[%get3A] {strides = array<i32>} : memref<16384xi32, #tpu.memory_space<vmem>>, vector<16xi32>,
        %mul3A_819 = arith.constant 4 : i32
        %mul3A_820 = arith.muli %mul3A_819, %scan3A_811 : i32
        %add3A_821 = arith.constant 1 : i32
        %add3A_822 = arith.addi %mul3A_820, %add3A_821 : i32
        %mul3A_823 = arith.constant 16 : i32
        %mul3A_824 = arith.muli %mul3A_823, %add3A_822 : i32
        %get3A_825 = arith.index_cast %mul3A_824 : i32 to index
        %get3A_826 = tpu.vector_load %arg10[%get3A_825] {strides = array<i32>} : memref<16384xi32, #tpu.memory_space<vmem>>, vector<16xi32>,
        %mul3A_827 = arith.constant 4 : i32
        %mul3A_828 = arith.muli %mul3A_827, %scan3A_811 : i32
        %add3A_829 = arith.constant 2 : i32
        %add3A_830 = arith.addi %mul3A_828, %add3A_829 : i32
        %mul3A_831 = arith.constant 16 : i32
        %mul3A_832 = arith.muli %mul3A_831, %add3A_830 : i32
        %get3A_833 = arith.index_cast %mul3A_832 : i32 to index
        %get3A_834 = tpu.vector_load %arg10[%get3A_833] {strides = array<i32>} : memref<16384xi32, #tpu.memory_space<vmem>>, vector<16xi32>,
        %mul3A_835 = arith.constant 4 : i32
        %mul3A_836 = arith.muli %mul3A_835, %scan3A_811 : i32
        %add3A_837 = arith.constant 3 : i32
        %add3A_838 = arith.addi %mul3A_836, %add3A_837 : i32
        %mul3A_839 = arith.constant 16 : i32
        %mul3A_840 = arith.muli %mul3A_839, %add3A_838 : i32
        %get3A_841 = arith.index_cast %mul3A_840 : i32 to index
        %get3A_842 = tpu.vector_load %arg10[%get3A_841] {strides = array<i32>} : memref<16384xi32, #tpu.memory_space<vmem>>, vector<16xi32>,
        %broadcast_in_dim3A_843 = arith.constant true
        %broadcast_in_dim3A_844 = vector.broadcast %broadcast_in_dim3A_843 : i1 to vector<16xi1>
        %masked_cumsum3A = tpu.scan <sum>, %get3A_818 masked %broadcast_in_dim3A_844 : vector<16xi32>, vector<16xi1> -> vector<16xi32>
        %broadcast_in_dim3A_845 = arith.constant true
        %broadcast_in_dim3A_846 = vector.broadcast %broadcast_in_dim3A_845 : i1 to vector<16xi1>
        %masked_cumsum3A_847 = tpu.scan <sum>, %get3A_826 masked %broadcast_in_dim3A_846 : vector<16xi32>, vector<16xi1> -> vector<16xi32>
        %broadcast_in_dim3A_848 = arith.constant true
        %broadcast_in_dim3A_849 = vector.broadcast %broadcast_in_dim3A_848 : i1 to vector<16xi1>
        %masked_cumsum3A_850 = tpu.scan <sum>, %get3A_834 masked %broadcast_in_dim3A_849 : vector<16xi32>, vector<16xi1> -> vector<16xi32>
        %broadcast_in_dim3A_851 = arith.constant true
        %broadcast_in_dim3A_852 = vector.broadcast %broadcast_in_dim3A_851 : i1 to vector<16xi1>
        %masked_cumsum3A_853 = tpu.scan <sum>, %get3A_842 masked %broadcast_in_dim3A_852 : vector<16xi32>, vector<16xi1> -> vector<16xi32>
        %mul3A_854 = arith.constant 4 : i32
        %mul3A_855 = arith.muli %mul3A_854, %scan3A_811 : i32
        %add3A_856 = arith.constant 0 : i32
        %add3A_857 = arith.addi %mul3A_855, %add3A_856 : i32
        %mul3A_858 = arith.constant 16 : i32
        %mul3A_859 = arith.muli %mul3A_858, %add3A_857 : i32
        %swap3A = arith.index_cast %mul3A_859 : i32 to index
        %swap3A_860 = tpu.vector_load %arg10[%swap3A] {strides = array<i32>} : memref<16384xi32, #tpu.memory_space<vmem>>, vector<16xi32>,
        tpu.vector_store %arg10[%swap3A], %masked_cumsum3A {strides = array<i32>} : memref<16384xi32, #tpu.memory_space<vmem>>, vector<16xi32>,
        %mul3A_861 = arith.constant 4 : i32
        %mul3A_862 = arith.muli %mul3A_861, %scan3A_811 : i32
        %add3A_863 = arith.constant 0 : i32
        %add3A_864 = arith.addi %mul3A_862, %add3A_863 : i32
        %broadcast_in_dim3A_865 = vector.broadcast %add3A_864 : i32 to vector<16xi32>
        tpu.vector_store_idx %arg12[%broadcast_in_dim3A_865], %masked_cumsum3A masked %eq3A_8 : memref<1024xi32, #tpu.memory_space<vmem>>[vector<16xi32>], vector<16xi32>, vector<16xi1>
        %mul3A_866 = arith.constant 4 : i32
        %mul3A_867 = arith.muli %mul3A_866, %scan3A_811 : i32
        %add3A_868 = arith.constant 1 : i32
        %add3A_869 = arith.addi %mul3A_867, %add3A_868 : i32
        %mul3A_870 = arith.constant 16 : i32
        %mul3A_871 = arith.muli %mul3A_870, %add3A_869 : i32
        %swap3A_872 = arith.index_cast %mul3A_871 : i32 to index
        %swap3A_873 = tpu.vector_load %arg10[%swap3A_872] {strides = array<i32>} : memref<16384xi32, #tpu.memory_space<vmem>>, vector<16xi32>,
        tpu.vector_store %arg10[%swap3A_872], %masked_cumsum3A_847 {strides = array<i32>} : memref<16384xi32, #tpu.memory_space<vmem>>, vector<16xi32>,
        %mul3A_874 = arith.constant 4 : i32
        %mul3A_875 = arith.muli %mul3A_874, %scan3A_811 : i32
        %add3A_876 = arith.constant 1 : i32
        %add3A_877 = arith.addi %mul3A_875, %add3A_876 : i32
        %broadcast_in_dim3A_878 = vector.broadcast %add3A_877 : i32 to vector<16xi32>
        tpu.vector_store_idx %arg12[%broadcast_in_dim3A_878], %masked_cumsum3A_847 masked %eq3A_8 : memref<1024xi32, #tpu.memory_space<vmem>>[vector<16xi32>], vector<16xi32>, vector<16xi1>
        %mul3A_879 = arith.constant 4 : i32
        %mul3A_880 = arith.muli %mul3A_879, %scan3A_811 : i32
        %add3A_881 = arith.constant 2 : i32
        %add3A_882 = arith.addi %mul3A_880, %add3A_881 : i32
        %mul3A_883 = arith.constant 16 : i32
        %mul3A_884 = arith.muli %mul3A_883, %add3A_882 : i32
        %swap3A_885 = arith.index_cast %mul3A_884 : i32 to index
        %swap3A_886 = tpu.vector_load %arg10[%swap3A_885] {strides = array<i32>} : memref<16384xi32, #tpu.memory_space<vmem>>, vector<16xi32>,
        tpu.vector_store %arg10[%swap3A_885], %masked_cumsum3A_850 {strides = array<i32>} : memref<16384xi32, #tpu.memory_space<vmem>>, vector<16xi32>,
        %mul3A_887 = arith.constant 4 : i32
        %mul3A_888 = arith.muli %mul3A_887, %scan3A_811 : i32
        %add3A_889 = arith.constant 2 : i32
        %add3A_890 = arith.addi %mul3A_888, %add3A_889 : i32
        %broadcast_in_dim3A_891 = vector.broadcast %add3A_890 : i32 to vector<16xi32>
        tpu.vector_store_idx %arg12[%broadcast_in_dim3A_891], %masked_cumsum3A_850 masked %eq3A_8 : memref<1024xi32, #tpu.memory_space<vmem>>[vector<16xi32>], vector<16xi32>, vector<16xi1>
        %mul3A_892 = arith.constant 4 : i32
        %mul3A_893 = arith.muli %mul3A_892, %scan3A_811 : i32
        %add3A_894 = arith.constant 3 : i32
        %add3A_895 = arith.addi %mul3A_893, %add3A_894 : i32
        %mul3A_896 = arith.constant 16 : i32
        %mul3A_897 = arith.muli %mul3A_896, %add3A_895 : i32
        %swap3A_898 = arith.index_cast %mul3A_897 : i32 to index
        %swap3A_899 = tpu.vector_load %arg10[%swap3A_898] {strides = array<i32>} : memref<16384xi32, #tpu.memory_space<vmem>>, vector<16xi32>,
        tpu.vector_store %arg10[%swap3A_898], %masked_cumsum3A_853 {strides = array<i32>} : memref<16384xi32, #tpu.memory_space<vmem>>, vector<16xi32>,
        %mul3A_900 = arith.constant 4 : i32
        %mul3A_901 = arith.muli %mul3A_900, %scan3A_811 : i32
        %add3A_902 = arith.constant 3 : i32
        %add3A_903 = arith.addi %mul3A_901, %add3A_902 : i32
        %broadcast_in_dim3A_904 = vector.broadcast %add3A_903 : i32 to vector<16xi32>
        tpu.vector_store_idx %arg12[%broadcast_in_dim3A_904], %masked_cumsum3A_853 masked %eq3A_8 : memref<1024xi32, #tpu.memory_space<vmem>>[vector<16xi32>], vector<16xi32>, vector<16xi1>
      }
      %scan3A_532 = arith.constant 256 : i32
      %scan3A_533 = arith.constant 0 : i32
      %scan3A_534 = arith.constant 0 : i32
      %scan3A_535 = arith.constant 64 : i32
      %scan3A_536 = arith.addi %scan3A_534, %scan3A_535 : i32
      %scan3A_537 = arith.constant 1 : i32
      %scan3A_538 = scf.for %scan3A_811 = %scan3A_534 to %scan3A_536 step %scan3A_537 iter_args(%scan3A_812 = %scan3A_533) -> (i32)  : i32 {
        %mul3A_813 = arith.constant 16 : i32
        %mul3A_814 = arith.muli %mul3A_813, %scan3A_811 : i32
        %get3A = arith.index_cast %mul3A_814 : i32 to index
        %get3A_815 = tpu.vector_load %arg12[%get3A] {strides = array<i32>} : memref<1024xi32, #tpu.memory_space<vmem>>, vector<16xi32>,
        %broadcast_in_dim3A_816 = arith.constant true
        %broadcast_in_dim3A_817 = vector.broadcast %broadcast_in_dim3A_816 : i1 to vector<16xi1>
        %masked_cumsum3A = tpu.scan <sum>, %get3A_815 masked %broadcast_in_dim3A_817 : vector<16xi32>, vector<16xi1> -> vector<16xi32>
        %add3A_818 = vector.broadcast %scan3A_812 : i32 to vector<16xi32>
        %add3A_819 = arith.addi %add3A_818, %masked_cumsum3A : vector<16xi32>
        %sub3A_820 = arith.subi %add3A_819, %get3A_815 : vector<16xi32>
        %mul3A_821 = arith.constant 16 : i32
        %mul3A_822 = arith.muli %mul3A_821, %scan3A_811 : i32
        %swap3A = arith.index_cast %mul3A_822 : i32 to index
        %swap3A_823 = tpu.vector_load %arg11[%swap3A] {strides = array<i32>} : memref<1040xi32, #tpu.memory_space<vmem>>, vector<16xi32>,
        tpu.vector_store %arg11[%swap3A], %sub3A_820 {strides = array<i32>} : memref<1040xi32, #tpu.memory_space<vmem>>, vector<16xi32>,
        %reduce_sum3A = arith.constant true
        %reduce_sum3A_824 = vector.broadcast %reduce_sum3A : i1 to vector<16xi1>
        %reduce_sum3A_825 = tpu.scan <sum>, %get3A_815 masked %reduce_sum3A_824 : vector<16xi32>, vector<16xi1> -> vector<16xi32>
        %reduce_sum3A_826 = vector.extract %reduce_sum3A_825[15] : i32 from vector<16xi32>
        %add3A_827 = arith.addi %scan3A_812, %reduce_sum3A_826 : i32
        scf.yield %add3A_827 : i32
      }
      %scan3A_539 = arith.constant 64 : i32
      %sub3A_540 = arith.constant 1 : i32
      %sub3A_541 = vector.broadcast %sub3A_540 : i32 to vector<16xi32>
      %sub3A_542 = arith.subi %iota3A, %sub3A_541 : vector<16xi32>
      %max3A_543 = arith.constant 0 : i32
      %max3A_544 = vector.broadcast %max3A_543 : i32 to vector<16xi32>
      %max3A_545 = arith.maxsi %sub3A_542, %max3A_544 : vector<16xi32>
      %scan3A_546 = arith.constant 0 : i32
      %scan3A_547 = arith.constant 0 : i32
      %scan3A_548 = arith.constant 256 : i32
      %scan3A_549 = arith.addi %scan3A_547, %scan3A_548 : i32
      %scan3A_550 = arith.constant 1 : i32
      scf.for %scan3A_811 = %scan3A_547 to %scan3A_549 step %scan3A_550  : i32 {
        %mul3A_812 = arith.constant 4 : i32
        %mul3A_813 = arith.muli %mul3A_812, %scan3A_811 : i32
        %get3A = arith.index_cast %mul3A_813 : i32 to index
        %get3A_814 = tpu.vector_load %arg11[%get3A] {strides = array<i32>} : memref<1040xi32, #tpu.memory_space<vmem>>, vector<16xi32>,
        %mul3A_815 = arith.constant 4 : i32
        %mul3A_816 = arith.muli %mul3A_815, %scan3A_811 : i32
        %add3A_817 = arith.constant 0 : i32
        %add3A_818 = arith.addi %mul3A_816, %add3A_817 : i32
        %mul3A_819 = arith.constant 16 : i32
        %mul3A_820 = arith.muli %mul3A_819, %add3A_818 : i32
        %add3A_821 = vector.broadcast %mul3A_820 : i32 to vector<16xi32>
        %add3A_822 = arith.addi %add3A_821, %max3A_545 : vector<16xi32>
        %gather3A_823 = tpu.vector_load_idx %arg10[%add3A_822] : memref<16384xi32, #tpu.memory_space<vmem>>[vector<16xi32>], vector<16xi32>,
        %mul3A_824 = arith.constant 4 : i32
        %mul3A_825 = arith.muli %mul3A_824, %scan3A_811 : i32
        %add3A_826 = arith.constant 1 : i32
        %add3A_827 = arith.addi %mul3A_825, %add3A_826 : i32
        %mul3A_828 = arith.constant 16 : i32
        %mul3A_829 = arith.muli %mul3A_828, %add3A_827 : i32
        %add3A_830 = vector.broadcast %mul3A_829 : i32 to vector<16xi32>
        %add3A_831 = arith.addi %add3A_830, %max3A_545 : vector<16xi32>
        %gather3A_832 = tpu.vector_load_idx %arg10[%add3A_831] : memref<16384xi32, #tpu.memory_space<vmem>>[vector<16xi32>], vector<16xi32>,
        %mul3A_833 = arith.constant 4 : i32
        %mul3A_834 = arith.muli %mul3A_833, %scan3A_811 : i32
        %add3A_835 = arith.constant 2 : i32
        %add3A_836 = arith.addi %mul3A_834, %add3A_835 : i32
        %mul3A_837 = arith.constant 16 : i32
        %mul3A_838 = arith.muli %mul3A_837, %add3A_836 : i32
        %add3A_839 = vector.broadcast %mul3A_838 : i32 to vector<16xi32>
        %add3A_840 = arith.addi %add3A_839, %max3A_545 : vector<16xi32>
        %gather3A_841 = tpu.vector_load_idx %arg10[%add3A_840] : memref<16384xi32, #tpu.memory_space<vmem>>[vector<16xi32>], vector<16xi32>,
        %mul3A_842 = arith.constant 4 : i32
        %mul3A_843 = arith.muli %mul3A_842, %scan3A_811 : i32
        %add3A_844 = arith.constant 3 : i32
        %add3A_845 = arith.addi %mul3A_843, %add3A_844 : i32
        %mul3A_846 = arith.constant 16 : i32
        %mul3A_847 = arith.muli %mul3A_846, %add3A_845 : i32
        %add3A_848 = vector.broadcast %mul3A_847 : i32 to vector<16xi32>
        %add3A_849 = arith.addi %add3A_848, %max3A_545 : vector<16xi32>
        %gather3A_850 = tpu.vector_load_idx %arg10[%add3A_849] : memref<16384xi32, #tpu.memory_space<vmem>>[vector<16xi32>], vector<16xi32>,
        %gt3A_851 = arith.constant 0 : i32
        %gt3A_852 = vector.broadcast %gt3A_851 : i32 to vector<16xi32>
        %gt3A_853 = arith.cmpi sgt, %iota3A, %gt3A_852 : vector<16xi32>
        %jit3A = arith.constant 0 : i32
        %broadcast_in_dim3A_854 = vector.broadcast %jit3A : i32 to vector<16xi32>
        %select_n3A = arith.select %gt3A_853, %gather3A_823, %broadcast_in_dim3A_854 : vector<16xi1>, vector<16xi32>
        %slice3A = vector.extract_strided_slice %get3A_814 {offsets = [0], sizes = [1], strides = [1]} : vector<16xi32> to vector<1xi32>
        %squeeze3A = vector.extract %slice3A[0] : i32 from vector<1xi32>
        %add3A_855 = vector.broadcast %squeeze3A : i32 to vector<16xi32>
        %add3A_856 = arith.addi %select_n3A, %add3A_855 : vector<16xi32>
        %mul3A_857 = arith.constant 4 : i32
        %mul3A_858 = arith.muli %mul3A_857, %scan3A_811 : i32
        %add3A_859 = arith.constant 0 : i32
        %add3A_860 = arith.addi %mul3A_858, %add3A_859 : i32
        %mul3A_861 = arith.constant 16 : i32
        %mul3A_862 = arith.muli %mul3A_861, %add3A_860 : i32
        %swap3A = arith.index_cast %mul3A_862 : i32 to index
        %swap3A_863 = tpu.vector_load %arg10[%swap3A] {strides = array<i32>} : memref<16384xi32, #tpu.memory_space<vmem>>, vector<16xi32>,
        tpu.vector_store %arg10[%swap3A], %add3A_856 {strides = array<i32>} : memref<16384xi32, #tpu.memory_space<vmem>>, vector<16xi32>,
        %gt3A_864 = arith.constant 0 : i32
        %gt3A_865 = vector.broadcast %gt3A_864 : i32 to vector<16xi32>
        %gt3A_866 = arith.cmpi sgt, %iota3A, %gt3A_865 : vector<16xi32>
        %jit3A_867 = arith.constant 0 : i32
        %broadcast_in_dim3A_868 = vector.broadcast %jit3A_867 : i32 to vector<16xi32>
        %select_n3A_869 = arith.select %gt3A_866, %gather3A_832, %broadcast_in_dim3A_868 : vector<16xi1>, vector<16xi32>
        %slice3A_870 = vector.extract_strided_slice %get3A_814 {offsets = [1], sizes = [1], strides = [1]} : vector<16xi32> to vector<1xi32>
        %squeeze3A_871 = vector.extract %slice3A_870[0] : i32 from vector<1xi32>
        %add3A_872 = vector.broadcast %squeeze3A_871 : i32 to vector<16xi32>
        %add3A_873 = arith.addi %select_n3A_869, %add3A_872 : vector<16xi32>
        %mul3A_874 = arith.constant 4 : i32
        %mul3A_875 = arith.muli %mul3A_874, %scan3A_811 : i32
        %add3A_876 = arith.constant 1 : i32
        %add3A_877 = arith.addi %mul3A_875, %add3A_876 : i32
        %mul3A_878 = arith.constant 16 : i32
        %mul3A_879 = arith.muli %mul3A_878, %add3A_877 : i32
        %swap3A_880 = arith.index_cast %mul3A_879 : i32 to index
        %swap3A_881 = tpu.vector_load %arg10[%swap3A_880] {strides = array<i32>} : memref<16384xi32, #tpu.memory_space<vmem>>, vector<16xi32>,
        tpu.vector_store %arg10[%swap3A_880], %add3A_873 {strides = array<i32>} : memref<16384xi32, #tpu.memory_space<vmem>>, vector<16xi32>,
        %gt3A_882 = arith.constant 0 : i32
        %gt3A_883 = vector.broadcast %gt3A_882 : i32 to vector<16xi32>
        %gt3A_884 = arith.cmpi sgt, %iota3A, %gt3A_883 : vector<16xi32>
        %jit3A_885 = arith.constant 0 : i32
        %broadcast_in_dim3A_886 = vector.broadcast %jit3A_885 : i32 to vector<16xi32>
        %select_n3A_887 = arith.select %gt3A_884, %gather3A_841, %broadcast_in_dim3A_886 : vector<16xi1>, vector<16xi32>
        %slice3A_888 = vector.extract_strided_slice %get3A_814 {offsets = [2], sizes = [1], strides = [1]} : vector<16xi32> to vector<1xi32>
        %squeeze3A_889 = vector.extract %slice3A_888[0] : i32 from vector<1xi32>
        %add3A_890 = vector.broadcast %squeeze3A_889 : i32 to vector<16xi32>
        %add3A_891 = arith.addi %select_n3A_887, %add3A_890 : vector<16xi32>
        %mul3A_892 = arith.constant 4 : i32
        %mul3A_893 = arith.muli %mul3A_892, %scan3A_811 : i32
        %add3A_894 = arith.constant 2 : i32
        %add3A_895 = arith.addi %mul3A_893, %add3A_894 : i32
        %mul3A_896 = arith.constant 16 : i32
        %mul3A_897 = arith.muli %mul3A_896, %add3A_895 : i32
        %swap3A_898 = arith.index_cast %mul3A_897 : i32 to index
        %swap3A_899 = tpu.vector_load %arg10[%swap3A_898] {strides = array<i32>} : memref<16384xi32, #tpu.memory_space<vmem>>, vector<16xi32>,
        tpu.vector_store %arg10[%swap3A_898], %add3A_891 {strides = array<i32>} : memref<16384xi32, #tpu.memory_space<vmem>>, vector<16xi32>,
        %gt3A_900 = arith.constant 0 : i32
        %gt3A_901 = vector.broadcast %gt3A_900 : i32 to vector<16xi32>
        %gt3A_902 = arith.cmpi sgt, %iota3A, %gt3A_901 : vector<16xi32>
        %jit3A_903 = arith.constant 0 : i32
        %broadcast_in_dim3A_904 = vector.broadcast %jit3A_903 : i32 to vector<16xi32>
        %select_n3A_905 = arith.select %gt3A_902, %gather3A_850, %broadcast_in_dim3A_904 : vector<16xi1>, vector<16xi32>
        %slice3A_906 = vector.extract_strided_slice %get3A_814 {offsets = [3], sizes = [1], strides = [1]} : vector<16xi32> to vector<1xi32>
        %squeeze3A_907 = vector.extract %slice3A_906[0] : i32 from vector<1xi32>
        %add3A_908 = vector.broadcast %squeeze3A_907 : i32 to vector<16xi32>
        %add3A_909 = arith.addi %select_n3A_905, %add3A_908 : vector<16xi32>
        %mul3A_910 = arith.constant 4 : i32
        %mul3A_911 = arith.muli %mul3A_910, %scan3A_811 : i32
        %add3A_912 = arith.constant 3 : i32
        %add3A_913 = arith.addi %mul3A_911, %add3A_912 : i32
        %mul3A_914 = arith.constant 16 : i32
        %mul3A_915 = arith.muli %mul3A_914, %add3A_913 : i32
        %swap3A_916 = arith.index_cast %mul3A_915 : i32 to index
        %swap3A_917 = tpu.vector_load %arg10[%swap3A_916] {strides = array<i32>} : memref<16384xi32, #tpu.memory_space<vmem>>, vector<16xi32>,
        tpu.vector_store %arg10[%swap3A_916], %add3A_909 {strides = array<i32>} : memref<16384xi32, #tpu.memory_space<vmem>>, vector<16xi32>,
      }
      %scan3A_551 = arith.constant 256 : i32
      %add3A_552 = arith.constant 0 : i32
      %add3A_553 = vector.broadcast %add3A_552 : i32 to vector<16xi32>
      %add3A_554 = arith.addi %mul3A_3, %add3A_553 : vector<16xi32>
      %add3A_555 = arith.constant 4176 : i32
      %add3A_556 = vector.broadcast %add3A_555 : i32 to vector<16xi32>
      %add3A_557 = arith.addi %mul3A_3, %add3A_556 : vector<16xi32>
      %add3A_558 = arith.constant 8352 : i32
      %add3A_559 = vector.broadcast %add3A_558 : i32 to vector<16xi32>
      %add3A_560 = arith.addi %mul3A_3, %add3A_559 : vector<16xi32>
      %add3A_561 = arith.constant 12528 : i32
      %add3A_562 = vector.broadcast %add3A_561 : i32 to vector<16xi32>
      %add3A_563 = arith.addi %mul3A_3, %add3A_562 : vector<16xi32>
      %lt3A_564 = arith.constant 15 : i32
      %lt3A_565 = vector.broadcast %lt3A_564 : i32 to vector<16xi32>
      %lt3A_566 = arith.cmpi slt, %iota3A, %lt3A_565 : vector<16xi32>
      %or3A_567 = arith.constant true
      %or3A_568 = vector.broadcast %or3A_567 : i1 to vector<16xi1>
      %or3A_569 = arith.ori %lt3A_566, %or3A_568 : vector<16xi1>
      %gather3A_570 = tpu.vector_load_idx %arg5[%add3A_554] : memref<16640xi32, #tpu.memory_space<vmem>>[vector<16xi32>], vector<16xi32>,
      %gather3A_571 = tpu.vector_load_idx %arg5[%add3A_557] : memref<16640xi32, #tpu.memory_space<vmem>>[vector<16xi32>], vector<16xi32>,
      %gather3A_572 = tpu.vector_load_idx %arg5[%add3A_560] : memref<16640xi32, #tpu.memory_space<vmem>>[vector<16xi32>], vector<16xi32>,
      %gather3A_573 = tpu.vector_load_idx %arg5[%add3A_563] masked %or3A_569 : memref<16640xi32, #tpu.memory_space<vmem>>[vector<16xi32>], vector<16xi32>, vector<16xi1>
      %gather3A_574 = tpu.vector_load_idx %arg7[%add3A_554] : memref<16640xi32, #tpu.memory_space<vmem>>[vector<16xi32>], vector<16xi32>,
      %gather3A_575 = tpu.vector_load_idx %arg7[%add3A_557] : memref<16640xi32, #tpu.memory_space<vmem>>[vector<16xi32>], vector<16xi32>,
      %gather3A_576 = tpu.vector_load_idx %arg7[%add3A_560] : memref<16640xi32, #tpu.memory_space<vmem>>[vector<16xi32>], vector<16xi32>,
      %gather3A_577 = tpu.vector_load_idx %arg7[%add3A_563] masked %or3A_569 : memref<16640xi32, #tpu.memory_space<vmem>>[vector<16xi32>], vector<16xi32>, vector<16xi1>
      %shift_right_logical3A_578 = arith.constant 10 : i32
      %shift_right_logical3A_579 = vector.broadcast %shift_right_logical3A_578 : i32 to vector<16xi32>
      %shift_right_logical3A_580 = arith.shrui %gather3A_570, %shift_right_logical3A_579 : vector<16xi32>
      %and3A_581 = arith.constant 16320 : i32
      %and3A_582 = vector.broadcast %and3A_581 : i32 to vector<16xi32>
      %and3A_583 = arith.andi %shift_right_logical3A_580, %and3A_582 : vector<16xi32>
      %add3A_584 = arith.constant 0 : i32
      %add3A_585 = vector.broadcast %add3A_584 : i32 to vector<16xi32>
      %add3A_586 = arith.addi %iota3A, %add3A_585 : vector<16xi32>
      %add3A_587 = arith.addi %and3A_583, %add3A_586 : vector<16xi32>
      %shift_right_logical3A_588 = arith.constant 10 : i32
      %shift_right_logical3A_589 = vector.broadcast %shift_right_logical3A_588 : i32 to vector<16xi32>
      %shift_right_logical3A_590 = arith.shrui %gather3A_571, %shift_right_logical3A_589 : vector<16xi32>
      %and3A_591 = arith.constant 16320 : i32
      %and3A_592 = vector.broadcast %and3A_591 : i32 to vector<16xi32>
      %and3A_593 = arith.andi %shift_right_logical3A_590, %and3A_592 : vector<16xi32>
      %add3A_594 = arith.constant 16 : i32
      %add3A_595 = vector.broadcast %add3A_594 : i32 to vector<16xi32>
      %add3A_596 = arith.addi %iota3A, %add3A_595 : vector<16xi32>
      %add3A_597 = arith.addi %and3A_593, %add3A_596 : vector<16xi32>
      %shift_right_logical3A_598 = arith.constant 10 : i32
      %shift_right_logical3A_599 = vector.broadcast %shift_right_logical3A_598 : i32 to vector<16xi32>
      %shift_right_logical3A_600 = arith.shrui %gather3A_572, %shift_right_logical3A_599 : vector<16xi32>
      %and3A_601 = arith.constant 16320 : i32
      %and3A_602 = vector.broadcast %and3A_601 : i32 to vector<16xi32>
      %and3A_603 = arith.andi %shift_right_logical3A_600, %and3A_602 : vector<16xi32>
      %add3A_604 = arith.constant 32 : i32
      %add3A_605 = vector.broadcast %add3A_604 : i32 to vector<16xi32>
      %add3A_606 = arith.addi %iota3A, %add3A_605 : vector<16xi32>
      %add3A_607 = arith.addi %and3A_603, %add3A_606 : vector<16xi32>
      %shift_right_logical3A_608 = arith.constant 10 : i32
      %shift_right_logical3A_609 = vector.broadcast %shift_right_logical3A_608 : i32 to vector<16xi32>
      %shift_right_logical3A_610 = arith.shrui %gather3A_573, %shift_right_logical3A_609 : vector<16xi32>
      %and3A_611 = arith.constant 16320 : i32
      %and3A_612 = vector.broadcast %and3A_611 : i32 to vector<16xi32>
      %and3A_613 = arith.andi %shift_right_logical3A_610, %and3A_612 : vector<16xi32>
      %add3A_614 = arith.constant 48 : i32
      %add3A_615 = vector.broadcast %add3A_614 : i32 to vector<16xi32>
      %add3A_616 = arith.addi %iota3A, %add3A_615 : vector<16xi32>
      %add3A_617 = arith.addi %and3A_613, %add3A_616 : vector<16xi32>
      %scan3A_618 = arith.constant 0 : i32
      %scan3A_619 = arith.constant 261 : i32
      %scan3A_620 = arith.addi %scan3A_618, %scan3A_619 : i32
      %scan3A_621 = arith.constant 1 : i32
      %scan3A_622:16 = scf.for %scan3A_811 = %scan3A_618 to %scan3A_620 step %scan3A_621 iter_args(%scan3A_812 = %gather3A_570, %scan3A_813 = %gather3A_571, %scan3A_814 = %gather3A_572, %scan3A_815 = %gather3A_573, %scan3A_816 = %gather3A_574, %scan3A_817 = %gather3A_575, %scan3A_818 = %gather3A_576, %scan3A_819 = %gather3A_577, %scan3A_820 = %add3A_587, %scan3A_821 = %add3A_597, %scan3A_822 = %add3A_607, %scan3A_823 = %add3A_617, %scan3A_824 = %gather3A_570, %scan3A_825 = %gather3A_571, %scan3A_826 = %gather3A_572, %scan3A_827 = %gather3A_573) -> (vector<16xi32>, vector<16xi32>, vector<16xi32>, vector<16xi32>, vector<16xi32>, vector<16xi32>, vector<16xi32>, vector<16xi32>, vector<16xi32>, vector<16xi32>, vector<16xi32>, vector<16xi32>, vector<16xi32>, vector<16xi32>, vector<16xi32>, vector<16xi32>)  : i32 {
        %add3A_828 = arith.constant 1 : i32
        %add3A_829 = arith.addi %scan3A_811, %add3A_828 : i32
        %min3A = arith.constant 260 : i32
        %min3A_830 = arith.minsi %add3A_829, %min3A : i32
        %add3A_831 = arith.constant 0 : i32
        %add3A_832 = arith.addi %min3A_830, %add3A_831 : i32
        %add3A_833 = vector.broadcast %add3A_832 : i32 to vector<16xi32>
        %add3A_834 = arith.addi %mul3A_3, %add3A_833 : vector<16xi32>
        %add3A_835 = arith.constant 4176 : i32
        %add3A_836 = arith.addi %min3A_830, %add3A_835 : i32
        %add3A_837 = vector.broadcast %add3A_836 : i32 to vector<16xi32>
        %add3A_838 = arith.addi %mul3A_3, %add3A_837 : vector<16xi32>
        %add3A_839 = arith.constant 8352 : i32
        %add3A_840 = arith.addi %min3A_830, %add3A_839 : i32
        %add3A_841 = vector.broadcast %add3A_840 : i32 to vector<16xi32>
        %add3A_842 = arith.addi %mul3A_3, %add3A_841 : vector<16xi32>
        %add3A_843 = arith.constant 12528 : i32
        %add3A_844 = arith.addi %min3A_830, %add3A_843 : i32
        %add3A_845 = vector.broadcast %add3A_844 : i32 to vector<16xi32>
        %add3A_846 = arith.addi %mul3A_3, %add3A_845 : vector<16xi32>
        %lt3A_847 = arith.constant 15 : i32
        %lt3A_848 = vector.broadcast %lt3A_847 : i32 to vector<16xi32>
        %lt3A_849 = arith.cmpi slt, %iota3A, %lt3A_848 : vector<16xi32>
        %lt3A_850 = arith.constant 197 : i32
        %lt3A_851 = arith.cmpi slt, %min3A_830, %lt3A_850 : i32
        %or3A_852 = vector.broadcast %lt3A_851 : i1 to vector<16xi1>
        %or3A_853 = arith.ori %lt3A_849, %or3A_852 : vector<16xi1>
        %gather3A_854 = tpu.vector_load_idx %arg5[%add3A_834] : memref<16640xi32, #tpu.memory_space<vmem>>[vector<16xi32>], vector<16xi32>,
        %gather3A_855 = tpu.vector_load_idx %arg5[%add3A_838] : memref<16640xi32, #tpu.memory_space<vmem>>[vector<16xi32>], vector<16xi32>,
        %gather3A_856 = tpu.vector_load_idx %arg5[%add3A_842] : memref<16640xi32, #tpu.memory_space<vmem>>[vector<16xi32>], vector<16xi32>,
        %gather3A_857 = tpu.vector_load_idx %arg5[%add3A_846] masked %or3A_853 : memref<16640xi32, #tpu.memory_space<vmem>>[vector<16xi32>], vector<16xi32>, vector<16xi1>
        %gather3A_858 = tpu.vector_load_idx %arg7[%add3A_834] : memref<16640xi32, #tpu.memory_space<vmem>>[vector<16xi32>], vector<16xi32>,
        %gather3A_859 = tpu.vector_load_idx %arg7[%add3A_838] : memref<16640xi32, #tpu.memory_space<vmem>>[vector<16xi32>], vector<16xi32>,
        %gather3A_860 = tpu.vector_load_idx %arg7[%add3A_842] : memref<16640xi32, #tpu.memory_space<vmem>>[vector<16xi32>], vector<16xi32>,
        %gather3A_861 = tpu.vector_load_idx %arg7[%add3A_846] masked %or3A_853 : memref<16640xi32, #tpu.memory_space<vmem>>[vector<16xi32>], vector<16xi32>, vector<16xi1>
        %shift_right_logical3A_862 = arith.constant 10 : i32
        %shift_right_logical3A_863 = vector.broadcast %shift_right_logical3A_862 : i32 to vector<16xi32>
        %shift_right_logical3A_864 = arith.shrui %gather3A_854, %shift_right_logical3A_863 : vector<16xi32>
        %and3A_865 = arith.constant 16320 : i32
        %and3A_866 = vector.broadcast %and3A_865 : i32 to vector<16xi32>
        %and3A_867 = arith.andi %shift_right_logical3A_864, %and3A_866 : vector<16xi32>
        %add3A_868 = arith.constant 0 : i32
        %add3A_869 = vector.broadcast %add3A_868 : i32 to vector<16xi32>
        %add3A_870 = arith.addi %iota3A, %add3A_869 : vector<16xi32>
        %add3A_871 = arith.addi %and3A_867, %add3A_870 : vector<16xi32>
        %shift_right_logical3A_872 = arith.constant 10 : i32
        %shift_right_logical3A_873 = vector.broadcast %shift_right_logical3A_872 : i32 to vector<16xi32>
        %shift_right_logical3A_874 = arith.shrui %gather3A_855, %shift_right_logical3A_873 : vector<16xi32>
        %and3A_875 = arith.constant 16320 : i32
        %and3A_876 = vector.broadcast %and3A_875 : i32 to vector<16xi32>
        %and3A_877 = arith.andi %shift_right_logical3A_874, %and3A_876 : vector<16xi32>
        %add3A_878 = arith.constant 16 : i32
        %add3A_879 = vector.broadcast %add3A_878 : i32 to vector<16xi32>
        %add3A_880 = arith.addi %iota3A, %add3A_879 : vector<16xi32>
        %add3A_881 = arith.addi %and3A_877, %add3A_880 : vector<16xi32>
        %shift_right_logical3A_882 = arith.constant 10 : i32
        %shift_right_logical3A_883 = vector.broadcast %shift_right_logical3A_882 : i32 to vector<16xi32>
        %shift_right_logical3A_884 = arith.shrui %gather3A_856, %shift_right_logical3A_883 : vector<16xi32>
        %and3A_885 = arith.constant 16320 : i32
        %and3A_886 = vector.broadcast %and3A_885 : i32 to vector<16xi32>
        %and3A_887 = arith.andi %shift_right_logical3A_884, %and3A_886 : vector<16xi32>
        %add3A_888 = arith.constant 32 : i32
        %add3A_889 = vector.broadcast %add3A_888 : i32 to vector<16xi32>
        %add3A_890 = arith.addi %iota3A, %add3A_889 : vector<16xi32>
        %add3A_891 = arith.addi %and3A_887, %add3A_890 : vector<16xi32>
        %shift_right_logical3A_892 = arith.constant 10 : i32
        %shift_right_logical3A_893 = vector.broadcast %shift_right_logical3A_892 : i32 to vector<16xi32>
        %shift_right_logical3A_894 = arith.shrui %gather3A_857, %shift_right_logical3A_893 : vector<16xi32>
        %and3A_895 = arith.constant 16320 : i32
        %and3A_896 = vector.broadcast %and3A_895 : i32 to vector<16xi32>
        %and3A_897 = arith.andi %shift_right_logical3A_894, %and3A_896 : vector<16xi32>
        %add3A_898 = arith.constant 48 : i32
        %add3A_899 = vector.broadcast %add3A_898 : i32 to vector<16xi32>
        %add3A_900 = arith.addi %iota3A, %add3A_899 : vector<16xi32>
        %add3A_901 = arith.addi %and3A_897, %add3A_900 : vector<16xi32>
        %gather3A_902 = tpu.vector_load_idx %arg10[%scan3A_820] : memref<16384xi32, #tpu.memory_space<vmem>>[vector<16xi32>], vector<16xi32>,
        %gather3A_903 = tpu.vector_load_idx %arg10[%scan3A_821] : memref<16384xi32, #tpu.memory_space<vmem>>[vector<16xi32>], vector<16xi32>,
        %gather3A_904 = tpu.vector_load_idx %arg10[%scan3A_822] : memref<16384xi32, #tpu.memory_space<vmem>>[vector<16xi32>], vector<16xi32>,
        %gather3A_905 = tpu.vector_load_idx %arg10[%scan3A_823] : memref<16384xi32, #tpu.memory_space<vmem>>[vector<16xi32>], vector<16xi32>,
        %add3A_906 = arith.constant 1 : i32
        %add3A_907 = vector.broadcast %add3A_906 : i32 to vector<16xi32>
        %add3A_908 = arith.addi %gather3A_902, %add3A_907 : vector<16xi32>
        tpu.vector_store_idx %arg10[%scan3A_820], %add3A_908 : memref<16384xi32, #tpu.memory_space<vmem>>[vector<16xi32>], vector<16xi32>,
        tpu.vector_store_idx %arg6[%gather3A_902], %scan3A_812 : memref<16640xi32, #tpu.memory_space<vmem>>[vector<16xi32>], vector<16xi32>,
        tpu.vector_store_idx %arg8[%gather3A_902], %scan3A_816 : memref<16640xi32, #tpu.memory_space<vmem>>[vector<16xi32>], vector<16xi32>,
        %add3A_909 = arith.constant 1 : i32
        %add3A_910 = vector.broadcast %add3A_909 : i32 to vector<16xi32>
        %add3A_911 = arith.addi %gather3A_903, %add3A_910 : vector<16xi32>
        tpu.vector_store_idx %arg10[%scan3A_821], %add3A_911 : memref<16384xi32, #tpu.memory_space<vmem>>[vector<16xi32>], vector<16xi32>,
        tpu.vector_store_idx %arg6[%gather3A_903], %scan3A_813 : memref<16640xi32, #tpu.memory_space<vmem>>[vector<16xi32>], vector<16xi32>,
        tpu.vector_store_idx %arg8[%gather3A_903], %scan3A_817 : memref<16640xi32, #tpu.memory_space<vmem>>[vector<16xi32>], vector<16xi32>,
        %add3A_912 = arith.constant 1 : i32
        %add3A_913 = vector.broadcast %add3A_912 : i32 to vector<16xi32>
        %add3A_914 = arith.addi %gather3A_904, %add3A_913 : vector<16xi32>
        tpu.vector_store_idx %arg10[%scan3A_822], %add3A_914 : memref<16384xi32, #tpu.memory_space<vmem>>[vector<16xi32>], vector<16xi32>,
        tpu.vector_store_idx %arg6[%gather3A_904], %scan3A_814 : memref<16640xi32, #tpu.memory_space<vmem>>[vector<16xi32>], vector<16xi32>,
        tpu.vector_store_idx %arg8[%gather3A_904], %scan3A_818 : memref<16640xi32, #tpu.memory_space<vmem>>[vector<16xi32>], vector<16xi32>,
        %lt3A_915 = arith.constant 15 : i32
        %lt3A_916 = vector.broadcast %lt3A_915 : i32 to vector<16xi32>
        %lt3A_917 = arith.cmpi slt, %iota3A, %lt3A_916 : vector<16xi32>
        %lt3A_918 = arith.constant 197 : i32
        %lt3A_919 = arith.cmpi slt, %scan3A_811, %lt3A_918 : i32
        %or3A_920 = vector.broadcast %lt3A_919 : i1 to vector<16xi1>
        %or3A_921 = arith.ori %lt3A_917, %or3A_920 : vector<16xi1>
        %add3A_922 = arith.constant 1 : i32
        %add3A_923 = vector.broadcast %add3A_922 : i32 to vector<16xi32>
        %add3A_924 = arith.addi %gather3A_905, %add3A_923 : vector<16xi32>
        tpu.vector_store_idx %arg10[%scan3A_823], %add3A_924 masked %or3A_921 : memref<16384xi32, #tpu.memory_space<vmem>>[vector<16xi32>], vector<16xi32>, vector<16xi1>
        tpu.vector_store_idx %arg6[%gather3A_905], %scan3A_815 masked %or3A_921 : memref<16640xi32, #tpu.memory_space<vmem>>[vector<16xi32>], vector<16xi32>, vector<16xi1>
        tpu.vector_store_idx %arg8[%gather3A_905], %scan3A_819 masked %or3A_921 : memref<16640xi32, #tpu.memory_space<vmem>>[vector<16xi32>], vector<16xi32>, vector<16xi1>
        scf.yield %gather3A_854, %gather3A_855, %gather3A_856, %gather3A_857, %gather3A_858, %gather3A_859, %gather3A_860, %gather3A_861, %add3A_871, %add3A_881, %add3A_891, %add3A_901, %gather3A_854, %gather3A_855, %gather3A_856, %gather3A_857 : vector<16xi32>, vector<16xi32>, vector<16xi32>, vector<16xi32>, vector<16xi32>, vector<16xi32>, vector<16xi32>, vector<16xi32>, vector<16xi32>, vector<16xi32>, vector<16xi32>, vector<16xi32>, vector<16xi32>, vector<16xi32>, vector<16xi32>, vector<16xi32>
      }
      %scan3A_623 = arith.constant 261 : i32
      %scan3A_624 = arith.constant 0 : i32
      %scan3A_625 = arith.constant 0 : i32
      %scan3A_626 = arith.constant 256 : i32
      %scan3A_627 = arith.addi %scan3A_625, %scan3A_626 : i32
      %scan3A_628 = arith.constant 1 : i32
      scf.for %scan3A_811 = %scan3A_625 to %scan3A_627 step %scan3A_628  : i32 {
        %mul3A_812 = arith.constant 4 : i32
        %mul3A_813 = arith.muli %mul3A_812, %scan3A_811 : i32
        %add3A_814 = arith.constant 0 : i32
        %add3A_815 = arith.addi %mul3A_813, %add3A_814 : i32
        %mul3A_816 = arith.constant 16 : i32
        %mul3A_817 = arith.muli %mul3A_816, %add3A_815 : i32
        %swap3A = arith.index_cast %mul3A_817 : i32 to index
        %swap3A_818 = tpu.vector_load %arg10[%swap3A] {strides = array<i32>} : memref<16384xi32, #tpu.memory_space<vmem>>, vector<16xi32>,
        tpu.vector_store %arg10[%swap3A], %broadcast_in_dim3A_6 {strides = array<i32>} : memref<16384xi32, #tpu.memory_space<vmem>>, vector<16xi32>,
        %mul3A_819 = arith.constant 4 : i32
        %mul3A_820 = arith.muli %mul3A_819, %scan3A_811 : i32
        %add3A_821 = arith.constant 1 : i32
        %add3A_822 = arith.addi %mul3A_820, %add3A_821 : i32
        %mul3A_823 = arith.constant 16 : i32
        %mul3A_824 = arith.muli %mul3A_823, %add3A_822 : i32
        %swap3A_825 = arith.index_cast %mul3A_824 : i32 to index
        %swap3A_826 = tpu.vector_load %arg10[%swap3A_825] {strides = array<i32>} : memref<16384xi32, #tpu.memory_space<vmem>>, vector<16xi32>,
        tpu.vector_store %arg10[%swap3A_825], %broadcast_in_dim3A_6 {strides = array<i32>} : memref<16384xi32, #tpu.memory_space<vmem>>, vector<16xi32>,
        %mul3A_827 = arith.constant 4 : i32
        %mul3A_828 = arith.muli %mul3A_827, %scan3A_811 : i32
        %add3A_829 = arith.constant 2 : i32
        %add3A_830 = arith.addi %mul3A_828, %add3A_829 : i32
        %mul3A_831 = arith.constant 16 : i32
        %mul3A_832 = arith.muli %mul3A_831, %add3A_830 : i32
        %swap3A_833 = arith.index_cast %mul3A_832 : i32 to index
        %swap3A_834 = tpu.vector_load %arg10[%swap3A_833] {strides = array<i32>} : memref<16384xi32, #tpu.memory_space<vmem>>, vector<16xi32>,
        tpu.vector_store %arg10[%swap3A_833], %broadcast_in_dim3A_6 {strides = array<i32>} : memref<16384xi32, #tpu.memory_space<vmem>>, vector<16xi32>,
        %mul3A_835 = arith.constant 4 : i32
        %mul3A_836 = arith.muli %mul3A_835, %scan3A_811 : i32
        %add3A_837 = arith.constant 3 : i32
        %add3A_838 = arith.addi %mul3A_836, %add3A_837 : i32
        %mul3A_839 = arith.constant 16 : i32
        %mul3A_840 = arith.muli %mul3A_839, %add3A_838 : i32
        %swap3A_841 = arith.index_cast %mul3A_840 : i32 to index
        %swap3A_842 = tpu.vector_load %arg10[%swap3A_841] {strides = array<i32>} : memref<16384xi32, #tpu.memory_space<vmem>>, vector<16xi32>,
        tpu.vector_store %arg10[%swap3A_841], %broadcast_in_dim3A_6 {strides = array<i32>} : memref<16384xi32, #tpu.memory_space<vmem>>, vector<16xi32>,
      }
      %scan3A_629 = arith.constant 256 : i32
      %add3A_630 = arith.constant 0 : i32
      %add3A_631 = vector.broadcast %add3A_630 : i32 to vector<16xi32>
      %add3A_632 = arith.addi %mul3A_3, %add3A_631 : vector<16xi32>
      %gather3A_633 = tpu.vector_load_idx %arg6[%add3A_632] : memref<16640xi32, #tpu.memory_space<vmem>>[vector<16xi32>], vector<16xi32>,
      %shift_right_logical3A_634 = arith.constant 18 : i32
      %shift_right_logical3A_635 = vector.broadcast %shift_right_logical3A_634 : i32 to vector<16xi32>
      %shift_right_logical3A_636 = arith.shrui %gather3A_633, %shift_right_logical3A_635 : vector<16xi32>
      %and3A_637 = arith.constant 16320 : i32
      %and3A_638 = vector.broadcast %and3A_637 : i32 to vector<16xi32>
      %and3A_639 = arith.andi %shift_right_logical3A_636, %and3A_638 : vector<16xi32>
      %add3A_640 = arith.constant 0 : i32
      %add3A_641 = vector.broadcast %add3A_640 : i32 to vector<16xi32>
      %add3A_642 = arith.addi %iota3A, %add3A_641 : vector<16xi32>
      %add3A_643 = arith.addi %and3A_639, %add3A_642 : vector<16xi32>
      %add3A_644 = arith.constant 4176 : i32
      %add3A_645 = vector.broadcast %add3A_644 : i32 to vector<16xi32>
      %add3A_646 = arith.addi %mul3A_3, %add3A_645 : vector<16xi32>
      %gather3A_647 = tpu.vector_load_idx %arg6[%add3A_646] : memref<16640xi32, #tpu.memory_space<vmem>>[vector<16xi32>], vector<16xi32>,
      %shift_right_logical3A_648 = arith.constant 18 : i32
      %shift_right_logical3A_649 = vector.broadcast %shift_right_logical3A_648 : i32 to vector<16xi32>
      %shift_right_logical3A_650 = arith.shrui %gather3A_647, %shift_right_logical3A_649 : vector<16xi32>
      %and3A_651 = arith.constant 16320 : i32
      %and3A_652 = vector.broadcast %and3A_651 : i32 to vector<16xi32>
      %and3A_653 = arith.andi %shift_right_logical3A_650, %and3A_652 : vector<16xi32>
      %add3A_654 = arith.constant 16 : i32
      %add3A_655 = vector.broadcast %add3A_654 : i32 to vector<16xi32>
      %add3A_656 = arith.addi %iota3A, %add3A_655 : vector<16xi32>
      %add3A_657 = arith.addi %and3A_653, %add3A_656 : vector<16xi32>
      %add3A_658 = arith.constant 8352 : i32
      %add3A_659 = vector.broadcast %add3A_658 : i32 to vector<16xi32>
      %add3A_660 = arith.addi %mul3A_3, %add3A_659 : vector<16xi32>
      %gather3A_661 = tpu.vector_load_idx %arg6[%add3A_660] : memref<16640xi32, #tpu.memory_space<vmem>>[vector<16xi32>], vector<16xi32>,
      %shift_right_logical3A_662 = arith.constant 18 : i32
      %shift_right_logical3A_663 = vector.broadcast %shift_right_logical3A_662 : i32 to vector<16xi32>
      %shift_right_logical3A_664 = arith.shrui %gather3A_661, %shift_right_logical3A_663 : vector<16xi32>
      %and3A_665 = arith.constant 16320 : i32
      %and3A_666 = vector.broadcast %and3A_665 : i32 to vector<16xi32>
      %and3A_667 = arith.andi %shift_right_logical3A_664, %and3A_666 : vector<16xi32>
      %add3A_668 = arith.constant 32 : i32
      %add3A_669 = vector.broadcast %add3A_668 : i32 to vector<16xi32>
      %add3A_670 = arith.addi %iota3A, %add3A_669 : vector<16xi32>
      %add3A_671 = arith.addi %and3A_667, %add3A_670 : vector<16xi32>
      %lt3A_672 = arith.constant 15 : i32
      %lt3A_673 = vector.broadcast %lt3A_672 : i32 to vector<16xi32>
      %lt3A_674 = arith.cmpi slt, %iota3A, %lt3A_673 : vector<16xi32>
      %or3A_675 = arith.constant true
      %or3A_676 = vector.broadcast %or3A_675 : i1 to vector<16xi1>
      %or3A_677 = arith.ori %lt3A_674, %or3A_676 : vector<16xi1>
      %add3A_678 = arith.constant 12528 : i32
      %add3A_679 = vector.broadcast %add3A_678 : i32 to vector<16xi32>
      %add3A_680 = arith.addi %mul3A_3, %add3A_679 : vector<16xi32>
      %gather3A_681 = tpu.vector_load_idx %arg6[%add3A_680] masked %or3A_677 : memref<16640xi32, #tpu.memory_space<vmem>>[vector<16xi32>], vector<16xi32>, vector<16xi1>
      %shift_right_logical3A_682 = arith.constant 18 : i32
      %shift_right_logical3A_683 = vector.broadcast %shift_right_logical3A_682 : i32 to vector<16xi32>
      %shift_right_logical3A_684 = arith.shrui %gather3A_681, %shift_right_logical3A_683 : vector<16xi32>
      %and3A_685 = arith.constant 16320 : i32
      %and3A_686 = vector.broadcast %and3A_685 : i32 to vector<16xi32>
      %and3A_687 = arith.andi %shift_right_logical3A_684, %and3A_686 : vector<16xi32>
      %add3A_688 = arith.constant 48 : i32
      %add3A_689 = vector.broadcast %add3A_688 : i32 to vector<16xi32>
      %add3A_690 = arith.addi %iota3A, %add3A_689 : vector<16xi32>
      %add3A_691 = arith.addi %and3A_687, %add3A_690 : vector<16xi32>
      %scan3A_692 = arith.constant 0 : i32
      %scan3A_693 = arith.constant 261 : i32
      %scan3A_694 = arith.addi %scan3A_692, %scan3A_693 : i32
      %scan3A_695 = arith.constant 1 : i32
      %scan3A_696:4 = scf.for %scan3A_811 = %scan3A_692 to %scan3A_694 step %scan3A_695 iter_args(%scan3A_812 = %add3A_643, %scan3A_813 = %add3A_657, %scan3A_814 = %add3A_671, %scan3A_815 = %add3A_691) -> (vector<16xi32>, vector<16xi32>, vector<16xi32>, vector<16xi32>)  : i32 {
        %add3A_816 = arith.constant 1 : i32
        %add3A_817 = arith.addi %scan3A_811, %add3A_816 : i32
        %min3A = arith.constant 260 : i32
        %min3A_818 = arith.minsi %add3A_817, %min3A : i32
        %add3A_819 = arith.constant 0 : i32
        %add3A_820 = arith.addi %min3A_818, %add3A_819 : i32
        %add3A_821 = vector.broadcast %add3A_820 : i32 to vector<16xi32>
        %add3A_822 = arith.addi %mul3A_3, %add3A_821 : vector<16xi32>
        %gather3A_823 = tpu.vector_load_idx %arg6[%add3A_822] : memref<16640xi32, #tpu.memory_space<vmem>>[vector<16xi32>], vector<16xi32>,
        %shift_right_logical3A_824 = arith.constant 18 : i32
        %shift_right_logical3A_825 = vector.broadcast %shift_right_logical3A_824 : i32 to vector<16xi32>
        %shift_right_logical3A_826 = arith.shrui %gather3A_823, %shift_right_logical3A_825 : vector<16xi32>
        %and3A_827 = arith.constant 16320 : i32
        %and3A_828 = vector.broadcast %and3A_827 : i32 to vector<16xi32>
        %and3A_829 = arith.andi %shift_right_logical3A_826, %and3A_828 : vector<16xi32>
        %add3A_830 = arith.constant 0 : i32
        %add3A_831 = vector.broadcast %add3A_830 : i32 to vector<16xi32>
        %add3A_832 = arith.addi %iota3A, %add3A_831 : vector<16xi32>
        %add3A_833 = arith.addi %and3A_829, %add3A_832 : vector<16xi32>
        %add3A_834 = arith.constant 4176 : i32
        %add3A_835 = arith.addi %min3A_818, %add3A_834 : i32
        %add3A_836 = vector.broadcast %add3A_835 : i32 to vector<16xi32>
        %add3A_837 = arith.addi %mul3A_3, %add3A_836 : vector<16xi32>
        %gather3A_838 = tpu.vector_load_idx %arg6[%add3A_837] : memref<16640xi32, #tpu.memory_space<vmem>>[vector<16xi32>], vector<16xi32>,
        %shift_right_logical3A_839 = arith.constant 18 : i32
        %shift_right_logical3A_840 = vector.broadcast %shift_right_logical3A_839 : i32 to vector<16xi32>
        %shift_right_logical3A_841 = arith.shrui %gather3A_838, %shift_right_logical3A_840 : vector<16xi32>
        %and3A_842 = arith.constant 16320 : i32
        %and3A_843 = vector.broadcast %and3A_842 : i32 to vector<16xi32>
        %and3A_844 = arith.andi %shift_right_logical3A_841, %and3A_843 : vector<16xi32>
        %add3A_845 = arith.constant 16 : i32
        %add3A_846 = vector.broadcast %add3A_845 : i32 to vector<16xi32>
        %add3A_847 = arith.addi %iota3A, %add3A_846 : vector<16xi32>
        %add3A_848 = arith.addi %and3A_844, %add3A_847 : vector<16xi32>
        %add3A_849 = arith.constant 8352 : i32
        %add3A_850 = arith.addi %min3A_818, %add3A_849 : i32
        %add3A_851 = vector.broadcast %add3A_850 : i32 to vector<16xi32>
        %add3A_852 = arith.addi %mul3A_3, %add3A_851 : vector<16xi32>
        %gather3A_853 = tpu.vector_load_idx %arg6[%add3A_852] : memref<16640xi32, #tpu.memory_space<vmem>>[vector<16xi32>], vector<16xi32>,
        %shift_right_logical3A_854 = arith.constant 18 : i32
        %shift_right_logical3A_855 = vector.broadcast %shift_right_logical3A_854 : i32 to vector<16xi32>
        %shift_right_logical3A_856 = arith.shrui %gather3A_853, %shift_right_logical3A_855 : vector<16xi32>
        %and3A_857 = arith.constant 16320 : i32
        %and3A_858 = vector.broadcast %and3A_857 : i32 to vector<16xi32>
        %and3A_859 = arith.andi %shift_right_logical3A_856, %and3A_858 : vector<16xi32>
        %add3A_860 = arith.constant 32 : i32
        %add3A_861 = vector.broadcast %add3A_860 : i32 to vector<16xi32>
        %add3A_862 = arith.addi %iota3A, %add3A_861 : vector<16xi32>
        %add3A_863 = arith.addi %and3A_859, %add3A_862 : vector<16xi32>
        %lt3A_864 = arith.constant 15 : i32
        %lt3A_865 = vector.broadcast %lt3A_864 : i32 to vector<16xi32>
        %lt3A_866 = arith.cmpi slt, %iota3A, %lt3A_865 : vector<16xi32>
        %lt3A_867 = arith.constant 197 : i32
        %lt3A_868 = arith.cmpi slt, %min3A_818, %lt3A_867 : i32
        %or3A_869 = vector.broadcast %lt3A_868 : i1 to vector<16xi1>
        %or3A_870 = arith.ori %lt3A_866, %or3A_869 : vector<16xi1>
        %add3A_871 = arith.constant 12528 : i32
        %add3A_872 = arith.addi %min3A_818, %add3A_871 : i32
        %add3A_873 = vector.broadcast %add3A_872 : i32 to vector<16xi32>
        %add3A_874 = arith.addi %mul3A_3, %add3A_873 : vector<16xi32>
        %gather3A_875 = tpu.vector_load_idx %arg6[%add3A_874] masked %or3A_870 : memref<16640xi32, #tpu.memory_space<vmem>>[vector<16xi32>], vector<16xi32>, vector<16xi1>
        %shift_right_logical3A_876 = arith.constant 18 : i32
        %shift_right_logical3A_877 = vector.broadcast %shift_right_logical3A_876 : i32 to vector<16xi32>
        %shift_right_logical3A_878 = arith.shrui %gather3A_875, %shift_right_logical3A_877 : vector<16xi32>
        %and3A_879 = arith.constant 16320 : i32
        %and3A_880 = vector.broadcast %and3A_879 : i32 to vector<16xi32>
        %and3A_881 = arith.andi %shift_right_logical3A_878, %and3A_880 : vector<16xi32>
        %add3A_882 = arith.constant 48 : i32
        %add3A_883 = vector.broadcast %add3A_882 : i32 to vector<16xi32>
        %add3A_884 = arith.addi %iota3A, %add3A_883 : vector<16xi32>
        %add3A_885 = arith.addi %and3A_881, %add3A_884 : vector<16xi32>
        tpu.vector_store_idx %arg10[%scan3A_812], %broadcast_in_dim3A_4 {add = true} : memref<16384xi32, #tpu.memory_space<vmem>>[vector<16xi32>], vector<16xi32>,
        tpu.vector_store_idx %arg10[%scan3A_813], %broadcast_in_dim3A_4 {add = true} : memref<16384xi32, #tpu.memory_space<vmem>>[vector<16xi32>], vector<16xi32>,
        tpu.vector_store_idx %arg10[%scan3A_814], %broadcast_in_dim3A_4 {add = true} : memref<16384xi32, #tpu.memory_space<vmem>>[vector<16xi32>], vector<16xi32>,
        %lt3A_886 = arith.constant 15 : i32
        %lt3A_887 = vector.broadcast %lt3A_886 : i32 to vector<16xi32>
        %lt3A_888 = arith.cmpi slt, %iota3A, %lt3A_887 : vector<16xi32>
        %lt3A_889 = arith.constant 197 : i32
        %lt3A_890 = arith.cmpi slt, %scan3A_811, %lt3A_889 : i32
        %or3A_891 = vector.broadcast %lt3A_890 : i1 to vector<16xi1>
        %or3A_892 = arith.ori %lt3A_888, %or3A_891 : vector<16xi1>
        tpu.vector_store_idx %arg10[%scan3A_815], %broadcast_in_dim3A_4 masked %or3A_892 {add = true} : memref<16384xi32, #tpu.memory_space<vmem>>[vector<16xi32>], vector<16xi32>, vector<16xi1>
        scf.yield %add3A_833, %add3A_848, %add3A_863, %add3A_885 : vector<16xi32>, vector<16xi32>, vector<16xi32>, vector<16xi32>
      }
      %scan3A_697 = arith.constant 261 : i32
      %scan3A_698 = arith.constant 0 : i32
      %scan3A_699 = arith.constant 0 : i32
      %scan3A_700 = arith.constant 256 : i32
      %scan3A_701 = arith.addi %scan3A_699, %scan3A_700 : i32
      %scan3A_702 = arith.constant 1 : i32
      scf.for %scan3A_811 = %scan3A_699 to %scan3A_701 step %scan3A_702  : i32 {
        %mul3A_812 = arith.constant 4 : i32
        %mul3A_813 = arith.muli %mul3A_812, %scan3A_811 : i32
        %add3A_814 = arith.constant 0 : i32
        %add3A_815 = arith.addi %mul3A_813, %add3A_814 : i32
        %mul3A_816 = arith.constant 16 : i32
        %mul3A_817 = arith.muli %mul3A_816, %add3A_815 : i32
        %get3A = arith.index_cast %mul3A_817 : i32 to index
        %get3A_818 = tpu.vector_load %arg10[%get3A] {strides = array<i32>} : memref<16384xi32, #tpu.memory_space<vmem>>, vector<16xi32>,
        %mul3A_819 = arith.constant 4 : i32
        %mul3A_820 = arith.muli %mul3A_819, %scan3A_811 : i32
        %add3A_821 = arith.constant 1 : i32
        %add3A_822 = arith.addi %mul3A_820, %add3A_821 : i32
        %mul3A_823 = arith.constant 16 : i32
        %mul3A_824 = arith.muli %mul3A_823, %add3A_822 : i32
        %get3A_825 = arith.index_cast %mul3A_824 : i32 to index
        %get3A_826 = tpu.vector_load %arg10[%get3A_825] {strides = array<i32>} : memref<16384xi32, #tpu.memory_space<vmem>>, vector<16xi32>,
        %mul3A_827 = arith.constant 4 : i32
        %mul3A_828 = arith.muli %mul3A_827, %scan3A_811 : i32
        %add3A_829 = arith.constant 2 : i32
        %add3A_830 = arith.addi %mul3A_828, %add3A_829 : i32
        %mul3A_831 = arith.constant 16 : i32
        %mul3A_832 = arith.muli %mul3A_831, %add3A_830 : i32
        %get3A_833 = arith.index_cast %mul3A_832 : i32 to index
        %get3A_834 = tpu.vector_load %arg10[%get3A_833] {strides = array<i32>} : memref<16384xi32, #tpu.memory_space<vmem>>, vector<16xi32>,
        %mul3A_835 = arith.constant 4 : i32
        %mul3A_836 = arith.muli %mul3A_835, %scan3A_811 : i32
        %add3A_837 = arith.constant 3 : i32
        %add3A_838 = arith.addi %mul3A_836, %add3A_837 : i32
        %mul3A_839 = arith.constant 16 : i32
        %mul3A_840 = arith.muli %mul3A_839, %add3A_838 : i32
        %get3A_841 = arith.index_cast %mul3A_840 : i32 to index
        %get3A_842 = tpu.vector_load %arg10[%get3A_841] {strides = array<i32>} : memref<16384xi32, #tpu.memory_space<vmem>>, vector<16xi32>,
        %broadcast_in_dim3A_843 = arith.constant true
        %broadcast_in_dim3A_844 = vector.broadcast %broadcast_in_dim3A_843 : i1 to vector<16xi1>
        %masked_cumsum3A = tpu.scan <sum>, %get3A_818 masked %broadcast_in_dim3A_844 : vector<16xi32>, vector<16xi1> -> vector<16xi32>
        %broadcast_in_dim3A_845 = arith.constant true
        %broadcast_in_dim3A_846 = vector.broadcast %broadcast_in_dim3A_845 : i1 to vector<16xi1>
        %masked_cumsum3A_847 = tpu.scan <sum>, %get3A_826 masked %broadcast_in_dim3A_846 : vector<16xi32>, vector<16xi1> -> vector<16xi32>
        %broadcast_in_dim3A_848 = arith.constant true
        %broadcast_in_dim3A_849 = vector.broadcast %broadcast_in_dim3A_848 : i1 to vector<16xi1>
        %masked_cumsum3A_850 = tpu.scan <sum>, %get3A_834 masked %broadcast_in_dim3A_849 : vector<16xi32>, vector<16xi1> -> vector<16xi32>
        %broadcast_in_dim3A_851 = arith.constant true
        %broadcast_in_dim3A_852 = vector.broadcast %broadcast_in_dim3A_851 : i1 to vector<16xi1>
        %masked_cumsum3A_853 = tpu.scan <sum>, %get3A_842 masked %broadcast_in_dim3A_852 : vector<16xi32>, vector<16xi1> -> vector<16xi32>
        %mul3A_854 = arith.constant 4 : i32
        %mul3A_855 = arith.muli %mul3A_854, %scan3A_811 : i32
        %add3A_856 = arith.constant 0 : i32
        %add3A_857 = arith.addi %mul3A_855, %add3A_856 : i32
        %mul3A_858 = arith.constant 16 : i32
        %mul3A_859 = arith.muli %mul3A_858, %add3A_857 : i32
        %swap3A = arith.index_cast %mul3A_859 : i32 to index
        %swap3A_860 = tpu.vector_load %arg10[%swap3A] {strides = array<i32>} : memref<16384xi32, #tpu.memory_space<vmem>>, vector<16xi32>,
        tpu.vector_store %arg10[%swap3A], %masked_cumsum3A {strides = array<i32>} : memref<16384xi32, #tpu.memory_space<vmem>>, vector<16xi32>,
        %mul3A_861 = arith.constant 4 : i32
        %mul3A_862 = arith.muli %mul3A_861, %scan3A_811 : i32
        %add3A_863 = arith.constant 0 : i32
        %add3A_864 = arith.addi %mul3A_862, %add3A_863 : i32
        %broadcast_in_dim3A_865 = vector.broadcast %add3A_864 : i32 to vector<16xi32>
        tpu.vector_store_idx %arg12[%broadcast_in_dim3A_865], %masked_cumsum3A masked %eq3A_8 : memref<1024xi32, #tpu.memory_space<vmem>>[vector<16xi32>], vector<16xi32>, vector<16xi1>
        %mul3A_866 = arith.constant 4 : i32
        %mul3A_867 = arith.muli %mul3A_866, %scan3A_811 : i32
        %add3A_868 = arith.constant 1 : i32
        %add3A_869 = arith.addi %mul3A_867, %add3A_868 : i32
        %mul3A_870 = arith.constant 16 : i32
        %mul3A_871 = arith.muli %mul3A_870, %add3A_869 : i32
        %swap3A_872 = arith.index_cast %mul3A_871 : i32 to index
        %swap3A_873 = tpu.vector_load %arg10[%swap3A_872] {strides = array<i32>} : memref<16384xi32, #tpu.memory_space<vmem>>, vector<16xi32>,
        tpu.vector_store %arg10[%swap3A_872], %masked_cumsum3A_847 {strides = array<i32>} : memref<16384xi32, #tpu.memory_space<vmem>>, vector<16xi32>,
        %mul3A_874 = arith.constant 4 : i32
        %mul3A_875 = arith.muli %mul3A_874, %scan3A_811 : i32
        %add3A_876 = arith.constant 1 : i32
        %add3A_877 = arith.addi %mul3A_875, %add3A_876 : i32
        %broadcast_in_dim3A_878 = vector.broadcast %add3A_877 : i32 to vector<16xi32>
        tpu.vector_store_idx %arg12[%broadcast_in_dim3A_878], %masked_cumsum3A_847 masked %eq3A_8 : memref<1024xi32, #tpu.memory_space<vmem>>[vector<16xi32>], vector<16xi32>, vector<16xi1>
        %mul3A_879 = arith.constant 4 : i32
        %mul3A_880 = arith.muli %mul3A_879, %scan3A_811 : i32
        %add3A_881 = arith.constant 2 : i32
        %add3A_882 = arith.addi %mul3A_880, %add3A_881 : i32
        %mul3A_883 = arith.constant 16 : i32
        %mul3A_884 = arith.muli %mul3A_883, %add3A_882 : i32
        %swap3A_885 = arith.index_cast %mul3A_884 : i32 to index
        %swap3A_886 = tpu.vector_load %arg10[%swap3A_885] {strides = array<i32>} : memref<16384xi32, #tpu.memory_space<vmem>>, vector<16xi32>,
        tpu.vector_store %arg10[%swap3A_885], %masked_cumsum3A_850 {strides = array<i32>} : memref<16384xi32, #tpu.memory_space<vmem>>, vector<16xi32>,
        %mul3A_887 = arith.constant 4 : i32
        %mul3A_888 = arith.muli %mul3A_887, %scan3A_811 : i32
        %add3A_889 = arith.constant 2 : i32
        %add3A_890 = arith.addi %mul3A_888, %add3A_889 : i32
        %broadcast_in_dim3A_891 = vector.broadcast %add3A_890 : i32 to vector<16xi32>
        tpu.vector_store_idx %arg12[%broadcast_in_dim3A_891], %masked_cumsum3A_850 masked %eq3A_8 : memref<1024xi32, #tpu.memory_space<vmem>>[vector<16xi32>], vector<16xi32>, vector<16xi1>
        %mul3A_892 = arith.constant 4 : i32
        %mul3A_893 = arith.muli %mul3A_892, %scan3A_811 : i32
        %add3A_894 = arith.constant 3 : i32
        %add3A_895 = arith.addi %mul3A_893, %add3A_894 : i32
        %mul3A_896 = arith.constant 16 : i32
        %mul3A_897 = arith.muli %mul3A_896, %add3A_895 : i32
        %swap3A_898 = arith.index_cast %mul3A_897 : i32 to index
        %swap3A_899 = tpu.vector_load %arg10[%swap3A_898] {strides = array<i32>} : memref<16384xi32, #tpu.memory_space<vmem>>, vector<16xi32>,
        tpu.vector_store %arg10[%swap3A_898], %masked_cumsum3A_853 {strides = array<i32>} : memref<16384xi32, #tpu.memory_space<vmem>>, vector<16xi32>,
        %mul3A_900 = arith.constant 4 : i32
        %mul3A_901 = arith.muli %mul3A_900, %scan3A_811 : i32
        %add3A_902 = arith.constant 3 : i32
        %add3A_903 = arith.addi %mul3A_901, %add3A_902 : i32
        %broadcast_in_dim3A_904 = vector.broadcast %add3A_903 : i32 to vector<16xi32>
        tpu.vector_store_idx %arg12[%broadcast_in_dim3A_904], %masked_cumsum3A_853 masked %eq3A_8 : memref<1024xi32, #tpu.memory_space<vmem>>[vector<16xi32>], vector<16xi32>, vector<16xi1>
      }
      %scan3A_703 = arith.constant 256 : i32
      %scan3A_704 = arith.constant 0 : i32
      %scan3A_705 = arith.constant 0 : i32
      %scan3A_706 = arith.constant 64 : i32
      %scan3A_707 = arith.addi %scan3A_705, %scan3A_706 : i32
      %scan3A_708 = arith.constant 1 : i32
      %scan3A_709 = scf.for %scan3A_811 = %scan3A_705 to %scan3A_707 step %scan3A_708 iter_args(%scan3A_812 = %scan3A_704) -> (i32)  : i32 {
        %mul3A_813 = arith.constant 16 : i32
        %mul3A_814 = arith.muli %mul3A_813, %scan3A_811 : i32
        %get3A = arith.index_cast %mul3A_814 : i32 to index
        %get3A_815 = tpu.vector_load %arg12[%get3A] {strides = array<i32>} : memref<1024xi32, #tpu.memory_space<vmem>>, vector<16xi32>,
        %broadcast_in_dim3A_816 = arith.constant true
        %broadcast_in_dim3A_817 = vector.broadcast %broadcast_in_dim3A_816 : i1 to vector<16xi1>
        %masked_cumsum3A = tpu.scan <sum>, %get3A_815 masked %broadcast_in_dim3A_817 : vector<16xi32>, vector<16xi1> -> vector<16xi32>
        %add3A_818 = vector.broadcast %scan3A_812 : i32 to vector<16xi32>
        %add3A_819 = arith.addi %add3A_818, %masked_cumsum3A : vector<16xi32>
        %sub3A_820 = arith.subi %add3A_819, %get3A_815 : vector<16xi32>
        %mul3A_821 = arith.constant 16 : i32
        %mul3A_822 = arith.muli %mul3A_821, %scan3A_811 : i32
        %swap3A = arith.index_cast %mul3A_822 : i32 to index
        %swap3A_823 = tpu.vector_load %arg11[%swap3A] {strides = array<i32>} : memref<1040xi32, #tpu.memory_space<vmem>>, vector<16xi32>,
        tpu.vector_store %arg11[%swap3A], %sub3A_820 {strides = array<i32>} : memref<1040xi32, #tpu.memory_space<vmem>>, vector<16xi32>,
        %reduce_sum3A = arith.constant true
        %reduce_sum3A_824 = vector.broadcast %reduce_sum3A : i1 to vector<16xi1>
        %reduce_sum3A_825 = tpu.scan <sum>, %get3A_815 masked %reduce_sum3A_824 : vector<16xi32>, vector<16xi1> -> vector<16xi32>
        %reduce_sum3A_826 = vector.extract %reduce_sum3A_825[15] : i32 from vector<16xi32>
        %add3A_827 = arith.addi %scan3A_812, %reduce_sum3A_826 : i32
        scf.yield %add3A_827 : i32
      }
      %scan3A_710 = arith.constant 64 : i32
      %sub3A_711 = arith.constant 1 : i32
      %sub3A_712 = vector.broadcast %sub3A_711 : i32 to vector<16xi32>
      %sub3A_713 = arith.subi %iota3A, %sub3A_712 : vector<16xi32>
      %max3A_714 = arith.constant 0 : i32
      %max3A_715 = vector.broadcast %max3A_714 : i32 to vector<16xi32>
      %max3A_716 = arith.maxsi %sub3A_713, %max3A_715 : vector<16xi32>
      %scan3A_717 = arith.constant 0 : i32
      %scan3A_718 = arith.constant 0 : i32
      %scan3A_719 = arith.constant 256 : i32
      %scan3A_720 = arith.addi %scan3A_718, %scan3A_719 : i32
      %scan3A_721 = arith.constant 1 : i32
      scf.for %scan3A_811 = %scan3A_718 to %scan3A_720 step %scan3A_721  : i32 {
        %mul3A_812 = arith.constant 4 : i32
        %mul3A_813 = arith.muli %mul3A_812, %scan3A_811 : i32
        %get3A = arith.index_cast %mul3A_813 : i32 to index
        %get3A_814 = tpu.vector_load %arg11[%get3A] {strides = array<i32>} : memref<1040xi32, #tpu.memory_space<vmem>>, vector<16xi32>,
        %mul3A_815 = arith.constant 4 : i32
        %mul3A_816 = arith.muli %mul3A_815, %scan3A_811 : i32
        %add3A_817 = arith.constant 0 : i32
        %add3A_818 = arith.addi %mul3A_816, %add3A_817 : i32
        %mul3A_819 = arith.constant 16 : i32
        %mul3A_820 = arith.muli %mul3A_819, %add3A_818 : i32
        %add3A_821 = vector.broadcast %mul3A_820 : i32 to vector<16xi32>
        %add3A_822 = arith.addi %add3A_821, %max3A_716 : vector<16xi32>
        %gather3A_823 = tpu.vector_load_idx %arg10[%add3A_822] : memref<16384xi32, #tpu.memory_space<vmem>>[vector<16xi32>], vector<16xi32>,
        %mul3A_824 = arith.constant 4 : i32
        %mul3A_825 = arith.muli %mul3A_824, %scan3A_811 : i32
        %add3A_826 = arith.constant 1 : i32
        %add3A_827 = arith.addi %mul3A_825, %add3A_826 : i32
        %mul3A_828 = arith.constant 16 : i32
        %mul3A_829 = arith.muli %mul3A_828, %add3A_827 : i32
        %add3A_830 = vector.broadcast %mul3A_829 : i32 to vector<16xi32>
        %add3A_831 = arith.addi %add3A_830, %max3A_716 : vector<16xi32>
        %gather3A_832 = tpu.vector_load_idx %arg10[%add3A_831] : memref<16384xi32, #tpu.memory_space<vmem>>[vector<16xi32>], vector<16xi32>,
        %mul3A_833 = arith.constant 4 : i32
        %mul3A_834 = arith.muli %mul3A_833, %scan3A_811 : i32
        %add3A_835 = arith.constant 2 : i32
        %add3A_836 = arith.addi %mul3A_834, %add3A_835 : i32
        %mul3A_837 = arith.constant 16 : i32
        %mul3A_838 = arith.muli %mul3A_837, %add3A_836 : i32
        %add3A_839 = vector.broadcast %mul3A_838 : i32 to vector<16xi32>
        %add3A_840 = arith.addi %add3A_839, %max3A_716 : vector<16xi32>
        %gather3A_841 = tpu.vector_load_idx %arg10[%add3A_840] : memref<16384xi32, #tpu.memory_space<vmem>>[vector<16xi32>], vector<16xi32>,
        %mul3A_842 = arith.constant 4 : i32
        %mul3A_843 = arith.muli %mul3A_842, %scan3A_811 : i32
        %add3A_844 = arith.constant 3 : i32
        %add3A_845 = arith.addi %mul3A_843, %add3A_844 : i32
        %mul3A_846 = arith.constant 16 : i32
        %mul3A_847 = arith.muli %mul3A_846, %add3A_845 : i32
        %add3A_848 = vector.broadcast %mul3A_847 : i32 to vector<16xi32>
        %add3A_849 = arith.addi %add3A_848, %max3A_716 : vector<16xi32>
        %gather3A_850 = tpu.vector_load_idx %arg10[%add3A_849] : memref<16384xi32, #tpu.memory_space<vmem>>[vector<16xi32>], vector<16xi32>,
        %gt3A_851 = arith.constant 0 : i32
        %gt3A_852 = vector.broadcast %gt3A_851 : i32 to vector<16xi32>
        %gt3A_853 = arith.cmpi sgt, %iota3A, %gt3A_852 : vector<16xi32>
        %jit3A = arith.constant 0 : i32
        %broadcast_in_dim3A_854 = vector.broadcast %jit3A : i32 to vector<16xi32>
        %select_n3A = arith.select %gt3A_853, %gather3A_823, %broadcast_in_dim3A_854 : vector<16xi1>, vector<16xi32>
        %slice3A = vector.extract_strided_slice %get3A_814 {offsets = [0], sizes = [1], strides = [1]} : vector<16xi32> to vector<1xi32>
        %squeeze3A = vector.extract %slice3A[0] : i32 from vector<1xi32>
        %add3A_855 = vector.broadcast %squeeze3A : i32 to vector<16xi32>
        %add3A_856 = arith.addi %select_n3A, %add3A_855 : vector<16xi32>
        %mul3A_857 = arith.constant 4 : i32
        %mul3A_858 = arith.muli %mul3A_857, %scan3A_811 : i32
        %add3A_859 = arith.constant 0 : i32
        %add3A_860 = arith.addi %mul3A_858, %add3A_859 : i32
        %mul3A_861 = arith.constant 16 : i32
        %mul3A_862 = arith.muli %mul3A_861, %add3A_860 : i32
        %swap3A = arith.index_cast %mul3A_862 : i32 to index
        %swap3A_863 = tpu.vector_load %arg10[%swap3A] {strides = array<i32>} : memref<16384xi32, #tpu.memory_space<vmem>>, vector<16xi32>,
        tpu.vector_store %arg10[%swap3A], %add3A_856 {strides = array<i32>} : memref<16384xi32, #tpu.memory_space<vmem>>, vector<16xi32>,
        %gt3A_864 = arith.constant 0 : i32
        %gt3A_865 = vector.broadcast %gt3A_864 : i32 to vector<16xi32>
        %gt3A_866 = arith.cmpi sgt, %iota3A, %gt3A_865 : vector<16xi32>
        %jit3A_867 = arith.constant 0 : i32
        %broadcast_in_dim3A_868 = vector.broadcast %jit3A_867 : i32 to vector<16xi32>
        %select_n3A_869 = arith.select %gt3A_866, %gather3A_832, %broadcast_in_dim3A_868 : vector<16xi1>, vector<16xi32>
        %slice3A_870 = vector.extract_strided_slice %get3A_814 {offsets = [1], sizes = [1], strides = [1]} : vector<16xi32> to vector<1xi32>
        %squeeze3A_871 = vector.extract %slice3A_870[0] : i32 from vector<1xi32>
        %add3A_872 = vector.broadcast %squeeze3A_871 : i32 to vector<16xi32>
        %add3A_873 = arith.addi %select_n3A_869, %add3A_872 : vector<16xi32>
        %mul3A_874 = arith.constant 4 : i32
        %mul3A_875 = arith.muli %mul3A_874, %scan3A_811 : i32
        %add3A_876 = arith.constant 1 : i32
        %add3A_877 = arith.addi %mul3A_875, %add3A_876 : i32
        %mul3A_878 = arith.constant 16 : i32
        %mul3A_879 = arith.muli %mul3A_878, %add3A_877 : i32
        %swap3A_880 = arith.index_cast %mul3A_879 : i32 to index
        %swap3A_881 = tpu.vector_load %arg10[%swap3A_880] {strides = array<i32>} : memref<16384xi32, #tpu.memory_space<vmem>>, vector<16xi32>,
        tpu.vector_store %arg10[%swap3A_880], %add3A_873 {strides = array<i32>} : memref<16384xi32, #tpu.memory_space<vmem>>, vector<16xi32>,
        %gt3A_882 = arith.constant 0 : i32
        %gt3A_883 = vector.broadcast %gt3A_882 : i32 to vector<16xi32>
        %gt3A_884 = arith.cmpi sgt, %iota3A, %gt3A_883 : vector<16xi32>
        %jit3A_885 = arith.constant 0 : i32
        %broadcast_in_dim3A_886 = vector.broadcast %jit3A_885 : i32 to vector<16xi32>
        %select_n3A_887 = arith.select %gt3A_884, %gather3A_841, %broadcast_in_dim3A_886 : vector<16xi1>, vector<16xi32>
        %slice3A_888 = vector.extract_strided_slice %get3A_814 {offsets = [2], sizes = [1], strides = [1]} : vector<16xi32> to vector<1xi32>
        %squeeze3A_889 = vector.extract %slice3A_888[0] : i32 from vector<1xi32>
        %add3A_890 = vector.broadcast %squeeze3A_889 : i32 to vector<16xi32>
        %add3A_891 = arith.addi %select_n3A_887, %add3A_890 : vector<16xi32>
        %mul3A_892 = arith.constant 4 : i32
        %mul3A_893 = arith.muli %mul3A_892, %scan3A_811 : i32
        %add3A_894 = arith.constant 2 : i32
        %add3A_895 = arith.addi %mul3A_893, %add3A_894 : i32
        %mul3A_896 = arith.constant 16 : i32
        %mul3A_897 = arith.muli %mul3A_896, %add3A_895 : i32
        %swap3A_898 = arith.index_cast %mul3A_897 : i32 to index
        %swap3A_899 = tpu.vector_load %arg10[%swap3A_898] {strides = array<i32>} : memref<16384xi32, #tpu.memory_space<vmem>>, vector<16xi32>,
        tpu.vector_store %arg10[%swap3A_898], %add3A_891 {strides = array<i32>} : memref<16384xi32, #tpu.memory_space<vmem>>, vector<16xi32>,
        %gt3A_900 = arith.constant 0 : i32
        %gt3A_901 = vector.broadcast %gt3A_900 : i32 to vector<16xi32>
        %gt3A_902 = arith.cmpi sgt, %iota3A, %gt3A_901 : vector<16xi32>
        %jit3A_903 = arith.constant 0 : i32
        %broadcast_in_dim3A_904 = vector.broadcast %jit3A_903 : i32 to vector<16xi32>
        %select_n3A_905 = arith.select %gt3A_902, %gather3A_850, %broadcast_in_dim3A_904 : vector<16xi1>, vector<16xi32>
        %slice3A_906 = vector.extract_strided_slice %get3A_814 {offsets = [3], sizes = [1], strides = [1]} : vector<16xi32> to vector<1xi32>
        %squeeze3A_907 = vector.extract %slice3A_906[0] : i32 from vector<1xi32>
        %add3A_908 = vector.broadcast %squeeze3A_907 : i32 to vector<16xi32>
        %add3A_909 = arith.addi %select_n3A_905, %add3A_908 : vector<16xi32>
        %mul3A_910 = arith.constant 4 : i32
        %mul3A_911 = arith.muli %mul3A_910, %scan3A_811 : i32
        %add3A_912 = arith.constant 3 : i32
        %add3A_913 = arith.addi %mul3A_911, %add3A_912 : i32
        %mul3A_914 = arith.constant 16 : i32
        %mul3A_915 = arith.muli %mul3A_914, %add3A_913 : i32
        %swap3A_916 = arith.index_cast %mul3A_915 : i32 to index
        %swap3A_917 = tpu.vector_load %arg10[%swap3A_916] {strides = array<i32>} : memref<16384xi32, #tpu.memory_space<vmem>>, vector<16xi32>,
        tpu.vector_store %arg10[%swap3A_916], %add3A_909 {strides = array<i32>} : memref<16384xi32, #tpu.memory_space<vmem>>, vector<16xi32>,
      }
      %scan3A_722 = arith.constant 256 : i32
      %add3A_723 = arith.constant 0 : i32
      %add3A_724 = vector.broadcast %add3A_723 : i32 to vector<16xi32>
      %add3A_725 = arith.addi %mul3A_3, %add3A_724 : vector<16xi32>
      %add3A_726 = arith.constant 4176 : i32
      %add3A_727 = vector.broadcast %add3A_726 : i32 to vector<16xi32>
      %add3A_728 = arith.addi %mul3A_3, %add3A_727 : vector<16xi32>
      %add3A_729 = arith.constant 8352 : i32
      %add3A_730 = vector.broadcast %add3A_729 : i32 to vector<16xi32>
      %add3A_731 = arith.addi %mul3A_3, %add3A_730 : vector<16xi32>
      %add3A_732 = arith.constant 12528 : i32
      %add3A_733 = vector.broadcast %add3A_732 : i32 to vector<16xi32>
      %add3A_734 = arith.addi %mul3A_3, %add3A_733 : vector<16xi32>
      %lt3A_735 = arith.constant 15 : i32
      %lt3A_736 = vector.broadcast %lt3A_735 : i32 to vector<16xi32>
      %lt3A_737 = arith.cmpi slt, %iota3A, %lt3A_736 : vector<16xi32>
      %or3A_738 = arith.constant true
      %or3A_739 = vector.broadcast %or3A_738 : i1 to vector<16xi1>
      %or3A_740 = arith.ori %lt3A_737, %or3A_739 : vector<16xi1>
      %gather3A_741 = tpu.vector_load_idx %arg6[%add3A_725] : memref<16640xi32, #tpu.memory_space<vmem>>[vector<16xi32>], vector<16xi32>,
      %gather3A_742 = tpu.vector_load_idx %arg6[%add3A_728] : memref<16640xi32, #tpu.memory_space<vmem>>[vector<16xi32>], vector<16xi32>,
      %gather3A_743 = tpu.vector_load_idx %arg6[%add3A_731] : memref<16640xi32, #tpu.memory_space<vmem>>[vector<16xi32>], vector<16xi32>,
      %gather3A_744 = tpu.vector_load_idx %arg6[%add3A_734] masked %or3A_740 : memref<16640xi32, #tpu.memory_space<vmem>>[vector<16xi32>], vector<16xi32>, vector<16xi1>
      %gather3A_745 = tpu.vector_load_idx %arg8[%add3A_725] : memref<16640xi32, #tpu.memory_space<vmem>>[vector<16xi32>], vector<16xi32>,
      %gather3A_746 = tpu.vector_load_idx %arg8[%add3A_728] : memref<16640xi32, #tpu.memory_space<vmem>>[vector<16xi32>], vector<16xi32>,
      %gather3A_747 = tpu.vector_load_idx %arg8[%add3A_731] : memref<16640xi32, #tpu.memory_space<vmem>>[vector<16xi32>], vector<16xi32>,
      %gather3A_748 = tpu.vector_load_idx %arg8[%add3A_734] masked %or3A_740 : memref<16640xi32, #tpu.memory_space<vmem>>[vector<16xi32>], vector<16xi32>, vector<16xi1>
      %shift_right_logical3A_749 = arith.constant 18 : i32
      %shift_right_logical3A_750 = vector.broadcast %shift_right_logical3A_749 : i32 to vector<16xi32>
      %shift_right_logical3A_751 = arith.shrui %gather3A_741, %shift_right_logical3A_750 : vector<16xi32>
      %and3A_752 = arith.constant 16320 : i32
      %and3A_753 = vector.broadcast %and3A_752 : i32 to vector<16xi32>
      %and3A_754 = arith.andi %shift_right_logical3A_751, %and3A_753 : vector<16xi32>
      %add3A_755 = arith.constant 0 : i32
      %add3A_756 = vector.broadcast %add3A_755 : i32 to vector<16xi32>
      %add3A_757 = arith.addi %iota3A, %add3A_756 : vector<16xi32>
      %add3A_758 = arith.addi %and3A_754, %add3A_757 : vector<16xi32>
      %shift_right_logical3A_759 = arith.constant 18 : i32
      %shift_right_logical3A_760 = vector.broadcast %shift_right_logical3A_759 : i32 to vector<16xi32>
      %shift_right_logical3A_761 = arith.shrui %gather3A_742, %shift_right_logical3A_760 : vector<16xi32>
      %and3A_762 = arith.constant 16320 : i32
      %and3A_763 = vector.broadcast %and3A_762 : i32 to vector<16xi32>
      %and3A_764 = arith.andi %shift_right_logical3A_761, %and3A_763 : vector<16xi32>
      %add3A_765 = arith.constant 16 : i32
      %add3A_766 = vector.broadcast %add3A_765 : i32 to vector<16xi32>
      %add3A_767 = arith.addi %iota3A, %add3A_766 : vector<16xi32>
      %add3A_768 = arith.addi %and3A_764, %add3A_767 : vector<16xi32>
      %shift_right_logical3A_769 = arith.constant 18 : i32
      %shift_right_logical3A_770 = vector.broadcast %shift_right_logical3A_769 : i32 to vector<16xi32>
      %shift_right_logical3A_771 = arith.shrui %gather3A_743, %shift_right_logical3A_770 : vector<16xi32>
      %and3A_772 = arith.constant 16320 : i32
      %and3A_773 = vector.broadcast %and3A_772 : i32 to vector<16xi32>
      %and3A_774 = arith.andi %shift_right_logical3A_771, %and3A_773 : vector<16xi32>
      %add3A_775 = arith.constant 32 : i32
      %add3A_776 = vector.broadcast %add3A_775 : i32 to vector<16xi32>
      %add3A_777 = arith.addi %iota3A, %add3A_776 : vector<16xi32>
      %add3A_778 = arith.addi %and3A_774, %add3A_777 : vector<16xi32>
      %shift_right_logical3A_779 = arith.constant 18 : i32
      %shift_right_logical3A_780 = vector.broadcast %shift_right_logical3A_779 : i32 to vector<16xi32>
      %shift_right_logical3A_781 = arith.shrui %gather3A_744, %shift_right_logical3A_780 : vector<16xi32>
      %and3A_782 = arith.constant 16320 : i32
      %and3A_783 = vector.broadcast %and3A_782 : i32 to vector<16xi32>
      %and3A_784 = arith.andi %shift_right_logical3A_781, %and3A_783 : vector<16xi32>
      %add3A_785 = arith.constant 48 : i32
      %add3A_786 = vector.broadcast %add3A_785 : i32 to vector<16xi32>
      %add3A_787 = arith.addi %iota3A, %add3A_786 : vector<16xi32>
      %add3A_788 = arith.addi %and3A_784, %add3A_787 : vector<16xi32>
      %gather3A_789 = tpu.vector_load_idx %arg13[%gather3A_745] : memref<16640xi32, #tpu.memory_space<vmem>>[vector<16xi32>], vector<16xi32>,
      %gather3A_790 = tpu.vector_load_idx %arg13[%gather3A_746] : memref<16640xi32, #tpu.memory_space<vmem>>[vector<16xi32>], vector<16xi32>,
      %gather3A_791 = tpu.vector_load_idx %arg13[%gather3A_747] : memref<16640xi32, #tpu.memory_space<vmem>>[vector<16xi32>], vector<16xi32>,
      %gather3A_792 = tpu.vector_load_idx %arg13[%gather3A_748] masked %or3A_740 : memref<16640xi32, #tpu.memory_space<vmem>>[vector<16xi32>], vector<16xi32>, vector<16xi1>
      %scan3A_793 = arith.constant 0 : i32
      %scan3A_794 = arith.constant 261 : i32
      %scan3A_795 = arith.addi %scan3A_793, %scan3A_794 : i32
      %scan3A_796 = arith.constant 1 : i32
      %scan3A_797:16 = scf.for %scan3A_811 = %scan3A_793 to %scan3A_795 step %scan3A_796 iter_args(%scan3A_812 = %gather3A_741, %scan3A_813 = %gather3A_742, %scan3A_814 = %gather3A_743, %scan3A_815 = %gather3A_744, %scan3A_816 = %gather3A_745, %scan3A_817 = %gather3A_746, %scan3A_818 = %gather3A_747, %scan3A_819 = %gather3A_748, %scan3A_820 = %add3A_758, %scan3A_821 = %add3A_768, %scan3A_822 = %add3A_778, %scan3A_823 = %add3A_788, %scan3A_824 = %gather3A_789, %scan3A_825 = %gather3A_790, %scan3A_826 = %gather3A_791, %scan3A_827 = %gather3A_792) -> (vector<16xi32>, vector<16xi32>, vector<16xi32>, vector<16xi32>, vector<16xi32>, vector<16xi32>, vector<16xi32>, vector<16xi32>, vector<16xi32>, vector<16xi32>, vector<16xi32>, vector<16xi32>, vector<16xi32>, vector<16xi32>, vector<16xi32>, vector<16xi32>)  : i32 {
        %add3A_828 = arith.constant 1 : i32
        %add3A_829 = arith.addi %scan3A_811, %add3A_828 : i32
        %min3A = arith.constant 260 : i32
        %min3A_830 = arith.minsi %add3A_829, %min3A : i32
        %add3A_831 = arith.constant 0 : i32
        %add3A_832 = arith.addi %min3A_830, %add3A_831 : i32
        %add3A_833 = vector.broadcast %add3A_832 : i32 to vector<16xi32>
        %add3A_834 = arith.addi %mul3A_3, %add3A_833 : vector<16xi32>
        %add3A_835 = arith.constant 4176 : i32
        %add3A_836 = arith.addi %min3A_830, %add3A_835 : i32
        %add3A_837 = vector.broadcast %add3A_836 : i32 to vector<16xi32>
        %add3A_838 = arith.addi %mul3A_3, %add3A_837 : vector<16xi32>
        %add3A_839 = arith.constant 8352 : i32
        %add3A_840 = arith.addi %min3A_830, %add3A_839 : i32
        %add3A_841 = vector.broadcast %add3A_840 : i32 to vector<16xi32>
        %add3A_842 = arith.addi %mul3A_3, %add3A_841 : vector<16xi32>
        %add3A_843 = arith.constant 12528 : i32
        %add3A_844 = arith.addi %min3A_830, %add3A_843 : i32
        %add3A_845 = vector.broadcast %add3A_844 : i32 to vector<16xi32>
        %add3A_846 = arith.addi %mul3A_3, %add3A_845 : vector<16xi32>
        %lt3A_847 = arith.constant 15 : i32
        %lt3A_848 = vector.broadcast %lt3A_847 : i32 to vector<16xi32>
        %lt3A_849 = arith.cmpi slt, %iota3A, %lt3A_848 : vector<16xi32>
        %lt3A_850 = arith.constant 197 : i32
        %lt3A_851 = arith.cmpi slt, %min3A_830, %lt3A_850 : i32
        %or3A_852 = vector.broadcast %lt3A_851 : i1 to vector<16xi1>
        %or3A_853 = arith.ori %lt3A_849, %or3A_852 : vector<16xi1>
        %gather3A_854 = tpu.vector_load_idx %arg6[%add3A_834] : memref<16640xi32, #tpu.memory_space<vmem>>[vector<16xi32>], vector<16xi32>,
        %gather3A_855 = tpu.vector_load_idx %arg6[%add3A_838] : memref<16640xi32, #tpu.memory_space<vmem>>[vector<16xi32>], vector<16xi32>,
        %gather3A_856 = tpu.vector_load_idx %arg6[%add3A_842] : memref<16640xi32, #tpu.memory_space<vmem>>[vector<16xi32>], vector<16xi32>,
        %gather3A_857 = tpu.vector_load_idx %arg6[%add3A_846] masked %or3A_853 : memref<16640xi32, #tpu.memory_space<vmem>>[vector<16xi32>], vector<16xi32>, vector<16xi1>
        %gather3A_858 = tpu.vector_load_idx %arg8[%add3A_834] : memref<16640xi32, #tpu.memory_space<vmem>>[vector<16xi32>], vector<16xi32>,
        %gather3A_859 = tpu.vector_load_idx %arg8[%add3A_838] : memref<16640xi32, #tpu.memory_space<vmem>>[vector<16xi32>], vector<16xi32>,
        %gather3A_860 = tpu.vector_load_idx %arg8[%add3A_842] : memref<16640xi32, #tpu.memory_space<vmem>>[vector<16xi32>], vector<16xi32>,
        %gather3A_861 = tpu.vector_load_idx %arg8[%add3A_846] masked %or3A_853 : memref<16640xi32, #tpu.memory_space<vmem>>[vector<16xi32>], vector<16xi32>, vector<16xi1>
        %shift_right_logical3A_862 = arith.constant 18 : i32
        %shift_right_logical3A_863 = vector.broadcast %shift_right_logical3A_862 : i32 to vector<16xi32>
        %shift_right_logical3A_864 = arith.shrui %gather3A_854, %shift_right_logical3A_863 : vector<16xi32>
        %and3A_865 = arith.constant 16320 : i32
        %and3A_866 = vector.broadcast %and3A_865 : i32 to vector<16xi32>
        %and3A_867 = arith.andi %shift_right_logical3A_864, %and3A_866 : vector<16xi32>
        %add3A_868 = arith.constant 0 : i32
        %add3A_869 = vector.broadcast %add3A_868 : i32 to vector<16xi32>
        %add3A_870 = arith.addi %iota3A, %add3A_869 : vector<16xi32>
        %add3A_871 = arith.addi %and3A_867, %add3A_870 : vector<16xi32>
        %shift_right_logical3A_872 = arith.constant 18 : i32
        %shift_right_logical3A_873 = vector.broadcast %shift_right_logical3A_872 : i32 to vector<16xi32>
        %shift_right_logical3A_874 = arith.shrui %gather3A_855, %shift_right_logical3A_873 : vector<16xi32>
        %and3A_875 = arith.constant 16320 : i32
        %and3A_876 = vector.broadcast %and3A_875 : i32 to vector<16xi32>
        %and3A_877 = arith.andi %shift_right_logical3A_874, %and3A_876 : vector<16xi32>
        %add3A_878 = arith.constant 16 : i32
        %add3A_879 = vector.broadcast %add3A_878 : i32 to vector<16xi32>
        %add3A_880 = arith.addi %iota3A, %add3A_879 : vector<16xi32>
        %add3A_881 = arith.addi %and3A_877, %add3A_880 : vector<16xi32>
        %shift_right_logical3A_882 = arith.constant 18 : i32
        %shift_right_logical3A_883 = vector.broadcast %shift_right_logical3A_882 : i32 to vector<16xi32>
        %shift_right_logical3A_884 = arith.shrui %gather3A_856, %shift_right_logical3A_883 : vector<16xi32>
        %and3A_885 = arith.constant 16320 : i32
        %and3A_886 = vector.broadcast %and3A_885 : i32 to vector<16xi32>
        %and3A_887 = arith.andi %shift_right_logical3A_884, %and3A_886 : vector<16xi32>
        %add3A_888 = arith.constant 32 : i32
        %add3A_889 = vector.broadcast %add3A_888 : i32 to vector<16xi32>
        %add3A_890 = arith.addi %iota3A, %add3A_889 : vector<16xi32>
        %add3A_891 = arith.addi %and3A_887, %add3A_890 : vector<16xi32>
        %shift_right_logical3A_892 = arith.constant 18 : i32
        %shift_right_logical3A_893 = vector.broadcast %shift_right_logical3A_892 : i32 to vector<16xi32>
        %shift_right_logical3A_894 = arith.shrui %gather3A_857, %shift_right_logical3A_893 : vector<16xi32>
        %and3A_895 = arith.constant 16320 : i32
        %and3A_896 = vector.broadcast %and3A_895 : i32 to vector<16xi32>
        %and3A_897 = arith.andi %shift_right_logical3A_894, %and3A_896 : vector<16xi32>
        %add3A_898 = arith.constant 48 : i32
        %add3A_899 = vector.broadcast %add3A_898 : i32 to vector<16xi32>
        %add3A_900 = arith.addi %iota3A, %add3A_899 : vector<16xi32>
        %add3A_901 = arith.addi %and3A_897, %add3A_900 : vector<16xi32>
        %gather3A_902 = tpu.vector_load_idx %arg13[%gather3A_858] : memref<16640xi32, #tpu.memory_space<vmem>>[vector<16xi32>], vector<16xi32>,
        %gather3A_903 = tpu.vector_load_idx %arg13[%gather3A_859] : memref<16640xi32, #tpu.memory_space<vmem>>[vector<16xi32>], vector<16xi32>,
        %gather3A_904 = tpu.vector_load_idx %arg13[%gather3A_860] : memref<16640xi32, #tpu.memory_space<vmem>>[vector<16xi32>], vector<16xi32>,
        %gather3A_905 = tpu.vector_load_idx %arg13[%gather3A_861] masked %or3A_853 : memref<16640xi32, #tpu.memory_space<vmem>>[vector<16xi32>], vector<16xi32>, vector<16xi1>
        %gather3A_906 = tpu.vector_load_idx %arg10[%scan3A_820] : memref<16384xi32, #tpu.memory_space<vmem>>[vector<16xi32>], vector<16xi32>,
        %gather3A_907 = tpu.vector_load_idx %arg10[%scan3A_821] : memref<16384xi32, #tpu.memory_space<vmem>>[vector<16xi32>], vector<16xi32>,
        %gather3A_908 = tpu.vector_load_idx %arg10[%scan3A_822] : memref<16384xi32, #tpu.memory_space<vmem>>[vector<16xi32>], vector<16xi32>,
        %gather3A_909 = tpu.vector_load_idx %arg10[%scan3A_823] : memref<16384xi32, #tpu.memory_space<vmem>>[vector<16xi32>], vector<16xi32>,
        %add3A_910 = arith.constant 1 : i32
        %add3A_911 = vector.broadcast %add3A_910 : i32 to vector<16xi32>
        %add3A_912 = arith.addi %gather3A_906, %add3A_911 : vector<16xi32>
        tpu.vector_store_idx %arg10[%scan3A_820], %add3A_912 : memref<16384xi32, #tpu.memory_space<vmem>>[vector<16xi32>], vector<16xi32>,
        tpu.vector_store_idx %arg5[%gather3A_906], %scan3A_824 : memref<16640xi32, #tpu.memory_space<vmem>>[vector<16xi32>], vector<16xi32>,
        tpu.vector_store_idx %arg7[%scan3A_816], %gather3A_906 : memref<16640xi32, #tpu.memory_space<vmem>>[vector<16xi32>], vector<16xi32>,
        %add3A_913 = arith.constant 1 : i32
        %add3A_914 = vector.broadcast %add3A_913 : i32 to vector<16xi32>
        %add3A_915 = arith.addi %gather3A_907, %add3A_914 : vector<16xi32>
        tpu.vector_store_idx %arg10[%scan3A_821], %add3A_915 : memref<16384xi32, #tpu.memory_space<vmem>>[vector<16xi32>], vector<16xi32>,
        tpu.vector_store_idx %arg5[%gather3A_907], %scan3A_825 : memref<16640xi32, #tpu.memory_space<vmem>>[vector<16xi32>], vector<16xi32>,
        tpu.vector_store_idx %arg7[%scan3A_817], %gather3A_907 : memref<16640xi32, #tpu.memory_space<vmem>>[vector<16xi32>], vector<16xi32>,
        %add3A_916 = arith.constant 1 : i32
        %add3A_917 = vector.broadcast %add3A_916 : i32 to vector<16xi32>
        %add3A_918 = arith.addi %gather3A_908, %add3A_917 : vector<16xi32>
        tpu.vector_store_idx %arg10[%scan3A_822], %add3A_918 : memref<16384xi32, #tpu.memory_space<vmem>>[vector<16xi32>], vector<16xi32>,
        tpu.vector_store_idx %arg5[%gather3A_908], %scan3A_826 : memref<16640xi32, #tpu.memory_space<vmem>>[vector<16xi32>], vector<16xi32>,
        tpu.vector_store_idx %arg7[%scan3A_818], %gather3A_908 : memref<16640xi32, #tpu.memory_space<vmem>>[vector<16xi32>], vector<16xi32>,
        %lt3A_919 = arith.constant 15 : i32
        %lt3A_920 = vector.broadcast %lt3A_919 : i32 to vector<16xi32>
        %lt3A_921 = arith.cmpi slt, %iota3A, %lt3A_920 : vector<16xi32>
        %lt3A_922 = arith.constant 197 : i32
        %lt3A_923 = arith.cmpi slt, %scan3A_811, %lt3A_922 : i32
        %or3A_924 = vector.broadcast %lt3A_923 : i1 to vector<16xi1>
        %or3A_925 = arith.ori %lt3A_921, %or3A_924 : vector<16xi1>
        %add3A_926 = arith.constant 1 : i32
        %add3A_927 = vector.broadcast %add3A_926 : i32 to vector<16xi32>
        %add3A_928 = arith.addi %gather3A_909, %add3A_927 : vector<16xi32>
        tpu.vector_store_idx %arg10[%scan3A_823], %add3A_928 masked %or3A_925 : memref<16384xi32, #tpu.memory_space<vmem>>[vector<16xi32>], vector<16xi32>, vector<16xi1>
        tpu.vector_store_idx %arg5[%gather3A_909], %scan3A_827 masked %or3A_925 : memref<16640xi32, #tpu.memory_space<vmem>>[vector<16xi32>], vector<16xi32>, vector<16xi1>
        tpu.vector_store_idx %arg7[%scan3A_819], %gather3A_909 masked %or3A_925 : memref<16640xi32, #tpu.memory_space<vmem>>[vector<16xi32>], vector<16xi32>, vector<16xi1>
        scf.yield %gather3A_854, %gather3A_855, %gather3A_856, %gather3A_857, %gather3A_858, %gather3A_859, %gather3A_860, %gather3A_861, %add3A_871, %add3A_881, %add3A_891, %add3A_901, %gather3A_902, %gather3A_903, %gather3A_904, %gather3A_905 : vector<16xi32>, vector<16xi32>, vector<16xi32>, vector<16xi32>, vector<16xi32>, vector<16xi32>, vector<16xi32>, vector<16xi32>, vector<16xi32>, vector<16xi32>, vector<16xi32>, vector<16xi32>, vector<16xi32>, vector<16xi32>, vector<16xi32>, vector<16xi32>
      }
      %scan3A_798 = arith.constant 261 : i32
      %dma_start3A_799 = arith.constant 0 : i32
      %dma_start3A_800 = tpu.memref_slice %arg3[%add3A_50, %dma_start3A_799] : memref<1024x16640xi32, #tpu.memory_space<hbm>> -> memref<1x16640xi32, #tpu.memory_space<hbm>>
      %dma_start3A_801 = tpu.memref_squeeze %dma_start3A_800 : memref<1x16640xi32, #tpu.memory_space<hbm>> -> memref<16640xi32, #tpu.memory_space<hbm>>
      %dma_start3A_802 = arith.constant 0 : i32
      %dma_start3A_803 = tpu.memref_slice %arg3[%add3A_50, %dma_start3A_802] : memref<1024x16640xi32, #tpu.memory_space<hbm>> -> memref<1x16640xi32, #tpu.memory_space<hbm>>
      %dma_start3A_804 = tpu.memref_squeeze %dma_start3A_803 : memref<1x16640xi32, #tpu.memory_space<hbm>> -> memref<16640xi32, #tpu.memory_space<hbm>>
      tpu.enqueue_dma source(%arg5 : memref<16640xi32, #tpu.memory_space<vmem>>) target(%dma_start3A_804 : memref<16640xi32, #tpu.memory_space<hbm>>) target_semaphore(%arg15 : memref<!tpu.dma_semaphore, #tpu.memory_space<semaphore_mem>>)
      %dma_start3A_805 = arith.constant 0 : i32
      %dma_start3A_806 = tpu.memref_slice %arg4[%add3A_50, %dma_start3A_805] : memref<1024x16640xi32, #tpu.memory_space<hbm>> -> memref<1x16640xi32, #tpu.memory_space<hbm>>
      %dma_start3A_807 = tpu.memref_squeeze %dma_start3A_806 : memref<1x16640xi32, #tpu.memory_space<hbm>> -> memref<16640xi32, #tpu.memory_space<hbm>>
      %dma_start3A_808 = arith.constant 0 : i32
      %dma_start3A_809 = tpu.memref_slice %arg4[%add3A_50, %dma_start3A_808] : memref<1024x16640xi32, #tpu.memory_space<hbm>> -> memref<1x16640xi32, #tpu.memory_space<hbm>>
      %dma_start3A_810 = tpu.memref_squeeze %dma_start3A_809 : memref<1x16640xi32, #tpu.memory_space<hbm>> -> memref<16640xi32, #tpu.memory_space<hbm>>
      tpu.enqueue_dma source(%arg7 : memref<16640xi32, #tpu.memory_space<vmem>>) target(%dma_start3A_810 : memref<16640xi32, #tpu.memory_space<hbm>>) target_semaphore(%arg16 : memref<!tpu.dma_semaphore, #tpu.memory_space<semaphore_mem>>)
    }
    %scan3A_30 = arith.constant 32 : i32
    %mul3A_31 = arith.constant 32 : i32
    %mul3A_32 = arith.muli %add3A, %mul3A_31 : i32
    %add3A_33 = arith.constant 32 : i32
    %add3A_34 = arith.addi %mul3A_32, %add3A_33 : i32
    %sub3A = arith.constant 1 : i32
    %sub3A_35 = arith.subi %add3A_34, %sub3A : i32
    %dma_wait3A = arith.constant 0 : i32
    %dma_wait3A_36 = tpu.memref_slice %arg3[%sub3A_35, %dma_wait3A] : memref<1024x16640xi32, #tpu.memory_space<hbm>> -> memref<1x16640xi32, #tpu.memory_space<hbm>>
    %dma_wait3A_37 = tpu.memref_squeeze %dma_wait3A_36 : memref<1x16640xi32, #tpu.memory_space<hbm>> -> memref<16640xi32, #tpu.memory_space<hbm>>
    %dma_wait3A_38 = arith.constant 0 : i32
    %dma_wait3A_39 = tpu.memref_slice %arg3[%sub3A_35, %dma_wait3A_38] : memref<1024x16640xi32, #tpu.memory_space<hbm>> -> memref<1x16640xi32, #tpu.memory_space<hbm>>
    %dma_wait3A_40 = tpu.memref_squeeze %dma_wait3A_39 : memref<1x16640xi32, #tpu.memory_space<hbm>> -> memref<16640xi32, #tpu.memory_space<hbm>>
    tpu.wait_dma2 semaphore(%arg15 : memref<!tpu.dma_semaphore, #tpu.memory_space<semaphore_mem>>) src(%arg5 : memref<16640xi32, #tpu.memory_space<vmem>>) dst(%dma_wait3A_40 : memref<16640xi32, #tpu.memory_space<hbm>>)
    %dma_wait3A_41 = arith.constant 0 : i32
    %dma_wait3A_42 = tpu.memref_slice %arg4[%sub3A_35, %dma_wait3A_41] : memref<1024x16640xi32, #tpu.memory_space<hbm>> -> memref<1x16640xi32, #tpu.memory_space<hbm>>
    %dma_wait3A_43 = tpu.memref_squeeze %dma_wait3A_42 : memref<1x16640xi32, #tpu.memory_space<hbm>> -> memref<16640xi32, #tpu.memory_space<hbm>>
    %dma_wait3A_44 = arith.constant 0 : i32
    %dma_wait3A_45 = tpu.memref_slice %arg4[%sub3A_35, %dma_wait3A_44] : memref<1024x16640xi32, #tpu.memory_space<hbm>> -> memref<1x16640xi32, #tpu.memory_space<hbm>>
    %dma_wait3A_46 = tpu.memref_squeeze %dma_wait3A_45 : memref<1x16640xi32, #tpu.memory_space<hbm>> -> memref<16640xi32, #tpu.memory_space<hbm>>
    tpu.wait_dma2 semaphore(%arg16 : memref<!tpu.dma_semaphore, #tpu.memory_space<semaphore_mem>>) src(%arg7 : memref<16640xi32, #tpu.memory_space<vmem>>) dst(%dma_wait3A_46 : memref<16640xi32, #tpu.memory_space<hbm>>)
    return
  }
}

</mosaic_0001>

<sc_bundles>
// kernel: kernel.3.cloned.1.call-start
scs
__scs_entry_jumppad:
0x0: {  	(pc) =	sbr.rel $0x88, $3  }
0x1: {  	(tag) =	ssettag $0x0;
	lr =	simm.s32 $0x1  }
0x2: {  	[smem:$0x3FA0] =	sst lr;
	_ =	strace $0xD0000000  }
0x3: {  	_ = 	snop  }
0x4: {  	_ = 	snop  }
0x5: {  	_ = 	snop  }
0x6: {  	_ = 	snop  }
0x7: {  	_ = 	snop  }
__scs_overlays_trampoline_lowered:
0x8: {  	[smem:$0x3FAF] =	sst s0  }
0x9: {  	[smem:$0x3FB0] =	sst s1  }
0xa: {  	[smem:$0x3FB1] =	sst s2  }
0xb: {  	[smem:$0x3FB2] =	sst s3  }
0xc: {  	[smem:$0x3FB3] =	sst s4  }
0xd: {  	[smem:$0x3FB4] =	sst s5  }
0xe: {  	[smem:$0x3FB5] =	sst s6  }
0xf: {  	[smem:$0x3FB6] =	sst s7  }
0x10: {  	[smem:$0x3FB7] =	sst s8  }
0x11: {  	[smem:$0x3FB8] =	sst s9;
	s0 =	simm.s32 @!p0 $0x0  }
0x12: {  	s1 =	sld [smem:$0x3F9E];
	s0 =	simm.s32 @p0 $0x1  }
0x13: {  	[smem:$0x3FB9] =	sst s0;
	s0 =	simm.s32 @!p1 $0x0  }
0x14: {  	s2 =	sld [smem:$0x3F9D];
	s0 =	simm.s32 @p1 $0x1  }
0x15: {  	[smem:$0x3FBA] =	sst s0;
	s0 =	simm.s32 @!p2 $0x0  }
0x16: {  	s3 =	sld [smem:$0x3FDB];
	s0 =	simm.s32 @p2 $0x1  }
0x17: {  	s4 =	simm.s32 $0x1BF5;
	[smem:$0x3FBC] =	sst s0  }
0x18: {  	s0 =	sld [smem:$0x3F9F];
	_ =	swait.ge [sflag:s4], $0x0  }
0x19: {  	s7 =	sld [smem:$0x3FA0]  }
0x1a: {  	s8 =	sadd.s32 $0xFFFFE003, lr  }
0x1b: {  	s9 =	sadd.s32 $0xFFFFFEF7, lr;
	s5 =	simm.s32 $0xFFFFFFFF;
	p2 =	slt.u32 s8, $0xFFFFF086  }
0x1c: {  	p1 =	slt.u32 s9, $0xF7A;
	s5 =	simm.s32 @!p2 $0x0  }
0x1d: {  	s5 =	simm.s32 @p1 $0x1;
	p0 =	seq.s32 s7, s2  }
0x1e: {  	s7 =	smul.u32 @!p0 $0xF7A, s2;
	p2 =	seq.s32 @!p0 s5, $0x0  }
0x1f: {  	s9 =	smul.u32 $0xF7A, s1;
	s8 =	simm.s32 @!p0 $0x1BF5;
	p2 =	por !p2, p0  }
0x20: {  	[sflag:s8] =	ssyncset.s32 @!p0 $0xFFFFF086;
	s6 =	sadd.s32 @!p0 s3, s7;
	s7 =	simm.s32 @!p0 $0x108  }
0x21: {  	s3 =	sadd.s32 s3, s9;
	s6 =	sadd.s32 @!p0 $0x88, s6;
	s7 =	simm.s32 @p2 $0x1082  }
0x22: {  	[simem:s7], [sflag:s8] =	dma.local @!p0 [hbm:s6], $0xF7A  }
0x23: {  	s9 =	sor.u32 $0xD0000000, s2;
	s6 =	simm.s32 $0x108;
	_ =	swait.ge @!p0 [sflag:s8], $0x0  }
0x24: {  	s3 =	sadd.s32 $0x88, s3;
	s6 =	simm.s32 @!p1 $0x1082;
	[sflag:s4] =	ssyncset.s32 $0xFFFFF086  }
0x25: {  	[simem:s6], [sflag:s4] =	dma.local [hbm:s3], $0xF7A  }
0x26: {  	[smem:$0x3FA0] =	sst s1;
	(tag) =	ssettag s2;
	_ =	strace s9  }
0x27: {  	s1 =	sld [smem:$0x3FB0]  }
0x28: {  	s2 =	sld [smem:$0x3FB1]  }
0x29: {  	s4 =	sld [smem:$0x3FB3]  }
0x2a: {  	p0 =	seq.s32 s5, $0x0;
	s5 =	sld [smem:$0x3FB4]  }
0x2b: {  	s6 =	sld [smem:$0x3FB5]  }
0x2c: {  	s7 =	sld [smem:$0x3FB6]  }
0x2d: {  	s3 =	simm.s32 $0x108;
	s8 =	sld [smem:$0x3FB7]  }
0x2e: {  	s3 =	simm.s32 @!p0 $0x1082;
	s9 =	sld [smem:$0x3FB8]  }
0x2f: {  	lr =	sadd.s32 s0, s3;
	s0 =	sld [smem:$0x3FAF]  }
0x30: {  	s3 =	sld [smem:$0x3FB2]  }
0x31: {  	[smem:$0x3FBB] =	sst s10  }
0x32: {  	s10 =	sld [smem:$0x3FB9];
	_ =	sdelay $0x3  }
0x33: {  	p0 =	seq.s32 s10, $0x1;
	s10 =	sld [smem:$0x3FBB];
	_ =	sdelay $0x3  }
0x34: {  	[smem:$0x3FBB] =	sst s10  }
0x35: {  	s10 =	sld [smem:$0x3FBA];
	_ =	sdelay $0x3  }
0x36: {  	p1 =	seq.s32 s10, $0x1;
	s10 =	sld [smem:$0x3FBB];
	_ =	sdelay $0x3  }
0x37: {  	[smem:$0x3FBB] =	sst s10  }
0x38: {  	s10 =	sld [smem:$0x3FBC]  }
0x39: {  	_ = 	snop;
	(pc) =	sbr.ind lr, $3  }
0x3a: {  	_ = 	snop  }
0x3b: {  	_ = 	snop  }
0x3c: {  	p2 =	seq.s32 s10, $0x1;
	s10 =	sld [smem:$0x3FBB]  }
0x3d: {  	_ =	shalt  }
0x3e: {  	_ =	shalt  }
0x3f: {  	_ =	shalt  }
0x40: {  	_ =	shalt  }
0x41: {  	_ =	shalt  }
0x42: {  	_ =	shalt  }
0x43: {  	_ =	shalt  }
0x44: {  	_ =	shalt  }
0x45: {  	_ =	shalt  }
0x46: {  	_ =	shalt  }
0x47: {  	_ =	shalt  }
0x48: {  	_ =	shalt  }
0x49: {  	_ =	shalt  }
0x4a: {  	_ =	shalt  }
0x4b: {  	_ =	shalt  }
0x4c: {  	_ =	shalt  }
0x4d: {  	_ =	shalt  }
0x4e: {  	_ =	shalt  }
0x4f: {  	_ =	shalt  }
0x50: {  	_ =	shalt  }
0x51: {  	_ =	shalt  }
0x52: {  	_ =	shalt  }
0x53: {  	_ =	shalt  }
0x54: {  	_ =	shalt  }
0x55: {  	_ =	shalt  }
0x56: {  	_ =	shalt  }
0x57: {  	_ =	shalt  }
0x58: {  	_ =	shalt  }
0x59: {  	_ =	shalt  }
0x5a: {  	_ =	shalt  }
0x5b: {  	_ =	shalt  }
0x5c: {  	_ =	shalt  }
0x5d: {  	_ =	shalt  }
0x5e: {  	_ =	shalt  }
0x5f: {  	_ =	shalt  }
0x60: {  	_ =	shalt  }
0x61: {  	_ =	shalt  }
0x62: {  	_ =	shalt  }
0x63: {  	_ =	shalt  }
0x64: {  	_ =	shalt  }
0x65: {  	_ =	shalt  }
0x66: {  	_ =	shalt  }
0x67: {  	_ =	shalt  }
0x68: {  	_ =	shalt  }
0x69: {  	_ =	shalt  }
0x6a: {  	_ =	shalt  }
0x6b: {  	_ =	shalt  }
0x6c: {  	_ =	shalt  }
0x6d: {  	_ =	shalt  }
0x6e: {  	_ =	shalt  }
0x6f: {  	_ =	shalt  }
0x70: {  	_ =	shalt  }
0x71: {  	_ =	shalt  }
0x72: {  	_ =	shalt  }
0x73: {  	_ =	shalt  }
0x74: {  	_ =	shalt  }
0x75: {  	_ =	shalt  }
0x76: {  	_ =	shalt  }
0x77: {  	_ =	shalt  }
0x78: {  	_ =	shalt  }
0x79: {  	_ =	shalt  }
0x7a: {  	_ =	shalt  }
0x7b: {  	_ =	shalt  }
0x7c: {  	_ =	shalt  }
0x7d: {  	_ =	shalt  }
0x7e: {  	_ =	shalt  }
0x7f: {  	_ =	shalt  }
0x80: {  	_ =	shalt  }
0x81: {  	_ =	shalt  }
0x82: {  	_ =	shalt  }
0x83: {  	_ =	shalt  }
0x84: {  	_ =	shalt  }
0x85: {  	_ =	shalt  }
0x86: {  	_ =	shalt  }
0x87: {  	_ =	shalt  }
.Lfunc_end0:
.L_simem_size_0:
called_computation.2_lowered:
.L_overlay_start_0:
0x88: {  	s2 =	sld [smem:$0x3FD9]  }
0x89: {  	s3 =	sld [smem:$0x3FFE];
	_ =	sdelay $0x1  }
0x8a: {  	s1 =	srdreg.scid  }
0x8b: {  	s0 =	sand.u32 $0x1, s1  }
0x8c: {  	s14 =	sshll.u32 s0, $0xA;
	s2 =	sadd.s32 s3, s2  }
0x8d: {  	s2 =	sadd.s32 s2, s14  }
0x8e: {  	[smem:$0x3FC7] =	sst s2  }
0x8f: {  	_ = 	snop  }
0x90: {  	s2 =	sld [smem:$0x3FD0];
	_ =	sdelay $0x2  }
0x91: {  	s15 =	simm.s32 $0xA;
	s4 =	simm.s32 $0x10  }
0x92: {  	[smem:s4], [sflag:s15] =	dma.local [hbm:s2], $0x1  }
0x93: {  	_ =	swait.eq [sflag:s15], $0x1  }
0x94: {  	[sflag:s15] =	ssyncset.done $0x0  }
0x95: {  	s16 =	sld [smem:$0x10];
	[sflag:s15] =	ssyncadd.s32 $0xFFFFFFFF  }
0x96: {  	s17 =	sld [smem:$0x11];
	(tm) =	ssettm $0x1  }
0x97: {  	s18 =	sld [smem:$0x3FFB];
	_ =	sdelay $0x3  }
0x98: {  	_ =	strace s18  }
0x99: {  	s4 =	sld [smem:$0x3FFC];
	_ =	sdelay $0x3  }
0x9a: {  	_ =	strace s4  }
0x9b: {  	s4 =	sld [smem:$0x3FFD];
	_ =	sdelay $0x3  }
0x9c: {  	_ =	strace s4  }
0x9d: {  	_ =	strace $0x8FFFFFFF  }
0x9e: {  	s19 =	sld [smem:$0x3FDB];
	_ =	sdelay $0x1  }
0x9f: {  	s5 =	simm.s32 $_scs_section_size  }
0xa0: {  	s6 =	simm.s32 $_size__tile_overlayer_lowered;
	s7 =	simm.s32 $_tile_overlayer_lowered  }
0xa1: {  	s22 =	simm.s32 $0x1BFF;
	s21 =	sshll.u32 s7, $0x1;
	s4 =	sadd.s32 s5, s19  }
0xa2: {  	s8 =	simm.s32 $0x0;
	s20 =	sshll.u32 s6, $0x1;
	s6 =	sadd.s32 s21, s4  }
0xa3: {  	[timem:s8], [sflag:s22] =	dma.local [hbm:s6], s20  }
0xa4: {  	_ =	swait.ge [sflag:s22], s20  }
0xa5: {  	s5 =	ssub.s32 $0x0, s20;
	[sflag:s22] =	ssyncset.done $0x0  }
0xa6: {  	[sflag:s22] =	ssyncadd.s32 s5;
	_ =	sdelay $0x1  }
0xa7: {  	s23 =	simm.s32 $0x1B8B  }
0xa8: {  	_ =	swait.ge [sflag:s23], $0x1  }
0xa9: {  	[sflag:s23] =	ssyncset.done $0x0  }
0xaa: {  	s25 =	simm.s32 $0x1B8E;
	s24 =	sld [smem:$0x3FFE];
	[sflag:s23] =	ssyncadd.s32 $0xFFFFFFFF  }
0xab: {  	s26 =	simm.s32 $execute0_lowered;
	[smem:$0x3FD2] =	sst s25  }
0xac: {  	s6 =	sshll.u32 s26, $0x1;
	_ =	strace $0x80000049;
	[dreg:$0x1] =	wrdreg $0xFFFFFFFF  }
0xad: {  	s28 =	simm.s32 $_size_execute0_lowered;
	s4 =	sadd.s32 s4, s6;
	[dreg:$0x0] =	wrdreg $0x0  }
0xae: {  	s6 =	sshll.u32 s28, $0x1;
	[dreg:$0x2] =	wrdreg s4  }
0xaf: {  	[dreg:$0x3] =	wrdreg s6  }
0xb0: {  	[dreg:$0x4] =	wrdreg $0xC0  }
0xb1: {  	_ =	task [dreg:s8], $0x5FFFF  }
0xb2: {  	[dreg:$0x1] =	wrdreg $0xFFFFFFFF  }
0xb3: {  	[dreg:$0x0] =	wrdreg $0x60  }
0xb4: {  	[dreg:$0x2] =	wrdreg s16  }
0xb5: {  	[dreg:$0x3] =	wrdreg s24  }
0xb6: {  	[dreg:$0x4] =	wrdreg s17  }
0xb7: {  	[dreg:$0x5] =	wrdreg $0x9  }
0xb8: {  	_ =	task.clear_ibuf [dreg:s8], $0x6FFFF;
	_ =	strace $0x90000049  }
0xb9: {  	s29 =	simm.s32 $0x9;
	_ =	strace $0x8000004B  }
0xba: {  	_ =	swait.ge [sflag:s29], $0x1  }
0xbb: {  	[sflag:s29] =	ssyncadd.s32 $0xFFFFFFFF  }
0xbc: {  	_ =	strace $0x9000004B  }
0xbd: {  	_ =	sfence  }
0xbe: {  	s30 =	sld [smem:$0x0];
	_ =	sdelay $0x2  }
0xbf: {  	s31 =	sshll.u32 s1, $0xD;
	s1 =	sshrl.u32 s1, $0x2  }
0xc0: {  	s3 =	sand.u32 $0x4000, s31;
	s1 =	sadd.s32 s1, s30  }
0xc1: {  	s0 =	sor.u32 s3, s0;
	s1 =	sshll.u32 s1, $0x11  }
0xc2: {  	s0 =	sor.u32 s1, s0  }
0xc3: {  	s0 =	sadd.s32 $0x8F2B, s0  }
0xc4: {  	[sflag:s0] =	ssyncadd.remote.s32 $0x1  }
0xc5: {  	_ =	sfence.sel $0xFFFF  }
0xc6: {  	[dreg:$0x0] =	wrdreg $0xFFFFFFFF;
	(pc) =	sbr.abs _section_cstart, $3  }
0xc7: {  	[dreg:$0x1] =	wrdreg $0xFFFFFFFF  }
0xc8: {  	_ =	task.clear_ibuf [dreg:s8], $0x2FFFF;
	_ =	strace $0x9FFFFFFF  }
0xc9: {  	(tm) =	ssettm $0x7FFFFFFF  }
tec
execute0_lowered:
.L_overlay_start_1:
0x0: {  	(tag) =	ssettag $0x1  }
0x1: {  	s1 =	rddreg [dreg:$0x0]  }
0x2: {  	s0 =	rddreg [dreg:$0x1]  }
0x3: {  	s3 =	rddreg [dreg:$0x2];
	s2 =	srdreg.scid  }
0x4: {  	s5 =	stileid.u32;
	s4 =	simm.s32 $0x0;
	s9 =	simm.s32 $0x80  }
0x5: {  	s10 =	simm.s32 $0x400;
	s11 =	simm.s32 $0x18D80;
	s13 =	simm.s32 $0x10400  }
0x6: {  	s14 =	simm.s32 $0x1;
	s15 =	simm.s32 $0x14500;
	s16 =	simm.s32 $0x18980  }
0x7: {  	v0 =	vlaneseq.u32;
	v3 =	vimm.s32 $0xEDCBA987;
	v2 =	vimm.s32 $0x0;
	s17 =	simm.s32 $0x4100;
	s18 =	simm.s32 $0xC300;
	s2 =	sand.u32 $0x1, s2  }
0x8: {  	v5 =	vimm.s32 $0x65432100;
	vm0 =	vmxor vm0, vm0;
	s19 =	simm.s32 $0x8200;
	s5 =	sshll.u32 s5, $0x6;
	v7 =	vunpack.c.l.s4.s8 v3;
	s6 =	sshll.u32 s2, $0x5  }
0x9: {  	vm2 =	vcmask $0x3F3C;
	s20 =	simm.s32 $0x2;
	v1 =	vmul.u32 $0x105, v0;
	v9 =	vunpack.c.l.s4.s8 v5;
	s2 =	ssub.s32 $0x2, s2;
	s5 =	sor.u32 s6, s5  }
0xa: {  	vm1 =	vmmov $0x7fff;
	[smem:$0x7FF] =	sst s4;
	v6 =	vor.u32 $0x30, v0;
	s7 =	sshrl.u32 s2, $0x1;
	v10 =	vunpack.c.0.s8.s32 v7;
	s8 =	sshll.u32 s5, $0xB  }
0xb: {  	v8 =	vor.u32 $0x10, v0;
	_ =	strace $0x8000004A;
	v3 =	vadd.s32 $0x1050, v1;
	v11 =	vunpack.c.0.s8.s32 v9;
	s30 =	ssub.s32 s2, s7;
	s31 =	sadd.s32 s1, s8  }
0xc: {  	s6 =	sadd.s32 $0x1000, s0;
	v4 =	vadd.s32 $0x20A0, v1;
	v5 =	vadd.s32 $0x30F0, v1;
	s0 =	smax.u32 s30, $0x1;
	v10 =	vand.u32 $0xF, v10;
	[dreg:$0x4] =	wrdreg s31  }
0xd: {  	s21 =	simm.s32 $0x3;
	s22 =	simm.s32 $0x0;
	v7 =	vor.u32 $0x20, v0;
	v9 =	vimm.s32 $0x1;
	[dreg:$0x5] =	wrdreg s0;
	v10 =	vcombine.low v11, v10  }
.LBB2_1:
0xe: {  	[tilespmem:s11], [sflag:$0x4] =	stream.strided.gather [hbm4b:s1+s9], $0x4000, s10, s9, $0x38;
	[tilespmem:$0x1CE80] =	vst v63  }
0xf: {  	s0 =	simm.s32 $0x4  }
0x10: {  	_ =	swait.ge [sflag:s0], $0x4000  }
0x11: {  	[sflag:s0] =	ssyncset.done $0x0  }
0x12: {  	[sflag:s0] =	ssyncadd.s32 $0xFFFFC000  }
0x13: {  	[tilespmem:$0x1CD80] =	vst v2  }
0x14: {  	[tilespmem:$0x14400] =	vst v2  }
0x15: {  	[tilespmem:$0x1CD90] =	vst v2  }
0x16: {  	[tilespmem:$0x14410] =	vst v2  }
0x17: {  	[tilespmem:$0x1CDA0] =	vst v2  }
0x18: {  	[tilespmem:$0x14420] =	vst v2  }
0x19: {  	[tilespmem:$0x1CDB0] =	vst v2  }
0x1a: {  	[tilespmem:$0x14430] =	vst v2  }
0x1b: {  	[tilespmem:$0x1CDC0] =	vst v2  }
0x1c: {  	[tilespmem:$0x14440] =	vst v2  }
0x1d: {  	[tilespmem:$0x1CDD0] =	vst v2  }
0x1e: {  	[tilespmem:$0x14450] =	vst v2  }
0x1f: {  	[tilespmem:$0x1CDE0] =	vst v2  }
0x20: {  	[tilespmem:$0x14460] =	vst v2  }
0x21: {  	[tilespmem:$0x1CDF0] =	vst v2  }
0x22: {  	[tilespmem:$0x14470] =	vst v2  }
0x23: {  	[tilespmem:$0x1CE00] =	vst v2  }
0x24: {  	[tilespmem:$0x14480] =	vst v2  }
0x25: {  	[tilespmem:$0x1CE10] =	vst v2  }
0x26: {  	[tilespmem:$0x14490] =	vst v2  }
0x27: {  	[tilespmem:$0x1CE20] =	vst v2  }
0x28: {  	[tilespmem:$0x144A0] =	vst v2  }
0x29: {  	[tilespmem:$0x1CE30] =	vst v2  }
0x2a: {  	[tilespmem:$0x144B0] =	vst v2  }
0x2b: {  	[tilespmem:$0x1CE40] =	vst v2  }
0x2c: {  	[tilespmem:$0x144C0] =	vst v2  }
0x2d: {  	[tilespmem:$0x1CE50] =	vst v2  }
0x2e: {  	[tilespmem:$0x144D0] =	vst v2  }
0x2f: {  	[tilespmem:$0x1CE60] =	vst v2  }
0x30: {  	[tilespmem:$0x144E0] =	vst v2  }
0x31: {  	[tilespmem:$0x1CE70] =	vst v2  }
0x32: {  	s23 =	simm.s32 $0x0;
	s31 =	rddreg [dreg:$0x4];
	[tilespmem:$0x144F0] =	vst v2  }
0x33: {  	[tilespmem:s13], [sflag:$0x1] =	stream.strided.gather [hbm4b:s31+s9], $0x4000, s10, s9, $0x38;
	[tilespmem:$0x1CE80] =	vst v63  }
.LBB2_2:
0x34: {  	_ =	swait.ge [sflag:s14], $0x4000  }
0x35: {  	[sflag:s14] =	ssyncset.done $0x0  }
0x36: {  	s2 =	simm.s32 $0x100;
	s0 =	simm.s32 $0x0;
	[sflag:s14] =	ssyncadd.s32 $0xFFFFC000  }
.LBB2_3:
0x37: {  	p0 =	sne.s32 s2, $0xFF00;
	[tilespmem:s0+$0x14530] =	vst v2;
	s7 =	smov.u32 s2;
	s2 =	sadd.s32 $0x100, s2  }
.Ltmp0:
0x38: {  	[tilespmem:s0+$0x14520] =	vst v2;
	(pc) =	sbr.rel @p0 .LBB2_3-.Ltmp0, $3  }
0x39: {  	[tilespmem:s0+$0x14500] =	vst v2  }
0x3a: {  	[tilespmem:s0+$0x14510] =	vst v2;
	_ =	sdelay $0x1  }
0x3b: {  	s0 =	sshra.s32 s7, $0x2  }
0x3c: {  	[tilespmem:s0+$0x14530] =	vst v2  }
0x3d: {  	[tilespmem:s0+$0x14520] =	vst v2  }
0x3e: {  	[tilespmem:s0+$0x14500] =	vst v2  }
0x3f: {  	[tilespmem:s0+$0x14510] =	vst v2  }
0x40: {  	v11 =	vld.idx.msk [tilespmem:v1+s13+$0x0], $0xffff  }
0x41: {  	v12 =	vld.idx.msk [tilespmem:v3+s13+$0x0], $0xffff  }
0x42: {  	s0 =	simm.s32 $0x1;
	v14 =	vld.idx.msk [tilespmem:v5+s13+$0x0], $0xffff  }
0x43: {  	p0 =	por $0x1, $0x1;
	vm3 =	vmmov vm0;
	v13 =	vld.idx.msk [tilespmem:v4+s13+$0x0], $0xffff;
	s2 =	smin.u32 s0, $0x104  }
0x44: {  	vm4 =	vmmov vm0;
	vm3 =	vmneg @p0 vm3;
	p0 =	por $0x1, $0x1;
	v16 =	vadd.s32 s2, v1;
	s7 =	sadd.s32 $0x1050, s2  }
0x45: {  	vm3 =	vmor vm3, vm1;
	s31 =	sadd.s32 $0x30F0, s2;
	vm4 =	vmneg @p0 vm4;
	v17 =	vadd.s32 s7, v1  }
0x46: {  	v19 =	vadd.s32 s31, v1;
	vm4 =	vmor vm4, vm1;
	v15 =	vshra.s32 v11, $0x1F  }
0x47: {  	v18 =	vshra.s32 v14, $0x1F;
	v11 =	vxor.u32 v11, v15;
	v15 =	vshra.s32 v12, $0x1F  }
0x48: {  	s2 =	sadd.s32 $0x20A0, s2;
	v18 =	vxor.u32 v14, v18;
	v12 =	vxor.u32 v12, v15;
	v15 =	vshra.s32 v13, $0x1F  }
0x49: {  	v11 =	vshll.u32 v11, $0x6;
	v20 =	vxor.u32 v13, v15;
	v13 =	vadd.s32 s2, v1  }
0x4a: {  	v14 =	vld.idx.msk [tilespmem:v17+s13+$0x0], $0xffff;
	v18 =	vshll.u32 v18, $0x6;
	v12 =	vshll.u32 v12, $0x6;
	v11 =	vor.u32 v0, v11  }
0x4b: {  	v21 =	vor.u32 v8, v12;
	v12 =	vld.idx.msk [tilespmem:v16+s13+$0x0], $0xffff;
	v15 =	vand.u32 $0x3FCF, v11;
	v11 =	vshll.u32 v20, $0x6  }
0x4c: {  	s24 =	simm.s32 $0x0;
	v16 =	vand.u32 $0x3FDF, v21;
	v17 =	vor.u32 v7, v11;
	v11 =	vld.idx.msk [tilespmem:v19+s13+$0x0], vm3;
	vm3 =	vmmov vm4  }
.LBB2_5:
0x4d: {  	v18 =	vor.u32 v6, v18;
	s2 =	smov.u32 s0  }
0x4e: {  	p0 =	slt.u32 s0, $0xC4;
	p1 =	slt.u32 s0, $0xC5;
	v19 =	vld.idx.msk [tilespmem:v13+s13+$0x0], $0xffff;
	v17 =	vand.u32 $0x3FEF, v17;
	vm4 =	vmmov vm0;
	vm5 =	vmmov vm0;
	s2 =	sadd.s32 $0x1, s0  }
0x4f: {  	vm4 =	vmneg @p0 vm4;
	vm5 =	vmneg @p1 vm5;
	p0 =	sne.s32 s0, $0x104;
	v18 =	vand.u32 $0x3FFF, v18;
	s7 =	smin.u32 s2, $0x104  }
0x50: {  	vm4 =	vmor vm4, vm1;
	vm5 =	vmor vm5, vm1;
	v20 =	vadd.s32 s7, v1;
	s0 =	sadd.s32 $0x1050, s7;
	s8 =	sadd.s32 $0x20A0, s7;
	[tilespmem:v15+s15+$0x0] =	vst.idx.add.s32.msk $0xffff, v9  }
0x51: {  	v15 =	vshra.s32 v12, $0x1F;
	v21 =	vadd.s32 s0, v1;
	v13 =	vadd.s32 s8, v1;
	s0 =	sadd.s32 $0x30F0, s7;
	[tilespmem:v16+s15+$0x0] =	vst.idx.add.s32.msk $0xffff, v9  }
0x52: {  	v12 =	vxor.u32 v12, v15;
	v15 =	vshra.s32 v14, $0x1F;
	v22 =	vadd.s32 s0, v1  }
.Ltmp1:
0x53: {  	v23 =	vshra.s32 v11, $0x1F;
	v12 =	vshll.u32 v12, $0x6;
	v14 =	vxor.u32 v14, v15;
	[tilespmem:v17+s15+$0x0] =	vst.idx.add.s32.msk $0xffff, v9;
	(pc) =	sbr.rel @p0 .LBB2_5-.Ltmp1, $4  }
0x54: {  	v16 =	vshra.s32 v19, $0x1F;
	v14 =	vshll.u32 v14, $0x6;
	v15 =	vor.u32 v0, v12;
	[tilespmem:v18+s15+$0x0] =	vst.idx.add.s32.msk vm3, v9  }
0x55: {  	v17 =	vor.u32 v8, v14;
	v15 =	vand.u32 $0x3FCF, v15;
	v14 =	vxor.u32 v19, v16;
	v12 =	vld.idx.msk [tilespmem:v20+s13+$0x0], $0xffff  }
0x56: {  	v11 =	vxor.u32 v11, v23;
	v19 =	vshll.u32 v14, $0x6;
	v16 =	vand.u32 $0x3FDF, v17;
	v14 =	vld.idx.msk [tilespmem:v21+s13+$0x0], $0xffff  }
0x57: {  	s0 =	smov.u32 s2;
	v18 =	vshll.u32 v11, $0x6;
	vm3 =	vmmov vm5;
	v17 =	vor.u32 v7, v19;
	v11 =	vld.idx.msk [tilespmem:v22+s13+$0x0], vm4  }
0x58: {  	_ = 	snop  }
0x59: {  	v11 =	vor.u32 v6, v18;
	v12 =	vand.u32 $0x3FEF, v17  }
0x5a: {  	v11 =	vand.u32 $0x3FFF, v11;
	_ =	sdelay $0x1  }
0x5b: {  	[tilespmem:v15+s15+$0x0] =	vst.idx.add.s32.msk $0xffff, v9  }
0x5c: {  	[tilespmem:v16+s15+$0x0] =	vst.idx.add.s32.msk $0xffff, v9  }
0x5d: {  	[tilespmem:v12+s15+$0x0] =	vst.idx.add.s32.msk $0xffff, v9  }
0x5e: {  	s0 =	simm.s32 $0x14520;
	[tilespmem:v11+s15+$0x0] =	vst.idx.add.s32.msk vm3, v9  }
0x5f: {  	v11 =	vld [tilespmem:s0+$0xFFFFFFE0];
	_ =	sdelay $0x1  }
0x60: {  	v12 =	vld [tilespmem:s0+$0xFFFFFFF0];
	_ =	sdelay $0x1  }
0x61: {  	v13 =	vld [tilespmem:s0+$0x0]  }
0x62: {  	v14 =	vmov s24;
	(xrf0) =	vadd.scan.msk.s32 $0xffff, v11  }
0x63: {  	s2 =	simm.s32 $0x1;
	v14 =	vand.u32 $0xFFFFFFFC, v14  }
0x64: {  	s31 =	simm.s32 $0x2;
	v15 =	vmov s2;
	v14 =	vbroadcast v14, $0x0;
	(xrf0) =	vadd.scan.msk.s32 $0xffff, v12  }
0x65: {  	v11 =	vld [tilespmem:s0+$0x10];
	v12 =	vand.u32 $0xFFFFFFFD, v15;
	v15 =	vmov s31  }
0x66: {  	v12 =	vbroadcast v12, $0x0;
	(xrf0) =	vadd.scan.msk.s32 $0xffff, v13  }
0x67: {  	v13 =	vand.u32 $0xFFFFFFFE, v15  }
0x68: {  	v13 =	vbroadcast v13, $0x0;
	v15, _, _ =	vpop (xrf0)  }
0x69: {  	[tilespmem:s0+$0xFFFFFFE0] =	vst v15  }
0x6a: {  	(xrf0) =	vadd.scan.msk.s32 $0xffff, v11;
	v11, _, _ =	vpop (xrf0);
	[tilespmem:v14+s16+$0x0] =	vst.idx.msk vm2, v15  }
0x6b: {  	[tilespmem:s0+$0xFFFFFFF0] =	vst v11  }
0x6c: {  	[tilespmem:v12+s16+$0x0] =	vst.idx.msk vm2, v11;
	v11, _, _ =	vpop (xrf0)  }
0x6d: {  	s7 =	simm.s32 $0x3;
	[tilespmem:s0+$0x0] =	vst v11  }
0x6e: {  	[tilespmem:v13+s16+$0x0] =	vst.idx.msk vm2, v11;
	v11 =	vmov s7;
	_ =	sdelay $0x1  }
0x6f: {  	v12, _, _ =	vpop (xrf0)  }
0x70: {  	s2 =	simm.s32 $0x4;
	[tilespmem:s0+$0x10] =	vst v12  }
.LBB2_7:
0x71: {  	p0 =	sne.s32 s2, $0x3FC  }
0x72: {  	[tilespmem:v11+s16+$0x0] =	vst.idx.msk vm2, v12;
	s0 =	sadd.s32 $0x40, s0;
	s7 =	smov.u32 s2;
	s2 =	sadd.s32 $0x4, s2  }
0x73: {  	v11 =	vld [tilespmem:s0+$0xFFFFFFE0];
	_ =	sdelay $0x1  }
0x74: {  	v12 =	vld [tilespmem:s0+$0xFFFFFFF0];
	_ =	sdelay $0x1  }
0x75: {  	v13 =	vld [tilespmem:s0+$0x0]  }
0x76: {  	v14 =	vmov s7;
	(xrf0) =	vadd.scan.msk.s32 $0xffff, v11  }
0x77: {  	s8 =	sadd.s32 $0x1, s7;
	v14 =	vand.u32 $0xFFFFFFFC, v14;
	v11 =	vld [tilespmem:s0+$0x10]  }
0x78: {  	v15 =	vmov s8;
	v14 =	vbroadcast v14, $0x0;
	(xrf0) =	vadd.scan.msk.s32 $0xffff, v12  }
0x79: {  	s8 =	sadd.s32 $0x2, s7;
	v12 =	vand.u32 $0xFFFFFFFD, v15  }
0x7a: {  	v16 =	vmov s8;
	v12 =	vbroadcast v12, $0x0;
	(xrf0) =	vadd.scan.msk.s32 $0xffff, v13  }
0x7b: {  	v13 =	vand.u32 $0xFFFFFFFE, v16  }
0x7c: {  	v13 =	vbroadcast v13, $0x0;
	v15, _, _ =	vpop (xrf0);
	(xrf0) =	vadd.scan.msk.s32 $0xffff, v11  }
0x7d: {  	[tilespmem:s0+$0xFFFFFFE0] =	vst v15  }
0x7e: {  	s7 =	sadd.s32 $0x3, s7;
	[tilespmem:v14+s16+$0x0] =	vst.idx.msk vm2, v15;
	v14, _, _ =	vpop (xrf0)  }
.Ltmp2:
0x7f: {  	v11 =	vmov s7;
	[tilespmem:s0+$0xFFFFFFF0] =	vst v14;
	(pc) =	sbr.rel @p0 .LBB2_7-.Ltmp2, $4  }
0x80: {  	[tilespmem:v12+s16+$0x0] =	vst.idx.msk vm2, v14;
	v12, _, _ =	vpop (xrf0)  }
0x81: {  	[tilespmem:s0+$0x0] =	vst v12  }
0x82: {  	[tilespmem:v13+s16+$0x0] =	vst.idx.msk vm2, v12;
	v12, _, _ =	vpop (xrf0)  }
0x83: {  	s25 =	simm.s32 $0x0;
	[tilespmem:s0+$0x10] =	vst v12  }
0x84: {  	_ =	sdelay $0x4  }
0x85: {  	[tilespmem:v11+s16+$0x0] =	vst.idx.msk vm2, v12;
	s30 =	simm.s32 $0x0  }
0x86: {  	s28 =	simm.s32 $0x10;
	v12 =	vld [tilespmem:s30+$0x18980]  }
0x87: {  	v11 =	vld [tilespmem:s28+$0x18980];
	_ =	sdelay $0x3  }
0x88: {  	(xrf0) =	vadd.scan.msk.s32 $0xffff, v12  }
0x89: {  	(xrf0) =	vadd.scan.msk.s32 $0xffff, v11;
	_ =	sdelay $0x4  }
0x8a: {  	s26 =	simm.s32 $0x20;
	v16, _, _ =	vpop (xrf0)  }
0x8b: {  	v15 =	vld [tilespmem:s26+$0x18980];
	(v2sf) =	vpush v16, $0xF;
	v13, _, _ =	vpop (xrf0)  }
0x8c: {  	(v2sf) =	vpush v13, $0xF;
	_ =	sdelay $0x3  }
0x8d: {  	s29 =	simm.s32 $0x30;
	(xrf0) =	vadd.scan.msk.s32 $0xffff, v15  }
0x8e: {  	v14 =	vld [tilespmem:s29+$0x18980];
	_ =	sdelay $0x2  }
0x8f: {  	s0 =	simm.s32 $0x40  }
0x90: {  	s24 =	simm.s32 $0x80;
	s7 =	simm.s32 $0x100;
	s2 =	simm.s32 $0x0  }
.LBB2_9:
0x91: {  	s8 =	sshra.s32 s7, $0x2;
	p0 =	sne.s32 s7, $0xFC0;
	s7 =	sadd.s32 $0x40, s7;
	(xrf0) =	vadd.scan.msk.s32 $0xffff, v14;
	v17, _, _ =	vpop (xrf0);
	v18 =	vsub.s32 s2, v12;
	v12 =	vmov v11;
	v11 =	vmov v15  }
.Ltmp3:
0x92: {  	v15 =	vmovc v14;
	(v2sf) =	vpush v17, $0xF;
	v18 =	vadd.s32 v16, v18;
	v16 =	vmovc v13;
	v13 =	vmov v17;
	v14 =	vld [tilespmem:s8+$0x18980];
	(pc) =	sbr.rel @p0 .LBB2_9-.Ltmp3, $4  }
0x93: {  	[tilespmem:s30+$0x18500] =	vst v18;
	s30 =	smov.u32 s28;
	s28 =	smov.u32 s26;
	s26 =	smov.u32 s29  }
0x94: {  	s29 =	smov.u32 s8  }
0x95: {  	s8 =	spop (v2sf)  }
0x96: {  	s2 =	sadd.s32 s2, s8  }
0x97: {  	v17, _, _ =	vpop (xrf0)  }
0x98: {  	(v2sf) =	vpush v17, $0xF;
	_ =	sdelay $0x6  }
0x99: {  	(xrf0) =	vadd.scan.msk.s32 $0xffff, v14;
	_ =	sdelay $0x5  }
0x9a: {  	s7 =	spop (v2sf);
	v18, _, _ =	vpop (xrf0)  }
0x9b: {  	v12 =	vsub.s32 s2, v12;
	s7 =	sadd.s32 s2, s7;
	(v2sf) =	vpush v18, $0xF;
	s8 =	spop (v2sf)  }
0x9c: {  	v12 =	vadd.s32 v16, v12;
	v11 =	vsub.s32 s7, v11;
	s2 =	sadd.s32 s7, s8;
	s8 =	simm.s32 $0x30;
	s12 =	spop (v2sf)  }
0x9d: {  	[tilespmem:s30+$0x18500] =	vst v12;
	v11 =	vadd.s32 v13, v11;
	v12 =	vsub.s32 s2, v15;
	v13 =	vor.u32 s8, v10;
	s2 =	sadd.s32 s2, s12  }
0x9e: {  	[tilespmem:s28+$0x18500] =	vst v11;
	v11 =	vadd.s32 v17, v12;
	v12 =	vsub.s32 s2, v14;
	v14 =	vor.u32 s25, v10;
	s25 =	simm.s32 $0x10  }
0x9f: {  	s28 =	simm.s32 $0x20;
	[tilespmem:s26+$0x18500] =	vst v11;
	v11 =	vadd.s32 v18, v12;
	v12 =	vor.u32 s25, v10  }
0xa0: {  	s25 =	simm.s32 $0x18500;
	[tilespmem:s29+$0x18500] =	vst v11;
	v11 =	vor.u32 s28, v10  }
0xa1: {  	v15 =	vld [tilespmem:s25+$0x0]  }
0xa2: {  	v13 =	vld.idx.msk [tilespmem:v13+s15+$0x0], $0xffff  }
0xa3: {  	v14 =	vld.idx.msk [tilespmem:v14+s15+$0x0], $0xffff  }
0xa4: {  	v12 =	vld.idx.msk [tilespmem:v12+s15+$0x0], $0xffff  }
0xa5: {  	v16 =	vld.idx.msk [tilespmem:v11+s15+$0x0], $0xffff  }
0xa6: {  	vm3 =	veq.s32 v0, $0x0;
	s30 =	simm.s32 $0x70;
	v17 =	vbroadcast v15, $0x3  }
0xa7: {  	v11 =	vor.u32 s30, v10;
	v62 =	vbroadcast v15, $0x0;
	v13 =	vsel vm3, $0x0, v13  }
0xa8: {  	s26 =	simm.s32 $0x14520;
	v19 =	vbroadcast v15, $0x1;
	v14 =	vsel vm3, $0x0, v14;
	v17 =	vadd.s32 v17, v13  }
0xa9: {  	s7 =	simm.s32 $0x50;
	v13 =	vbroadcast v15, $0x2;
	v14 =	vadd.s32 v62, v14;
	v63 =	vsel vm3, $0x0, v12;
	[tilespmem:s26+$0x10] =	vst v17  }
0xaa: {  	s2 =	simm.s32 $0x60;
	s31 =	spop (v2sf);
	v12 =	vor.u32 s0, v10;
	s0 =	simm.s32 $0x14520;
	[tilespmem:s26+$0xFFFFFFE0] =	vst v14;
	v14 =	vadd.s32 v19, v63;
	v15 =	vsel vm3, $0x0, v16  }
.LBB2_11:
0xab: {  	s25 =	sadd.s32 $0x4, s25  }
0xac: {  	v16 =	vor.u32 s7, v10;
	v17 =	vor.u32 s2, v10;
	[tilespmem:s26+$0xFFFFFFF0] =	vst v14;
	v13 =	vadd.s32 v13, v15;
	s0 =	sadd.s32 $0x40, s0;
	s2 =	smov.u32 s24;
	s8 =	sadd.s32 $0x40, s24  }
0xad: {  	p0 =	sne.s32 s24, $0x3FC0;
	[tilespmem:s26+$0x0] =	vst v13;
	s26 =	smov.u32 s0  }
0xae: {  	v11 =	vld.idx.msk [tilespmem:v11+s15+$0x0], $0xffff  }
0xaf: {  	v13 =	vld [tilespmem:s25+$0x0]  }
0xb0: {  	v12 =	vld.idx.msk [tilespmem:v12+s15+$0x0], $0xffff  }
0xb1: {  	v14 =	vld.idx.msk [tilespmem:v16+s15+$0x0], $0xffff  }
0xb2: {  	v15 =	vld.idx.msk [tilespmem:v17+s15+$0x0], $0xffff;
	_ =	sdelay $0x1  }
.Ltmp4:
0xb3: {  	v16 =	vbroadcast v13, $0x3;
	(pc) =	sbr.rel @p0 .LBB2_11-.Ltmp4, $4  }
0xb4: {  	s7 =	sadd.s32 $0x30, s2;
	v19 =	vsel vm3, $0x0, v11;
	v17 =	vbroadcast v13, $0x0;
	v18 =	vbroadcast v13, $0x1  }
0xb5: {  	v11 =	vor.u32 s7, v10;
	v12 =	vsel vm3, $0x0, v12;
	v16 =	vadd.s32 v16, v19  }
0xb6: {  	v13 =	vbroadcast v13, $0x2;
	v17 =	vadd.s32 v17, v12;
	v14 =	vsel vm3, $0x0, v14;
	[tilespmem:s0+$0x10] =	vst v16  }
0xb7: {  	s24 =	smov.u32 s8;
	s7 =	sadd.s32 $0x10, s2;
	v12 =	vor.u32 s2, v10;
	s2 =	sadd.s32 $0x20, s2;
	v14 =	vadd.s32 v18, v14;
	v15 =	vsel vm3, $0x0, v15;
	[tilespmem:s0+$0xFFFFFFE0] =	vst v17  }
0xb8: {  	_ = 	snop  }
0xb9: {  	v16 =	vor.u32 s7, v10;
	[tilespmem:s26+$0xFFFFFFF0] =	vst v14;
	v13 =	vadd.s32 v13, v15  }
0xba: {  	v14 =	vor.u32 s2, v10;
	s24 =	sadd.s32 $0x4, s25;
	[tilespmem:s26+$0x0] =	vst v13  }
0xbb: {  	v13 =	vld [tilespmem:s24+$0x0]  }
0xbc: {  	v11 =	vld.idx.msk [tilespmem:v11+s15+$0x0], $0xffff  }
0xbd: {  	v12 =	vld.idx.msk [tilespmem:v12+s15+$0x0], $0xffff  }
0xbe: {  	v15 =	vld.idx.msk [tilespmem:v16+s15+$0x0], $0xffff  }
0xbf: {  	v14 =	vld.idx.msk [tilespmem:v14+s15+$0x0], $0xffff  }
0xc0: {  	vm3 =	veq.s32 v0, $0x0;
	v16 =	vbroadcast v13, $0x3  }
0xc1: {  	v17 =	vbroadcast v13, $0x0;
	v11 =	vsel vm3, $0x0, v11  }
0xc2: {  	s0 =	sadd.s32 $0x40, s0;
	v18 =	vbroadcast v13, $0x1;
	v12 =	vsel vm3, $0x0, v12;
	v11 =	vadd.s32 v16, v11  }
0xc3: {  	v13 =	vbroadcast v13, $0x2;
	v12 =	vadd.s32 v17, v12;
	v15 =	vsel vm3, $0x0, v15;
	[tilespmem:s0+$0x10] =	vst v11  }
0xc4: {  	[tilespmem:s0+$0xFFFFFFE0] =	vst v12;
	v12 =	vsel vm3, $0x0, v14;
	v11 =	vadd.s32 v18, v15  }
0xc5: {  	[tilespmem:s0+$0xFFFFFFF0] =	vst v11;
	v11 =	vadd.s32 v13, v12  }
0xc6: {  	[tilespmem:s0+$0x0] =	vst v11  }
0xc7: {  	v11 =	vld.idx.msk [tilespmem:v1+s13+$0x0], $0xffff  }
0xc8: {  	v13 =	vld.idx.msk [tilespmem:v5+s13+$0x0], $0xffff  }
0xc9: {  	v12 =	vld.idx.msk [tilespmem:v3+s13+$0x0], $0xffff;
	_ =	sdelay $0x1  }
0xca: {  	p0 =	por $0x1, $0x1;
	vm3 =	vmmov vm0  }
0xcb: {  	vm3 =	vmneg @p0 vm3;
	v14 =	vld.idx.msk [tilespmem:v4+s13+$0x0], $0xffff;
	v15 =	vshra.s32 v11, $0x1F  }
0xcc: {  	vm3 =	vmor vm3, vm1;
	v17 =	vshra.s32 v13, $0x1F;
	v15 =	vor.u32 $0x80000000, v15  }
0xcd: {  	v16 =	vshra.s32 v12, $0x1F;
	v15 =	vxor.u32 v11, v15;
	v11 =	vor.u32 $0x80000000, v17  }
0xce: {  	v16 =	vor.u32 $0x80000000, v16;
	v22 =	vxor.u32 v13, v11;
	v11 =	vshll.u32 v15, $0x6  }
0xcf: {  	s24 =	simm.s32 $0x1;
	v18 =	vxor.u32 v12, v16;
	v13 =	vshll.u32 v22, $0x6;
	v11 =	vor.u32 v0, v11  }
0xd0: {  	s25 =	smin.u32 s24, $0x104;
	v16 =	vshra.s32 v14, $0x1F;
	v13 =	vor.u32 v6, v13;
	v19 =	vand.u32 $0x3FCF, v11  }
0xd1: {  	s26 =	sadd.s32 $0x30F0, s25;
	v12 =	vadd.s32 s25, v1;
	v11 =	vshll.u32 v18, $0x6;
	v23 =	vand.u32 $0x3FFF, v13  }
0xd2: {  	v13 =	vor.u32 $0x80000000, v16;
	v16 =	vor.u32 v8, v11;
	v11 =	vadd.s32 s26, v1  }
0xd3: {  	s29 =	sadd.s32 $0x1050, s25;
	v24 =	vxor.u32 v14, v13;
	v20 =	vand.u32 $0x3FDF, v16  }
0xd4: {  	s0 =	sadd.s32 $0x20A0, s25;
	v14 =	vadd.s32 s29, v1;
	v13 =	vshll.u32 v24, $0x6  }
0xd5: {  	v17 =	vor.u32 v7, v13;
	v13 =	vadd.s32 s0, v1;
	v21 =	vld.idx.msk [tilespmem:v19+s15+$0x0], $0xffff  }
0xd6: {  	v16 =	vld.idx.msk [tilespmem:v12+s13+$0x0], $0xffff;
	v25 =	vand.u32 $0x3FEF, v17  }
0xd7: {  	v26 =	vld.idx.msk [tilespmem:v11+s13+$0x0], vm3  }
0xd8: {  	v27 =	vld.idx.msk [tilespmem:v20+s15+$0x0], $0xffff  }
0xd9: {  	v28 =	vld.idx.msk [tilespmem:v14+s13+$0x0], $0xffff  }
0xda: {  	v29 =	vld.idx.msk [tilespmem:v13+s13+$0x0], $0xffff  }
0xdb: {  	v31 =	vld.idx.msk [tilespmem:v25+s15+$0x0], $0xffff;
	v32 =	vadd.s32 $0x1, v21  }
0xdc: {  	vm4 =	vmmov vm0;
	p0 =	por $0x1, $0x1;
	v17 =	vld.idx.msk [tilespmem:v23+s15+$0x0], $0xffff;
	vm3 =	vmmov vm0;
	v30 =	vshra.s32 v16, $0x1F;
	[tilespmem:v19+s15+$0x0] =	vst.idx.msk $0xffff, v32  }
0xdd: {  	vm3 =	vmneg @p0 vm3;
	p0 =	por $0x1, $0x1;
	v30 =	vor.u32 $0x80000000, v30;
	v19 =	vshra.s32 v26, $0x1F;
	[tilespmem:v21+s17+$0x0] =	vst.idx.msk $0xffff, v15  }
0xde: {  	vm4 =	vmneg @p0 vm4;
	v15 =	vor.u32 $0x80000000, v19;
	v19 =	vadd.s32 $0x1, v27;
	[tilespmem:v21+s18+$0x0] =	vst.idx.msk $0xffff, v1  }
0xdf: {  	vm3 =	vmor vm3, vm1;
	v16 =	vxor.u32 v16, v30;
	vm4 =	vmor vm4, vm1;
	[tilespmem:v20+s15+$0x0] =	vst.idx.msk $0xffff, v19  }
0xe0: {  	v15 =	vxor.u32 v26, v15;
	v26 =	vshra.s32 v29, $0x1F;
	v19 =	vshra.s32 v28, $0x1F;
	[tilespmem:v27+s17+$0x0] =	vst.idx.msk $0xffff, v18  }
0xe1: {  	s25 =	simm.s32 $0x2;
	v21 =	vshll.u32 v15, $0x6;
	v18 =	vor.u32 $0x80000000, v26;
	v26 =	vadd.s32 $0x1, v31;
	[tilespmem:v27+s18+$0x0] =	vst.idx.msk $0xffff, v3  }
0xe2: {  	s30 =	smin.u32 s25, $0x104;
	v19 =	vor.u32 $0x80000000, v19;
	v27 =	vor.u32 v6, v21;
	[tilespmem:v25+s15+$0x0] =	vst.idx.msk $0xffff, v26;
	v26 =	vshll.u32 v16, $0x6  }
0xe3: {  	v20 =	vadd.s32 s30, v1;
	v21 =	vxor.u32 v28, v19;
	[tilespmem:v31+s17+$0x0] =	vst.idx.msk $0xffff, v24;
	v19 =	vor.u32 v0, v26  }
0xe4: {  	v62 =	vadd.s32 $0x1, v17;
	v26 =	vshll.u32 v21, $0x6;
	[tilespmem:v31+s18+$0x0] =	vst.idx.msk $0xffff, v4;
	v24 =	vand.u32 $0x3FCF, v19  }
0xe5: {  	s31 =	sadd.s32 $0x30F0, s30;
	v18 =	vxor.u32 v29, v18;
	v63 =	vor.u32 v8, v26;
	v19 =	vand.u32 $0x3FFF, v27;
	[tilespmem:v23+s15+$0x0] =	vst.idx.msk vm3, v62  }
0xe6: {  	s28 =	sadd.s32 $0x1050, s30;
	s26 =	sadd.s32 $0x20A0, s30;
	v25 =	vshll.u32 v18, $0x6;
	v26 =	vadd.s32 s31, v1;
	v23 =	vand.u32 $0x3FDF, v63;
	[tilespmem:v17+s17+$0x0] =	vst.idx.msk vm3, v22;
	v22 =	vmovc v5  }
.LBB2_13:
0xe7: {  	p0 =	sne.s32 s25, $0x104;
	[tilespmem:v17+s18+$0x0] =	vst.idx.msk vm3, v22;
	v22 =	vmov v11;
	v11 =	vmov v26;
	s2 =	smov.u32 s25;
	s25 =	sadd.s32 $0x1, s25  }
0xe8: {  	v27 =	vadd.s32 s28, v1;
	s7 =	smin.u32 s25, $0x104;
	v28 =	vld.idx.msk [tilespmem:v20+s13+$0x0], $0xffff  }
0xe9: {  	v17 =	vor.u32 v7, v25;
	v29 =	vadd.s32 s26, v1;
	s28 =	sadd.s32 $0x1050, s7;
	s0 =	sadd.s32 $0x30F0, s7;
	s26 =	sadd.s32 $0x20A0, s7;
	v25 =	vld.idx.msk [tilespmem:v24+s15+$0x0], $0xffff  }
0xea: {  	v30 =	vand.u32 $0x3FEF, v17;
	v17 =	vld.idx.msk [tilespmem:v19+s15+$0x0], $0xffff  }
0xeb: {  	v26 =	vld.idx.msk [tilespmem:v26+s13+$0x0], vm4  }
0xec: {  	v31 =	vld.idx.msk [tilespmem:v23+s15+$0x0], $0xffff  }
0xed: {  	v32 =	vld.idx.msk [tilespmem:v27+s13+$0x0], $0xffff  }
0xee: {  	v34 =	vshra.s32 v28, $0x1F;
	v33 =	vld.idx.msk [tilespmem:v29+s13+$0x0], $0xffff  }
0xef: {  	v34 =	vor.u32 $0x80000000, v34;
	v36 =	vadd.s32 $0x1, v25;
	v35 =	vld.idx.msk [tilespmem:v30+s15+$0x0], $0xffff  }
0xf0: {  	p1 =	slt.u32 s24, $0xC5;
	vm3 =	vmmov vm0;
	v28 =	vxor.u32 v28, v34;
	[tilespmem:v24+s15+$0x0] =	vst.idx.msk $0xffff, v36  }
0xf1: {  	s24 =	smov.u32 s2;
	vm3 =	vmneg @p1 vm3;
	v34 =	vadd.s32 $0x1, v17;
	v24 =	vshra.s32 v26, $0x1F;
	[tilespmem:v25+s17+$0x0] =	vst.idx.msk $0xffff, v16;
	v16 =	vmovc v28  }
0xf2: {  	vm3 =	vmor vm3, vm1;
	v24 =	vor.u32 $0x80000000, v24;
	[tilespmem:v25+s18+$0x0] =	vst.idx.msk $0xffff, v12;
	v25 =	vadd.s32 $0x1, v31;
	v12 =	vmovc v20  }
0xf3: {  	vm4 =	vmmov vm0;
	v36 =	vshra.s32 v32, $0x1F;
	v37 =	vxor.u32 v26, v24;
	[tilespmem:v23+s15+$0x0] =	vst.idx.msk $0xffff, v25  }
0xf4: {  	v20 =	vadd.s32 s7, v1;
	v23 =	vshll.u32 v37, $0x6;
	v24 =	vshra.s32 v33, $0x1F;
	[tilespmem:v31+s17+$0x0] =	vst.idx.msk $0xffff, v21  }
0xf5: {  	v23 =	vor.u32 v6, v23;
	v21 =	vor.u32 $0x80000000, v24;
	v24 =	vadd.s32 $0x1, v35;
	[tilespmem:v31+s18+$0x0] =	vst.idx.msk $0xffff, v14;
	v14 =	vmovc v27  }
.Ltmp5:
0xf6: {  	v26 =	vshll.u32 v28, $0x6;
	v27 =	vor.u32 $0x80000000, v36;
	v28 =	vxor.u32 v33, v21;
	[tilespmem:v30+s15+$0x0] =	vst.idx.msk $0xffff, v24;
	(pc) =	sbr.rel @p0 .LBB2_13-.Ltmp5, $4  }
0xf7: {  	p1 =	slt.u32 s24, $0xC4;
	v25 =	vshll.u32 v28, $0x6;
	v24 =	vor.u32 v0, v26;
	v21 =	vxor.u32 v32, v27;
	[tilespmem:v35+s17+$0x0] =	vst.idx.msk $0xffff, v18  }
0xf8: {  	vm4 =	vmneg @p1 vm4;
	v26 =	vshll.u32 v21, $0x6;
	v24 =	vand.u32 $0x3FCF, v24;
	v18 =	vmovc v28;
	[tilespmem:v35+s18+$0x0] =	vst.idx.msk $0xffff, v13;
	v13 =	vmovc v29  }
0xf9: {  	vm4 =	vmor vm4, vm1;
	v27 =	vor.u32 v8, v26;
	[tilespmem:v19+s15+$0x0] =	vst.idx.msk vm3, v34;
	v19 =	vand.u32 $0x3FFF, v23  }
0xfa: {  	v26 =	vadd.s32 s0, v1;
	v23 =	vand.u32 $0x3FDF, v27;
	[tilespmem:v17+s17+$0x0] =	vst.idx.msk vm3, v15;
	v15 =	vmov v37  }
0xfb: {  	_ =	sdelay $0x4  }
0xfc: {  	[tilespmem:v17+s18+$0x0] =	vst.idx.msk vm3, v22  }
0xfd: {  	v59 =	vor.u32 v7, v25;
	v20 =	vld.idx.msk [tilespmem:v24+s15+$0x0], $0xffff  }
0xfe: {  	v17 =	vand.u32 $0x3FEF, v59;
	_ =	sdelay $0x1  }
0xff: {  	v22 =	vld.idx.msk [tilespmem:v23+s15+$0x0], $0xffff;
	_ =	sdelay $0x2  }
0x100: {  	v26 =	vld.idx.msk [tilespmem:v17+s15+$0x0], $0xffff;
	v27 =	vadd.s32 $0x1, v20  }
0x101: {  	v60 =	vld.idx.msk [tilespmem:v19+s15+$0x0], $0xffff;
	[tilespmem:v24+s15+$0x0] =	vst.idx.msk $0xffff, v27  }
0x102: {  	p0 =	slt.u32 s24, $0xC5;
	vm3 =	vmmov vm0;
	[tilespmem:v20+s17+$0x0] =	vst.idx.msk $0xffff, v16  }
0x103: {  	vm3 =	vmneg @p0 vm3;
	v61 =	vadd.s32 $0x1, v22;
	[tilespmem:v20+s18+$0x0] =	vst.idx.msk $0xffff, v12  }
0x104: {  	vm3 =	vmor vm3, vm1;
	[tilespmem:v23+s15+$0x0] =	vst.idx.msk $0xffff, v61  }
0x105: {  	[tilespmem:v22+s17+$0x0] =	vst.idx.msk $0xffff, v21  }
0x106: {  	v62 =	vadd.s32 $0x1, v26;
	[tilespmem:v22+s18+$0x0] =	vst.idx.msk $0xffff, v14  }
0x107: {  	s0 =	sor.u32 s5, s23;
	p0 =	seq.s32 s23, $0x1F;
	[tilespmem:v17+s15+$0x0] =	vst.idx.msk $0xffff, v62  }
0x108: {  	s2 =	sadd.s32 @!p0 $0x1, s0;
	[tilespmem:v26+s17+$0x0] =	vst.idx.msk $0xffff, v18  }
0x109: {  	s31 =	sshll.u32 s23, $0x7;
	s7 =	sshll.u32 @!p0 s2, $0x4;
	v63 =	vadd.s32 $0x1, v60;
	[tilespmem:v26+s18+$0x0] =	vst.idx.msk $0xffff, v13  }
0x10a: {  	s25 =	sshrl.u32 s0, $0x3;
	s2 =	sshll.u32 @!p0 s2, $0xB;
	s7 =	sand.u32 @!p0 $0x70, s7;
	[tilespmem:v19+s15+$0x0] =	vst.idx.msk vm3, v63  }
0x10b: {  	s8 =	simm.s32 @!p0 $0x400;
	s2 =	sand.u32 @!p0 $0xFFFC000, s2;
	s7 =	sadd.s32 @!p0 s1, s7;
	[tilespmem:v60+s17+$0x0] =	vst.idx.msk vm3, v15  }
0x10c: {  	s24 =	simm.s32 @!p0 $0x10400;
	s2 =	sadd.s32 @!p0 s2, s7;
	s7 =	simm.s32 @!p0 $0x80;
	[tilespmem:v60+s18+$0x0] =	vst.idx.msk vm3, v11  }
0x10d: {  	[tilespmem:s24], [sflag:$0x1] =	stream.strided.gather @!p0 [hbm4b:s2+s7], $0x4000, s8, s7, $0x38;
	[tilespmem:$0x1CE80] =	vst v63  }
0x10e: {  	s0 =	simm.s32 $0x0;
	s24 =	sand.u32 $0x380, s31;
	s2 =	simm.s32 $0x100  }
.LBB2_15:
0x10f: {  	p0 =	sne.s32 s2, $0xFF00;
	[tilespmem:s0+$0x14530] =	vst v2;
	s7 =	smov.u32 s2;
	s2 =	sadd.s32 $0x100, s2  }
.Ltmp6:
0x110: {  	[tilespmem:s0+$0x14520] =	vst v2;
	(pc) =	sbr.rel @p0 .LBB2_15-.Ltmp6, $3  }
0x111: {  	[tilespmem:s0+$0x14500] =	vst v2  }
0x112: {  	[tilespmem:s0+$0x14510] =	vst v2;
	_ =	sdelay $0x1  }
0x113: {  	s0 =	sshra.s32 s7, $0x2  }
0x114: {  	[tilespmem:s0+$0x14530] =	vst v2  }
0x115: {  	[tilespmem:s0+$0x14520] =	vst v2  }
0x116: {  	[tilespmem:s0+$0x14500] =	vst v2  }
0x117: {  	[tilespmem:s0+$0x14510] =	vst v2;
	s0 =	simm.s32 $0x1  }
0x118: {  	v11 =	vld.idx.msk [tilespmem:v1+s17+$0x0], $0xffff;
	s2 =	smin.u32 s0, $0x104  }
0x119: {  	v16 =	vld.idx.msk [tilespmem:v3+s17+$0x0], $0xffff;
	s7 =	sadd.s32 $0x20A0, s2  }
0x11a: {  	p0 =	por $0x1, $0x1;
	vm3 =	vmmov vm0;
	v17 =	vld.idx.msk [tilespmem:v4+s17+$0x0], $0xffff;
	v18 =	vadd.s32 s7, v1  }
0x11b: {  	vm3 =	vmneg @p0 vm3;
	v14 =	vld.idx.msk [tilespmem:v5+s17+$0x0], $0xffff;
	s31 =	sadd.s32 $0x1050, s2;
	v12 =	vadd.s32 s2, v1  }
0x11c: {  	s2 =	sadd.s32 $0x30F0, s2;
	vm3 =	vmor vm3, vm1;
	v13 =	vadd.s32 s31, v1  }
0x11d: {  	vm4 =	vmmov vm0;
	p0 =	por $0x1, $0x1;
	v15 =	vadd.s32 s2, v1;
	v11 =	vshrl.u32 v11, $0x2  }
0x11e: {  	vm4 =	vmneg @p0 vm4;
	v19 =	vshrl.u32 v16, $0x2;
	v16 =	vand.u32 $0x3FC0, v11  }
0x11f: {  	s26 =	simm.s32 $0x0;
	v17 =	vshrl.u32 v17, $0x2;
	v11 =	vld.idx.msk [tilespmem:v18+s17+$0x0], $0xffff;
	v16 =	vor.u32 v0, v16;
	v18 =	vand.u32 $0x3FC0, v19  }
.LBB2_17:
0x120: {  	v14 =	vshrl.u32 v14, $0x2;
	v19 =	vld.idx.msk [tilespmem:v12+s17+$0x0], $0xffff;
	v18 =	vor.u32 v8, v18;
	v12 =	vand.u32 $0x3FC0, v17;
	s2 =	smov.u32 s0;
	s7 =	sadd.s32 $0x1, s0  }
0x121: {  	vm5 =	vmor vm4, vm1;
	s8 =	smin.u32 s7, $0x104;
	v17 =	vld.idx.msk [tilespmem:v13+s17+$0x0], $0xffff;
	v20 =	vor.u32 v7, v12;
	v12 =	vand.u32 $0x3FC0, v14  }
0x122: {  	p0 =	slt.u32 s2, $0xC4;
	v14 =	vld.idx.msk [tilespmem:v15+s17+$0x0], vm3;
	vm3 =	vmmov vm0  }
0x123: {  	vm4 =	vmmov vm0;
	s28 =	sadd.s32 $0x20A0, s8;
	v21 =	vor.u32 v6, v12;
	vm3 =	vmneg @p0 vm3;
	p0 =	slt.u32 s2, $0xC5  }
0x124: {  	v22 =	vadd.s32 s28, v1;
	vm4 =	vmneg @p0 vm4;
	p0 =	sne.s32 s0, $0x104  }
.Ltmp7:
0x125: {  	v12 =	vadd.s32 s8, v1;
	s28 =	sadd.s32 $0x1050, s8;
	[tilespmem:v16+s15+$0x0] =	vst.idx.add.s32.msk $0xffff, v9;
	(pc) =	sbr.rel @p0 .LBB2_17-.Ltmp7, $4  }
0x126: {  	s8 =	sadd.s32 $0x30F0, s8;
	v13 =	vadd.s32 s28, v1;
	vm3 =	vmor vm3, vm1;
	[tilespmem:v18+s15+$0x0] =	vst.idx.add.s32.msk $0xffff, v9  }
0x127: {  	v15 =	vadd.s32 s8, v1;
	v16 =	vshrl.u32 v19, $0x2;
	[tilespmem:v20+s15+$0x0] =	vst.idx.add.s32.msk $0xffff, v9  }
0x128: {  	v18 =	vshrl.u32 v17, $0x2;
	v16 =	vand.u32 $0x3FC0, v16;
	[tilespmem:v21+s15+$0x0] =	vst.idx.add.s32.msk vm5, v9  }
0x129: {  	s0 =	smov.u32 s7;
	v17 =	vshrl.u32 v11, $0x2;
	v16 =	vor.u32 v0, v16;
	v18 =	vand.u32 $0x3FC0, v18;
	v11 =	vld.idx.msk [tilespmem:v22+s17+$0x0], $0xffff  }
0x12a: {  	v11 =	vshrl.u32 v14, $0x2;
	v12 =	vor.u32 v8, v18;
	v13 =	vand.u32 $0x3FC0, v17  }
0x12b: {  	vm3 =	vmor vm4, vm1;
	v13 =	vor.u32 v7, v13;
	v11 =	vand.u32 $0x3FC0, v11  }
0x12c: {  	v11 =	vor.u32 v6, v11;
	_ =	sdelay $0x1  }
0x12d: {  	[tilespmem:v16+s15+$0x0] =	vst.idx.add.s32.msk $0xffff, v9  }
0x12e: {  	[tilespmem:v12+s15+$0x0] =	vst.idx.add.s32.msk $0xffff, v9  }
0x12f: {  	[tilespmem:v13+s15+$0x0] =	vst.idx.add.s32.msk $0xffff, v9  }
0x130: {  	s0 =	simm.s32 $0x14520;
	[tilespmem:v11+s15+$0x0] =	vst.idx.add.s32.msk vm3, v9  }
0x131: {  	v11 =	vld [tilespmem:s0+$0xFFFFFFE0];
	_ =	sdelay $0x1  }
0x132: {  	v12 =	vld [tilespmem:s0+$0xFFFFFFF0];
	_ =	sdelay $0x1  }
0x133: {  	v13 =	vld [tilespmem:s0+$0x0]  }
0x134: {  	v14 =	vmov s26;
	(xrf0) =	vadd.scan.msk.s32 $0xffff, v11  }
0x135: {  	s2 =	simm.s32 $0x1;
	v14 =	vand.u32 $0xFFFFFFFC, v14  }
0x136: {  	s31 =	simm.s32 $0x2;
	v15 =	vmov s2;
	v14 =	vbroadcast v14, $0x0;
	(xrf0) =	vadd.scan.msk.s32 $0xffff, v12  }
0x137: {  	v11 =	vld [tilespmem:s0+$0x10];
	v12 =	vand.u32 $0xFFFFFFFD, v15;
	v15 =	vmov s31  }
0x138: {  	v12 =	vbroadcast v12, $0x0;
	(xrf0) =	vadd.scan.msk.s32 $0xffff, v13  }
0x139: {  	v13 =	vand.u32 $0xFFFFFFFE, v15  }
0x13a: {  	v13 =	vbroadcast v13, $0x0;
	v15, _, _ =	vpop (xrf0)  }
0x13b: {  	[tilespmem:s0+$0xFFFFFFE0] =	vst v15  }
0x13c: {  	(xrf0) =	vadd.scan.msk.s32 $0xffff, v11;
	v11, _, _ =	vpop (xrf0);
	[tilespmem:v14+s16+$0x0] =	vst.idx.msk vm2, v15  }
0x13d: {  	[tilespmem:s0+$0xFFFFFFF0] =	vst v11  }
0x13e: {  	[tilespmem:v12+s16+$0x0] =	vst.idx.msk vm2, v11;
	v11, _, _ =	vpop (xrf0)  }
0x13f: {  	s7 =	simm.s32 $0x3;
	[tilespmem:s0+$0x0] =	vst v11  }
0x140: {  	[tilespmem:v13+s16+$0x0] =	vst.idx.msk vm2, v11;
	v11 =	vmov s7;
	_ =	sdelay $0x1  }
0x141: {  	v12, _, _ =	vpop (xrf0)  }
0x142: {  	s2 =	simm.s32 $0x4;
	[tilespmem:s0+$0x10] =	vst v12  }
.LBB2_19:
0x143: {  	p0 =	sne.s32 s2, $0x3FC  }
0x144: {  	[tilespmem:v11+s16+$0x0] =	vst.idx.msk vm2, v12;
	s0 =	sadd.s32 $0x40, s0;
	s7 =	smov.u32 s2;
	s2 =	sadd.s32 $0x4, s2  }
0x145: {  	v11 =	vld [tilespmem:s0+$0xFFFFFFE0];
	_ =	sdelay $0x1  }
0x146: {  	v12 =	vld [tilespmem:s0+$0xFFFFFFF0];
	_ =	sdelay $0x1  }
0x147: {  	v13 =	vld [tilespmem:s0+$0x0]  }
0x148: {  	v14 =	vmov s7;
	(xrf0) =	vadd.scan.msk.s32 $0xffff, v11  }
0x149: {  	s8 =	sadd.s32 $0x1, s7;
	v14 =	vand.u32 $0xFFFFFFFC, v14;
	v11 =	vld [tilespmem:s0+$0x10]  }
0x14a: {  	v15 =	vmov s8;
	v14 =	vbroadcast v14, $0x0;
	(xrf0) =	vadd.scan.msk.s32 $0xffff, v12  }
0x14b: {  	s8 =	sadd.s32 $0x2, s7;
	v12 =	vand.u32 $0xFFFFFFFD, v15  }
0x14c: {  	v16 =	vmov s8;
	v12 =	vbroadcast v12, $0x0;
	(xrf0) =	vadd.scan.msk.s32 $0xffff, v13  }
0x14d: {  	v13 =	vand.u32 $0xFFFFFFFE, v16  }
0x14e: {  	v13 =	vbroadcast v13, $0x0;
	v15, _, _ =	vpop (xrf0);
	(xrf0) =	vadd.scan.msk.s32 $0xffff, v11  }
0x14f: {  	[tilespmem:s0+$0xFFFFFFE0] =	vst v15  }
0x150: {  	s7 =	sadd.s32 $0x3, s7;
	[tilespmem:v14+s16+$0x0] =	vst.idx.msk vm2, v15;
	v14, _, _ =	vpop (xrf0)  }
.Ltmp8:
0x151: {  	v11 =	vmov s7;
	[tilespmem:s0+$0xFFFFFFF0] =	vst v14;
	(pc) =	sbr.rel @p0 .LBB2_19-.Ltmp8, $4  }
0x152: {  	[tilespmem:v12+s16+$0x0] =	vst.idx.msk vm2, v14;
	v12, _, _ =	vpop (xrf0)  }
0x153: {  	[tilespmem:s0+$0x0] =	vst v12  }
0x154: {  	[tilespmem:v13+s16+$0x0] =	vst.idx.msk vm2, v12;
	v12, _, _ =	vpop (xrf0)  }
0x155: {  	s28 =	simm.s32 $0x0;
	[tilespmem:s0+$0x10] =	vst v12  }
0x156: {  	_ =	sdelay $0x4  }
0x157: {  	[tilespmem:v11+s16+$0x0] =	vst.idx.msk vm2, v12;
	s2 =	simm.s32 $0x0  }
0x158: {  	s30 =	simm.s32 $0x10;
	v12 =	vld [tilespmem:s2+$0x18980]  }
0x159: {  	v11 =	vld [tilespmem:s30+$0x18980];
	_ =	sdelay $0x3  }
0x15a: {  	(xrf0) =	vadd.scan.msk.s32 $0xffff, v12  }
0x15b: {  	(xrf0) =	vadd.scan.msk.s32 $0xffff, v11;
	_ =	sdelay $0x4  }
0x15c: {  	s29 =	simm.s32 $0x20;
	v16, _, _ =	vpop (xrf0)  }
0x15d: {  	v15 =	vld [tilespmem:s29+$0x18980];
	(v2sf) =	vpush v16, $0xF;
	v13, _, _ =	vpop (xrf0)  }
0x15e: {  	(v2sf) =	vpush v13, $0xF;
	_ =	sdelay $0x3  }
0x15f: {  	s31 =	simm.s32 $0x30;
	(xrf0) =	vadd.scan.msk.s32 $0xffff, v15  }
0x160: {  	v14 =	vld [tilespmem:s31+$0x18980];
	_ =	sdelay $0x2  }
0x161: {  	s0 =	simm.s32 $0x40  }
0x162: {  	s26 =	simm.s32 $0x80;
	s8 =	simm.s32 $0x100;
	s7 =	simm.s32 $0x0  }
.LBB2_21:
0x163: {  	s12 =	sshra.s32 s8, $0x2;
	p0 =	sne.s32 s8, $0xFC0;
	s8 =	sadd.s32 $0x40, s8;
	(xrf0) =	vadd.scan.msk.s32 $0xffff, v14;
	v17, _, _ =	vpop (xrf0);
	v18 =	vsub.s32 s7, v12;
	v12 =	vmov v11;
	v11 =	vmov v15  }
.Ltmp9:
0x164: {  	v15 =	vmovc v14;
	(v2sf) =	vpush v17, $0xF;
	v18 =	vadd.s32 v16, v18;
	v16 =	vmovc v13;
	v13 =	vmov v17;
	v14 =	vld [tilespmem:s12+$0x18980];
	(pc) =	sbr.rel @p0 .LBB2_21-.Ltmp9, $4  }
0x165: {  	[tilespmem:s2+$0x18500] =	vst v18;
	s2 =	smov.u32 s30;
	s30 =	smov.u32 s29;
	s29 =	smov.u32 s31  }
0x166: {  	s31 =	smov.u32 s12  }
0x167: {  	s12 =	spop (v2sf)  }
0x168: {  	s7 =	sadd.s32 s7, s12  }
0x169: {  	v17, _, _ =	vpop (xrf0)  }
0x16a: {  	(v2sf) =	vpush v17, $0xF;
	_ =	sdelay $0x6  }
0x16b: {  	(xrf0) =	vadd.scan.msk.s32 $0xffff, v14;
	_ =	sdelay $0x5  }
0x16c: {  	s8 =	spop (v2sf);
	v18, _, _ =	vpop (xrf0)  }
0x16d: {  	v12 =	vsub.s32 s7, v12;
	s8 =	sadd.s32 s7, s8;
	(v2sf) =	vpush v18, $0xF;
	s12 =	spop (v2sf)  }
0x16e: {  	v12 =	vadd.s32 v16, v12;
	v11 =	vsub.s32 s8, v11;
	s7 =	sadd.s32 s8, s12;
	s12 =	simm.s32 $0x30;
	s8 =	spop (v2sf)  }
0x16f: {  	[tilespmem:s2+$0x18500] =	vst v12;
	v11 =	vadd.s32 v13, v11;
	v12 =	vsub.s32 s7, v15;
	v13 =	vor.u32 s12, v10;
	s7 =	sadd.s32 s7, s8  }
0x170: {  	[tilespmem:s30+$0x18500] =	vst v11;
	v11 =	vadd.s32 v17, v12;
	s8 =	simm.s32 $0x10;
	v12 =	vsub.s32 s7, v14;
	v14 =	vor.u32 s28, v10  }
0x171: {  	s12 =	simm.s32 $0x20;
	[tilespmem:s29+$0x18500] =	vst v11;
	v11 =	vadd.s32 v18, v12;
	v12 =	vor.u32 s8, v10  }
0x172: {  	s28 =	simm.s32 $0x18500;
	[tilespmem:s31+$0x18500] =	vst v11;
	v11 =	vor.u32 s12, v10  }
0x173: {  	v15 =	vld [tilespmem:s28+$0x0]  }
0x174: {  	v13 =	vld.idx.msk [tilespmem:v13+s15+$0x0], $0xffff  }
0x175: {  	v14 =	vld.idx.msk [tilespmem:v14+s15+$0x0], $0xffff  }
0x176: {  	v12 =	vld.idx.msk [tilespmem:v12+s15+$0x0], $0xffff  }
0x177: {  	v16 =	vld.idx.msk [tilespmem:v11+s15+$0x0], $0xffff  }
0x178: {  	vm3 =	veq.s32 v0, $0x0;
	s30 =	simm.s32 $0x70;
	v17 =	vbroadcast v15, $0x3  }
0x179: {  	v11 =	vor.u32 s30, v10;
	v62 =	vbroadcast v15, $0x0;
	v13 =	vsel vm3, $0x0, v13  }
0x17a: {  	s29 =	simm.s32 $0x14520;
	v19 =	vbroadcast v15, $0x1;
	v14 =	vsel vm3, $0x0, v14;
	v17 =	vadd.s32 v17, v13  }
0x17b: {  	s2 =	simm.s32 $0x60;
	v13 =	vbroadcast v15, $0x2;
	v14 =	vadd.s32 v62, v14;
	v63 =	vsel vm3, $0x0, v12;
	[tilespmem:s29+$0x10] =	vst v17  }
0x17c: {  	s7 =	simm.s32 $0x50;
	s31 =	spop (v2sf);
	v12 =	vor.u32 s0, v10;
	s0 =	simm.s32 $0x14520;
	[tilespmem:s29+$0xFFFFFFE0] =	vst v14;
	v14 =	vadd.s32 v19, v63;
	v15 =	vsel vm3, $0x0, v16  }
.LBB2_23:
0x17d: {  	s28 =	sadd.s32 $0x4, s28  }
0x17e: {  	v16 =	vor.u32 s7, v10;
	v17 =	vor.u32 s2, v10;
	[tilespmem:s29+$0xFFFFFFF0] =	vst v14;
	v13 =	vadd.s32 v13, v15;
	s0 =	sadd.s32 $0x40, s0;
	s2 =	smov.u32 s26;
	s8 =	sadd.s32 $0x40, s26  }
0x17f: {  	p0 =	sne.s32 s26, $0x3FC0;
	[tilespmem:s29+$0x0] =	vst v13;
	s29 =	smov.u32 s0  }
0x180: {  	v11 =	vld.idx.msk [tilespmem:v11+s15+$0x0], $0xffff  }
0x181: {  	v13 =	vld [tilespmem:s28+$0x0]  }
0x182: {  	v12 =	vld.idx.msk [tilespmem:v12+s15+$0x0], $0xffff  }
0x183: {  	v14 =	vld.idx.msk [tilespmem:v16+s15+$0x0], $0xffff  }
0x184: {  	v15 =	vld.idx.msk [tilespmem:v17+s15+$0x0], $0xffff;
	_ =	sdelay $0x1  }
.Ltmp10:
0x185: {  	v16 =	vbroadcast v13, $0x3;
	(pc) =	sbr.rel @p0 .LBB2_23-.Ltmp10, $4  }
0x186: {  	s7 =	sadd.s32 $0x30, s2;
	v19 =	vsel vm3, $0x0, v11;
	v17 =	vbroadcast v13, $0x0;
	v18 =	vbroadcast v13, $0x1  }
0x187: {  	v11 =	vor.u32 s7, v10;
	v12 =	vsel vm3, $0x0, v12;
	v16 =	vadd.s32 v16, v19  }
0x188: {  	v13 =	vbroadcast v13, $0x2;
	v17 =	vadd.s32 v17, v12;
	v14 =	vsel vm3, $0x0, v14;
	[tilespmem:s0+$0x10] =	vst v16  }
0x189: {  	s26 =	smov.u32 s8;
	s7 =	sadd.s32 $0x10, s2;
	v12 =	vor.u32 s2, v10;
	s2 =	sadd.s32 $0x20, s2;
	v14 =	vadd.s32 v18, v14;
	v15 =	vsel vm3, $0x0, v15;
	[tilespmem:s0+$0xFFFFFFE0] =	vst v17  }
0x18a: {  	_ = 	snop  }
0x18b: {  	v16 =	vor.u32 s7, v10;
	[tilespmem:s29+$0xFFFFFFF0] =	vst v14;
	v13 =	vadd.s32 v13, v15  }
0x18c: {  	v14 =	vor.u32 s2, v10;
	s8 =	sadd.s32 $0x4, s28;
	[tilespmem:s29+$0x0] =	vst v13  }
0x18d: {  	v13 =	vld [tilespmem:s8+$0x0]  }
0x18e: {  	v11 =	vld.idx.msk [tilespmem:v11+s15+$0x0], $0xffff  }
0x18f: {  	v12 =	vld.idx.msk [tilespmem:v12+s15+$0x0], $0xffff  }
0x190: {  	v15 =	vld.idx.msk [tilespmem:v16+s15+$0x0], $0xffff  }
0x191: {  	v14 =	vld.idx.msk [tilespmem:v14+s15+$0x0], $0xffff  }
0x192: {  	vm3 =	veq.s32 v0, $0x0;
	v16 =	vbroadcast v13, $0x3  }
0x193: {  	v17 =	vbroadcast v13, $0x0;
	v11 =	vsel vm3, $0x0, v11  }
0x194: {  	s0 =	sadd.s32 $0x40, s0;
	v18 =	vbroadcast v13, $0x1;
	v12 =	vsel vm3, $0x0, v12;
	v11 =	vadd.s32 v16, v11  }
0x195: {  	v13 =	vbroadcast v13, $0x2;
	v12 =	vadd.s32 v17, v12;
	v15 =	vsel vm3, $0x0, v15;
	[tilespmem:s0+$0x10] =	vst v11  }
0x196: {  	[tilespmem:s0+$0xFFFFFFE0] =	vst v12;
	v12 =	vsel vm3, $0x0, v14;
	v11 =	vadd.s32 v18, v15  }
0x197: {  	p0 =	seq.s32 s23, $0x0;
	[tilespmem:s0+$0xFFFFFFF0] =	vst v11;
	v11 =	vadd.s32 v13, v12  }
0x198: {  	[tilespmem:s0+$0x0] =	vst v11;
	s0 =	simm.s32 @!p0 $0x2  }
0x199: {  	_ =	swait.ge @!p0 [sflag:s0], $0x4100  }
0x19a: {  	[sflag:s0] =	ssyncset.done @!p0 $0x0  }
0x19b: {  	[sflag:s0] =	ssyncadd.s32 @!p0 $0xFFFFBF00;
	s0 =	simm.s32 @!p0 $0x3  }
0x19c: {  	_ =	swait.ge @!p0 [sflag:s0], $0x4100  }
0x19d: {  	[sflag:s0] =	ssyncset.done @!p0 $0x0  }
0x19e: {  	[sflag:s0] =	ssyncadd.s32 @!p0 $0xFFFFBF00  }
0x19f: {  	v22 =	vld.idx.msk [tilespmem:v4+s17+$0x0], $0xffff;
	_ =	sdelay $0x1  }
0x1a0: {  	s26 =	simm.s32 $0x1;
	v24 =	vld.idx.msk [tilespmem:v1+s17+$0x0], $0xffff  }
0x1a1: {  	s12 =	smin.u32 s26, $0x104  }
0x1a2: {  	v20 =	vadd.s32 s12, v1;
	vm3 =	vmmov vm0;
	p0 =	por $0x1, $0x1;
	v21 =	vld.idx.msk [tilespmem:v5+s17+$0x0], $0xffff  }
0x1a3: {  	v23 =	vld.idx.msk [tilespmem:v3+s17+$0x0], $0xffff;
	vm3 =	vmneg @p0 vm3;
	v12 =	vshrl.u32 v22, $0x2  }
0x1a4: {  	s7 =	sadd.s32 $0x30F0, s12;
	v25 =	vld.idx.msk [tilespmem:v1+s18+$0x0], $0xffff;
	vm3 =	vmor vm3, vm1;
	v12 =	vand.u32 $0x3FC0, v12  }
0x1a5: {  	v13 =	vadd.s32 s7, v1;
	v27 =	vld.idx.msk [tilespmem:v3+s18+$0x0], $0xffff;
	v28 =	vor.u32 v7, v12;
	v12 =	vshrl.u32 v24, $0x2  }
0x1a6: {  	v29 =	vld.idx.msk [tilespmem:v4+s18+$0x0], $0xffff;
	v12 =	vand.u32 $0x3FC0, v12  }
0x1a7: {  	s8 =	sadd.s32 $0x20A0, s12;
	v18 =	vld.idx.msk [tilespmem:v20+s17+$0x0], $0xffff;
	v11 =	vshrl.u32 v21, $0x2;
	v31 =	vor.u32 v0, v12  }
0x1a8: {  	v15 =	vadd.s32 s8, v1;
	v20 =	vld.idx.msk [tilespmem:v20+s18+$0x0], $0xffff;
	v14 =	vshrl.u32 v23, $0x2;
	v11 =	vand.u32 $0x3FC0, v11  }
0x1a9: {  	v26 =	vor.u32 v6, v11;
	v11 =	vand.u32 $0x3FC0, v14;
	v14 =	vld.idx.msk [tilespmem:v5+s18+$0x0], $0xffff  }
0x1aa: {  	s0 =	sadd.s32 $0x1050, s12;
	v17 =	vld.idx.msk [tilespmem:v13+s18+$0x0], vm3;
	v30 =	vor.u32 v8, v11  }
0x1ab: {  	v16 =	vadd.s32 s0, v1;
	v11 =	vld.idx.msk [tilespmem:v13+s17+$0x0], vm3  }
0x1ac: {  	v34 =	vld.idx.msk [tilespmem:v31+s15+$0x0], $0xffff  }
0x1ad: {  	v13 =	vld.idx.msk [tilespmem:v15+s18+$0x0], $0xffff  }
0x1ae: {  	v12 =	vld.idx.msk [tilespmem:v15+s17+$0x0], $0xffff  }
0x1af: {  	v33 =	vld.idx.msk [tilespmem:v30+s15+$0x0], $0xffff  }
0x1b0: {  	v15 =	vld.idx.msk [tilespmem:v16+s17+$0x0], $0xffff  }
0x1b1: {  	v16 =	vld.idx.msk [tilespmem:v16+s18+$0x0], $0xffff  }
0x1b2: {  	v32 =	vld.idx.msk [tilespmem:v28+s15+$0x0], $0xffff;
	v35 =	vadd.s32 $0x1, v34  }
0x1b3: {  	s28 =	simm.s32 $0x0;
	v19 =	vld.idx.msk [tilespmem:v26+s15+$0x0], $0xffff;
	[tilespmem:v31+s15+$0x0] =	vst.idx.msk $0xffff, v35  }
0x1b4: {  	p0 =	por $0x1, $0x1;
	vm3 =	vmmov vm0;
	[tilespmem:v34+s28+$0x0] =	vst.idx.msk $0xffff, v24  }
0x1b5: {  	vm3 =	vmneg @p0 vm3;
	v24 =	vadd.s32 $0x1, v33;
	[tilespmem:v34+s19+$0x0] =	vst.idx.msk $0xffff, v25  }
0x1b6: {  	vm3 =	vmor vm3, vm1;
	[tilespmem:v30+s15+$0x0] =	vst.idx.msk $0xffff, v24  }
0x1b7: {  	vm4 =	vmmov vm0;
	s29 =	simm.s32 $0x2;
	p0 =	por $0x1, $0x1;
	[tilespmem:v33+s28+$0x0] =	vst.idx.msk $0xffff, v23  }
0x1b8: {  	s30 =	smin.u32 s29, $0x104;
	vm4 =	vmneg @p0 vm4;
	v24 =	vshrl.u32 v11, $0x2;
	v23 =	vadd.s32 $0x1, v32;
	[tilespmem:v33+s19+$0x0] =	vst.idx.msk $0xffff, v27  }
0x1b9: {  	s12 =	sadd.s32 $0x30F0, s30;
	vm4 =	vmor vm4, vm1;
	[tilespmem:v28+s15+$0x0] =	vst.idx.msk $0xffff, v23;
	v23 =	vand.u32 $0x3FC0, v24;
	v24 =	vshrl.u32 v15, $0x2  }
0x1ba: {  	v25 =	vshrl.u32 v12, $0x2;
	[tilespmem:v32+s28+$0x0] =	vst.idx.msk $0xffff, v22;
	v63 =	vand.u32 $0x3FC0, v24;
	v24 =	vadd.s32 s12, v1  }
0x1bb: {  	v27 =	vand.u32 $0x3FC0, v25;
	v22 =	vadd.s32 $0x1, v19;
	v25 =	vor.u32 v6, v23;
	[tilespmem:v32+s19+$0x0] =	vst.idx.msk $0xffff, v29  }
0x1bc: {  	[tilespmem:v26+s15+$0x0] =	vst.idx.msk vm3, v22;
	v22 =	vor.u32 v7, v27  }
0x1bd: {  	s31 =	sadd.s32 $0x1050, s30;
	s0 =	sadd.s32 $0x20A0, s30;
	v23 =	vor.u32 v8, v63;
	v26 =	vshrl.u32 v18, $0x2;
	[tilespmem:v19+s28+$0x0] =	vst.idx.msk vm3, v21;
	v21 =	vmov v25  }
.LBB2_25:
0x1be: {  	p0 =	sne.s32 s29, $0x104;
	v26 =	vand.u32 $0x3FC0, v26;
	[tilespmem:v19+s19+$0x0] =	vst.idx.msk vm3, v14;
	v14 =	vmov v17;
	s7 =	smov.u32 s29;
	s29 =	sadd.s32 $0x1, s29  }
0x1bf: {  	s8 =	smin.u32 s29, $0x104;
	v27 =	vld.idx.msk [tilespmem:v24+s17+$0x0], vm4;
	v26 =	vor.u32 v0, v26  }
0x1c0: {  	v28 =	vadd.s32 s0, v1;
	s12 =	sadd.s32 $0x1050, s8;
	s2 =	sadd.s32 $0x30F0, s8;
	s0 =	sadd.s32 $0x20A0, s8;
	v19 =	vld.idx.msk [tilespmem:v25+s15+$0x0], $0xffff  }
0x1c1: {  	v25 =	vadd.s32 s30, v1;
	s30 =	smov.u32 s8;
	v29 =	vld.idx.msk [tilespmem:v22+s15+$0x0], $0xffff  }
0x1c2: {  	v30 =	vld.idx.msk [tilespmem:v23+s15+$0x0], $0xffff  }
0x1c3: {  	v31 =	vadd.s32 s31, v1;
	s31 =	smov.u32 s12;
	v17 =	vld.idx.msk [tilespmem:v24+s18+$0x0], vm4  }
0x1c4: {  	v24 =	vshrl.u32 v27, $0x2;
	v32 =	vld.idx.msk [tilespmem:v26+s15+$0x0], $0xffff  }
0x1c5: {  	v33 =	vand.u32 $0x3FC0, v24;
	v34 =	vld.idx.msk [tilespmem:v28+s17+$0x0], $0xffff  }
0x1c6: {  	v35 =	vld.idx.msk [tilespmem:v25+s17+$0x0], $0xffff  }
0x1c7: {  	v28 =	vld.idx.msk [tilespmem:v28+s18+$0x0], $0xffff  }
0x1c8: {  	v24 =	vld.idx.msk [tilespmem:v31+s17+$0x0], $0xffff  }
0x1c9: {  	v31 =	vld.idx.msk [tilespmem:v31+s18+$0x0], $0xffff  }
0x1ca: {  	v37 =	vadd.s32 $0x1, v32;
	v36 =	vshrl.u32 v34, $0x2;
	v25 =	vld.idx.msk [tilespmem:v25+s18+$0x0], $0xffff  }
0x1cb: {  	v36 =	vand.u32 $0x3FC0, v36;
	[tilespmem:v26+s15+$0x0] =	vst.idx.msk $0xffff, v37  }
0x1cc: {  	p1 =	slt.u32 s26, $0xC5;
	vm3 =	vmmov vm0;
	s26 =	smov.u32 s7;
	[tilespmem:v32+s28+$0x0] =	vst.idx.msk $0xffff, v18;
	v18 =	vmov v35  }
0x1cd: {  	vm3 =	vmneg @p1 vm3;
	v37 =	vadd.s32 $0x1, v30;
	v26 =	vshrl.u32 v24, $0x2;
	[tilespmem:v32+s19+$0x0] =	vst.idx.msk $0xffff, v20  }
0x1ce: {  	vm3 =	vmor vm3, vm1;
	v32 =	vand.u32 $0x3FC0, v26;
	[tilespmem:v23+s15+$0x0] =	vst.idx.msk $0xffff, v37  }
0x1cf: {  	p1 =	slt.u32 s26, $0xC4;
	vm4 =	vmmov vm0;
	[tilespmem:v30+s28+$0x0] =	vst.idx.msk $0xffff, v15;
	v15 =	vmov v24;
	v20 =	vmov v25  }
0x1d0: {  	vm4 =	vmneg @p1 vm4;
	v23 =	vadd.s32 $0x1, v29;
	[tilespmem:v30+s19+$0x0] =	vst.idx.msk $0xffff, v16;
	v16 =	vmov v31  }
.Ltmp11:
0x1d1: {  	vm4 =	vmor vm4, vm1;
	[tilespmem:v22+s15+$0x0] =	vst.idx.msk $0xffff, v23;
	(pc) =	sbr.rel @p0 .LBB2_25-.Ltmp11, $4  }
0x1d2: {  	v24 =	vadd.s32 s2, v1;
	[tilespmem:v29+s28+$0x0] =	vst.idx.msk $0xffff, v12;
	v12 =	vmov v34  }
0x1d3: {  	v25 =	vor.u32 v6, v33;
	v23 =	vadd.s32 $0x1, v19;
	[tilespmem:v29+s19+$0x0] =	vst.idx.msk $0xffff, v13;
	v13 =	vmov v28  }
0x1d4: {  	v22 =	vor.u32 v7, v36;
	[tilespmem:v21+s15+$0x0] =	vst.idx.msk vm3, v23;
	v21 =	vmov v25  }
0x1d5: {  	v26 =	vshrl.u32 v35, $0x2;
	v23 =	vor.u32 v8, v32;
	[tilespmem:v19+s28+$0x0] =	vst.idx.msk vm3, v11;
	v11 =	vmov v27  }
0x1d6: {  	v24 =	vand.u32 $0x3FC0, v26  }
0x1d7: {  	v24 =	vor.u32 v0, v24;
	_ =	sdelay $0x3  }
0x1d8: {  	[tilespmem:v19+s19+$0x0] =	vst.idx.msk vm3, v14  }
0x1d9: {  	v14 =	vld.idx.msk [tilespmem:v24+s15+$0x0], $0xffff;
	_ =	sdelay $0x2  }
0x1da: {  	v19 =	vld.idx.msk [tilespmem:v23+s15+$0x0], $0xffff;
	_ =	sdelay $0x2  }
0x1db: {  	v60 =	vld.idx.msk [tilespmem:v22+s15+$0x0], $0xffff;
	v27 =	vadd.s32 $0x1, v14  }
0x1dc: {  	v25 =	vld.idx.msk [tilespmem:v25+s15+$0x0], $0xffff;
	[tilespmem:v24+s15+$0x0] =	vst.idx.msk $0xffff, v27  }
0x1dd: {  	p0 =	slt.u32 s26, $0xC5;
	vm3 =	vmmov vm0;
	[tilespmem:v14+s28+$0x0] =	vst.idx.msk $0xffff, v18  }
0x1de: {  	vm3 =	vmneg @p0 vm3;
	v61 =	vadd.s32 $0x1, v19;
	[tilespmem:v14+s19+$0x0] =	vst.idx.msk $0xffff, v20  }
0x1df: {  	vm3 =	vmor vm3, vm1;
	[tilespmem:v23+s15+$0x0] =	vst.idx.msk $0xffff, v61  }
0x1e0: {  	[tilespmem:v19+s28+$0x0] =	vst.idx.msk $0xffff, v15  }
0x1e1: {  	v62 =	vadd.s32 $0x1, v60;
	[tilespmem:v19+s19+$0x0] =	vst.idx.msk $0xffff, v16  }
0x1e2: {  	[tilespmem:v22+s15+$0x0] =	vst.idx.msk $0xffff, v62  }
0x1e3: {  	[tilespmem:v60+s28+$0x0] =	vst.idx.msk $0xffff, v12  }
0x1e4: {  	v63 =	vadd.s32 $0x1, v25;
	[tilespmem:v60+s19+$0x0] =	vst.idx.msk $0xffff, v13  }
0x1e5: {  	[tilespmem:v21+s15+$0x0] =	vst.idx.msk vm3, v63  }
0x1e6: {  	[tilespmem:v25+s28+$0x0] =	vst.idx.msk vm3, v11  }
0x1e7: {  	s2 =	simm.s32 $0x100;
	s0 =	simm.s32 $0x0;
	[tilespmem:v25+s19+$0x0] =	vst.idx.msk vm3, v17  }
.LBB2_27:
0x1e8: {  	p0 =	sne.s32 s2, $0xFF00;
	[tilespmem:s0+$0x14530] =	vst v2;
	s7 =	smov.u32 s2;
	s2 =	sadd.s32 $0x100, s2  }
.Ltmp12:
0x1e9: {  	[tilespmem:s0+$0x14520] =	vst v2;
	(pc) =	sbr.rel @p0 .LBB2_27-.Ltmp12, $3  }
0x1ea: {  	[tilespmem:s0+$0x14500] =	vst v2  }
0x1eb: {  	[tilespmem:s0+$0x14510] =	vst v2;
	_ =	sdelay $0x1  }
0x1ec: {  	s0 =	sshra.s32 s7, $0x2  }
0x1ed: {  	[tilespmem:s0+$0x14530] =	vst v2  }
0x1ee: {  	[tilespmem:s0+$0x14520] =	vst v2  }
0x1ef: {  	[tilespmem:s0+$0x14500] =	vst v2  }
0x1f0: {  	[tilespmem:s0+$0x14510] =	vst v2;
	s0 =	simm.s32 $0x0;
	s26 =	simm.s32 $0x1  }
0x1f1: {  	v11 =	vld.idx.msk [tilespmem:v1+s0+$0x0], $0xffff;
	s2 =	smin.u32 s26, $0x104  }
0x1f2: {  	v16 =	vld.idx.msk [tilespmem:v3+s0+$0x0], $0xffff;
	s7 =	sadd.s32 $0x20A0, s2  }
0x1f3: {  	p0 =	por $0x1, $0x1;
	vm3 =	vmmov vm0;
	v17 =	vld.idx.msk [tilespmem:v4+s0+$0x0], $0xffff;
	v18 =	vadd.s32 s7, v1  }
0x1f4: {  	vm3 =	vmneg @p0 vm3;
	v14 =	vld.idx.msk [tilespmem:v5+s0+$0x0], $0xffff;
	s31 =	sadd.s32 $0x1050, s2;
	v12 =	vadd.s32 s2, v1  }
0x1f5: {  	s2 =	sadd.s32 $0x30F0, s2;
	vm3 =	vmor vm3, vm1;
	v13 =	vadd.s32 s31, v1  }
0x1f6: {  	vm4 =	vmmov vm0;
	p0 =	por $0x1, $0x1;
	v15 =	vadd.s32 s2, v1;
	v11 =	vshrl.u32 v11, $0xA  }
0x1f7: {  	vm4 =	vmneg @p0 vm4;
	v19 =	vshrl.u32 v16, $0xA;
	v16 =	vand.u32 $0x3FC0, v11  }
0x1f8: {  	v17 =	vshrl.u32 v17, $0xA;
	v11 =	vld.idx.msk [tilespmem:v18+s0+$0x0], $0xffff;
	v16 =	vor.u32 v0, v16;
	v18 =	vand.u32 $0x3FC0, v19  }
.LBB2_29:
0x1f9: {  	v14 =	vshrl.u32 v14, $0xA;
	v19 =	vld.idx.msk [tilespmem:v12+s0+$0x0], $0xffff;
	v18 =	vor.u32 v8, v18;
	v12 =	vand.u32 $0x3FC0, v17;
	s2 =	smov.u32 s26;
	s7 =	sadd.s32 $0x1, s26  }
0x1fa: {  	vm5 =	vmor vm4, vm1;
	s8 =	smin.u32 s7, $0x104;
	v17 =	vld.idx.msk [tilespmem:v13+s0+$0x0], $0xffff;
	v20 =	vor.u32 v7, v12;
	v12 =	vand.u32 $0x3FC0, v14  }
0x1fb: {  	p0 =	slt.u32 s2, $0xC4;
	v14 =	vld.idx.msk [tilespmem:v15+s0+$0x0], vm3;
	vm3 =	vmmov vm0  }
0x1fc: {  	vm4 =	vmmov vm0;
	s12 =	sadd.s32 $0x20A0, s8;
	v21 =	vor.u32 v6, v12;
	vm3 =	vmneg @p0 vm3;
	p0 =	slt.u32 s2, $0xC5  }
0x1fd: {  	v22 =	vadd.s32 s12, v1;
	vm4 =	vmneg @p0 vm4;
	p0 =	sne.s32 s26, $0x104  }
.Ltmp13:
0x1fe: {  	v12 =	vadd.s32 s8, v1;
	s12 =	sadd.s32 $0x1050, s8;
	[tilespmem:v16+s15+$0x0] =	vst.idx.add.s32.msk $0xffff, v9;
	(pc) =	sbr.rel @p0 .LBB2_29-.Ltmp13, $4  }
0x1ff: {  	s8 =	sadd.s32 $0x30F0, s8;
	v13 =	vadd.s32 s12, v1;
	vm3 =	vmor vm3, vm1;
	[tilespmem:v18+s15+$0x0] =	vst.idx.add.s32.msk $0xffff, v9  }
0x200: {  	v15 =	vadd.s32 s8, v1;
	v16 =	vshrl.u32 v19, $0xA;
	[tilespmem:v20+s15+$0x0] =	vst.idx.add.s32.msk $0xffff, v9  }
0x201: {  	v18 =	vshrl.u32 v17, $0xA;
	v16 =	vand.u32 $0x3FC0, v16;
	[tilespmem:v21+s15+$0x0] =	vst.idx.add.s32.msk vm5, v9  }
0x202: {  	s26 =	smov.u32 s7;
	v17 =	vshrl.u32 v11, $0xA;
	v16 =	vor.u32 v0, v16;
	v18 =	vand.u32 $0x3FC0, v18;
	v11 =	vld.idx.msk [tilespmem:v22+s0+$0x0], $0xffff  }
0x203: {  	v11 =	vshrl.u32 v14, $0xA;
	v12 =	vor.u32 v8, v18;
	v13 =	vand.u32 $0x3FC0, v17  }
0x204: {  	vm3 =	vmor vm4, vm1;
	v13 =	vor.u32 v7, v13;
	v11 =	vand.u32 $0x3FC0, v11  }
0x205: {  	v11 =	vor.u32 v6, v11;
	_ =	sdelay $0x1  }
0x206: {  	[tilespmem:v16+s15+$0x0] =	vst.idx.add.s32.msk $0xffff, v9  }
0x207: {  	[tilespmem:v12+s15+$0x0] =	vst.idx.add.s32.msk $0xffff, v9  }
0x208: {  	[tilespmem:v13+s15+$0x0] =	vst.idx.add.s32.msk $0xffff, v9  }
0x209: {  	s26 =	simm.s32 $0x14520;
	[tilespmem:v11+s15+$0x0] =	vst.idx.add.s32.msk vm3, v9  }
0x20a: {  	v11 =	vld [tilespmem:s26+$0xFFFFFFE0];
	_ =	sdelay $0x1  }
0x20b: {  	v12 =	vld [tilespmem:s26+$0xFFFFFFF0];
	_ =	sdelay $0x1  }
0x20c: {  	v13 =	vld [tilespmem:s26+$0x0]  }
0x20d: {  	v14 =	vmov s0;
	(xrf0) =	vadd.scan.msk.s32 $0xffff, v11  }
0x20e: {  	s30 =	simm.s32 $0x1;
	v14 =	vand.u32 $0xFFFFFFFC, v14  }
0x20f: {  	s31 =	simm.s32 $0x2;
	v15 =	vmov s30;
	v14 =	vbroadcast v14, $0x0;
	(xrf0) =	vadd.scan.msk.s32 $0xffff, v12  }
0x210: {  	v11 =	vld [tilespmem:s26+$0x10];
	v12 =	vand.u32 $0xFFFFFFFD, v15;
	v15 =	vmov s31  }
0x211: {  	v12 =	vbroadcast v12, $0x0;
	(xrf0) =	vadd.scan.msk.s32 $0xffff, v13  }
0x212: {  	v13 =	vand.u32 $0xFFFFFFFE, v15  }
0x213: {  	v13 =	vbroadcast v13, $0x0;
	v15, _, _ =	vpop (xrf0)  }
0x214: {  	[tilespmem:s26+$0xFFFFFFE0] =	vst v15  }
0x215: {  	(xrf0) =	vadd.scan.msk.s32 $0xffff, v11;
	v11, _, _ =	vpop (xrf0);
	[tilespmem:v14+s16+$0x0] =	vst.idx.msk vm2, v15  }
0x216: {  	[tilespmem:s26+$0xFFFFFFF0] =	vst v11  }
0x217: {  	[tilespmem:v12+s16+$0x0] =	vst.idx.msk vm2, v11;
	v11, _, _ =	vpop (xrf0)  }
0x218: {  	s2 =	simm.s32 $0x3;
	[tilespmem:s26+$0x0] =	vst v11  }
0x219: {  	[tilespmem:v13+s16+$0x0] =	vst.idx.msk vm2, v11;
	v11 =	vmov s2;
	_ =	sdelay $0x1  }
0x21a: {  	v12, _, _ =	vpop (xrf0)  }
0x21b: {  	s0 =	simm.s32 $0x4;
	[tilespmem:s26+$0x10] =	vst v12  }
.LBB2_31:
0x21c: {  	p0 =	sne.s32 s0, $0x3FC  }
0x21d: {  	[tilespmem:v11+s16+$0x0] =	vst.idx.msk vm2, v12;
	s26 =	sadd.s32 $0x40, s26;
	s2 =	smov.u32 s0;
	s0 =	sadd.s32 $0x4, s0  }
0x21e: {  	v11 =	vld [tilespmem:s26+$0xFFFFFFE0];
	_ =	sdelay $0x1  }
0x21f: {  	v12 =	vld [tilespmem:s26+$0xFFFFFFF0];
	_ =	sdelay $0x1  }
0x220: {  	v13 =	vld [tilespmem:s26+$0x0]  }
0x221: {  	v14 =	vmov s2;
	(xrf0) =	vadd.scan.msk.s32 $0xffff, v11  }
0x222: {  	s7 =	sadd.s32 $0x1, s2;
	v14 =	vand.u32 $0xFFFFFFFC, v14;
	v11 =	vld [tilespmem:s26+$0x10]  }
0x223: {  	v15 =	vmov s7;
	v14 =	vbroadcast v14, $0x0;
	(xrf0) =	vadd.scan.msk.s32 $0xffff, v12  }
0x224: {  	s7 =	sadd.s32 $0x2, s2;
	v12 =	vand.u32 $0xFFFFFFFD, v15  }
0x225: {  	v16 =	vmov s7;
	v12 =	vbroadcast v12, $0x0;
	(xrf0) =	vadd.scan.msk.s32 $0xffff, v13  }
0x226: {  	v13 =	vand.u32 $0xFFFFFFFE, v16  }
0x227: {  	v13 =	vbroadcast v13, $0x0;
	v15, _, _ =	vpop (xrf0);
	(xrf0) =	vadd.scan.msk.s32 $0xffff, v11  }
0x228: {  	[tilespmem:s26+$0xFFFFFFE0] =	vst v15  }
0x229: {  	s2 =	sadd.s32 $0x3, s2;
	[tilespmem:v14+s16+$0x0] =	vst.idx.msk vm2, v15;
	v14, _, _ =	vpop (xrf0)  }
.Ltmp14:
0x22a: {  	v11 =	vmov s2;
	[tilespmem:s26+$0xFFFFFFF0] =	vst v14;
	(pc) =	sbr.rel @p0 .LBB2_31-.Ltmp14, $4  }
0x22b: {  	[tilespmem:v12+s16+$0x0] =	vst.idx.msk vm2, v14;
	v12, _, _ =	vpop (xrf0)  }
0x22c: {  	[tilespmem:s26+$0x0] =	vst v12  }
0x22d: {  	[tilespmem:v13+s16+$0x0] =	vst.idx.msk vm2, v12;
	v12, _, _ =	vpop (xrf0)  }
0x22e: {  	s28 =	simm.s32 $0x0;
	[tilespmem:s26+$0x10] =	vst v12  }
0x22f: {  	_ =	sdelay $0x4  }
0x230: {  	[tilespmem:v11+s16+$0x0] =	vst.idx.msk vm2, v12;
	s2 =	simm.s32 $0x0  }
0x231: {  	s30 =	simm.s32 $0x10;
	v12 =	vld [tilespmem:s2+$0x18980]  }
0x232: {  	v11 =	vld [tilespmem:s30+$0x18980];
	_ =	sdelay $0x3  }
0x233: {  	(xrf0) =	vadd.scan.msk.s32 $0xffff, v12  }
0x234: {  	(xrf0) =	vadd.scan.msk.s32 $0xffff, v11;
	_ =	sdelay $0x4  }
0x235: {  	s29 =	simm.s32 $0x20;
	v16, _, _ =	vpop (xrf0)  }
0x236: {  	v15 =	vld [tilespmem:s29+$0x18980];
	(v2sf) =	vpush v16, $0xF;
	v13, _, _ =	vpop (xrf0)  }
0x237: {  	(v2sf) =	vpush v13, $0xF;
	_ =	sdelay $0x3  }
0x238: {  	s31 =	simm.s32 $0x30;
	(xrf0) =	vadd.scan.msk.s32 $0xffff, v15  }
0x239: {  	v14 =	vld [tilespmem:s31+$0x18980];
	_ =	sdelay $0x2  }
0x23a: {  	s0 =	simm.s32 $0x40  }
0x23b: {  	s26 =	simm.s32 $0x80;
	s8 =	simm.s32 $0x100;
	s7 =	simm.s32 $0x0  }
.LBB2_33:
0x23c: {  	s12 =	sshra.s32 s8, $0x2;
	p0 =	sne.s32 s8, $0xFC0;
	s8 =	sadd.s32 $0x40, s8;
	(xrf0) =	vadd.scan.msk.s32 $0xffff, v14;
	v17, _, _ =	vpop (xrf0);
	v18 =	vsub.s32 s7, v12;
	v12 =	vmov v11;
	v11 =	vmov v15  }
.Ltmp15:
0x23d: {  	v15 =	vmovc v14;
	(v2sf) =	vpush v17, $0xF;
	v18 =	vadd.s32 v16, v18;
	v16 =	vmovc v13;
	v13 =	vmov v17;
	v14 =	vld [tilespmem:s12+$0x18980];
	(pc) =	sbr.rel @p0 .LBB2_33-.Ltmp15, $4  }
0x23e: {  	[tilespmem:s2+$0x18500] =	vst v18;
	s2 =	smov.u32 s30;
	s30 =	smov.u32 s29;
	s29 =	smov.u32 s31  }
0x23f: {  	s31 =	smov.u32 s12  }
0x240: {  	s12 =	spop (v2sf)  }
0x241: {  	s7 =	sadd.s32 s7, s12  }
0x242: {  	v17, _, _ =	vpop (xrf0)  }
0x243: {  	(v2sf) =	vpush v17, $0xF;
	_ =	sdelay $0x6  }
0x244: {  	(xrf0) =	vadd.scan.msk.s32 $0xffff, v14;
	_ =	sdelay $0x5  }
0x245: {  	s8 =	spop (v2sf);
	v18, _, _ =	vpop (xrf0)  }
0x246: {  	v12 =	vsub.s32 s7, v12;
	s8 =	sadd.s32 s7, s8;
	(v2sf) =	vpush v18, $0xF;
	s12 =	spop (v2sf)  }
0x247: {  	v12 =	vadd.s32 v16, v12;
	v11 =	vsub.s32 s8, v11;
	s7 =	sadd.s32 s8, s12;
	s12 =	simm.s32 $0x30;
	s8 =	spop (v2sf)  }
0x248: {  	[tilespmem:s2+$0x18500] =	vst v12;
	v11 =	vadd.s32 v13, v11;
	v12 =	vsub.s32 s7, v15;
	v13 =	vor.u32 s12, v10;
	s7 =	sadd.s32 s7, s8  }
0x249: {  	[tilespmem:s30+$0x18500] =	vst v11;
	v11 =	vadd.s32 v17, v12;
	s8 =	simm.s32 $0x10;
	v12 =	vsub.s32 s7, v14;
	v14 =	vor.u32 s28, v10  }
0x24a: {  	s12 =	simm.s32 $0x20;
	[tilespmem:s29+$0x18500] =	vst v11;
	v11 =	vadd.s32 v18, v12;
	v12 =	vor.u32 s8, v10  }
0x24b: {  	s28 =	simm.s32 $0x18500;
	[tilespmem:s31+$0x18500] =	vst v11;
	v11 =	vor.u32 s12, v10  }
0x24c: {  	v15 =	vld [tilespmem:s28+$0x0]  }
0x24d: {  	v13 =	vld.idx.msk [tilespmem:v13+s15+$0x0], $0xffff  }
0x24e: {  	v14 =	vld.idx.msk [tilespmem:v14+s15+$0x0], $0xffff  }
0x24f: {  	v12 =	vld.idx.msk [tilespmem:v12+s15+$0x0], $0xffff  }
0x250: {  	v16 =	vld.idx.msk [tilespmem:v11+s15+$0x0], $0xffff  }
0x251: {  	vm3 =	veq.s32 v0, $0x0;
	s30 =	simm.s32 $0x70;
	v17 =	vbroadcast v15, $0x3  }
0x252: {  	v11 =	vor.u32 s30, v10;
	v62 =	vbroadcast v15, $0x0;
	v13 =	vsel vm3, $0x0, v13  }
0x253: {  	s29 =	simm.s32 $0x14520;
	v19 =	vbroadcast v15, $0x1;
	v14 =	vsel vm3, $0x0, v14;
	v17 =	vadd.s32 v17, v13  }
0x254: {  	s2 =	simm.s32 $0x60;
	v13 =	vbroadcast v15, $0x2;
	v14 =	vadd.s32 v62, v14;
	v63 =	vsel vm3, $0x0, v12;
	[tilespmem:s29+$0x10] =	vst v17  }
0x255: {  	s7 =	simm.s32 $0x50;
	s31 =	spop (v2sf);
	v12 =	vor.u32 s0, v10;
	s0 =	simm.s32 $0x14520;
	[tilespmem:s29+$0xFFFFFFE0] =	vst v14;
	v14 =	vadd.s32 v19, v63;
	v15 =	vsel vm3, $0x0, v16  }
.LBB2_35:
0x256: {  	s28 =	sadd.s32 $0x4, s28  }
0x257: {  	v16 =	vor.u32 s7, v10;
	v17 =	vor.u32 s2, v10;
	[tilespmem:s29+$0xFFFFFFF0] =	vst v14;
	v13 =	vadd.s32 v13, v15;
	s0 =	sadd.s32 $0x40, s0;
	s2 =	smov.u32 s26;
	s8 =	sadd.s32 $0x40, s26  }
0x258: {  	p0 =	sne.s32 s26, $0x3FC0;
	[tilespmem:s29+$0x0] =	vst v13;
	s29 =	smov.u32 s0  }
0x259: {  	v11 =	vld.idx.msk [tilespmem:v11+s15+$0x0], $0xffff  }
0x25a: {  	v13 =	vld [tilespmem:s28+$0x0]  }
0x25b: {  	v12 =	vld.idx.msk [tilespmem:v12+s15+$0x0], $0xffff  }
0x25c: {  	v14 =	vld.idx.msk [tilespmem:v16+s15+$0x0], $0xffff  }
0x25d: {  	v15 =	vld.idx.msk [tilespmem:v17+s15+$0x0], $0xffff;
	_ =	sdelay $0x1  }
.Ltmp16:
0x25e: {  	v16 =	vbroadcast v13, $0x3;
	(pc) =	sbr.rel @p0 .LBB2_35-.Ltmp16, $4  }
0x25f: {  	s7 =	sadd.s32 $0x30, s2;
	v19 =	vsel vm3, $0x0, v11;
	v17 =	vbroadcast v13, $0x0;
	v18 =	vbroadcast v13, $0x1  }
0x260: {  	v11 =	vor.u32 s7, v10;
	v12 =	vsel vm3, $0x0, v12;
	v16 =	vadd.s32 v16, v19  }
0x261: {  	v13 =	vbroadcast v13, $0x2;
	v17 =	vadd.s32 v17, v12;
	v14 =	vsel vm3, $0x0, v14;
	[tilespmem:s0+$0x10] =	vst v16  }
0x262: {  	s26 =	smov.u32 s8;
	s7 =	sadd.s32 $0x10, s2;
	v12 =	vor.u32 s2, v10;
	s2 =	sadd.s32 $0x20, s2;
	v14 =	vadd.s32 v18, v14;
	v15 =	vsel vm3, $0x0, v15;
	[tilespmem:s0+$0xFFFFFFE0] =	vst v17  }
0x263: {  	_ = 	snop  }
0x264: {  	v16 =	vor.u32 s7, v10;
	[tilespmem:s29+$0xFFFFFFF0] =	vst v14;
	v13 =	vadd.s32 v13, v15  }
0x265: {  	v14 =	vor.u32 s2, v10;
	s8 =	sadd.s32 $0x4, s28;
	[tilespmem:s29+$0x0] =	vst v13  }
0x266: {  	v13 =	vld [tilespmem:s8+$0x0]  }
0x267: {  	v11 =	vld.idx.msk [tilespmem:v11+s15+$0x0], $0xffff  }
0x268: {  	v12 =	vld.idx.msk [tilespmem:v12+s15+$0x0], $0xffff  }
0x269: {  	v15 =	vld.idx.msk [tilespmem:v16+s15+$0x0], $0xffff  }
0x26a: {  	v14 =	vld.idx.msk [tilespmem:v14+s15+$0x0], $0xffff  }
0x26b: {  	vm3 =	veq.s32 v0, $0x0;
	v16 =	vbroadcast v13, $0x3  }
0x26c: {  	v17 =	vbroadcast v13, $0x0;
	v11 =	vsel vm3, $0x0, v11  }
0x26d: {  	s0 =	sadd.s32 $0x40, s0;
	v18 =	vbroadcast v13, $0x1;
	v12 =	vsel vm3, $0x0, v12;
	v11 =	vadd.s32 v16, v11  }
0x26e: {  	v13 =	vbroadcast v13, $0x2;
	v12 =	vadd.s32 v17, v12;
	v15 =	vsel vm3, $0x0, v15;
	[tilespmem:s0+$0x10] =	vst v11  }
0x26f: {  	[tilespmem:s0+$0xFFFFFFE0] =	vst v12;
	v12 =	vsel vm3, $0x0, v14;
	v11 =	vadd.s32 v18, v15  }
0x270: {  	[tilespmem:s0+$0xFFFFFFF0] =	vst v11;
	v11 =	vadd.s32 v13, v12  }
0x271: {  	s28 =	simm.s32 $0x0;
	[tilespmem:s0+$0x0] =	vst v11  }
0x272: {  	v22 =	vld.idx.msk [tilespmem:v4+s28+$0x0], $0xffff;
	_ =	sdelay $0x1  }
0x273: {  	s26 =	simm.s32 $0x1;
	v24 =	vld.idx.msk [tilespmem:v1+s28+$0x0], $0xffff  }
0x274: {  	p0 =	por $0x1, $0x1;
	s12 =	smin.u32 s26, $0x104;
	vm3 =	vmmov vm0  }
0x275: {  	v20 =	vadd.s32 s12, v1;
	vm3 =	vmneg @p0 vm3;
	v21 =	vld.idx.msk [tilespmem:v5+s28+$0x0], $0xffff  }
0x276: {  	s7 =	sadd.s32 $0x30F0, s12;
	vm3 =	vmor vm3, vm1;
	v23 =	vld.idx.msk [tilespmem:v3+s28+$0x0], $0xffff;
	v12 =	vshrl.u32 v22, $0xA  }
0x277: {  	v13 =	vadd.s32 s7, v1;
	v25 =	vld.idx.msk [tilespmem:v1+s19+$0x0], $0xffff;
	v12 =	vand.u32 $0x3FC0, v12  }
0x278: {  	v27 =	vld.idx.msk [tilespmem:v3+s19+$0x0], $0xffff;
	v28 =	vor.u32 v7, v12;
	v12 =	vshrl.u32 v24, $0xA  }
0x279: {  	v29 =	vld.idx.msk [tilespmem:v4+s19+$0x0], $0xffff;
	v12 =	vand.u32 $0x3FC0, v12  }
0x27a: {  	s8 =	sadd.s32 $0x20A0, s12;
	v18 =	vld.idx.msk [tilespmem:v20+s28+$0x0], $0xffff;
	v11 =	vshrl.u32 v21, $0xA;
	v31 =	vor.u32 v0, v12  }
0x27b: {  	v15 =	vadd.s32 s8, v1;
	v20 =	vld.idx.msk [tilespmem:v20+s19+$0x0], $0xffff;
	v14 =	vshrl.u32 v23, $0xA;
	v11 =	vand.u32 $0x3FC0, v11  }
0x27c: {  	v17 =	vld.idx.msk [tilespmem:v13+s19+$0x0], vm3;
	v26 =	vor.u32 v6, v11;
	v11 =	vand.u32 $0x3FC0, v14  }
0x27d: {  	s0 =	sadd.s32 $0x1050, s12;
	v14 =	vld.idx.msk [tilespmem:v5+s19+$0x0], $0xffff;
	v30 =	vor.u32 v8, v11  }
0x27e: {  	v16 =	vadd.s32 s0, v1;
	v11 =	vld.idx.msk [tilespmem:v13+s28+$0x0], vm3  }
0x27f: {  	v34 =	vld.idx.msk [tilespmem:v31+s15+$0x0], $0xffff  }
0x280: {  	v13 =	vld.idx.msk [tilespmem:v15+s19+$0x0], $0xffff  }
0x281: {  	v12 =	vld.idx.msk [tilespmem:v15+s28+$0x0], $0xffff  }
0x282: {  	v33 =	vld.idx.msk [tilespmem:v30+s15+$0x0], $0xffff  }
0x283: {  	v15 =	vld.idx.msk [tilespmem:v16+s28+$0x0], $0xffff  }
0x284: {  	v16 =	vld.idx.msk [tilespmem:v16+s19+$0x0], $0xffff  }
0x285: {  	v32 =	vld.idx.msk [tilespmem:v28+s15+$0x0], $0xffff;
	v35 =	vadd.s32 $0x1, v34  }
0x286: {  	v19 =	vld.idx.msk [tilespmem:v26+s15+$0x0], $0xffff;
	[tilespmem:v31+s15+$0x0] =	vst.idx.msk $0xffff, v35  }
0x287: {  	p0 =	por $0x1, $0x1;
	vm3 =	vmmov vm0;
	[tilespmem:v34+s17+$0x0] =	vst.idx.msk $0xffff, v24  }
0x288: {  	vm3 =	vmneg @p0 vm3;
	v24 =	vadd.s32 $0x1, v33;
	[tilespmem:v34+s18+$0x0] =	vst.idx.msk $0xffff, v25  }
0x289: {  	vm3 =	vmor vm3, vm1;
	[tilespmem:v30+s15+$0x0] =	vst.idx.msk $0xffff, v24  }
0x28a: {  	vm4 =	vmmov vm0;
	s29 =	simm.s32 $0x2;
	p0 =	por $0x1, $0x1;
	[tilespmem:v33+s17+$0x0] =	vst.idx.msk $0xffff, v23  }
0x28b: {  	s30 =	smin.u32 s29, $0x104;
	vm4 =	vmneg @p0 vm4;
	v24 =	vshrl.u32 v11, $0xA;
	v23 =	vadd.s32 $0x1, v32;
	[tilespmem:v33+s18+$0x0] =	vst.idx.msk $0xffff, v27  }
0x28c: {  	s12 =	sadd.s32 $0x30F0, s30;
	vm4 =	vmor vm4, vm1;
	[tilespmem:v28+s15+$0x0] =	vst.idx.msk $0xffff, v23;
	v23 =	vand.u32 $0x3FC0, v24;
	v24 =	vshrl.u32 v15, $0xA  }
0x28d: {  	v25 =	vshrl.u32 v12, $0xA;
	[tilespmem:v32+s17+$0x0] =	vst.idx.msk $0xffff, v22;
	v63 =	vand.u32 $0x3FC0, v24;
	v24 =	vadd.s32 s12, v1  }
0x28e: {  	v27 =	vand.u32 $0x3FC0, v25;
	v22 =	vadd.s32 $0x1, v19;
	v25 =	vor.u32 v6, v23;
	[tilespmem:v32+s18+$0x0] =	vst.idx.msk $0xffff, v29  }
0x28f: {  	[tilespmem:v26+s15+$0x0] =	vst.idx.msk vm3, v22;
	v22 =	vor.u32 v7, v27  }
0x290: {  	s31 =	sadd.s32 $0x1050, s30;
	s0 =	sadd.s32 $0x20A0, s30;
	v23 =	vor.u32 v8, v63;
	v26 =	vshrl.u32 v18, $0xA;
	[tilespmem:v19+s17+$0x0] =	vst.idx.msk vm3, v21;
	v21 =	vmov v25  }
.LBB2_37:
0x291: {  	p0 =	sne.s32 s29, $0x104;
	v26 =	vand.u32 $0x3FC0, v26;
	[tilespmem:v19+s18+$0x0] =	vst.idx.msk vm3, v14;
	v14 =	vmov v17;
	s7 =	smov.u32 s29;
	s29 =	sadd.s32 $0x1, s29  }
0x292: {  	s8 =	smin.u32 s29, $0x104;
	v27 =	vld.idx.msk [tilespmem:v24+s28+$0x0], vm4;
	v26 =	vor.u32 v0, v26  }
0x293: {  	v28 =	vadd.s32 s0, v1;
	s12 =	sadd.s32 $0x1050, s8;
	s2 =	sadd.s32 $0x30F0, s8;
	s0 =	sadd.s32 $0x20A0, s8;
	v19 =	vld.idx.msk [tilespmem:v25+s15+$0x0], $0xffff  }
0x294: {  	v25 =	vadd.s32 s30, v1;
	s30 =	smov.u32 s8;
	v29 =	vld.idx.msk [tilespmem:v22+s15+$0x0], $0xffff  }
0x295: {  	v30 =	vld.idx.msk [tilespmem:v23+s15+$0x0], $0xffff  }
0x296: {  	v31 =	vadd.s32 s31, v1;
	s31 =	smov.u32 s12;
	v17 =	vld.idx.msk [tilespmem:v24+s19+$0x0], vm4  }
0x297: {  	v24 =	vshrl.u32 v27, $0xA;
	v32 =	vld.idx.msk [tilespmem:v26+s15+$0x0], $0xffff  }
0x298: {  	v33 =	vand.u32 $0x3FC0, v24;
	v34 =	vld.idx.msk [tilespmem:v28+s28+$0x0], $0xffff  }
0x299: {  	v35 =	vld.idx.msk [tilespmem:v25+s28+$0x0], $0xffff  }
0x29a: {  	v28 =	vld.idx.msk [tilespmem:v28+s19+$0x0], $0xffff  }
0x29b: {  	v24 =	vld.idx.msk [tilespmem:v31+s28+$0x0], $0xffff  }
0x29c: {  	v31 =	vld.idx.msk [tilespmem:v31+s19+$0x0], $0xffff  }
0x29d: {  	v37 =	vadd.s32 $0x1, v32;
	v36 =	vshrl.u32 v34, $0xA;
	v25 =	vld.idx.msk [tilespmem:v25+s19+$0x0], $0xffff  }
0x29e: {  	v36 =	vand.u32 $0x3FC0, v36;
	[tilespmem:v26+s15+$0x0] =	vst.idx.msk $0xffff, v37  }
0x29f: {  	p1 =	slt.u32 s26, $0xC5;
	vm3 =	vmmov vm0;
	s26 =	smov.u32 s7;
	[tilespmem:v32+s17+$0x0] =	vst.idx.msk $0xffff, v18;
	v18 =	vmov v35  }
0x2a0: {  	vm3 =	vmneg @p1 vm3;
	v37 =	vadd.s32 $0x1, v30;
	v26 =	vshrl.u32 v24, $0xA;
	[tilespmem:v32+s18+$0x0] =	vst.idx.msk $0xffff, v20  }
0x2a1: {  	vm3 =	vmor vm3, vm1;
	v32 =	vand.u32 $0x3FC0, v26;
	[tilespmem:v23+s15+$0x0] =	vst.idx.msk $0xffff, v37  }
0x2a2: {  	p1 =	slt.u32 s26, $0xC4;
	vm4 =	vmmov vm0;
	[tilespmem:v30+s17+$0x0] =	vst.idx.msk $0xffff, v15;
	v15 =	vmov v24;
	v20 =	vmov v25  }
0x2a3: {  	vm4 =	vmneg @p1 vm4;
	v23 =	vadd.s32 $0x1, v29;
	[tilespmem:v30+s18+$0x0] =	vst.idx.msk $0xffff, v16;
	v16 =	vmov v31  }
.Ltmp17:
0x2a4: {  	vm4 =	vmor vm4, vm1;
	[tilespmem:v22+s15+$0x0] =	vst.idx.msk $0xffff, v23;
	(pc) =	sbr.rel @p0 .LBB2_37-.Ltmp17, $4  }
0x2a5: {  	v24 =	vadd.s32 s2, v1;
	[tilespmem:v29+s17+$0x0] =	vst.idx.msk $0xffff, v12;
	v12 =	vmov v34  }
0x2a6: {  	v25 =	vor.u32 v6, v33;
	v23 =	vadd.s32 $0x1, v19;
	[tilespmem:v29+s18+$0x0] =	vst.idx.msk $0xffff, v13;
	v13 =	vmov v28  }
0x2a7: {  	v22 =	vor.u32 v7, v36;
	[tilespmem:v21+s15+$0x0] =	vst.idx.msk vm3, v23;
	v21 =	vmov v25  }
0x2a8: {  	v26 =	vshrl.u32 v35, $0xA;
	v23 =	vor.u32 v8, v32;
	[tilespmem:v19+s17+$0x0] =	vst.idx.msk vm3, v11;
	v11 =	vmov v27  }
0x2a9: {  	v24 =	vand.u32 $0x3FC0, v26  }
0x2aa: {  	v24 =	vor.u32 v0, v24;
	_ =	sdelay $0x3  }
0x2ab: {  	[tilespmem:v19+s18+$0x0] =	vst.idx.msk vm3, v14  }
0x2ac: {  	v14 =	vld.idx.msk [tilespmem:v24+s15+$0x0], $0xffff;
	_ =	sdelay $0x2  }
0x2ad: {  	v19 =	vld.idx.msk [tilespmem:v23+s15+$0x0], $0xffff;
	_ =	sdelay $0x2  }
0x2ae: {  	v60 =	vld.idx.msk [tilespmem:v22+s15+$0x0], $0xffff;
	v27 =	vadd.s32 $0x1, v14  }
0x2af: {  	v25 =	vld.idx.msk [tilespmem:v25+s15+$0x0], $0xffff;
	[tilespmem:v24+s15+$0x0] =	vst.idx.msk $0xffff, v27  }
0x2b0: {  	p0 =	slt.u32 s26, $0xC5;
	vm3 =	vmmov vm0;
	[tilespmem:v14+s17+$0x0] =	vst.idx.msk $0xffff, v18  }
0x2b1: {  	vm3 =	vmneg @p0 vm3;
	v61 =	vadd.s32 $0x1, v19;
	[tilespmem:v14+s18+$0x0] =	vst.idx.msk $0xffff, v20  }
0x2b2: {  	vm3 =	vmor vm3, vm1;
	[tilespmem:v23+s15+$0x0] =	vst.idx.msk $0xffff, v61  }
0x2b3: {  	[tilespmem:v19+s17+$0x0] =	vst.idx.msk $0xffff, v15  }
0x2b4: {  	v62 =	vadd.s32 $0x1, v60;
	[tilespmem:v19+s18+$0x0] =	vst.idx.msk $0xffff, v16  }
0x2b5: {  	[tilespmem:v22+s15+$0x0] =	vst.idx.msk $0xffff, v62  }
0x2b6: {  	[tilespmem:v60+s17+$0x0] =	vst.idx.msk $0xffff, v12  }
0x2b7: {  	v63 =	vadd.s32 $0x1, v25;
	[tilespmem:v60+s18+$0x0] =	vst.idx.msk $0xffff, v13  }
0x2b8: {  	[tilespmem:v21+s15+$0x0] =	vst.idx.msk vm3, v63  }
0x2b9: {  	[tilespmem:v25+s17+$0x0] =	vst.idx.msk vm3, v11  }
0x2ba: {  	s2 =	simm.s32 $0x100;
	s0 =	simm.s32 $0x0;
	[tilespmem:v25+s18+$0x0] =	vst.idx.msk vm3, v17  }
.LBB2_39:
0x2bb: {  	p0 =	sne.s32 s2, $0xFF00;
	[tilespmem:s0+$0x14530] =	vst v2;
	s7 =	smov.u32 s2;
	s2 =	sadd.s32 $0x100, s2  }
.Ltmp18:
0x2bc: {  	[tilespmem:s0+$0x14520] =	vst v2;
	(pc) =	sbr.rel @p0 .LBB2_39-.Ltmp18, $3  }
0x2bd: {  	[tilespmem:s0+$0x14500] =	vst v2  }
0x2be: {  	[tilespmem:s0+$0x14510] =	vst v2;
	_ =	sdelay $0x1  }
0x2bf: {  	s0 =	sshra.s32 s7, $0x2  }
0x2c0: {  	[tilespmem:s0+$0x14530] =	vst v2  }
0x2c1: {  	[tilespmem:s0+$0x14520] =	vst v2  }
0x2c2: {  	[tilespmem:s0+$0x14500] =	vst v2  }
0x2c3: {  	[tilespmem:s0+$0x14510] =	vst v2;
	s0 =	simm.s32 $0x1  }
0x2c4: {  	v11 =	vld.idx.msk [tilespmem:v1+s17+$0x0], $0xffff;
	s2 =	smin.u32 s0, $0x104  }
0x2c5: {  	v16 =	vld.idx.msk [tilespmem:v3+s17+$0x0], $0xffff;
	s7 =	sadd.s32 $0x20A0, s2  }
0x2c6: {  	p0 =	por $0x1, $0x1;
	vm3 =	vmmov vm0;
	v17 =	vld.idx.msk [tilespmem:v4+s17+$0x0], $0xffff;
	v18 =	vadd.s32 s7, v1  }
0x2c7: {  	vm3 =	vmneg @p0 vm3;
	v14 =	vld.idx.msk [tilespmem:v5+s17+$0x0], $0xffff;
	s31 =	sadd.s32 $0x1050, s2;
	v12 =	vadd.s32 s2, v1  }
0x2c8: {  	s2 =	sadd.s32 $0x30F0, s2;
	vm3 =	vmor vm3, vm1;
	v13 =	vadd.s32 s31, v1  }
0x2c9: {  	vm4 =	vmmov vm0;
	p0 =	por $0x1, $0x1;
	v15 =	vadd.s32 s2, v1;
	v11 =	vshrl.u32 v11, $0x12  }
0x2ca: {  	vm4 =	vmneg @p0 vm4;
	v19 =	vshrl.u32 v16, $0x12;
	v16 =	vand.u32 $0x3FC0, v11  }
0x2cb: {  	s26 =	simm.s32 $0x0;
	v17 =	vshrl.u32 v17, $0x12;
	v11 =	vld.idx.msk [tilespmem:v18+s17+$0x0], $0xffff;
	v16 =	vor.u32 v0, v16;
	v18 =	vand.u32 $0x3FC0, v19  }
.LBB2_41:
0x2cc: {  	v14 =	vshrl.u32 v14, $0x12;
	v19 =	vld.idx.msk [tilespmem:v12+s17+$0x0], $0xffff;
	v18 =	vor.u32 v8, v18;
	v12 =	vand.u32 $0x3FC0, v17;
	s2 =	smov.u32 s0;
	s7 =	sadd.s32 $0x1, s0  }
0x2cd: {  	vm5 =	vmor vm4, vm1;
	s8 =	smin.u32 s7, $0x104;
	v17 =	vld.idx.msk [tilespmem:v13+s17+$0x0], $0xffff;
	v20 =	vor.u32 v7, v12;
	v12 =	vand.u32 $0x3FC0, v14  }
0x2ce: {  	p0 =	slt.u32 s2, $0xC4;
	v14 =	vld.idx.msk [tilespmem:v15+s17+$0x0], vm3;
	vm3 =	vmmov vm0  }
0x2cf: {  	vm4 =	vmmov vm0;
	s12 =	sadd.s32 $0x20A0, s8;
	v21 =	vor.u32 v6, v12;
	vm3 =	vmneg @p0 vm3;
	p0 =	slt.u32 s2, $0xC5  }
0x2d0: {  	v22 =	vadd.s32 s12, v1;
	vm4 =	vmneg @p0 vm4;
	p0 =	sne.s32 s0, $0x104  }
.Ltmp19:
0x2d1: {  	v12 =	vadd.s32 s8, v1;
	s12 =	sadd.s32 $0x1050, s8;
	[tilespmem:v16+s15+$0x0] =	vst.idx.add.s32.msk $0xffff, v9;
	(pc) =	sbr.rel @p0 .LBB2_41-.Ltmp19, $4  }
0x2d2: {  	s8 =	sadd.s32 $0x30F0, s8;
	v13 =	vadd.s32 s12, v1;
	vm3 =	vmor vm3, vm1;
	[tilespmem:v18+s15+$0x0] =	vst.idx.add.s32.msk $0xffff, v9  }
0x2d3: {  	v15 =	vadd.s32 s8, v1;
	v16 =	vshrl.u32 v19, $0x12;
	[tilespmem:v20+s15+$0x0] =	vst.idx.add.s32.msk $0xffff, v9  }
0x2d4: {  	v18 =	vshrl.u32 v17, $0x12;
	v16 =	vand.u32 $0x3FC0, v16;
	[tilespmem:v21+s15+$0x0] =	vst.idx.add.s32.msk vm5, v9  }
0x2d5: {  	s0 =	smov.u32 s7;
	v17 =	vshrl.u32 v11, $0x12;
	v16 =	vor.u32 v0, v16;
	v18 =	vand.u32 $0x3FC0, v18;
	v11 =	vld.idx.msk [tilespmem:v22+s17+$0x0], $0xffff  }
0x2d6: {  	v11 =	vshrl.u32 v14, $0x12;
	v12 =	vor.u32 v8, v18;
	v13 =	vand.u32 $0x3FC0, v17  }
0x2d7: {  	vm3 =	vmor vm4, vm1;
	v13 =	vor.u32 v7, v13;
	v11 =	vand.u32 $0x3FC0, v11  }
0x2d8: {  	v11 =	vor.u32 v6, v11;
	_ =	sdelay $0x1  }
0x2d9: {  	[tilespmem:v16+s15+$0x0] =	vst.idx.add.s32.msk $0xffff, v9  }
0x2da: {  	[tilespmem:v12+s15+$0x0] =	vst.idx.add.s32.msk $0xffff, v9  }
0x2db: {  	[tilespmem:v13+s15+$0x0] =	vst.idx.add.s32.msk $0xffff, v9  }
0x2dc: {  	s0 =	simm.s32 $0x14520;
	[tilespmem:v11+s15+$0x0] =	vst.idx.add.s32.msk vm3, v9  }
0x2dd: {  	v11 =	vld [tilespmem:s0+$0xFFFFFFE0];
	_ =	sdelay $0x1  }
0x2de: {  	v12 =	vld [tilespmem:s0+$0xFFFFFFF0];
	_ =	sdelay $0x1  }
0x2df: {  	v13 =	vld [tilespmem:s0+$0x0]  }
0x2e0: {  	v14 =	vmov s26;
	(xrf0) =	vadd.scan.msk.s32 $0xffff, v11  }
0x2e1: {  	s2 =	simm.s32 $0x1;
	v14 =	vand.u32 $0xFFFFFFFC, v14  }
0x2e2: {  	s31 =	simm.s32 $0x2;
	v15 =	vmov s2;
	v14 =	vbroadcast v14, $0x0;
	(xrf0) =	vadd.scan.msk.s32 $0xffff, v12  }
0x2e3: {  	v11 =	vld [tilespmem:s0+$0x10];
	v12 =	vand.u32 $0xFFFFFFFD, v15;
	v15 =	vmov s31  }
0x2e4: {  	v12 =	vbroadcast v12, $0x0;
	(xrf0) =	vadd.scan.msk.s32 $0xffff, v13  }
0x2e5: {  	v13 =	vand.u32 $0xFFFFFFFE, v15  }
0x2e6: {  	v13 =	vbroadcast v13, $0x0;
	v15, _, _ =	vpop (xrf0)  }
0x2e7: {  	[tilespmem:s0+$0xFFFFFFE0] =	vst v15  }
0x2e8: {  	(xrf0) =	vadd.scan.msk.s32 $0xffff, v11;
	v11, _, _ =	vpop (xrf0);
	[tilespmem:v14+s16+$0x0] =	vst.idx.msk vm2, v15  }
0x2e9: {  	[tilespmem:s0+$0xFFFFFFF0] =	vst v11  }
0x2ea: {  	[tilespmem:v12+s16+$0x0] =	vst.idx.msk vm2, v11;
	v11, _, _ =	vpop (xrf0)  }
0x2eb: {  	s7 =	simm.s32 $0x3;
	[tilespmem:s0+$0x0] =	vst v11  }
0x2ec: {  	[tilespmem:v13+s16+$0x0] =	vst.idx.msk vm2, v11;
	v11 =	vmov s7;
	_ =	sdelay $0x1  }
0x2ed: {  	v12, _, _ =	vpop (xrf0)  }
0x2ee: {  	s2 =	simm.s32 $0x4;
	[tilespmem:s0+$0x10] =	vst v12  }
.LBB2_43:
0x2ef: {  	p0 =	sne.s32 s2, $0x3FC  }
0x2f0: {  	[tilespmem:v11+s16+$0x0] =	vst.idx.msk vm2, v12;
	s0 =	sadd.s32 $0x40, s0;
	s7 =	smov.u32 s2;
	s2 =	sadd.s32 $0x4, s2  }
0x2f1: {  	v11 =	vld [tilespmem:s0+$0xFFFFFFE0];
	_ =	sdelay $0x1  }
0x2f2: {  	v12 =	vld [tilespmem:s0+$0xFFFFFFF0];
	_ =	sdelay $0x1  }
0x2f3: {  	v13 =	vld [tilespmem:s0+$0x0]  }
0x2f4: {  	v14 =	vmov s7;
	(xrf0) =	vadd.scan.msk.s32 $0xffff, v11  }
0x2f5: {  	s8 =	sadd.s32 $0x1, s7;
	v14 =	vand.u32 $0xFFFFFFFC, v14;
	v11 =	vld [tilespmem:s0+$0x10]  }
0x2f6: {  	v15 =	vmov s8;
	v14 =	vbroadcast v14, $0x0;
	(xrf0) =	vadd.scan.msk.s32 $0xffff, v12  }
0x2f7: {  	s8 =	sadd.s32 $0x2, s7;
	v12 =	vand.u32 $0xFFFFFFFD, v15  }
0x2f8: {  	v16 =	vmov s8;
	v12 =	vbroadcast v12, $0x0;
	(xrf0) =	vadd.scan.msk.s32 $0xffff, v13  }
0x2f9: {  	v13 =	vand.u32 $0xFFFFFFFE, v16  }
0x2fa: {  	v13 =	vbroadcast v13, $0x0;
	v15, _, _ =	vpop (xrf0);
	(xrf0) =	vadd.scan.msk.s32 $0xffff, v11  }
0x2fb: {  	[tilespmem:s0+$0xFFFFFFE0] =	vst v15  }
0x2fc: {  	s7 =	sadd.s32 $0x3, s7;
	[tilespmem:v14+s16+$0x0] =	vst.idx.msk vm2, v15;
	v14, _, _ =	vpop (xrf0)  }
.Ltmp20:
0x2fd: {  	v11 =	vmov s7;
	[tilespmem:s0+$0xFFFFFFF0] =	vst v14;
	(pc) =	sbr.rel @p0 .LBB2_43-.Ltmp20, $4  }
0x2fe: {  	[tilespmem:v12+s16+$0x0] =	vst.idx.msk vm2, v14;
	v12, _, _ =	vpop (xrf0)  }
0x2ff: {  	[tilespmem:s0+$0x0] =	vst v12  }
0x300: {  	[tilespmem:v13+s16+$0x0] =	vst.idx.msk vm2, v12;
	v12, _, _ =	vpop (xrf0)  }
0x301: {  	s28 =	simm.s32 $0x0;
	[tilespmem:s0+$0x10] =	vst v12  }
0x302: {  	_ =	sdelay $0x4  }
0x303: {  	[tilespmem:v11+s16+$0x0] =	vst.idx.msk vm2, v12;
	s2 =	simm.s32 $0x0  }
0x304: {  	s30 =	simm.s32 $0x10;
	v12 =	vld [tilespmem:s2+$0x18980]  }
0x305: {  	v11 =	vld [tilespmem:s30+$0x18980];
	_ =	sdelay $0x3  }
0x306: {  	(xrf0) =	vadd.scan.msk.s32 $0xffff, v12  }
0x307: {  	(xrf0) =	vadd.scan.msk.s32 $0xffff, v11;
	_ =	sdelay $0x4  }
0x308: {  	s29 =	simm.s32 $0x20;
	v16, _, _ =	vpop (xrf0)  }
0x309: {  	v15 =	vld [tilespmem:s29+$0x18980];
	(v2sf) =	vpush v16, $0xF;
	v13, _, _ =	vpop (xrf0)  }
0x30a: {  	(v2sf) =	vpush v13, $0xF;
	_ =	sdelay $0x3  }
0x30b: {  	s31 =	simm.s32 $0x30;
	(xrf0) =	vadd.scan.msk.s32 $0xffff, v15  }
0x30c: {  	v14 =	vld [tilespmem:s31+$0x18980];
	_ =	sdelay $0x2  }
0x30d: {  	s0 =	simm.s32 $0x40  }
0x30e: {  	s26 =	simm.s32 $0x80;
	s8 =	simm.s32 $0x100;
	s7 =	simm.s32 $0x0  }
.LBB2_45:
0x30f: {  	s12 =	sshra.s32 s8, $0x2;
	p0 =	sne.s32 s8, $0xFC0;
	s8 =	sadd.s32 $0x40, s8;
	(xrf0) =	vadd.scan.msk.s32 $0xffff, v14;
	v17, _, _ =	vpop (xrf0);
	v18 =	vsub.s32 s7, v12;
	v12 =	vmov v11;
	v11 =	vmov v15  }
.Ltmp21:
0x310: {  	v15 =	vmovc v14;
	(v2sf) =	vpush v17, $0xF;
	v18 =	vadd.s32 v16, v18;
	v16 =	vmovc v13;
	v13 =	vmov v17;
	v14 =	vld [tilespmem:s12+$0x18980];
	(pc) =	sbr.rel @p0 .LBB2_45-.Ltmp21, $4  }
0x311: {  	[tilespmem:s2+$0x18500] =	vst v18;
	s2 =	smov.u32 s30;
	s30 =	smov.u32 s29;
	s29 =	smov.u32 s31  }
0x312: {  	s31 =	smov.u32 s12  }
0x313: {  	s12 =	spop (v2sf)  }
0x314: {  	s7 =	sadd.s32 s7, s12  }
0x315: {  	v17, _, _ =	vpop (xrf0)  }
0x316: {  	(v2sf) =	vpush v17, $0xF;
	_ =	sdelay $0x6  }
0x317: {  	(xrf0) =	vadd.scan.msk.s32 $0xffff, v14;
	_ =	sdelay $0x5  }
0x318: {  	s8 =	spop (v2sf);
	v18, _, _ =	vpop (xrf0)  }
0x319: {  	v12 =	vsub.s32 s7, v12;
	s8 =	sadd.s32 s7, s8;
	(v2sf) =	vpush v18, $0xF;
	s12 =	spop (v2sf)  }
0x31a: {  	v12 =	vadd.s32 v16, v12;
	v11 =	vsub.s32 s8, v11;
	s7 =	sadd.s32 s8, s12;
	s12 =	simm.s32 $0x30;
	s8 =	spop (v2sf)  }
0x31b: {  	[tilespmem:s2+$0x18500] =	vst v12;
	v11 =	vadd.s32 v13, v11;
	v12 =	vsub.s32 s7, v15;
	v13 =	vor.u32 s12, v10;
	s7 =	sadd.s32 s7, s8  }
0x31c: {  	[tilespmem:s30+$0x18500] =	vst v11;
	v11 =	vadd.s32 v17, v12;
	s8 =	simm.s32 $0x10;
	v12 =	vsub.s32 s7, v14;
	v14 =	vor.u32 s28, v10  }
0x31d: {  	s12 =	simm.s32 $0x20;
	[tilespmem:s29+$0x18500] =	vst v11;
	v11 =	vadd.s32 v18, v12;
	v12 =	vor.u32 s8, v10  }
0x31e: {  	s28 =	simm.s32 $0x18500;
	[tilespmem:s31+$0x18500] =	vst v11;
	v11 =	vor.u32 s12, v10  }
0x31f: {  	v15 =	vld [tilespmem:s28+$0x0]  }
0x320: {  	v13 =	vld.idx.msk [tilespmem:v13+s15+$0x0], $0xffff  }
0x321: {  	v14 =	vld.idx.msk [tilespmem:v14+s15+$0x0], $0xffff  }
0x322: {  	v12 =	vld.idx.msk [tilespmem:v12+s15+$0x0], $0xffff  }
0x323: {  	v16 =	vld.idx.msk [tilespmem:v11+s15+$0x0], $0xffff  }
0x324: {  	vm3 =	veq.s32 v0, $0x0;
	s30 =	simm.s32 $0x70;
	v17 =	vbroadcast v15, $0x3  }
0x325: {  	v11 =	vor.u32 s30, v10;
	v62 =	vbroadcast v15, $0x0;
	v13 =	vsel vm3, $0x0, v13  }
0x326: {  	s29 =	simm.s32 $0x14520;
	v19 =	vbroadcast v15, $0x1;
	v14 =	vsel vm3, $0x0, v14;
	v17 =	vadd.s32 v17, v13  }
0x327: {  	s2 =	simm.s32 $0x60;
	v13 =	vbroadcast v15, $0x2;
	v14 =	vadd.s32 v62, v14;
	v63 =	vsel vm3, $0x0, v12;
	[tilespmem:s29+$0x10] =	vst v17  }
0x328: {  	s7 =	simm.s32 $0x50;
	s31 =	spop (v2sf);
	v12 =	vor.u32 s0, v10;
	s0 =	simm.s32 $0x14520;
	[tilespmem:s29+$0xFFFFFFE0] =	vst v14;
	v14 =	vadd.s32 v19, v63;
	v15 =	vsel vm3, $0x0, v16  }
.LBB2_47:
0x329: {  	s28 =	sadd.s32 $0x4, s28  }
0x32a: {  	v16 =	vor.u32 s7, v10;
	v17 =	vor.u32 s2, v10;
	[tilespmem:s29+$0xFFFFFFF0] =	vst v14;
	v13 =	vadd.s32 v13, v15;
	s0 =	sadd.s32 $0x40, s0;
	s2 =	smov.u32 s26;
	s8 =	sadd.s32 $0x40, s26  }
0x32b: {  	p0 =	sne.s32 s26, $0x3FC0;
	[tilespmem:s29+$0x0] =	vst v13;
	s29 =	smov.u32 s0  }
0x32c: {  	v11 =	vld.idx.msk [tilespmem:v11+s15+$0x0], $0xffff  }
0x32d: {  	v13 =	vld [tilespmem:s28+$0x0]  }
0x32e: {  	v12 =	vld.idx.msk [tilespmem:v12+s15+$0x0], $0xffff  }
0x32f: {  	v14 =	vld.idx.msk [tilespmem:v16+s15+$0x0], $0xffff  }
0x330: {  	v15 =	vld.idx.msk [tilespmem:v17+s15+$0x0], $0xffff;
	_ =	sdelay $0x1  }
.Ltmp22:
0x331: {  	v16 =	vbroadcast v13, $0x3;
	(pc) =	sbr.rel @p0 .LBB2_47-.Ltmp22, $4  }
0x332: {  	s7 =	sadd.s32 $0x30, s2;
	v19 =	vsel vm3, $0x0, v11;
	v17 =	vbroadcast v13, $0x0;
	v18 =	vbroadcast v13, $0x1  }
0x333: {  	v11 =	vor.u32 s7, v10;
	v12 =	vsel vm3, $0x0, v12;
	v16 =	vadd.s32 v16, v19  }
0x334: {  	v13 =	vbroadcast v13, $0x2;
	v17 =	vadd.s32 v17, v12;
	v14 =	vsel vm3, $0x0, v14;
	[tilespmem:s0+$0x10] =	vst v16  }
0x335: {  	s26 =	smov.u32 s8;
	s7 =	sadd.s32 $0x10, s2;
	v12 =	vor.u32 s2, v10;
	s2 =	sadd.s32 $0x20, s2;
	v14 =	vadd.s32 v18, v14;
	v15 =	vsel vm3, $0x0, v15;
	[tilespmem:s0+$0xFFFFFFE0] =	vst v17  }
0x336: {  	_ = 	snop  }
0x337: {  	v16 =	vor.u32 s7, v10;
	[tilespmem:s29+$0xFFFFFFF0] =	vst v14;
	v13 =	vadd.s32 v13, v15  }
0x338: {  	v14 =	vor.u32 s2, v10;
	s30 =	sadd.s32 $0x4, s28;
	[tilespmem:s29+$0x0] =	vst v13  }
0x339: {  	v13 =	vld [tilespmem:s30+$0x0]  }
0x33a: {  	v11 =	vld.idx.msk [tilespmem:v11+s15+$0x0], $0xffff  }
0x33b: {  	v12 =	vld.idx.msk [tilespmem:v12+s15+$0x0], $0xffff  }
0x33c: {  	v15 =	vld.idx.msk [tilespmem:v16+s15+$0x0], $0xffff  }
0x33d: {  	v14 =	vld.idx.msk [tilespmem:v14+s15+$0x0], $0xffff  }
0x33e: {  	vm3 =	veq.s32 v0, $0x0;
	v16 =	vbroadcast v13, $0x3  }
0x33f: {  	v17 =	vbroadcast v13, $0x0;
	v11 =	vsel vm3, $0x0, v11  }
0x340: {  	s0 =	sadd.s32 $0x40, s0;
	v18 =	vbroadcast v13, $0x1;
	v12 =	vsel vm3, $0x0, v12;
	v11 =	vadd.s32 v16, v11  }
0x341: {  	v13 =	vbroadcast v13, $0x2;
	v12 =	vadd.s32 v17, v12;
	v15 =	vsel vm3, $0x0, v15;
	[tilespmem:s0+$0x10] =	vst v11  }
0x342: {  	[tilespmem:s0+$0xFFFFFFE0] =	vst v12;
	v12 =	vsel vm3, $0x0, v14;
	v11 =	vadd.s32 v18, v15  }
0x343: {  	[tilespmem:s0+$0xFFFFFFF0] =	vst v11;
	v11 =	vadd.s32 v13, v12  }
0x344: {  	[tilespmem:s0+$0x0] =	vst v11  }
0x345: {  	s26 =	simm.s32 $0x1;
	v21 =	vld.idx.msk [tilespmem:v1+s18+$0x0], $0xffff  }
0x346: {  	s31 =	smin.u32 s26, $0x104;
	v24 =	vld.idx.msk [tilespmem:v3+s18+$0x0], $0xffff  }
0x347: {  	s7 =	sadd.s32 $0x20A0, s31;
	v26 =	vld.idx.msk [tilespmem:v4+s18+$0x0], $0xffff  }
0x348: {  	s8 =	sadd.s32 $0x1050, s31;
	v17 =	vadd.s32 s7, v1;
	v11 =	vld.idx.msk [tilespmem:v5+s18+$0x0], $0xffff  }
0x349: {  	v19 =	vadd.s32 s8, v1;
	v12 =	vld.idx.msk [tilespmem:v1+s17+$0x0], $0xffff  }
0x34a: {  	p0 =	por $0x1, $0x1;
	vm3 =	vmmov vm0;
	v18 =	vadd.s32 s31, v1;
	v13 =	vld.idx.msk [tilespmem:v3+s17+$0x0], $0xffff  }
0x34b: {  	vm3 =	vmneg @p0 vm3;
	v15 =	vld.idx.msk [tilespmem:v4+s17+$0x0], $0xffff  }
0x34c: {  	vm3 =	vmor vm3, vm1;
	s0 =	sadd.s32 $0x30F0, s31;
	v16 =	vld.idx.msk [tilespmem:v5+s17+$0x0], $0xffff  }
0x34d: {  	v29 =	vld.idx.msk [tilespmem:v17+s17+$0x0], $0xffff;
	v20 =	vadd.s32 s0, v1  }
0x34e: {  	v31 =	vld.idx.msk [tilespmem:v19+s17+$0x0], $0xffff  }
0x34f: {  	v30 =	vld.idx.msk [tilespmem:v18+s17+$0x0], $0xffff;
	v13 =	vshrl.u32 v13, $0x12;
	v12 =	vshrl.u32 v12, $0x12  }
0x350: {  	v13 =	vand.u32 $0x3FC0, v13;
	v22 =	vand.u32 $0x3FC0, v12;
	v12 =	vld.idx.msk [tilespmem:v17+s18+$0x0], $0xffff  }
0x351: {  	v32 =	vor.u32 v8, v13;
	v13 =	vshrl.u32 v15, $0x12;
	v15 =	vld.idx.msk [tilespmem:v18+s18+$0x0], $0xffff  }
0x352: {  	v18 =	vld.idx.msk [tilespmem:v20+s18+$0x0], vm3  }
0x353: {  	v20 =	vld.idx.msk [tilespmem:v20+s17+$0x0], vm3  }
0x354: {  	v16 =	vshrl.u32 v16, $0x12;
	v33 =	vor.u32 v0, v22;
	v25 =	vld.idx.msk [tilespmem:v21+s11+$0x0], $0xffff  }
0x355: {  	v16 =	vand.u32 $0x3FC0, v16;
	v27 =	vld.idx.msk [tilespmem:v24+s11+$0x0], $0xffff  }
0x356: {  	v35 =	vor.u32 v6, v16;
	v28 =	vld.idx.msk [tilespmem:v26+s11+$0x0], $0xffff;
	v17 =	vand.u32 $0x3FC0, v13  }
0x357: {  	v14 =	vld.idx.msk [tilespmem:v11+s11+$0x0], $0xffff;
	v34 =	vor.u32 v7, v17  }
0x358: {  	v13 =	vld.idx.msk [tilespmem:v19+s18+$0x0], $0xffff  }
0x359: {  	v37 =	vld.idx.msk [tilespmem:v33+s15+$0x0], $0xffff  }
0x35a: {  	v36 =	vld.idx.msk [tilespmem:v32+s15+$0x0], $0xffff  }
0x35b: {  	v23 =	vld.idx.msk [tilespmem:v35+s15+$0x0], $0xffff  }
0x35c: {  	v38 =	vld.idx.msk [tilespmem:v34+s15+$0x0], $0xffff  }
0x35d: {  	v16 =	vld.idx.msk [tilespmem:v12+s11+$0x0], $0xffff  }
0x35e: {  	v19 =	vld.idx.msk [tilespmem:v15+s11+$0x0], $0xffff  }
0x35f: {  	v22 =	vld.idx.msk [tilespmem:v18+s11+$0x0], vm3;
	v39 =	vadd.s32 $0x1, v37  }
0x360: {  	v17 =	vld.idx.msk [tilespmem:v13+s11+$0x0], $0xffff;
	[tilespmem:v33+s15+$0x0] =	vst.idx.msk $0xffff, v39  }
0x361: {  	p0 =	por $0x1, $0x1;
	vm3 =	vmmov vm0;
	[tilespmem:v37+s4+$0x0] =	vst.idx.msk $0xffff, v25  }
0x362: {  	vm3 =	vmneg @p0 vm3;
	v25 =	vadd.s32 $0x1, v36;
	[tilespmem:v21+s19+$0x0] =	vst.idx.msk $0xffff, v37  }
0x363: {  	vm3 =	vmor vm3, vm1;
	[tilespmem:v32+s15+$0x0] =	vst.idx.msk $0xffff, v25  }
0x364: {  	[tilespmem:v36+s4+$0x0] =	vst.idx.msk $0xffff, v27  }
0x365: {  	s28 =	simm.s32 $0x2;
	v21 =	vadd.s32 $0x1, v38;
	[tilespmem:v24+s19+$0x0] =	vst.idx.msk $0xffff, v36  }
0x366: {  	s12 =	smin.u32 s28, $0x104;
	v25 =	vshrl.u32 v30, $0x12;
	v24 =	vshrl.u32 v29, $0x12;
	[tilespmem:v34+s15+$0x0] =	vst.idx.msk $0xffff, v21  }
0x367: {  	s31 =	sadd.s32 $0x20A0, s12;
	v27 =	vshrl.u32 v31, $0x12;
	v29 =	vadd.s32 $0x1, v23;
	v21 =	vand.u32 $0x3FC0, v24;
	[tilespmem:v38+s4+$0x0] =	vst.idx.msk $0xffff, v28  }
0x368: {  	s30 =	sadd.s32 $0x1050, s12;
	v24 =	vand.u32 $0x3FC0, v25;
	v25 =	vand.u32 $0x3FC0, v27;
	v27 =	vadd.s32 s31, v1;
	[tilespmem:v26+s19+$0x0] =	vst.idx.msk $0xffff, v38  }
0x369: {  	s29 =	sadd.s32 $0x30F0, s12;
	v28 =	vadd.s32 s30, v1;
	v26 =	vadd.s32 s12, v1;
	[tilespmem:v35+s15+$0x0] =	vst.idx.msk vm3, v29  }
.LBB2_49:
0x36a: {  	p0 =	sne.s32 s28, $0x104  }
0x36b: {  	p1 =	slt.u32 s26, $0xC4;
	[tilespmem:v23+s4+$0x0] =	vst.idx.msk vm3, v14;
	v14 =	vmov v22;
	s2 =	smov.u32 s28;
	s28 =	sadd.s32 $0x1, s28;
	vm4 =	vmmov vm0  }
0x36c: {  	s30 =	smin.u32 s28, $0x104;
	vm4 =	vmneg @p1 vm4;
	[tilespmem:v11+s19+$0x0] =	vst.idx.msk vm3, v23;
	v11 =	vmov v18  }
0x36d: {  	s0 =	sadd.s32 $0x1050, s30;
	s31 =	sadd.s32 $0x20A0, s30;
	s7 =	sadd.s32 $0x30F0, s30;
	vm3 =	vmor vm4, vm1;
	v18 =	vld.idx.msk [tilespmem:v27+s17+$0x0], $0xffff  }
0x36e: {  	v22 =	vadd.s32 s29, v1;
	v23 =	vld.idx.msk [tilespmem:v26+s17+$0x0], $0xffff;
	s29 =	smov.u32 s7  }
0x36f: {  	v30 =	vor.u32 v8, v25;
	v29 =	vld.idx.msk [tilespmem:v28+s17+$0x0], $0xffff  }
0x370: {  	v31 =	vld.idx.msk [tilespmem:v27+s18+$0x0], $0xffff;
	v27 =	vor.u32 v0, v24  }
0x371: {  	v20 =	vshrl.u32 v20, $0x12;
	v28 =	vld.idx.msk [tilespmem:v28+s18+$0x0], $0xffff  }
0x372: {  	v32 =	vor.u32 v7, v21;
	v20 =	vand.u32 $0x3FC0, v20;
	v18 =	vshrl.u32 v18, $0x12;
	v26 =	vld.idx.msk [tilespmem:v26+s18+$0x0], $0xffff  }
0x373: {  	v33 =	vor.u32 v6, v20;
	v23 =	vshrl.u32 v23, $0x12;
	v21 =	vand.u32 $0x3FC0, v18;
	v18 =	vld.idx.msk [tilespmem:v22+s18+$0x0], vm3  }
0x374: {  	v20 =	vshrl.u32 v29, $0x12;
	v24 =	vand.u32 $0x3FC0, v23;
	v29 =	vld.idx.msk [tilespmem:v30+s15+$0x0], $0xffff  }
0x375: {  	v25 =	vand.u32 $0x3FC0, v20;
	v34 =	vld.idx.msk [tilespmem:v27+s15+$0x0], $0xffff  }
0x376: {  	v20 =	vld.idx.msk [tilespmem:v22+s17+$0x0], vm3  }
0x377: {  	v35 =	vld.idx.msk [tilespmem:v32+s15+$0x0], $0xffff  }
0x378: {  	v23 =	vld.idx.msk [tilespmem:v33+s15+$0x0], $0xffff  }
0x379: {  	v36 =	vld.idx.msk [tilespmem:v31+s11+$0x0], $0xffff  }
0x37a: {  	v37 =	vld.idx.msk [tilespmem:v26+s11+$0x0], $0xffff  }
0x37b: {  	v38 =	vadd.s32 $0x1, v34;
	v22 =	vld.idx.msk [tilespmem:v18+s11+$0x0], vm3  }
0x37c: {  	v39 =	vld.idx.msk [tilespmem:v28+s11+$0x0], $0xffff  }
0x37d: {  	p1 =	slt.u32 s26, $0xC5;
	s26 =	smov.u32 s2;
	vm3 =	vmmov vm0;
	[tilespmem:v27+s15+$0x0] =	vst.idx.msk $0xffff, v38;
	v38 =	vadd.s32 $0x1, v35  }
0x37e: {  	vm3 =	vmneg @p1 vm3;
	v27 =	vadd.s32 $0x1, v29;
	[tilespmem:v34+s4+$0x0] =	vst.idx.msk $0xffff, v19  }
0x37f: {  	vm3 =	vmor vm3, vm1;
	[tilespmem:v15+s19+$0x0] =	vst.idx.msk $0xffff, v34;
	v15 =	vmov v26;
	v19 =	vmov v37  }
0x380: {  	[tilespmem:v30+s15+$0x0] =	vst.idx.msk $0xffff, v27  }
0x381: {  	[tilespmem:v29+s4+$0x0] =	vst.idx.msk $0xffff, v17;
	v17 =	vmov v39  }
.Ltmp23:
0x382: {  	[tilespmem:v13+s19+$0x0] =	vst.idx.msk $0xffff, v29;
	v13 =	vmov v28;
	(pc) =	sbr.rel @p0 .LBB2_49-.Ltmp23, $4  }
0x383: {  	v26 =	vadd.s32 s30, v1;
	v27 =	vadd.s32 s31, v1;
	[tilespmem:v32+s15+$0x0] =	vst.idx.msk $0xffff, v38  }
0x384: {  	v29 =	vadd.s32 $0x1, v23;
	[tilespmem:v35+s4+$0x0] =	vst.idx.msk $0xffff, v16;
	v16 =	vmov v36  }
0x385: {  	[tilespmem:v12+s19+$0x0] =	vst.idx.msk $0xffff, v35;
	v12 =	vmov v31  }
0x386: {  	v28 =	vadd.s32 s0, v1;
	[tilespmem:v33+s15+$0x0] =	vst.idx.msk vm3, v29  }
0x387: {  	_ =	sdelay $0x1  }
0x388: {  	v24 =	vor.u32 v0, v24;
	_ =	sdelay $0x2  }
0x389: {  	[tilespmem:v23+s4+$0x0] =	vst.idx.msk vm3, v14;
	v57 =	vor.u32 v8, v25  }
0x38a: {  	[tilespmem:v11+s19+$0x0] =	vst.idx.msk vm3, v23  }
0x38b: {  	v11 =	vshrl.u32 v20, $0x12;
	v59 =	vld.idx.msk [tilespmem:v24+s15+$0x0], $0xffff  }
0x38c: {  	v58 =	vor.u32 v7, v21;
	v11 =	vand.u32 $0x3FC0, v11  }
0x38d: {  	v11 =	vor.u32 v6, v11  }
0x38e: {  	v23 =	vld.idx.msk [tilespmem:v57+s15+$0x0], $0xffff;
	_ =	sdelay $0x2  }
0x38f: {  	v60 =	vld.idx.msk [tilespmem:v58+s15+$0x0], $0xffff;
	v27 =	vadd.s32 $0x1, v59  }
0x390: {  	v26 =	vld.idx.msk [tilespmem:v11+s15+$0x0], $0xffff;
	[tilespmem:v24+s15+$0x0] =	vst.idx.msk $0xffff, v27  }
0x391: {  	p0 =	slt.u32 s26, $0xC5;
	vm3 =	vmmov vm0;
	[tilespmem:v59+s4+$0x0] =	vst.idx.msk $0xffff, v19  }
0x392: {  	vm3 =	vmneg @p0 vm3;
	v61 =	vadd.s32 $0x1, v23;
	[tilespmem:v15+s19+$0x0] =	vst.idx.msk $0xffff, v59  }
0x393: {  	vm3 =	vmor vm3, vm1;
	[tilespmem:v57+s15+$0x0] =	vst.idx.msk $0xffff, v61  }
0x394: {  	[tilespmem:v23+s4+$0x0] =	vst.idx.msk $0xffff, v17  }
0x395: {  	v62 =	vadd.s32 $0x1, v60;
	[tilespmem:v13+s19+$0x0] =	vst.idx.msk $0xffff, v23  }
0x396: {  	[tilespmem:v58+s15+$0x0] =	vst.idx.msk $0xffff, v62  }
0x397: {  	s0 =	smul.u32 $0x20800, s25;
	[tilespmem:v60+s4+$0x0] =	vst.idx.msk $0xffff, v16  }
0x398: {  	s23 =	sadd.s32 $0x1, s23;
	v63 =	vadd.s32 $0x1, v26;
	[tilespmem:v12+s19+$0x0] =	vst.idx.msk $0xffff, v60  }
0x399: {  	s0 =	sor.u32 s24, s0;
	p0 =	sne.s32 s23, $0x20;
	[tilespmem:v11+s15+$0x0] =	vst.idx.msk vm3, v63  }
.Ltmp24:
0x39a: {  	s0 =	sshrl.u32 s0, $0x3;
	[tilespmem:v26+s4+$0x0] =	vst.idx.msk vm3, v22;
	(pc) =	sbr.rel @p0 .LBB2_2-.Ltmp24, $4  }
0x39b: {  	s2 =	sadd.s32 s6, s0;
	[tilespmem:v18+s19+$0x0] =	vst.idx.msk vm3, v26  }
0x39c: {  	[hbm4b:s2+s9] =	stream.strided.scatter [tilespmem:s4], [sflag:$0x2], $0x4100, s10, s9, $0x38;
	[tilespmem:$0x1CE80] =	vst v63  }
0x39d: {  	s0 =	sadd.s32 s3, s0  }
0x39e: {  	[hbm4b:s0+s9] =	stream.strided.scatter [tilespmem:s19], [sflag:$0x3], $0x4100, s10, s9, $0x38;
	[tilespmem:$0x1CE80] =	vst v63  }
0x39f: {  	_ =	swait.ge [sflag:s20], $0x4100  }
0x3a0: {  	[sflag:s20] =	ssyncset.done $0x0  }
0x3a1: {  	[sflag:s20] =	ssyncadd.s32 $0xFFFFBF00  }
0x3a2: {  	_ =	swait.ge [sflag:s21], $0x4100  }
0x3a3: {  	s22 =	sadd.s32 $0x1, s22;
	s0 =	rddreg [dreg:$0x5]  }
0x3a4: {  	p0 =	sne.s32 s22, s0  }
.Ltmp25:
0x3a5: {  	_ = 	snop;
	(pc) =	sbr.rel @p0 .LBB2_1-.Ltmp25, $3  }
0x3a6: {  	_ =	sdelay $0x1  }
0x3a7: {  	[sflag:s21] =	ssyncset.done $0x0  }
0x3a8: {  	[sflag:s21] =	ssyncadd.s32 $0xFFFFBF00  }
0x3a9: {  	_ =	sfence.sel $0x180000  }
0x3aa: {  	[bflag:$0x0] =	sbarrier.arrive $0xFFFF  }
0x3ab: {  	_ =	strace $0x9000004A  }
0x3ac: {  	s0 =	stileid.u32;
	[bflag:$0x2] =	sbarrier.arrive $0xFFFF  }
0x3ad: {  	p0 =	sne.s32 s0, $0x0;
	s0 =	rddreg [dreg:$0x3]  }
0x3ae: {  	s0 =	sadd.s32 @!p0 $0x100000, s0  }
0x3af: {  	[sflag:s0] =	ssyncadd.tile.s32 @!p0 $0x1;
	_ =	shalt  }
.Lfunc_end2:
_tile_overlayer_lowered:
.L_overlay_start_2:
0x3b0: {  	(tag) =	ssettag $0x2  }
0x3b1: {  	s0 =	rddreg [dreg:$0x0];
	s2 =	stileid.u32  }
0x3b2: {  	s1 =	rddreg [dreg:$0x1];
	p0 =	sne.s32 s2, $0x0  }
0x3b3: {  	s3 =	rddreg [dreg:$0x2];
	[bflag:$0x3] =	sbarrier.arrive $0xFFFF;
	s2 =	simm.s32 @!p0 $0x1C04  }
0x3b4: {  	[timem:s3], [sflag:s2] =	dma.local @!p0 [hbm:s0], s1  }
0x3b5: {  	s0 =	simm.s32 @!p0 $0x4  }
0x3b6: {  	_ =	swait.ge @!p0 [sflag:s0], s1  }
0x3b7: {  	s1 =	ssub.s32 @!p0 $0x0, s1;
	[sflag:s0] =	ssyncset.done @!p0 $0x0  }
0x3b8: {  	[sflag:s0] =	ssyncadd.s32 @!p0 s1  }
0x3b9: {  	[bflag:$0x3] =	sbarrier.arrive $0xFFFF  }
0x3ba: {  	_ =	shalt  }

// kernel: sparse-core-data-format-call.1.cloned.1.call-start
scs
called_computation.1_lowered:
.L_overlay_start_0:
0x0: {  	s2 =	sld [smem:$0x3FD9]  }
0x1: {  	s3 =	sld [smem:$0x3FFE];
	_ =	sdelay $0x1  }
0x2: {  	s1 =	srdreg.scid  }
0x3: {  	s0 =	sand.u32 $0x1, s1  }
0x4: {  	s16 =	sshll.u32 s0, $0xA;
	s2 =	sadd.s32 s3, s2  }
0x5: {  	s2 =	sadd.s32 s2, s16  }
0x6: {  	[smem:$0x3FC7] =	sst s2  }
0x7: {  	_ = 	snop  }
0x8: {  	s2 =	sld [smem:$0x3FD0];
	_ =	sdelay $0x2  }
0x9: {  	s17 =	simm.s32 $0xA;
	s4 =	simm.s32 $0x10  }
0xa: {  	[smem:s4], [sflag:s17] =	dma.local [hbm:s2], $0x1  }
0xb: {  	_ =	swait.eq [sflag:s17], $0x1  }
0xc: {  	[sflag:s17] =	ssyncset.done $0x0  }
0xd: {  	s18 =	sld [smem:$0x10];
	[sflag:s17] =	ssyncadd.s32 $0xFFFFFFFF  }
0xe: {  	s19 =	sld [smem:$0x11];
	(tm) =	ssettm $0x1  }
0xf: {  	s20 =	sld [smem:$0x3FFB];
	_ =	sdelay $0x3  }
0x10: {  	_ =	strace s20  }
0x11: {  	s4 =	sld [smem:$0x3FFC];
	_ =	sdelay $0x3  }
0x12: {  	_ =	strace s4  }
0x13: {  	s4 =	sld [smem:$0x3FFD];
	_ =	sdelay $0x3  }
0x14: {  	_ =	strace s4  }
0x15: {  	_ =	strace $0x8FFFFFFF  }
0x16: {  	s21 =	sld [smem:$0x3FDB];
	_ =	sdelay $0x1  }
0x17: {  	s5 =	simm.s32 $_scs_section_size  }
0x18: {  	s6 =	simm.s32 $_size__tile_overlayer_lowered;
	s7 =	simm.s32 $_tile_overlayer_lowered  }
0x19: {  	s24 =	simm.s32 $0x1BFF;
	s23 =	sshll.u32 s7, $0x1;
	s4 =	sadd.s32 s5, s21  }
0x1a: {  	s8 =	simm.s32 $0x0;
	s22 =	sshll.u32 s6, $0x1;
	s6 =	sadd.s32 s23, s4  }
0x1b: {  	[timem:s8], [sflag:s24] =	dma.local [hbm:s6], s22  }
0x1c: {  	_ =	swait.ge [sflag:s24], s22  }
0x1d: {  	s5 =	ssub.s32 $0x0, s22;
	[sflag:s24] =	ssyncset.done $0x0  }
0x1e: {  	[sflag:s24] =	ssyncadd.s32 s5;
	_ =	sdelay $0x1  }
0x1f: {  	s25 =	simm.s32 $0x1B8B  }
0x20: {  	_ =	swait.ge [sflag:s25], $0x1  }
0x21: {  	[sflag:s25] =	ssyncset.done $0x0  }
0x22: {  	s26 =	simm.s32 $0x1B8E;
	[sflag:s25] =	ssyncadd.s32 $0xFFFFFFFF  }
0x23: {  	s27 =	simm.s32 $execute0_lowered;
	[smem:$0x3FD2] =	sst s26  }
0x24: {  	s5 =	sshll.u32 s27, $0x1;
	_ =	strace $0x80000046;
	[dreg:$0x1] =	wrdreg $0xFFFFFFFF  }
0x25: {  	s28 =	simm.s32 $_size_execute0_lowered;
	s4 =	sadd.s32 s4, s5;
	[dreg:$0x0] =	wrdreg $0x0  }
0x26: {  	s5 =	sshll.u32 s28, $0x1;
	[dreg:$0x2] =	wrdreg s4  }
0x27: {  	[dreg:$0x3] =	wrdreg s5  }
0x28: {  	[dreg:$0x4] =	wrdreg $0xC0  }
0x29: {  	_ =	task [dreg:s8], $0x5FFFF  }
0x2a: {  	[dreg:$0x1] =	wrdreg $0xFFFFFFFF  }
0x2b: {  	[dreg:$0x0] =	wrdreg $0x60  }
0x2c: {  	[dreg:$0x2] =	wrdreg s19  }
0x2d: {  	[dreg:$0x3] =	wrdreg s18  }
0x2e: {  	[dreg:$0x4] =	wrdreg $0x9  }
0x2f: {  	_ =	task.clear_ibuf [dreg:s8], $0x5FFFF;
	_ =	strace $0x90000046  }
0x30: {  	s29 =	simm.s32 $0x9;
	_ =	strace $0x80000048  }
0x31: {  	_ =	swait.ge [sflag:s29], $0x1  }
0x32: {  	[sflag:s29] =	ssyncadd.s32 $0xFFFFFFFF  }
0x33: {  	_ =	strace $0x90000048  }
0x34: {  	_ =	sfence  }
0x35: {  	s30 =	sld [smem:$0x0];
	_ =	sdelay $0x2  }
0x36: {  	s31 =	sshll.u32 s1, $0xD;
	s1 =	sshrl.u32 s1, $0x2  }
0x37: {  	s3 =	sand.u32 $0x4000, s31;
	s1 =	sadd.s32 s1, s30  }
0x38: {  	s0 =	sor.u32 s3, s0;
	s1 =	sshll.u32 s1, $0x11  }
0x39: {  	s0 =	sor.u32 s1, s0  }
0x3a: {  	s0 =	sadd.s32 $0x8F2B, s0  }
0x3b: {  	[sflag:s0] =	ssyncadd.remote.s32 $0x1  }
0x3c: {  	_ =	sfence.sel $0xFFFF  }
0x3d: {  	[dreg:$0x0] =	wrdreg $0xFFFFFFFF;
	(pc) =	sbr.abs _section_cstart, $3  }
0x3e: {  	[dreg:$0x1] =	wrdreg $0xFFFFFFFF  }
0x3f: {  	_ =	task.clear_ibuf [dreg:s8], $0x2FFFF;
	_ =	strace $0x9FFFFFFF  }
0x40: {  	(tm) =	ssettm $0x7FFFFFFF  }
0x41: {  	_ =	shalt  }
tec
execute0_lowered:
.L_overlay_start_1:
0x0: {  	(tag) =	ssettag $0x1  }
0x1: {  	s2 =	rddreg [dreg:$0x0]  }
0x2: {  	s3 =	rddreg [dreg:$0x1]  }
0x3: {  	s0 =	rddreg [dreg:$0x2];
	_ =	strace $0x80000047  }
0x4: {  	s4 =	srdreg.scid;
	s1 =	stileid.u32;
	s6 =	simm.s32 $0x2  }
.Ltmp0:
0x5: {  	s11 =	simm.s32 $0x0;
	p0 =	por $0x0, $0x0;
	(pc) =	sbr.rel .LBB1_1-.Ltmp0, $4  }
0x6: {  	s7 =	simm.s32 $0x400;
	s12 =	simm.s32 $0x0;
	s5 =	sshll.u32 s4, $0x4  }
0x7: {  	s9 =	simm.s32 $0x0;
	s4 =	simm.s32 $0x1;
	s5 =	sand.u32 $0x10, s5  }
0x8: {  	s8 =	simm.s32 $0x0;
	[sflag:s4] =	ssyncpa.u1 $0x0;
	s5 =	sor.u32 s1, s5  }
0x9: {  	[sflag:s6] =	ssyncpa.u1 $0x0;
	s6 =	simm.s32 $0x80;
	s10 =	smov.u32 s5  }
.LBB1_5:
0xa: {  	s13 =	sadd.s32 $0x1, s9  }
0xb: {  	s11 =	sadd.s32 $0x20, s10;
	s15 =	smov.u32 s10;
	p2 =	sgt.s32 s13, $0x7  }
0xc: {  	p1 =	slt.u32 s8, $0x2;
	s15 =	smov.u32 @p2 s11  }
0xd: {  	s8 =	sadd.s32 $0x1, s8;
	s13 =	simm.s32 @p2 $0x0;
	p2 =	sgt.s32 s15, $0x7F  }
0xe: {  	s15 =	smov.u32 @p2 s5;
	p2 =	sne.s32 s8, $0x22  }
.Ltmp1:
0xf: {  	_ = 	snop;
	(pc) =	sbr.rel @!p2 .LBB1_6-.Ltmp1, $4  }
0x10: {  	s14 =	simm.s32 @!p1 $0x2  }
0x11: {  	s12 =	smov.u32 s10;
	_ =	swait.ge @!p1 [sflag:s14], $0x4000  }
0x12: {  	p0 =	por !p0, !p0;
	s11 =	smov.u32 s9;
	[sflag:s14] =	ssyncset.done @!p1 $0x0  }
0x13: {  	s9 =	smov.u32 s13;
	[sflag:s14] =	ssyncadd.s32 @!p1 $0xFFFFC000;
	s10 =	smov.u32 s15  }
.LBB1_1:
0x14: {  	p1 =	sgt.u32 s8, $0x1F  }
0x15: {  	s13 =	sxor.u32 @!p1 $0xFFFFFFFF, s8;
	s14 =	sshll.u32 @!p1 s10, $0xE  }
0x16: {  	s15 =	sshll.u32 @!p1 s9, $0xB;
	s13 =	sshll.u32 @!p1 s13, $0xE;
	s14 =	sadd.s32 @!p1 s2, s14  }
0x17: {  	s13 =	sand.u32 @!p1 $0x4000, s13;
	s14 =	sadd.s32 @!p1 s15, s14;
	s15 =	simm.s32 @!p1 $0x0  }
0x18: {  	[tilespmem:s13], [sflag:$0x1] =	stream.linear.gather @!p1 [hbm4b:s14+s15], $0x4000, $0x38;
	[tilespmem:$0x10000] =	vst v63  }
0x19: {  	p1 =	seq.s32 s8, $0x0  }
0x1a: {  	p2 =	seq.s32 @!p1 s8, $0x21  }
0x1b: {  	p1 =	por p1, p2  }
.Ltmp2:
0x1c: {  	_ = 	snop;
	(pc) =	sbr.rel @p1 .LBB1_5-.Ltmp2, $1  }
0x1d: {  	_ =	sdelay $0x3  }
0x1e: {  	s13 =	simm.s32 $0x1  }
0x1f: {  	s13 =	simm.s32 @!p0 $0x0  }
0x20: {  	s13 =	sshll.u32 s13, $0xE  }
0x21: {  	s14 =	sor.u32 $0x40, s13  }
0x22: {  	v1 =	vmov s14;
	_ =	sdelay $0x1  }
0x23: {  	_ =	swait.ge [sflag:s4], $0x4000  }
0x24: {  	[sflag:s4] =	ssyncset.done $0x0  }
0x25: {  	[sflag:s4] =	ssyncadd.s32 $0xFFFFC000;
	s14 =	simm.s32 $0x0  }
0x26: {  	s13 =	sor.u32 $0x8070, s13;
	v7 =	vld.idx.msk [tilespmem:v1+s14+$0x30 ss:$0x1], $0xffff  }
0x27: {  	v0 =	vmov s13;
	v8 =	vld.idx.msk [tilespmem:v1+s14+$0xFFFFFFC0 ss:$0x1], $0xffff  }
0x28: {  	v6 =	vld.idx.msk [tilespmem:v1+s14+$0xFFFFFFD0 ss:$0x1], $0xffff  }
0x29: {  	v4 =	vld.idx.msk [tilespmem:v1+s14+$0xFFFFFFE0 ss:$0x1], $0xffff  }
0x2a: {  	v2 =	vld.idx.msk [tilespmem:v1+s14+$0xFFFFFFF0 ss:$0x1], $0xffff  }
0x2b: {  	s31 =	sshll.u32 s8, $0xE;
	v3 =	vld.idx.msk [tilespmem:v1+s14+$0x0 ss:$0x1], $0xffff  }
0x2c: {  	s13 =	sand.u32 $0x4000, s31;
	v5 =	vld.idx.msk [tilespmem:v1+s14+$0x10 ss:$0x1], $0xffff;
	[tilespmem:v0+s14+$0x0 ss:$0x1] =	vst.idx.msk $0xffff, v7  }
0x2d: {  	s15 =	simm.s32 $0x80;
	s16 =	simm.s32 $0x400;
	s13 =	sor.u32 $0x8000, s13;
	[tilespmem:v0+s14+$0xFFFFFF90 ss:$0x1] =	vst.idx.msk $0xffff, v8;
	v7 =	vld.idx.msk [tilespmem:v1+s14+$0x20 ss:$0x1], $0xffff  }
.LBB1_3:
0x2e: {  	p1 =	sne.s32 s16, $0xFE00;
	v8 =	vld.idx.msk [tilespmem:v1+s15+$0x30 ss:$0x1], $0xffff;
	[tilespmem:v0+s14+$0xFFFFFFA0 ss:$0x1] =	vst.idx.msk $0xffff, v6  }
0x2f: {  	v9 =	vld.idx.msk [tilespmem:v1+s15+$0xFFFFFFC0 ss:$0x1], $0xffff;
	[tilespmem:v0+s14+$0xFFFFFFB0 ss:$0x1] =	vst.idx.msk $0xffff, v4  }
0x30: {  	v6 =	vld.idx.msk [tilespmem:v1+s15+$0xFFFFFFD0 ss:$0x1], $0xffff;
	[tilespmem:v0+s14+$0xFFFFFFC0 ss:$0x1] =	vst.idx.msk $0xffff, v2  }
.Ltmp3:
0x31: {  	v4 =	vld.idx.msk [tilespmem:v1+s15+$0xFFFFFFE0 ss:$0x1], $0xffff;
	[tilespmem:v0+s14+$0xFFFFFFD0 ss:$0x1] =	vst.idx.msk $0xffff, v3;
	(pc) =	sbr.rel @p1 .LBB1_3-.Ltmp3, $4  }
0x32: {  	v2 =	vld.idx.msk [tilespmem:v1+s15+$0xFFFFFFF0 ss:$0x1], $0xffff;
	[tilespmem:v0+s14+$0xFFFFFFE0 ss:$0x1] =	vst.idx.msk $0xffff, v5  }
0x33: {  	v3 =	vld.idx.msk [tilespmem:v1+s15+$0x0 ss:$0x1], $0xffff;
	[tilespmem:v0+s14+$0xFFFFFFF0 ss:$0x1] =	vst.idx.msk $0xffff, v7;
	s14 =	smov.u32 s15  }
0x34: {  	v5 =	vld.idx.msk [tilespmem:v1+s14+$0x10 ss:$0x1], $0xffff;
	[tilespmem:v0+s14+$0x0 ss:$0x1] =	vst.idx.msk $0xffff, v8  }
0x35: {  	s15 =	sshra.s32 s16, $0x2;
	s16 =	sadd.s32 $0x200, s16;
	[tilespmem:v0+s14+$0xFFFFFF90 ss:$0x1] =	vst.idx.msk $0xffff, v9;
	v7 =	vld.idx.msk [tilespmem:v1+s14+$0x20 ss:$0x1], $0xffff  }
0x36: {  	_ =	sdelay $0x3  }
0x37: {  	[tilespmem:v0+s14+$0xFFFFFFA0 ss:$0x1] =	vst.idx.msk $0xffff, v6  }
0x38: {  	v56 =	vld.idx.msk [tilespmem:v1+s15+$0x30 ss:$0x1], $0xffff;
	[tilespmem:v0+s14+$0xFFFFFFB0 ss:$0x1] =	vst.idx.msk $0xffff, v4  }
0x39: {  	v57 =	vld.idx.msk [tilespmem:v1+s15+$0xFFFFFFC0 ss:$0x1], $0xffff;
	[tilespmem:v0+s14+$0xFFFFFFC0 ss:$0x1] =	vst.idx.msk $0xffff, v2  }
0x3a: {  	v58 =	vld.idx.msk [tilespmem:v1+s15+$0xFFFFFFD0 ss:$0x1], $0xffff;
	[tilespmem:v0+s14+$0xFFFFFFD0 ss:$0x1] =	vst.idx.msk $0xffff, v3  }
0x3b: {  	v59 =	vld.idx.msk [tilespmem:v1+s15+$0xFFFFFFE0 ss:$0x1], $0xffff;
	[tilespmem:v0+s14+$0xFFFFFFE0 ss:$0x1] =	vst.idx.msk $0xffff, v5  }
0x3c: {  	v60 =	vld.idx.msk [tilespmem:v1+s15+$0xFFFFFFF0 ss:$0x1], $0xffff;
	[tilespmem:v0+s14+$0xFFFFFFF0 ss:$0x1] =	vst.idx.msk $0xffff, v7  }
0x3d: {  	v61 =	vld.idx.msk [tilespmem:v1+s15+$0x0 ss:$0x1], $0xffff;
	[tilespmem:v0+s15+$0x0 ss:$0x1] =	vst.idx.msk $0xffff, v56  }
0x3e: {  	v62 =	vld.idx.msk [tilespmem:v1+s15+$0x10 ss:$0x1], $0xffff;
	[tilespmem:v0+s15+$0xFFFFFF90 ss:$0x1] =	vst.idx.msk $0xffff, v57  }
0x3f: {  	v63 =	vld.idx.msk [tilespmem:v1+s15+$0x20 ss:$0x1], $0xffff;
	[tilespmem:v0+s15+$0xFFFFFFA0 ss:$0x1] =	vst.idx.msk $0xffff, v58  }
0x40: {  	[tilespmem:v0+s15+$0xFFFFFFB0 ss:$0x1] =	vst.idx.msk $0xffff, v59  }
.Ltmp4:
0x41: {  	[tilespmem:v0+s15+$0xFFFFFFC0 ss:$0x1] =	vst.idx.msk $0xffff, v60;
	(pc) =	sbr.rel .LBB1_5-.Ltmp4, $4  }
0x42: {  	s12 =	sshll.u32 s12, $0xE;
	s11 =	sshll.u32 s11, $0x4;
	[tilespmem:v0+s15+$0xFFFFFFD0 ss:$0x1] =	vst.idx.msk $0xffff, v61  }
0x43: {  	s11 =	sand.u32 $0x70, s11;
	s12 =	sadd.s32 s3, s12;
	[tilespmem:v0+s15+$0xFFFFFFE0 ss:$0x1] =	vst.idx.msk $0xffff, v62  }
0x44: {  	s11 =	sadd.s32 s11, s12;
	[tilespmem:v0+s15+$0xFFFFFFF0 ss:$0x1] =	vst.idx.msk $0xffff, v63  }
0x45: {  	[hbm4b:s11+s6] =	stream.strided.scatter [tilespmem:s13], [sflag:$0x2], $0x4000, s7, s6, $0x38;
	[tilespmem:$0x10000] =	vst v63  }
.LBB1_6:
0x46: {  	_ =	sfence.sel $0x180000  }
0x47: {  	s2 =	simm.s32 $0x1;
	[bflag:$0x0] =	sbarrier.arrive $0xFFFF  }
0x48: {  	s31 =	simm.s32 $0x2;
	[sflag:s2] =	ssyncpa.u1 $0x1  }
0x49: {  	[sflag:s31] =	ssyncpa.u1 $0x1  }
0x4a: {  	p0 =	sne.s32 s1, $0x0;
	_ =	strace $0x90000047  }
0x4b: {  	s0 =	sadd.s32 @!p0 $0x100000, s0;
	[bflag:$0x2] =	sbarrier.arrive $0xFFFF  }
0x4c: {  	[sflag:s0] =	ssyncadd.tile.s32 @!p0 $0x1;
	_ =	shalt  }
.Lfunc_end1:
_tile_overlayer_lowered:
.L_overlay_start_2:
0x4d: {  	(tag) =	ssettag $0x2  }
0x4e: {  	s0 =	rddreg [dreg:$0x0];
	s2 =	stileid.u32  }
0x4f: {  	s1 =	rddreg [dreg:$0x1];
	p0 =	sne.s32 s2, $0x0  }
0x50: {  	s3 =	rddreg [dreg:$0x2];
	[bflag:$0x3] =	sbarrier.arrive $0xFFFF;
	s2 =	simm.s32 @!p0 $0x1C01  }
0x51: {  	[timem:s3], [sflag:s2] =	dma.local @!p0 [hbm:s0], s1  }
0x52: {  	s0 =	simm.s32 @!p0 $0x1  }
0x53: {  	_ =	swait.ge @!p0 [sflag:s0], s1  }
0x54: {  	s1 =	ssub.s32 @!p0 $0x0, s1;
	[sflag:s0] =	ssyncset.done @!p0 $0x0  }
0x55: {  	[sflag:s0] =	ssyncadd.s32 @!p0 s1  }
0x56: {  	[bflag:$0x3] =	sbarrier.arrive $0xFFFF  }
0x57: {  	_ =	shalt  }

// kernel: sparse-core-data-format-call.cloned.1.call-start
scs
called_computation_lowered:
.L_overlay_start_0:
0x0: {  	s2 =	sld [smem:$0x3FD9]  }
0x1: {  	s3 =	sld [smem:$0x3FFE];
	_ =	sdelay $0x1  }
0x2: {  	s1 =	srdreg.scid  }
0x3: {  	s0 =	sand.u32 $0x1, s1  }
0x4: {  	s15 =	sshll.u32 s0, $0xA;
	s2 =	sadd.s32 s3, s2  }
0x5: {  	s2 =	sadd.s32 s2, s15  }
0x6: {  	[smem:$0x3FC7] =	sst s2  }
0x7: {  	_ = 	snop  }
0x8: {  	s2 =	sld [smem:$0x3FD0];
	_ =	sdelay $0x2  }
0x9: {  	s16 =	simm.s32 $0xA;
	s4 =	simm.s32 $0x10  }
0xa: {  	[smem:s4], [sflag:s16] =	dma.local [hbm:s2], $0x1  }
0xb: {  	_ =	swait.eq [sflag:s16], $0x1  }
0xc: {  	[sflag:s16] =	ssyncset.done $0x0  }
0xd: {  	[sflag:s16] =	ssyncadd.s32 $0xFFFFFFFF  }
0xe: {  	s17 =	sld [smem:$0x10];
	(tm) =	ssettm $0x1  }
0xf: {  	s18 =	sld [smem:$0x3FFB];
	_ =	sdelay $0x3  }
0x10: {  	_ =	strace s18  }
0x11: {  	s3 =	sld [smem:$0x3FFC];
	_ =	sdelay $0x3  }
0x12: {  	_ =	strace s3  }
0x13: {  	s3 =	sld [smem:$0x3FFD];
	_ =	sdelay $0x3  }
0x14: {  	_ =	strace s3  }
0x15: {  	_ =	strace $0x8FFFFFFF  }
0x16: {  	s19 =	sld [smem:$0x3FDB];
	_ =	sdelay $0x1  }
0x17: {  	s20 =	simm.s32 $_scs_section_size  }
0x18: {  	s5 =	simm.s32 $_size__tile_overlayer_lowered;
	s6 =	simm.s32 $_tile_overlayer_lowered  }
0x19: {  	s23 =	simm.s32 $0x1BFF;
	s22 =	sshll.u32 s6, $0x1;
	s3 =	sadd.s32 s20, s19  }
0x1a: {  	s7 =	simm.s32 $0x0;
	s21 =	sshll.u32 s5, $0x1;
	s5 =	sadd.s32 s22, s3  }
0x1b: {  	[timem:s7], [sflag:s23] =	dma.local [hbm:s5], s21  }
0x1c: {  	_ =	swait.ge [sflag:s23], s21  }
0x1d: {  	s4 =	ssub.s32 $0x0, s21;
	[sflag:s23] =	ssyncset.done $0x0  }
0x1e: {  	[sflag:s23] =	ssyncadd.s32 s4;
	_ =	sdelay $0x1  }
0x1f: {  	s24 =	simm.s32 $0x1B8B  }
0x20: {  	_ =	swait.ge [sflag:s24], $0x1  }
0x21: {  	[sflag:s24] =	ssyncset.done $0x0  }
0x22: {  	s26 =	simm.s32 $0x1B8E;
	s25 =	sld [smem:$0x3FFE];
	[sflag:s24] =	ssyncadd.s32 $0xFFFFFFFF  }
0x23: {  	s27 =	simm.s32 $execute0_lowered;
	[smem:$0x3FD2] =	sst s26  }
0x24: {  	s5 =	sshll.u32 s27, $0x1;
	_ =	strace $0x8000004C;
	[dreg:$0x1] =	wrdreg $0xFFFFFFFF  }
0x25: {  	s28 =	simm.s32 $_size_execute0_lowered;
	s3 =	sadd.s32 s3, s5;
	[dreg:$0x0] =	wrdreg $0x0  }
0x26: {  	s5 =	sshll.u32 s28, $0x1;
	[dreg:$0x2] =	wrdreg s3  }
0x27: {  	[dreg:$0x3] =	wrdreg s5  }
0x28: {  	[dreg:$0x4] =	wrdreg $0xC0  }
0x29: {  	_ =	task [dreg:s7], $0x5FFFF  }
0x2a: {  	[dreg:$0x1] =	wrdreg $0xFFFFFFFF  }
0x2b: {  	[dreg:$0x0] =	wrdreg $0x60  }
0x2c: {  	[dreg:$0x2] =	wrdreg s25  }
0x2d: {  	[dreg:$0x3] =	wrdreg s17  }
0x2e: {  	[dreg:$0x4] =	wrdreg $0x9  }
0x2f: {  	_ =	task.clear_ibuf [dreg:s7], $0x5FFFF;
	_ =	strace $0x9000004C  }
0x30: {  	s29 =	simm.s32 $0x9;
	_ =	strace $0x8000004E  }
0x31: {  	_ =	swait.ge [sflag:s29], $0x1  }
0x32: {  	[sflag:s29] =	ssyncadd.s32 $0xFFFFFFFF  }
0x33: {  	_ =	strace $0x9000004E  }
0x34: {  	_ =	sfence  }
0x35: {  	s30 =	sld [smem:$0x0];
	_ =	sdelay $0x2  }
0x36: {  	s31 =	sshll.u32 s1, $0xD;
	s1 =	sshrl.u32 s1, $0x2  }
0x37: {  	s3 =	sand.u32 $0x4000, s31;
	s1 =	sadd.s32 s1, s30  }
0x38: {  	s0 =	sor.u32 s3, s0;
	s1 =	sshll.u32 s1, $0x11  }
0x39: {  	s0 =	sor.u32 s1, s0  }
0x3a: {  	s0 =	sadd.s32 $0x8F2B, s0  }
0x3b: {  	[sflag:s0] =	ssyncadd.remote.s32 $0x1  }
0x3c: {  	_ =	sfence.sel $0xFFFF  }
0x3d: {  	[dreg:$0x0] =	wrdreg $0xFFFFFFFF;
	(pc) =	sbr.abs _section_cstart, $3  }
0x3e: {  	[dreg:$0x1] =	wrdreg $0xFFFFFFFF  }
0x3f: {  	_ =	task.clear_ibuf [dreg:s7], $0x2FFFF;
	_ =	strace $0x9FFFFFFF  }
0x40: {  	(tm) =	ssettm $0x7FFFFFFF  }
0x41: {  	_ =	shalt  }
tec
execute0_lowered:
.L_overlay_start_1:
0x0: {  	(tag) =	ssettag $0x1  }
0x1: {  	s1 =	rddreg [dreg:$0x0]  }
0x2: {  	s2 =	rddreg [dreg:$0x1]  }
0x3: {  	s0 =	rddreg [dreg:$0x2]  }
0x4: {  	s4 =	srdreg.scid;
	_ =	strace $0x8000004D;
	s6 =	simm.s32 $0x2  }
0x5: {  	s17 =	simm.s32 $0x0;
	p0 =	por $0x0, $0x0;
	s16 =	simm.s32 $0x0  }
0x6: {  	s18 =	simm.s32 $0x0;
	s19 =	simm.s32 $0x0;
	s7 =	simm.s32 $0x0  }
0x7: {  	s8 =	simm.s32 $0x0;
	s10 =	simm.s32 $0x0;
	s11 =	simm.s32 $0x0  }
.Ltmp0:
0x8: {  	s12 =	simm.s32 $0x0;
	s13 =	simm.s32 $0x0;
	(pc) =	sbr.rel .LBB1_1-.Ltmp0, $4  }
0x9: {  	s14 =	simm.s32 $0x0;
	s3 =	sadd.s32 $0x1000, s1;
	s4 =	sshll.u32 s4, $0x4  }
0xa: {  	s1 =	stileid.u32;
	s5 =	sand.u32 $0x10, s4;
	s4 =	simm.s32 $0x1  }
0xb: {  	s9 =	simm.s32 $0x0;
	s5 =	sor.u32 s1, s5;
	[sflag:s4] =	ssyncpa.u1 $0x0  }
0xc: {  	[sflag:s6] =	ssyncpa.u1 $0x0;
	s6 =	simm.s32 $0x800;
	s15 =	smov.u32 s5  }
.LBB1_5:
0xd: {  	p1 =	slt.u32 s9, $0x2;
	s20 =	smov.u32 s19;
	s23 =	smov.u32 s15  }
0xe: {  	s9 =	sadd.s32 $0x1, s9;
	p0 =	por !p0, !p0;
	p2 =	sgt.s32 @!p1 s19, $0x3F  }
0xf: {  	s21 =	sshra.s32 @!p1 s19, $0x1F;
	p4 =	sgt.s32 @!p1 s18, $0xF;
	p2 =	por !p2, p1  }
0x10: {  	s19 =	sand.u32 @!p1 s21, s19;
	s21 =	sshra.s32 @!p1 s18, $0x1F;
	p4 =	por !p4, p1  }
0x11: {  	s20 =	simm.s32 @p2 $0x3F;
	p2 =	sgt.s32 @!p1 s17, $0x2;
	s21 =	sand.u32 @!p1 s21, s18  }
0x12: {  	s18 =	simm.s32 @p4 $0xF;
	s19 =	ssub.s32 @!p1 s20, s19;
	p2 =	por !p2, p1  }
0x13: {  	s18 =	ssub.s32 @!p1 s18, s21;
	s20 =	sadd.s32 @!p1 $0xFFFFFFC1, s19;
	s19 =	ssub.s32 @!p1 $0x40, s19  }
0x14: {  	s21 =	sadd.s32 @!p1 $0xFFFFFFF1, s18;
	p3 =	sgt.s32 @!p1 s20, $0x0;
	s20 =	sshra.s32 @!p1 s17, $0x1F  }
0x15: {  	s18 =	ssub.s32 @!p1 $0x10, s18;
	s20 =	sand.u32 @!p1 s20, s17;
	s17 =	simm.s32 @p2 $0x2  }
0x16: {  	p2 =	por !p3, p1;
	p3 =	sgt.s32 @!p1 s21, $0x0;
	s17 =	ssub.s32 @!p1 s17, s20  }
0x17: {  	s19 =	simm.s32 @!p2 $0x0;
	p3 =	por !p3, p1;
	s20 =	sadd.s32 @!p1 $0xFFFFFFFE, s17  }
0x18: {  	s18 =	simm.s32 @!p3 $0x0;
	p2 =	sgt.s32 @!p1 s20, $0x7F;
	s20 =	ssub.s32 @!p1 $0x0, s16  }
0x19: {  	s21 =	smov.u32 s13;
	s18 =	smul.u32 @!p1 s19, s18;
	s16 =	smin.u32 @!p1 s16, s20  }
0x1a: {  	s19 =	sadd.s32 $0x80, s13;
	s20 =	sadd.s32 $0x80, s12;
	p3 =	sgt.s32 @!p1 s16, $0x7F  }
0x1b: {  	s16 =	ssub.s32 @!p1 $0x80, s16;
	p4 =	sgt.s32 s20, $0x81;
	p3 =	por !p3, p1  }
0x1c: {  	s24 =	simm.s32 @!p1 $0x2;
	s21 =	smov.u32 @p4 s19;
	s16 =	simm.s32 @!p3 $0x0  }
0x1d: {  	p3 =	sgt.s32 s21, $0x7F;
	s16 =	smul.u32 @!p1 s16, s18;
	s18 =	simm.s32 $0x1  }
0x1e: {  	s17 =	ssub.s32 @!p1 $0x82, s17;
	p2 =	por !p2, p1;
	s18 =	simm.s32 @!p3 $0x0  }
0x1f: {  	s17 =	simm.s32 @!p2 $0x0;
	s20 =	simm.s32 @p4 $0x0;
	s22 =	sadd.s32 s18, s14  }
0x20: {  	s16 =	smul.u32 @!p1 s17, s16;
	s17 =	sadd.s32 $0x20, s15;
	p2 =	sgt.s32 s22, $0xF  }
0x21: {  	s19 =	smov.u32 s11;
	s11 =	smov.u32 s15;
	s23 =	smov.u32 @p2 s17  }
0x22: {  	s21 =	simm.s32 @p3 $0x0;
	s22 =	simm.s32 @p2 $0x0;
	p2 =	sgt.s32 s23, $0x3F  }
0x23: {  	s18 =	smov.u32 s10;
	s23 =	smov.u32 @p2 s5;
	p2 =	sne.s32 s9, $0x42  }
.Ltmp1:
0x24: {  	s10 =	smov.u32 s14;
	s16 =	sand.u32 @!p1 $0x3FFFFFFF, s16;
	(pc) =	sbr.rel @!p2 .LBB1_6-.Ltmp1, $4  }
0x25: {  	s17 =	smov.u32 s7;
	s7 =	smov.u32 s12;
	s12 =	smov.u32 s20  }
0x26: {  	_ =	swait.ge @!p1 [sflag:s24], s16;
	s25 =	ssub.s32 @!p1 $0x0, s16;
	s16 =	smov.u32 s8  }
0x27: {  	s8 =	smov.u32 s13;
	s13 =	smov.u32 s21;
	[sflag:s24] =	ssyncset.done @!p1 $0x0  }
0x28: {  	s14 =	smov.u32 s22;
	[sflag:s24] =	ssyncadd.s32 @!p1 s25;
	s15 =	smov.u32 s23  }
.LBB1_1:
0x29: {  	p1 =	sgt.u32 s9, $0x3F  }
0x2a: {  	s20 =	sxor.u32 @!p1 $0xFFFFFFFF, s9;
	s21 =	sand.u32 @!p1 $0x78, s12;
	s22 =	sshll.u32 @!p1 s13, $0x8  }
0x2b: {  	s23 =	sshll.u32 @!p1 s12, $0x3;
	s24 =	sshll.u32 @!p1 s13, $0x7;
	s20 =	sshll.u32 @!p1 s20, $0xE  }
0x2c: {  	s22 =	sand.u32 @!p1 $0x7800, s22;
	s23 =	sand.u32 @!p1 $0x7C00, s23;
	s20 =	sand.u32 @!p1 $0x4000, s20  }
0x2d: {  	s22 =	sadd.s32 @!p1 s22, s23;
	s23 =	sand.u32 @!p1 $0x300, s24;
	s24 =	sand.u32 @!p1 $0x80, s24  }
0x2e: {  	s22 =	sor.u32 @!p1 s23, s22;
	s21 =	sor.u32 @!p1 s21, s24;
	s23 =	sshll.u32 @!p1 s15, $0x10  }
0x2f: {  	s24 =	sshll.u32 @!p1 s14, $0xC;
	s22 =	sshrl.u32 @!p1 s22, $0x3;
	s23 =	sadd.s32 @!p1 s3, s23  }
0x30: {  	s21 =	sshrl.u32 @!p1 s21, $0x3;
	s23 =	sadd.s32 @!p1 s24, s23;
	s24 =	sand.u32 @!p1 $0x7, s12  }
0x31: {  	s22 =	sand.u32 @!p1 $0xFE0, s22;
	s21 =	sadd.s32 @!p1 s21, s23;
	s23 =	sshll.u32 @!p1 s24, $0x12  }
0x32: {  	s21 =	sadd.s32 @!p1 s22, s21;
	s22 =	sor.u32 @!p1 $0x400, s23;
	s23 =	simm.s32 @!p1 $0x800  }
0x33: {  	[tilespmem:s20], [sflag:$0x1] =	stream.strided.gather @!p1 [hbm4b:s21+s22], $0x4000, s23, s22, $0x38;
	[tilespmem:$0x10100] =	vst v63  }
0x34: {  	p1 =	seq.s32 s9, $0x0  }
0x35: {  	p2 =	seq.s32 @!p1 s9, $0x41  }
0x36: {  	p1 =	por p1, p2  }
.Ltmp2:
0x37: {  	_ = 	snop;
	(pc) =	sbr.rel @p1 .LBB1_5-.Ltmp2, $1  }
0x38: {  	_ =	sdelay $0x3  }
0x39: {  	s20 =	simm.s32 $0x1  }
0x3a: {  	_ =	swait.ge [sflag:s4], $0x4000;
	s20 =	simm.s32 @!p0 $0x0  }
0x3b: {  	[sflag:s4] =	ssyncset.done $0x0;
	s21 =	sshll.u32 s20, $0xE  }
0x3c: {  	[sflag:s4] =	ssyncadd.s32 $0xFFFFC000;
	s21 =	sor.u32 $0x40, s21  }
0x3d: {  	s20 =	smul.u32 $0x10200, s20;
	v0 =	vld [tilespmem:s21+$0x30]  }
0x3e: {  	v1 =	vld [tilespmem:s21+$0xFFFFFFD0]  }
0x3f: {  	s20 =	sshrl.u32 s20, $0x2;
	v5 =	vld [tilespmem:s21+$0xFFFFFFE0]  }
0x40: {  	v6 =	vld [tilespmem:s21+$0xFFFFFFF0];
	s23 =	sor.u32 $0x8000, s20  }
0x41: {  	s31 =	sand.u32 $0x1, s9;
	v4 =	vld [tilespmem:s21+$0x0];
	s22 =	sadd.s32 $0x0, s23  }
0x42: {  	v3 =	vld [tilespmem:s21+$0x10];
	s20 =	smul.u32 $0x10200, s31;
	[tilespmem:s22+$0x3870 ss:$0x81] =	vst.msk $0xffff, v0  }
0x43: {  	v2 =	vld [tilespmem:s21+$0x20];
	[tilespmem:s22+$0x810 ss:$0x81] =	vst.msk $0xffff, v1  }
0x44: {  	s20 =	sshrl.u32 s20, $0x2;
	v1 =	vld [tilespmem:s21+$0xFFFFFFC0];
	[tilespmem:s22+$0x1020 ss:$0x81] =	vst.msk $0xffff, v5;
	s21 =	sadd.s32 $0x80, s21  }
0x45: {  	s24 =	simm.s32 $0x4;
	s25 =	simm.s32 $0x8;
	s20 =	sor.u32 $0x8000, s20;
	[tilespmem:s22+$0x1830 ss:$0x81] =	vst.msk $0xffff, v6;
	v0 =	vld [tilespmem:s21+$0x30]  }
.LBB1_3:
0x46: {  	p1 =	sne.s32 s25, $0x1FC;
	v5 =	vld [tilespmem:s21+$0xFFFFFFD0];
	[tilespmem:s22+$0x2040 ss:$0x81] =	vst.msk $0xffff, v4  }
0x47: {  	v6 =	vld [tilespmem:s21+$0xFFFFFFE0];
	[tilespmem:s22+$0x2850 ss:$0x81] =	vst.msk $0xffff, v3  }
0x48: {  	s26 =	sshra.s32 s24, $0x2;
	s24 =	smov.u32 s25;
	v7 =	vld [tilespmem:s21+$0xFFFFFFF0];
	[tilespmem:s22+$0x3060 ss:$0x81] =	vst.msk $0xffff, v2  }
.Ltmp3:
0x49: {  	v4 =	vld [tilespmem:s21+$0x0];
	[tilespmem:s22+$0x0 ss:$0x81] =	vst.msk $0xffff, v1;
	s22 =	sadd.s32 s26, s23;
	(pc) =	sbr.rel @p1 .LBB1_3-.Ltmp3, $4  }
0x4a: {  	v3 =	vld [tilespmem:s21+$0x10];
	[tilespmem:s22+$0x3870 ss:$0x81] =	vst.msk $0xffff, v0  }
0x4b: {  	[tilespmem:s22+$0x810 ss:$0x81] =	vst.msk $0xffff, v5;
	v2 =	vld [tilespmem:s21+$0x20]  }
0x4c: {  	v1 =	vld [tilespmem:s21+$0xFFFFFFC0];
	[tilespmem:s22+$0x1020 ss:$0x81] =	vst.msk $0xffff, v6;
	s21 =	sadd.s32 $0x80, s21  }
0x4d: {  	s25 =	sadd.s32 $0x4, s25;
	v0 =	vld [tilespmem:s21+$0x30];
	[tilespmem:s22+$0x1830 ss:$0x81] =	vst.msk $0xffff, v7  }
0x4e: {  	s24 =	sshra.s32 s24, $0x2;
	p1 =	sgt.s32 s11, $0x3F  }
0x4f: {  	s25 =	smov.u32 s11;
	s26 =	sshra.s32 s11, $0x1F;
	s27 =	sshll.u32 s8, $0x3  }
0x50: {  	s28 =	sshra.s32 s10, $0x1F;
	s31 =	sshra.s32 s7, $0x1F;
	s30 =	ssub.s32 $0x0, s8  }
0x51: {  	s23 =	sadd.s32 s24, s23;
	s24 =	sshll.u32 s10, $0x7;
	s25 =	simm.s32 @!p1 $0x3F  }
0x52: {  	s26 =	sand.u32 s26, s11;
	p1 =	sgt.s32 s10, $0xF;
	s28 =	sand.u32 s28, s10  }
0x53: {  	s27 =	sand.u32 $0x400, s27;
	s25 =	ssub.s32 s25, s26;
	s26 =	smov.u32 s10  }
0x54: {  	s29 =	sadd.s32 $0xFFFFFFC1, s25;
	s26 =	simm.s32 @!p1 $0xF;
	s25 =	ssub.s32 $0x40, s25  }
0x55: {  	p1 =	sgt.s32 s29, $0x0;
	s26 =	ssub.s32 s26, s28;
	s29 =	smov.u32 s7  }
0x56: {  	s25 =	simm.s32 @p1 $0x0;
	p1 =	sgt.s32 s7, $0x2;
	s28 =	sadd.s32 $0xFFFFFFF1, s26  }
0x57: {  	v5 =	vld [tilespmem:s21+$0xFFFFFFD0];
	[tilespmem:s22+$0x2040 ss:$0x81] =	vst.msk $0xffff, v4;
	s26 =	ssub.s32 $0x10, s26;
	p2 =	sgt.s32 s28, $0x0;
	s29 =	simm.s32 @!p1 $0x2  }
0x58: {  	v58 =	vld [tilespmem:s21+$0xFFFFFFE0];
	[tilespmem:s22+$0x2850 ss:$0x81] =	vst.msk $0xffff, v3;
	s28 =	sand.u32 s31, s7;
	s31 =	sand.u32 $0x400, s24;
	s24 =	sand.u32 $0x380, s24  }
0x59: {  	v59 =	vld [tilespmem:s21+$0xFFFFFFF0];
	[tilespmem:s22+$0x3060 ss:$0x81] =	vst.msk $0xffff, v2;
	s26 =	simm.s32 @p2 $0x0;
	s28 =	ssub.s32 s29, s28;
	s29 =	smin.u32 s8, s30  }
0x5a: {  	v60 =	vld [tilespmem:s21+$0x0];
	[tilespmem:s22+$0x0 ss:$0x81] =	vst.msk $0xffff, v1;
	s25 =	smul.u32 s25, s26;
	s30 =	sadd.s32 $0xFFFFFFFE, s28;
	p1 =	sgt.s32 s29, $0x7F  }
0x5b: {  	v61 =	vld [tilespmem:s21+$0x10];
	[tilespmem:s23+$0x3870 ss:$0x81] =	vst.msk $0xffff, v0;
	s29 =	ssub.s32 $0x80, s29;
	s26 =	sadd.s32 s31, s27;
	s27 =	smul.u32 $0x8200, s11  }
0x5c: {  	v62 =	vld [tilespmem:s21+$0x20];
	[tilespmem:s23+$0x810 ss:$0x81] =	vst.msk $0xffff, v5;
	p2 =	sgt.s32 s30, $0x7F;
	s29 =	simm.s32 @p1 $0x0;
	s26 =	sor.u32 s24, s26  }
0x5d: {  	v63 =	vld [tilespmem:s21+$0xFFFFFFC0];
	[tilespmem:s23+$0x1020 ss:$0x81] =	vst.msk $0xffff, v58;
	s30 =	sand.u32 $0x7, s8;
	s31 =	smul.u32 s29, s25;
	s25 =	ssub.s32 $0x82, s28  }
0x5e: {  	[tilespmem:s23+$0x1830 ss:$0x81] =	vst.msk $0xffff, v59;
	s21 =	sshrl.u32 s26, $0x3;
	s28 =	sshll.u32 s7, $0x8;
	s29 =	sshrl.u32 s8, $0x3  }
.Ltmp4:
0x5f: {  	[tilespmem:s23+$0x2040 ss:$0x81] =	vst.msk $0xffff, v60;
	s24 =	sadd.s32 s2, s27;
	s25 =	simm.s32 @p2 $0x0;
	(pc) =	sbr.rel .LBB1_5-.Ltmp4, $4  }
0x60: {  	[tilespmem:s23+$0x2850 ss:$0x81] =	vst.msk $0xffff, v61;
	s26 =	sand.u32 $0xF, s29;
	s24 =	sadd.s32 s28, s24;
	s22 =	smul.u32 s25, s31  }
0x61: {  	[tilespmem:s23+$0x3060 ss:$0x81] =	vst.msk $0xffff, v62;
	s21 =	sand.u32 $0xF0, s21;
	s24 =	sadd.s32 s26, s24;
	s25 =	sshll.u32 s30, $0x12  }
0x62: {  	[tilespmem:s23+$0x0 ss:$0x81] =	vst.msk $0xffff, v63;
	s21 =	sadd.s32 s21, s24;
	s31 =	sor.u32 $0x80, s25;
	s22 =	sand.u32 $0x3FFFFFFF, s22  }
0x63: {  	[hbm4b:s21+s31] =	stream.strided.scatter [tilespmem:s20], [sflag:$0x2], s22, s6, s31, $0x20;
	[tilespmem:$0x10100] =	vst v63  }
.LBB1_6:
0x64: {  	_ =	sfence.sel $0x180000  }
0x65: {  	s2 =	simm.s32 $0x1;
	[bflag:$0x0] =	sbarrier.arrive $0xFFFF  }
0x66: {  	s31 =	simm.s32 $0x2;
	[sflag:s2] =	ssyncpa.u1 $0x1  }
0x67: {  	[sflag:s31] =	ssyncpa.u1 $0x1  }
0x68: {  	p0 =	sne.s32 s1, $0x0;
	_ =	strace $0x9000004D  }
0x69: {  	s0 =	sadd.s32 @!p0 $0x100000, s0;
	[bflag:$0x2] =	sbarrier.arrive $0xFFFF  }
0x6a: {  	[sflag:s0] =	ssyncadd.tile.s32 @!p0 $0x1;
	_ =	shalt  }
.Lfunc_end1:
_tile_overlayer_lowered:
.L_overlay_start_2:
0x6b: {  	(tag) =	ssettag $0x2  }
0x6c: {  	s0 =	rddreg [dreg:$0x0];
	s2 =	stileid.u32  }
0x6d: {  	s1 =	rddreg [dreg:$0x1];
	p0 =	sne.s32 s2, $0x0  }
0x6e: {  	s3 =	rddreg [dreg:$0x2];
	[bflag:$0x3] =	sbarrier.arrive $0xFFFF;
	s2 =	simm.s32 @!p0 $0x1C01  }
0x6f: {  	[timem:s3], [sflag:s2] =	dma.local @!p0 [hbm:s0], s1  }
0x70: {  	s0 =	simm.s32 @!p0 $0x1  }
0x71: {  	_ =	swait.ge @!p0 [sflag:s0], s1  }
0x72: {  	s1 =	ssub.s32 @!p0 $0x0, s1;
	[sflag:s0] =	ssyncset.done @!p0 $0x0  }
0x73: {  	[sflag:s0] =	ssyncadd.s32 @!p0 s1  }
0x74: {  	[bflag:$0x3] =	sbarrier.arrive $0xFFFF  }
0x75: {  	_ =	shalt  }

</sc_bundles>
